<compile_context>
chip_gen: v7x
topology: tpu7x:2x2x1
jax: 0.10.2.dev20260603
libtpu: 0.0.44.dev20260713+nightly
codegen_flags: <defaults>
</compile_context>

<pallas_src>
import functools

import jax
import jax.numpy as jnp
from jax import lax
from jax.experimental import pallas as pl
from jax.experimental.pallas import tpu as pltpu
from jax.experimental.pallas import tpu_sc as plsc

USER = 5000
N_REAL = 10000
NROW = 10240
EMB = 256
HALF = 128
NE = 160000
NE_PAD = 161792
PAD_NODE = 10000
NC, NS = 2, 16
NW = NC * NS
EPT_DEG = NE_PAD // NW
CHUNK = 64
NCHUNK = NE_PAD // NS // CHUNK
ROWS_PER_TILE = NROW // NS
BATCH = 4096
LMBD = 1e-05
BLK = 1280
BB = 512

_MESH = plsc.VectorSubcoreMesh(
    core_axis_name="c", subcore_axis_name="s", num_cores=NC, num_subcores=NS)


def _deg_body(src_hbm, out_hbm, src_v, hist_v):
    c = lax.axis_index("c")
    s = lax.axis_index("s")
    w = s * NC + c
    pltpu.sync_copy(src_hbm.at[w], src_v)

    def zero(i, carry):
        hist_v[pl.ds(i * 16, 16)] = jnp.zeros((16,), jnp.float32)
        return carry
    lax.fori_loop(0, NROW // 16, zero, 0)

    ones = jnp.ones((16,), jnp.float32)

    def body(i, carry):
        idx = src_v[pl.ds(i * 16, 16)]
        plsc.addupdate_scatter(hist_v, [idx], ones)
        return carry
    lax.fori_loop(0, EPT_DEG // 16, body, 0)
    pltpu.sync_copy(hist_v, out_hbm.at[w])


_SC_PARAMS = pltpu.CompilerParams(needs_layout_passes=False)

_deg = pl.kernel(
    _deg_body,
    out_type=jax.ShapeDtypeStruct((NW, NROW), jnp.float32),
    mesh=_MESH,
    compiler_params=_SC_PARAMS,
    scratch_types=[
        pltpu.VMEM((EPT_DEG,), jnp.int32),
        pltpu.VMEM((NROW,), jnp.float32),
    ],
)


def _seg_body(ga_hbm, gb_hbm, sd_hbm, z_hbm, sa_hbm, sb_hbm,
              idx_i, rows_v, sem0, sem1, acc_sp):
    c = lax.axis_index("c")
    s = lax.axis_index("s")
    pltpu.sync_copy(sd_hbm.at[s], idx_i)
    sl = pl.ds(s * ROWS_PER_TILE, ROWS_PER_TILE)
    pltpu.sync_copy(z_hbm, acc_sp.at[sl])
    plsc.subcore_barrier()

    def run(g_hbm):
        sems = (sem0, sem1)

        def src_ix(j):
            return idx_i.at[j, pl.ds(0, CHUNK)]

        def dst_ix(j):
            return idx_i.at[j, pl.ds(CHUNK, CHUNK)]

        pltpu.async_copy(g_hbm.at[src_ix(0)], rows_v.at[0], sem0)
        pltpu.async_copy(g_hbm.at[src_ix(1)], rows_v.at[1], sem1)

        def body(jj, carry):
            for b in (0, 1):
                j = jj * 2 + b
                pltpu.make_async_copy(
                    g_hbm.at[src_ix(j)], rows_v.at[b], sems[b]).wait()
                pltpu.sync_copy(rows_v.at[b], acc_sp.at[dst_ix(j)], add=True)

                @pl.when(jj < NCHUNK // 2 - 1)
                def _():
                    pltpu.async_copy(
                        g_hbm.at[src_ix(j + 2)], rows_v.at[b], sems[b])
            return carry
        lax.fori_loop(0, NCHUNK // 2, body, 0)

    @pl.when(c == 0)
    def _():
        run(ga_hbm)

    @pl.when(c == 1)
    def _():
        run(gb_hbm)

    plsc.subcore_barrier()

    @pl.when(c == 0)
    def _():
        pltpu.sync_copy(acc_sp.at[sl], sa_hbm.at[sl])

    @pl.when(c == 1)
    def _():
        pltpu.sync_copy(acc_sp.at[sl], sb_hbm.at[sl])


_seg = pl.kernel(
    _seg_body,
    out_type=(jax.ShapeDtypeStruct((NROW, HALF), jnp.float32),
              jax.ShapeDtypeStruct((NROW, HALF), jnp.float32)),
    mesh=_MESH,
    compiler_params=_SC_PARAMS,
    scratch_types=[
        pltpu.VMEM((NCHUNK, 2 * CHUNK), jnp.int32),
        pltpu.VMEM((2, CHUNK, HALF), jnp.float32),
        pltpu.SemaphoreType.DMA,
        pltpu.SemaphoreType.DMA,
        pltpu.VMEM_SHARED((NROW, HALF), jnp.float32),
    ],
)


def _gather01_body(h0_hbm, h1_hbm, ids_hbm, out_hbm, idx_v, buf_v):
    c = lax.axis_index("c")
    s = lax.axis_index("s")
    w = s * NC + c
    for which in range(3):
        pltpu.sync_copy(ids_hbm.at[which, w], idx_v)
        for l, hh in enumerate((h0_hbm, h1_hbm)):
            pltpu.sync_copy(hh.at[idx_v], buf_v)
            pltpu.sync_copy(buf_v, out_hbm.at[which * 2 + l, pl.ds(w * 128, 128)])


_gather01 = pl.kernel(
    _gather01_body,
    out_type=jax.ShapeDtypeStruct((6, BATCH, EMB), jnp.float32),
    mesh=_MESH,
    compiler_params=_SC_PARAMS,
    scratch_types=[
        pltpu.VMEM((128,), jnp.int32),
        pltpu.VMEM((128, EMB), jnp.float32),
    ],
)


def _gather2_body(h2_hbm, ids_hbm, out_hbm, idx_v, buf_v):
    c = lax.axis_index("c")
    s = lax.axis_index("s")
    w = s * NC + c
    for which in range(3):
        pltpu.sync_copy(ids_hbm.at[which, w], idx_v)
        pltpu.sync_copy(h2_hbm.at[idx_v], buf_v)
        pltpu.sync_copy(buf_v, out_hbm.at[which, pl.ds(w * 128, 128)])


_gather2 = pl.kernel(
    _gather2_body,
    out_type=jax.ShapeDtypeStruct((3, BATCH, EMB), jnp.float32),
    mesh=_MESH,
    compiler_params=_SC_PARAMS,
    scratch_types=[
        pltpu.VMEM((128,), jnp.int32),
        pltpu.VMEM((128, EMB), jnp.float32),
    ],
)


def _prep_body(deg_ref, h_ref, norm_ref, ga_ref, gb_ref):
    deg = jnp.sum(deg_ref[...], axis=0)
    nrm = lax.rsqrt(jnp.maximum(deg, 1.0))
    norm_ref[...] = nrm[:, None]
    g = h_ref[...] * nrm[:, None]
    ga_ref[...] = g[:, :HALF]
    gb_ref[...] = g[:, HALF:]


_prep = pl.pallas_call(
    _prep_body,
    grid=(NROW // BLK,),
    in_specs=[
        pl.BlockSpec((NW, BLK), lambda i: (0, i)),
        pl.BlockSpec((BLK, EMB), lambda i: (i, 0)),
    ],
    out_specs=(
        pl.BlockSpec((BLK, 1), lambda i: (i, 0)),
        pl.BlockSpec((BLK, HALF), lambda i: (i, 0)),
        pl.BlockSpec((BLK, HALF), lambda i: (i, 0)),
    ),
    out_shape=(
        jax.ShapeDtypeStruct((NROW, 1), jnp.float32),
        jax.ShapeDtypeStruct((NROW, HALF), jnp.float32),
        jax.ShapeDtypeStruct((NROW, HALF), jnp.float32),
    ),
    compiler_params=pltpu.CompilerParams(dimension_semantics=("parallel",)),
)


def _layer_body(norm_ref, h_ref, sa_ref, sb_ref, w1_ref, w2_ref,
                hn_ref, ga_ref, gb_ref):
    nrm = norm_ref[...]
    h = h_ref[...]
    S = jnp.concatenate([sa_ref[...], sb_ref[...]], axis=1)
    m = jnp.dot(nrm * S + h, w1_ref[...], preferred_element_type=jnp.float32)
    m = m + jnp.dot((nrm * h) * S, w2_ref[...], preferred_element_type=jnp.float32)
    m = jnp.where(m >= 0, m, 0.2 * m)
    r = jnp.sqrt(jnp.sum(m * m, axis=1, keepdims=True))
    hn = m / jnp.maximum(r, 1e-12)
    hn_ref[...] = hn
    g = hn * nrm
    ga_ref[...] = g[:, :HALF]
    gb_ref[...] = g[:, HALF:]


_layer = pl.pallas_call(
    _layer_body,
    grid=(NROW // BLK,),
    in_specs=[
        pl.BlockSpec((BLK, 1), lambda i: (i, 0)),
        pl.BlockSpec((BLK, EMB), lambda i: (i, 0)),
        pl.BlockSpec((BLK, HALF), lambda i: (i, 0)),
        pl.BlockSpec((BLK, HALF), lambda i: (i, 0)),
        pl.BlockSpec((EMB, EMB), lambda i: (0, 0)),
        pl.BlockSpec((EMB, EMB), lambda i: (0, 0)),
    ],
    out_specs=(
        pl.BlockSpec((BLK, EMB), lambda i: (i, 0)),
        pl.BlockSpec((BLK, HALF), lambda i: (i, 0)),
        pl.BlockSpec((BLK, HALF), lambda i: (i, 0)),
    ),
    out_shape=(
        jax.ShapeDtypeStruct((NROW, EMB), jnp.float32),
        jax.ShapeDtypeStruct((NROW, HALF), jnp.float32),
        jax.ShapeDtypeStruct((NROW, HALF), jnp.float32),
    ),
    compiler_params=pltpu.CompilerParams(dimension_semantics=("parallel",)),
)


def _loss_body(x01_ref, x2_ref, out_ref):
    i = pl.program_id(0)

    @pl.when(i == 0)
    def _():
        out_ref[...] = jnp.zeros_like(out_ref)

    pos = jnp.zeros((BB,), jnp.float32)
    neg = jnp.zeros((BB,), jnp.float32)
    reg = jnp.float32(0.0)
    for l in range(3):
        if l < 2:
            u = x01_ref[l]
            p = x01_ref[2 + l]
            q = x01_ref[4 + l]
        else:
            u = x2_ref[0]
            p = x2_ref[1]
            q = x2_ref[2]
        pos = pos + jnp.sum(u * p, axis=1)
        neg = neg + jnp.sum(u * q, axis=1)
        reg = reg + jnp.sum(u * u) + jnp.sum(p * p) + jnp.sum(q * q)
    x = pos - neg
    ls = jnp.minimum(x, 0.0) - jnp.log1p(jnp.exp(-jnp.abs(x)))
    upd = jnp.stack([jnp.sum(ls), reg]).reshape(1, 2)
    out_ref[...] += upd


_loss = pl.pallas_call(
    _loss_body,
    grid=(BATCH // BB,),
    in_specs=[pl.BlockSpec((6, BB, EMB), lambda i: (0, i, 0)),
              pl.BlockSpec((3, BB, EMB), lambda i: (0, i, 0))],
    out_specs=pl.BlockSpec((1, 2), lambda i: (0, 0)),
    out_shape=jax.ShapeDtypeStruct((1, 2), jnp.float32),
    compiler_params=pltpu.CompilerParams(dimension_semantics=("arbitrary",)),
)


def kernel(user_table, item_table, W1_0, W2_0, W1_1, W2_1,
           edge_index, user_id, item_id, neg_item_id):
    src = edge_index[0].astype(jnp.int32)
    dst = edge_index[1].astype(jnp.int32)
    pad = jnp.full((NE_PAD - NE,), PAD_NODE, jnp.int32)
    srcp = jnp.concatenate([src, pad])
    dstp = jnp.concatenate([dst, pad])
    src_deg = srcp.reshape(NW, EPT_DEG)
    sd_r = jnp.concatenate([srcp.reshape(NS, NCHUNK, CHUNK),
                            dstp.reshape(NS, NCHUNK, CHUNK)], axis=-1)
    h0 = jnp.concatenate([user_table, item_table], axis=0)
    h0p = jnp.pad(h0, ((0, NROW - N_REAL), (0, 0)))
    zrows = jnp.zeros((ROWS_PER_TILE, HALF), jnp.float32)
    ids = jnp.stack([user_id, USER + item_id, USER + neg_item_id]) \
        .astype(jnp.int32).reshape(3, NW, 128)

    degp = _deg(src_deg)
    norm, g0a, g0b = _prep(degp, h0p)
    s0a, s0b = _seg(g0a, g0b, sd_r, zrows)
    h1p, g1a, g1b = _layer(norm, h0p, s0a, s0b, W1_0, W2_0)
    s1a, s1b = _seg(g1a, g1b, sd_r, zrows)
    gath01 = _gather01(h0p, h1p, ids)
    h2p, _, _ = _layer(norm, h1p, s1a, s1b, W1_1, W2_1)
    gath2 = _gather2(h2p, ids)
    acc = _loss(gath01, gath2)
    return -acc[0, 0] / BATCH + LMBD * (0.5 * acc[0, 1]) / BATCH

# --- scband reference (transcript-rebuilt; emitter-appended) ---
"""Pipeline reference for scband-ngcf-4063039062697 (READ-ONLY COPY).

The authoritative reference and input builder live on the scoring server;
editing this copy changes nothing except your own understanding.
"""

import jax, jax.numpy as jnp
import numpy as np

USER_NUM = 5000
ITEM_NUM = 5000
EMB = 256
N_EDGES = 160000
BATCH = 4096
LMBD = 1e-05


def _xavier(key, shape):
    fan_in, fan_out = shape
    a = (6.0 / (fan_in + fan_out)) ** 0.5
    return jax.random.uniform(key, shape, minval=-a, maxval=a, dtype=jnp.float32)


def setup_inputs(seed: int = 0) -> dict:
    key = jax.random.key(seed)
    ks = jax.random.split(key, 10)
    N = USER_NUM + ITEM_NUM
    edge_index = jax.random.randint(ks[0], (2, N_EDGES), 0, N)
    user_id = jax.random.randint(ks[1], (BATCH,), 0, USER_NUM)
    item_id = jax.random.randint(ks[2], (BATCH,), 0, ITEM_NUM)
    neg_item_id = jax.random.randint(ks[3], (BATCH,), 0, ITEM_NUM)
    user_table = _xavier(ks[4], (USER_NUM, EMB))
    item_table = _xavier(ks[5], (ITEM_NUM, EMB))
    W1_0 = _xavier(ks[6], (EMB, EMB))
    W2_0 = _xavier(ks[7], (EMB, EMB))
    W1_1 = _xavier(ks[8], (EMB, EMB))
    W2_1 = _xavier(ks[9], (EMB, EMB))
    return {
        "user_table": user_table,
        "item_table": item_table,
        "W1_0": W1_0,
        "W2_0": W2_0,
        "W1_1": W1_1,
        "W2_1": W2_1,
        "edge_index": edge_index,
        "user_id": user_id,
        "item_id": item_id,
        "neg_item_id": neg_item_id,
    }


def reference(user_table, item_table, W1_0, W2_0, W1_1, W2_1,
              edge_index, user_id, item_id, neg_item_id):
    N = user_table.shape[0] + item_table.shape[0]
    src = edge_index[0]
    dst = edge_index[1]
    # symmetric norm from out-degrees (node_dropout=0 => all edges kept)
    deg = jax.ops.segment_sum(jnp.ones_like(src, dtype=jnp.float32), src, num_segments=N)
    norm = jnp.power(jnp.maximum(deg, 1.0), -0.5)
    ew = (norm[src] * norm[dst])[:, None]

    h = jnp.concatenate([user_table, item_table], axis=0)
    outs_u = [user_table]
    outs_i = [item_table]
    for (W1, W2) in ((W1_0, W2_0), (W1_1, W2_1)):
        hs = h[src]
        hd = h[dst]
        # NGCF message: W1 h_src + W2 (h_src * h_dst), scaled by symmetric norm
        msg = (hs @ W1 + (hs * hd) @ W2) * ew
        m = jax.ops.segment_sum(msg, dst, num_segments=N)
        m = m + h @ W1  # self connection
        hh = jnp.where(m >= 0, m, 0.2 * m)  # LeakyReLU(0.2); dropout=0 at eval
        hh = hh / jnp.maximum(jnp.linalg.norm(hh, axis=1, keepdims=True), 1e-12)
        h = hh
        outs_u.append(h[:USER_NUM])
        outs_i.append(h[USER_NUM:])

    fu = jnp.concatenate(outs_u, axis=1)
    fi = jnp.concatenate(outs_i, axis=1)
    u = fu[user_id]
    pi = fi[item_id]
    ni = fi[neg_item_id]
    pos = jnp.sum(u * pi, axis=1)
    neg = jnp.sum(u * ni, axis=1)
    loss = -jnp.mean(jax.nn.log_sigmoid(pos - neg))
    reg = (jnp.sum(u ** 2) + jnp.sum(pi ** 2) + jnp.sum(ni ** 2)) / 2.0
    return loss + LMBD * reg / u.shape[0]

if __name__ == "__main__":
    import jax
    _d = setup_inputs()
    print(jax.jit(kernel)(*tuple(_d.values())))

</pallas_src>

<mosaic_0001>
#map = affine_map<(d0, d1) -> (0, 0)>
#map1 = affine_map<(d0, d1) -> (0, 0, 0)>
module attributes {stable_mosaic.version = 14 : i64} {
  func.func @_seg_body(%arg0: i32, %arg1: i32, %arg2: memref<10240x128xf32, #tpu.memory_space<hbm>>, %arg3: memref<10240x128xf32, #tpu.memory_space<hbm>>, %arg4: memref<16x158x128xi32, #tpu.memory_space<hbm>>, %arg5: memref<640x128xf32, #tpu.memory_space<hbm>>, %arg6: memref<10240x128xf32, #tpu.memory_space<hbm>>, %arg7: memref<10240x128xf32, #tpu.memory_space<hbm>>, %arg8: memref<158x128xi32, #tpu.memory_space<vmem>>, %arg9: memref<2x64x128xf32, #tpu.memory_space<vmem>>, %arg10: memref<!tpu.dma_semaphore, #tpu.memory_space<semaphore_mem>>, %arg11: memref<!tpu.dma_semaphore, #tpu.memory_space<semaphore_mem>>, %arg12: memref<10240x128xf32, #tpu.memory_space<vmem_shared>>) attributes {dimension_semantics = [#tpu.dimension_semantics<core_parallel>, #tpu.dimension_semantics<subcore_parallel>], iteration_bounds = array<i64: 2, 16>, scalar_prefetch = 0 : i64, scratch_operands = 5 : i64, tpu.core_type = #tpu.core_type<sc_vector_subcore>, window_params = [{transform_indices = #map}, {transform_indices = #map}, {transform_indices = #map1}, {transform_indices = #map}, {transform_indices = #map}, {transform_indices = #map}]} {
    "tpu.region"() ({
      %run_scoped3A = tpu.sem_alloc : memref<!tpu.dma_semaphore, #tpu.memory_space<semaphore_mem>>
      %dma_start3A = arith.constant 0 : i32
      %dma_start3A_19 = arith.constant 0 : i32
      %dma_start3A_20 = tpu.memref_slice %arg4[%arg1, %dma_start3A, %dma_start3A_19] : memref<16x158x128xi32, #tpu.memory_space<hbm>> -> memref<1x158x128xi32, #tpu.memory_space<hbm>>
      %dma_start3A_21 = tpu.memref_squeeze %dma_start3A_20 : memref<1x158x128xi32, #tpu.memory_space<hbm>> -> memref<158x128xi32, #tpu.memory_space<hbm>>
      %dma_start3A_22 = arith.constant 0 : i32
      %dma_start3A_23 = arith.constant 0 : i32
      %dma_start3A_24 = tpu.memref_slice %arg4[%arg1, %dma_start3A_22, %dma_start3A_23] : memref<16x158x128xi32, #tpu.memory_space<hbm>> -> memref<1x158x128xi32, #tpu.memory_space<hbm>>
      %dma_start3A_25 = tpu.memref_squeeze %dma_start3A_24 : memref<1x158x128xi32, #tpu.memory_space<hbm>> -> memref<158x128xi32, #tpu.memory_space<hbm>>
      tpu.enqueue_dma source(%dma_start3A_25 : memref<158x128xi32, #tpu.memory_space<hbm>>) target(%arg8 : memref<158x128xi32, #tpu.memory_space<vmem>>) target_semaphore(%run_scoped3A : memref<!tpu.dma_semaphore, #tpu.memory_space<semaphore_mem>>)
      %dma_wait3A = arith.constant 0 : i32
      %dma_wait3A_26 = arith.constant 0 : i32
      %dma_wait3A_27 = tpu.memref_slice %arg4[%arg1, %dma_wait3A, %dma_wait3A_26] : memref<16x158x128xi32, #tpu.memory_space<hbm>> -> memref<1x158x128xi32, #tpu.memory_space<hbm>>
      %dma_wait3A_28 = tpu.memref_squeeze %dma_wait3A_27 : memref<1x158x128xi32, #tpu.memory_space<hbm>> -> memref<158x128xi32, #tpu.memory_space<hbm>>
      %dma_wait3A_29 = arith.constant 0 : i32
      %dma_wait3A_30 = arith.constant 0 : i32
      %dma_wait3A_31 = tpu.memref_slice %arg4[%arg1, %dma_wait3A_29, %dma_wait3A_30] : memref<16x158x128xi32, #tpu.memory_space<hbm>> -> memref<1x158x128xi32, #tpu.memory_space<hbm>>
      %dma_wait3A_32 = tpu.memref_squeeze %dma_wait3A_31 : memref<1x158x128xi32, #tpu.memory_space<hbm>> -> memref<158x128xi32, #tpu.memory_space<hbm>>
      tpu.wait_dma2 semaphore(%run_scoped3A : memref<!tpu.dma_semaphore, #tpu.memory_space<semaphore_mem>>) src(%dma_wait3A_32 : memref<158x128xi32, #tpu.memory_space<hbm>>) dst(%arg8 : memref<158x128xi32, #tpu.memory_space<vmem>>)
      tpu.yield
    }) : () -> ()
    %mul3A = arith.constant 640 : i32
    %mul3A_0 = arith.muli %arg1, %mul3A : i32
    "tpu.region"() ({
      %run_scoped3A = tpu.sem_alloc : memref<!tpu.dma_semaphore, #tpu.memory_space<semaphore_mem>>
      %dma_start3A = arith.constant 0 : i32
      %dma_start3A_19 = tpu.memref_slice %arg12[%mul3A_0, %dma_start3A] : memref<10240x128xf32, #tpu.memory_space<vmem_shared>> -> memref<640x128xf32, #tpu.memory_space<vmem_shared>>
      tpu.enqueue_dma source(%arg5 : memref<640x128xf32, #tpu.memory_space<hbm>>) target(%dma_start3A_19 : memref<640x128xf32, #tpu.memory_space<vmem_shared>>) target_semaphore(%run_scoped3A : memref<!tpu.dma_semaphore, #tpu.memory_space<semaphore_mem>>)
      %dma_wait3A = arith.constant 0 : i32
      %dma_wait3A_20 = tpu.memref_slice %arg12[%mul3A_0, %dma_wait3A] : memref<10240x128xf32, #tpu.memory_space<vmem_shared>> -> memref<640x128xf32, #tpu.memory_space<vmem_shared>>
      tpu.wait_dma2 semaphore(%run_scoped3A : memref<!tpu.dma_semaphore, #tpu.memory_space<semaphore_mem>>) src(%arg5 : memref<640x128xf32, #tpu.memory_space<hbm>>) dst(%dma_wait3A_20 : memref<640x128xf32, #tpu.memory_space<vmem_shared>>)
      tpu.yield
    }) : () -> ()
    %barrier3A = arith.constant 0 : index
    tpu.barrier barrier_id(%barrier3A)
    %eq3A = arith.constant 0 : i32
    %eq3A_1 = arith.cmpi eq, %arg0, %eq3A : i32
    %convert_element_type3A = arith.extui %eq3A_1 : i1 to i32
    %cond3A = arith.constant 0 : i32
    %cond3A_2 = arith.cmpi ne, %convert_element_type3A, %cond3A : i32
    scf.if %cond3A_2 {
      %dma_start3A = arith.constant 0 : i32
      %dma_start3A_19 = arith.constant 0 : i32
      %dma_start3A_20 = arith.constant 0 : i32
      %dma_start3A_21 = arith.constant 0 : i32
      %dma_start3A_22 = tpu.memref_slice %arg9[%dma_start3A_19, %dma_start3A_20, %dma_start3A_21] : memref<2x64x128xf32, #tpu.memory_space<vmem>> -> memref<1x64x128xf32, #tpu.memory_space<vmem>>
      %dma_start3A_23 = tpu.memref_squeeze %dma_start3A_22 : memref<1x64x128xf32, #tpu.memory_space<vmem>> -> memref<64x128xf32, #tpu.memory_space<vmem>>
      %dma_start3A_24 = arith.constant 0 : i32
      %dma_start3A_25 = tpu.memref_slice %arg8[%dma_start3A, %dma_start3A_24] : memref<158x128xi32, #tpu.memory_space<vmem>> -> memref<1x64xi32, #tpu.memory_space<vmem>>
      %dma_start3A_26 = tpu.memref_squeeze %dma_start3A_25 : memref<1x64xi32, #tpu.memory_space<vmem>> -> memref<64xi32, #tpu.memory_space<vmem>>
      %dma_start3A_27 = arith.constant 0 : i32
      %dma_start3A_28 = arith.constant 0 : i32
      %dma_start3A_29 = tpu.memref_slice %arg2[%dma_start3A_27, %dma_start3A_28] : memref<10240x128xf32, #tpu.memory_space<hbm>> -> memref<10240x128xf32, #tpu.memory_space<hbm>>
      tpu.enqueue_indirect_dma source(%dma_start3A_29 : memref<10240x128xf32, #tpu.memory_space<hbm>>) target(%dma_start3A_23 : memref<64x128xf32, #tpu.memory_space<vmem>>) offsets(%dma_start3A_26 : memref<64xi32, #tpu.memory_space<vmem>>) semaphore(%arg10 : memref<!tpu.dma_semaphore, #tpu.memory_space<semaphore_mem>>)
      %dma_start3A_30 = arith.constant 1 : i32
      %dma_start3A_31 = arith.constant 1 : i32
      %dma_start3A_32 = arith.constant 0 : i32
      %dma_start3A_33 = arith.constant 0 : i32
      %dma_start3A_34 = tpu.memref_slice %arg9[%dma_start3A_31, %dma_start3A_32, %dma_start3A_33] : memref<2x64x128xf32, #tpu.memory_space<vmem>> -> memref<1x64x128xf32, #tpu.memory_space<vmem>>
      %dma_start3A_35 = tpu.memref_squeeze %dma_start3A_34 : memref<1x64x128xf32, #tpu.memory_space<vmem>> -> memref<64x128xf32, #tpu.memory_space<vmem>>
      %dma_start3A_36 = arith.constant 0 : i32
      %dma_start3A_37 = tpu.memref_slice %arg8[%dma_start3A_30, %dma_start3A_36] : memref<158x128xi32, #tpu.memory_space<vmem>> -> memref<1x64xi32, #tpu.memory_space<vmem>>
      %dma_start3A_38 = tpu.memref_squeeze %dma_start3A_37 : memref<1x64xi32, #tpu.memory_space<vmem>> -> memref<64xi32, #tpu.memory_space<vmem>>
      %dma_start3A_39 = arith.constant 0 : i32
      %dma_start3A_40 = arith.constant 0 : i32
      %dma_start3A_41 = tpu.memref_slice %arg2[%dma_start3A_39, %dma_start3A_40] : memref<10240x128xf32, #tpu.memory_space<hbm>> -> memref<10240x128xf32, #tpu.memory_space<hbm>>
      tpu.enqueue_indirect_dma source(%dma_start3A_41 : memref<10240x128xf32, #tpu.memory_space<hbm>>) target(%dma_start3A_35 : memref<64x128xf32, #tpu.memory_space<vmem>>) offsets(%dma_start3A_38 : memref<64xi32, #tpu.memory_space<vmem>>) semaphore(%arg11 : memref<!tpu.dma_semaphore, #tpu.memory_space<semaphore_mem>>)
      %scan3A = arith.constant 0 : i32
      %scan3A_42 = arith.constant 0 : i32
      %scan3A_43 = arith.constant 79 : i32
      %scan3A_44 = arith.addi %scan3A_42, %scan3A_43 : i32
      %scan3A_45 = arith.constant 1 : i32
      scf.for %scan3A_47 = %scan3A_42 to %scan3A_44 step %scan3A_45  : i32 {
        %mul3A_48 = arith.constant 2 : i32
        %mul3A_49 = arith.muli %scan3A_47, %mul3A_48 : i32
        %add3A = arith.constant 0 : i32
        %add3A_50 = arith.addi %mul3A_49, %add3A : i32
        %dma_wait3A = arith.constant 0 : i32
        %dma_wait3A_51 = arith.constant 0 : i32
        %dma_wait3A_52 = arith.constant 0 : i32
        %dma_wait3A_53 = tpu.memref_slice %arg9[%dma_wait3A, %dma_wait3A_51, %dma_wait3A_52] : memref<2x64x128xf32, #tpu.memory_space<vmem>> -> memref<1x64x128xf32, #tpu.memory_space<vmem>>
        %dma_wait3A_54 = tpu.memref_squeeze %dma_wait3A_53 : memref<1x64x128xf32, #tpu.memory_space<vmem>> -> memref<64x128xf32, #tpu.memory_space<vmem>>
        %dma_wait3A_55 = arith.constant 0 : i32
        %dma_wait3A_56 = tpu.memref_slice %arg8[%add3A_50, %dma_wait3A_55] : memref<158x128xi32, #tpu.memory_space<vmem>> -> memref<1x64xi32, #tpu.memory_space<vmem>>
        %dma_wait3A_57 = tpu.memref_squeeze %dma_wait3A_56 : memref<1x64xi32, #tpu.memory_space<vmem>> -> memref<64xi32, #tpu.memory_space<vmem>>
        %dma_wait3A_58 = arith.constant 0 : i32
        %dma_wait3A_59 = arith.constant 0 : i32
        %dma_wait3A_60 = tpu.memref_slice %arg2[%dma_wait3A_58, %dma_wait3A_59] : memref<10240x128xf32, #tpu.memory_space<hbm>> -> memref<10240x128xf32, #tpu.memory_space<hbm>>
        tpu.wait_indirect_dma semaphore(%arg10 : memref<!tpu.dma_semaphore, #tpu.memory_space<semaphore_mem>>) src(%dma_wait3A_60 : memref<10240x128xf32, #tpu.memory_space<hbm>>) dst(%dma_wait3A_54 : memref<64x128xf32, #tpu.memory_space<vmem>>)
        %run_scoped3A = arith.constant 0 : i32
        "tpu.region"() ({
          %run_scoped3A_86 = tpu.sem_alloc : memref<!tpu.dma_semaphore, #tpu.memory_space<semaphore_mem>>
          %dma_start3A_87 = arith.constant 0 : i32
          %dma_start3A_88 = arith.constant 0 : i32
          %dma_start3A_89 = tpu.memref_slice %arg9[%run_scoped3A, %dma_start3A_87, %dma_start3A_88] : memref<2x64x128xf32, #tpu.memory_space<vmem>> -> memref<1x64x128xf32, #tpu.memory_space<vmem>>
          %dma_start3A_90 = tpu.memref_squeeze %dma_start3A_89 : memref<1x64x128xf32, #tpu.memory_space<vmem>> -> memref<64x128xf32, #tpu.memory_space<vmem>>
          %dma_start3A_91 = arith.constant 64 : i32
          %dma_start3A_92 = tpu.memref_slice %arg8[%add3A_50, %dma_start3A_91] : memref<158x128xi32, #tpu.memory_space<vmem>> -> memref<1x64xi32, #tpu.memory_space<vmem>>
          %dma_start3A_93 = tpu.memref_squeeze %dma_start3A_92 : memref<1x64xi32, #tpu.memory_space<vmem>> -> memref<64xi32, #tpu.memory_space<vmem>>
          %dma_start3A_94 = arith.constant 0 : i32
          %dma_start3A_95 = arith.constant 0 : i32
          %dma_start3A_96 = tpu.memref_slice %arg12[%dma_start3A_94, %dma_start3A_95] : memref<10240x128xf32, #tpu.memory_space<vmem_shared>> -> memref<10240x128xf32, #tpu.memory_space<vmem_shared>>
          tpu.enqueue_indirect_dma source(%dma_start3A_90 : memref<64x128xf32, #tpu.memory_space<vmem>>) target(%dma_start3A_96 : memref<10240x128xf32, #tpu.memory_space<vmem_shared>>) offsets(%dma_start3A_93 : memref<64xi32, #tpu.memory_space<vmem>>) semaphore(%run_scoped3A_86 : memref<!tpu.dma_semaphore, #tpu.memory_space<semaphore_mem>>) {add = true}
          %dma_wait3A_97 = arith.constant 0 : i32
          %dma_wait3A_98 = arith.constant 0 : i32
          %dma_wait3A_99 = tpu.memref_slice %arg9[%run_scoped3A, %dma_wait3A_97, %dma_wait3A_98] : memref<2x64x128xf32, #tpu.memory_space<vmem>> -> memref<1x64x128xf32, #tpu.memory_space<vmem>>
          %dma_wait3A_100 = tpu.memref_squeeze %dma_wait3A_99 : memref<1x64x128xf32, #tpu.memory_space<vmem>> -> memref<64x128xf32, #tpu.memory_space<vmem>>
          %dma_wait3A_101 = arith.constant 64 : i32
          %dma_wait3A_102 = tpu.memref_slice %arg8[%add3A_50, %dma_wait3A_101] : memref<158x128xi32, #tpu.memory_space<vmem>> -> memref<1x64xi32, #tpu.memory_space<vmem>>
          %dma_wait3A_103 = tpu.memref_squeeze %dma_wait3A_102 : memref<1x64xi32, #tpu.memory_space<vmem>> -> memref<64xi32, #tpu.memory_space<vmem>>
          %dma_wait3A_104 = arith.constant 0 : i32
          %dma_wait3A_105 = arith.constant 0 : i32
          %dma_wait3A_106 = tpu.memref_slice %arg12[%dma_wait3A_104, %dma_wait3A_105] : memref<10240x128xf32, #tpu.memory_space<vmem_shared>> -> memref<10240x128xf32, #tpu.memory_space<vmem_shared>>
          tpu.wait_indirect_dma semaphore(%run_scoped3A_86 : memref<!tpu.dma_semaphore, #tpu.memory_space<semaphore_mem>>) src(%dma_wait3A_100 : memref<64x128xf32, #tpu.memory_space<vmem>>) dst(%dma_wait3A_106 : memref<10240x128xf32, #tpu.memory_space<vmem_shared>>)
          tpu.yield
        }) : () -> ()
        %lt3A = arith.constant 78 : i32
        %lt3A_61 = arith.cmpi slt, %scan3A_47, %lt3A : i32
        %convert_element_type3A_62 = arith.extui %lt3A_61 : i1 to i32
        %cond3A_63 = arith.constant 0 : i32
        %cond3A_64 = arith.cmpi ne, %convert_element_type3A_62, %cond3A_63 : i32
        scf.if %cond3A_64 {
          %add3A_86 = arith.constant 2 : i32
          %add3A_87 = arith.addi %add3A_50, %add3A_86 : i32
          %dma_start3A_88 = arith.constant 0 : i32
          %dma_start3A_89 = arith.constant 0 : i32
          %dma_start3A_90 = arith.constant 0 : i32
          %dma_start3A_91 = tpu.memref_slice %arg9[%dma_start3A_88, %dma_start3A_89, %dma_start3A_90] : memref<2x64x128xf32, #tpu.memory_space<vmem>> -> memref<1x64x128xf32, #tpu.memory_space<vmem>>
          %dma_start3A_92 = tpu.memref_squeeze %dma_start3A_91 : memref<1x64x128xf32, #tpu.memory_space<vmem>> -> memref<64x128xf32, #tpu.memory_space<vmem>>
          %dma_start3A_93 = arith.constant 0 : i32
          %dma_start3A_94 = tpu.memref_slice %arg8[%add3A_87, %dma_start3A_93] : memref<158x128xi32, #tpu.memory_space<vmem>> -> memref<1x64xi32, #tpu.memory_space<vmem>>
          %dma_start3A_95 = tpu.memref_squeeze %dma_start3A_94 : memref<1x64xi32, #tpu.memory_space<vmem>> -> memref<64xi32, #tpu.memory_space<vmem>>
          %dma_start3A_96 = arith.constant 0 : i32
          %dma_start3A_97 = arith.constant 0 : i32
          %dma_start3A_98 = tpu.memref_slice %arg2[%dma_start3A_96, %dma_start3A_97] : memref<10240x128xf32, #tpu.memory_space<hbm>> -> memref<10240x128xf32, #tpu.memory_space<hbm>>
          tpu.enqueue_indirect_dma source(%dma_start3A_98 : memref<10240x128xf32, #tpu.memory_space<hbm>>) target(%dma_start3A_92 : memref<64x128xf32, #tpu.memory_space<vmem>>) offsets(%dma_start3A_95 : memref<64xi32, #tpu.memory_space<vmem>>) semaphore(%arg10 : memref<!tpu.dma_semaphore, #tpu.memory_space<semaphore_mem>>)
        } else {
        }
        %mul3A_65 = arith.constant 2 : i32
        %mul3A_66 = arith.muli %scan3A_47, %mul3A_65 : i32
        %add3A_67 = arith.constant 1 : i32
        %add3A_68 = arith.addi %mul3A_66, %add3A_67 : i32
        %dma_wait3A_69 = arith.constant 1 : i32
        %dma_wait3A_70 = arith.constant 0 : i32
        %dma_wait3A_71 = arith.constant 0 : i32
        %dma_wait3A_72 = tpu.memref_slice %arg9[%dma_wait3A_69, %dma_wait3A_70, %dma_wait3A_71] : memref<2x64x128xf32, #tpu.memory_space<vmem>> -> memref<1x64x128xf32, #tpu.memory_space<vmem>>
        %dma_wait3A_73 = tpu.memref_squeeze %dma_wait3A_72 : memref<1x64x128xf32, #tpu.memory_space<vmem>> -> memref<64x128xf32, #tpu.memory_space<vmem>>
        %dma_wait3A_74 = arith.constant 0 : i32
        %dma_wait3A_75 = tpu.memref_slice %arg8[%add3A_68, %dma_wait3A_74] : memref<158x128xi32, #tpu.memory_space<vmem>> -> memref<1x64xi32, #tpu.memory_space<vmem>>
        %dma_wait3A_76 = tpu.memref_squeeze %dma_wait3A_75 : memref<1x64xi32, #tpu.memory_space<vmem>> -> memref<64xi32, #tpu.memory_space<vmem>>
        %dma_wait3A_77 = arith.constant 0 : i32
        %dma_wait3A_78 = arith.constant 0 : i32
        %dma_wait3A_79 = tpu.memref_slice %arg2[%dma_wait3A_77, %dma_wait3A_78] : memref<10240x128xf32, #tpu.memory_space<hbm>> -> memref<10240x128xf32, #tpu.memory_space<hbm>>
        tpu.wait_indirect_dma semaphore(%arg11 : memref<!tpu.dma_semaphore, #tpu.memory_space<semaphore_mem>>) src(%dma_wait3A_79 : memref<10240x128xf32, #tpu.memory_space<hbm>>) dst(%dma_wait3A_73 : memref<64x128xf32, #tpu.memory_space<vmem>>)
        %run_scoped3A_80 = arith.constant 1 : i32
        "tpu.region"() ({
          %run_scoped3A_86 = tpu.sem_alloc : memref<!tpu.dma_semaphore, #tpu.memory_space<semaphore_mem>>
          %dma_start3A_87 = arith.constant 0 : i32
          %dma_start3A_88 = arith.constant 0 : i32
          %dma_start3A_89 = tpu.memref_slice %arg9[%run_scoped3A_80, %dma_start3A_87, %dma_start3A_88] : memref<2x64x128xf32, #tpu.memory_space<vmem>> -> memref<1x64x128xf32, #tpu.memory_space<vmem>>
          %dma_start3A_90 = tpu.memref_squeeze %dma_start3A_89 : memref<1x64x128xf32, #tpu.memory_space<vmem>> -> memref<64x128xf32, #tpu.memory_space<vmem>>
          %dma_start3A_91 = arith.constant 64 : i32
          %dma_start3A_92 = tpu.memref_slice %arg8[%add3A_68, %dma_start3A_91] : memref<158x128xi32, #tpu.memory_space<vmem>> -> memref<1x64xi32, #tpu.memory_space<vmem>>
          %dma_start3A_93 = tpu.memref_squeeze %dma_start3A_92 : memref<1x64xi32, #tpu.memory_space<vmem>> -> memref<64xi32, #tpu.memory_space<vmem>>
          %dma_start3A_94 = arith.constant 0 : i32
          %dma_start3A_95 = arith.constant 0 : i32
          %dma_start3A_96 = tpu.memref_slice %arg12[%dma_start3A_94, %dma_start3A_95] : memref<10240x128xf32, #tpu.memory_space<vmem_shared>> -> memref<10240x128xf32, #tpu.memory_space<vmem_shared>>
          tpu.enqueue_indirect_dma source(%dma_start3A_90 : memref<64x128xf32, #tpu.memory_space<vmem>>) target(%dma_start3A_96 : memref<10240x128xf32, #tpu.memory_space<vmem_shared>>) offsets(%dma_start3A_93 : memref<64xi32, #tpu.memory_space<vmem>>) semaphore(%run_scoped3A_86 : memref<!tpu.dma_semaphore, #tpu.memory_space<semaphore_mem>>) {add = true}
          %dma_wait3A_97 = arith.constant 0 : i32
          %dma_wait3A_98 = arith.constant 0 : i32
          %dma_wait3A_99 = tpu.memref_slice %arg9[%run_scoped3A_80, %dma_wait3A_97, %dma_wait3A_98] : memref<2x64x128xf32, #tpu.memory_space<vmem>> -> memref<1x64x128xf32, #tpu.memory_space<vmem>>
          %dma_wait3A_100 = tpu.memref_squeeze %dma_wait3A_99 : memref<1x64x128xf32, #tpu.memory_space<vmem>> -> memref<64x128xf32, #tpu.memory_space<vmem>>
          %dma_wait3A_101 = arith.constant 64 : i32
          %dma_wait3A_102 = tpu.memref_slice %arg8[%add3A_68, %dma_wait3A_101] : memref<158x128xi32, #tpu.memory_space<vmem>> -> memref<1x64xi32, #tpu.memory_space<vmem>>
          %dma_wait3A_103 = tpu.memref_squeeze %dma_wait3A_102 : memref<1x64xi32, #tpu.memory_space<vmem>> -> memref<64xi32, #tpu.memory_space<vmem>>
          %dma_wait3A_104 = arith.constant 0 : i32
          %dma_wait3A_105 = arith.constant 0 : i32
          %dma_wait3A_106 = tpu.memref_slice %arg12[%dma_wait3A_104, %dma_wait3A_105] : memref<10240x128xf32, #tpu.memory_space<vmem_shared>> -> memref<10240x128xf32, #tpu.memory_space<vmem_shared>>
          tpu.wait_indirect_dma semaphore(%run_scoped3A_86 : memref<!tpu.dma_semaphore, #tpu.memory_space<semaphore_mem>>) src(%dma_wait3A_100 : memref<64x128xf32, #tpu.memory_space<vmem>>) dst(%dma_wait3A_106 : memref<10240x128xf32, #tpu.memory_space<vmem_shared>>)
          tpu.yield
        }) : () -> ()
        %lt3A_81 = arith.constant 78 : i32
        %lt3A_82 = arith.cmpi slt, %scan3A_47, %lt3A_81 : i32
        %convert_element_type3A_83 = arith.extui %lt3A_82 : i1 to i32
        %cond3A_84 = arith.constant 0 : i32
        %cond3A_85 = arith.cmpi ne, %convert_element_type3A_83, %cond3A_84 : i32
        scf.if %cond3A_85 {
          %add3A_86 = arith.constant 2 : i32
          %add3A_87 = arith.addi %add3A_68, %add3A_86 : i32
          %dma_start3A_88 = arith.constant 1 : i32
          %dma_start3A_89 = arith.constant 0 : i32
          %dma_start3A_90 = arith.constant 0 : i32
          %dma_start3A_91 = tpu.memref_slice %arg9[%dma_start3A_88, %dma_start3A_89, %dma_start3A_90] : memref<2x64x128xf32, #tpu.memory_space<vmem>> -> memref<1x64x128xf32, #tpu.memory_space<vmem>>
          %dma_start3A_92 = tpu.memref_squeeze %dma_start3A_91 : memref<1x64x128xf32, #tpu.memory_space<vmem>> -> memref<64x128xf32, #tpu.memory_space<vmem>>
          %dma_start3A_93 = arith.constant 0 : i32
          %dma_start3A_94 = tpu.memref_slice %arg8[%add3A_87, %dma_start3A_93] : memref<158x128xi32, #tpu.memory_space<vmem>> -> memref<1x64xi32, #tpu.memory_space<vmem>>
          %dma_start3A_95 = tpu.memref_squeeze %dma_start3A_94 : memref<1x64xi32, #tpu.memory_space<vmem>> -> memref<64xi32, #tpu.memory_space<vmem>>
          %dma_start3A_96 = arith.constant 0 : i32
          %dma_start3A_97 = arith.constant 0 : i32
          %dma_start3A_98 = tpu.memref_slice %arg2[%dma_start3A_96, %dma_start3A_97] : memref<10240x128xf32, #tpu.memory_space<hbm>> -> memref<10240x128xf32, #tpu.memory_space<hbm>>
          tpu.enqueue_indirect_dma source(%dma_start3A_98 : memref<10240x128xf32, #tpu.memory_space<hbm>>) target(%dma_start3A_92 : memref<64x128xf32, #tpu.memory_space<vmem>>) offsets(%dma_start3A_95 : memref<64xi32, #tpu.memory_space<vmem>>) semaphore(%arg11 : memref<!tpu.dma_semaphore, #tpu.memory_space<semaphore_mem>>)
        } else {
        }
      }
      %scan3A_46 = arith.constant 79 : i32
    } else {
    }
    %eq3A_3 = arith.constant 1 : i32
    %eq3A_4 = arith.cmpi eq, %arg0, %eq3A_3 : i32
    %convert_element_type3A_5 = arith.extui %eq3A_4 : i1 to i32
    %cond3A_6 = arith.constant 0 : i32
    %cond3A_7 = arith.cmpi ne, %convert_element_type3A_5, %cond3A_6 : i32
    scf.if %cond3A_7 {
      %dma_start3A = arith.constant 0 : i32
      %dma_start3A_19 = arith.constant 0 : i32
      %dma_start3A_20 = arith.constant 0 : i32
      %dma_start3A_21 = arith.constant 0 : i32
      %dma_start3A_22 = tpu.memref_slice %arg9[%dma_start3A_19, %dma_start3A_20, %dma_start3A_21] : memref<2x64x128xf32, #tpu.memory_space<vmem>> -> memref<1x64x128xf32, #tpu.memory_space<vmem>>
      %dma_start3A_23 = tpu.memref_squeeze %dma_start3A_22 : memref<1x64x128xf32, #tpu.memory_space<vmem>> -> memref<64x128xf32, #tpu.memory_space<vmem>>
      %dma_start3A_24 = arith.constant 0 : i32
      %dma_start3A_25 = tpu.memref_slice %arg8[%dma_start3A, %dma_start3A_24] : memref<158x128xi32, #tpu.memory_space<vmem>> -> memref<1x64xi32, #tpu.memory_space<vmem>>
      %dma_start3A_26 = tpu.memref_squeeze %dma_start3A_25 : memref<1x64xi32, #tpu.memory_space<vmem>> -> memref<64xi32, #tpu.memory_space<vmem>>
      %dma_start3A_27 = arith.constant 0 : i32
      %dma_start3A_28 = arith.constant 0 : i32
      %dma_start3A_29 = tpu.memref_slice %arg3[%dma_start3A_27, %dma_start3A_28] : memref<10240x128xf32, #tpu.memory_space<hbm>> -> memref<10240x128xf32, #tpu.memory_space<hbm>>
      tpu.enqueue_indirect_dma source(%dma_start3A_29 : memref<10240x128xf32, #tpu.memory_space<hbm>>) target(%dma_start3A_23 : memref<64x128xf32, #tpu.memory_space<vmem>>) offsets(%dma_start3A_26 : memref<64xi32, #tpu.memory_space<vmem>>) semaphore(%arg10 : memref<!tpu.dma_semaphore, #tpu.memory_space<semaphore_mem>>)
      %dma_start3A_30 = arith.constant 1 : i32
      %dma_start3A_31 = arith.constant 1 : i32
      %dma_start3A_32 = arith.constant 0 : i32
      %dma_start3A_33 = arith.constant 0 : i32
      %dma_start3A_34 = tpu.memref_slice %arg9[%dma_start3A_31, %dma_start3A_32, %dma_start3A_33] : memref<2x64x128xf32, #tpu.memory_space<vmem>> -> memref<1x64x128xf32, #tpu.memory_space<vmem>>
      %dma_start3A_35 = tpu.memref_squeeze %dma_start3A_34 : memref<1x64x128xf32, #tpu.memory_space<vmem>> -> memref<64x128xf32, #tpu.memory_space<vmem>>
      %dma_start3A_36 = arith.constant 0 : i32
      %dma_start3A_37 = tpu.memref_slice %arg8[%dma_start3A_30, %dma_start3A_36] : memref<158x128xi32, #tpu.memory_space<vmem>> -> memref<1x64xi32, #tpu.memory_space<vmem>>
      %dma_start3A_38 = tpu.memref_squeeze %dma_start3A_37 : memref<1x64xi32, #tpu.memory_space<vmem>> -> memref<64xi32, #tpu.memory_space<vmem>>
      %dma_start3A_39 = arith.constant 0 : i32
      %dma_start3A_40 = arith.constant 0 : i32
      %dma_start3A_41 = tpu.memref_slice %arg3[%dma_start3A_39, %dma_start3A_40] : memref<10240x128xf32, #tpu.memory_space<hbm>> -> memref<10240x128xf32, #tpu.memory_space<hbm>>
      tpu.enqueue_indirect_dma source(%dma_start3A_41 : memref<10240x128xf32, #tpu.memory_space<hbm>>) target(%dma_start3A_35 : memref<64x128xf32, #tpu.memory_space<vmem>>) offsets(%dma_start3A_38 : memref<64xi32, #tpu.memory_space<vmem>>) semaphore(%arg11 : memref<!tpu.dma_semaphore, #tpu.memory_space<semaphore_mem>>)
      %scan3A = arith.constant 0 : i32
      %scan3A_42 = arith.constant 0 : i32
      %scan3A_43 = arith.constant 79 : i32
      %scan3A_44 = arith.addi %scan3A_42, %scan3A_43 : i32
      %scan3A_45 = arith.constant 1 : i32
      scf.for %scan3A_47 = %scan3A_42 to %scan3A_44 step %scan3A_45  : i32 {
        %mul3A_48 = arith.constant 2 : i32
        %mul3A_49 = arith.muli %scan3A_47, %mul3A_48 : i32
        %add3A = arith.constant 0 : i32
        %add3A_50 = arith.addi %mul3A_49, %add3A : i32
        %dma_wait3A = arith.constant 0 : i32
        %dma_wait3A_51 = arith.constant 0 : i32
        %dma_wait3A_52 = arith.constant 0 : i32
        %dma_wait3A_53 = tpu.memref_slice %arg9[%dma_wait3A, %dma_wait3A_51, %dma_wait3A_52] : memref<2x64x128xf32, #tpu.memory_space<vmem>> -> memref<1x64x128xf32, #tpu.memory_space<vmem>>
        %dma_wait3A_54 = tpu.memref_squeeze %dma_wait3A_53 : memref<1x64x128xf32, #tpu.memory_space<vmem>> -> memref<64x128xf32, #tpu.memory_space<vmem>>
        %dma_wait3A_55 = arith.constant 0 : i32
        %dma_wait3A_56 = tpu.memref_slice %arg8[%add3A_50, %dma_wait3A_55] : memref<158x128xi32, #tpu.memory_space<vmem>> -> memref<1x64xi32, #tpu.memory_space<vmem>>
        %dma_wait3A_57 = tpu.memref_squeeze %dma_wait3A_56 : memref<1x64xi32, #tpu.memory_space<vmem>> -> memref<64xi32, #tpu.memory_space<vmem>>
        %dma_wait3A_58 = arith.constant 0 : i32
        %dma_wait3A_59 = arith.constant 0 : i32
        %dma_wait3A_60 = tpu.memref_slice %arg3[%dma_wait3A_58, %dma_wait3A_59] : memref<10240x128xf32, #tpu.memory_space<hbm>> -> memref<10240x128xf32, #tpu.memory_space<hbm>>
        tpu.wait_indirect_dma semaphore(%arg10 : memref<!tpu.dma_semaphore, #tpu.memory_space<semaphore_mem>>) src(%dma_wait3A_60 : memref<10240x128xf32, #tpu.memory_space<hbm>>) dst(%dma_wait3A_54 : memref<64x128xf32, #tpu.memory_space<vmem>>)
        %run_scoped3A = arith.constant 0 : i32
        "tpu.region"() ({
          %run_scoped3A_86 = tpu.sem_alloc : memref<!tpu.dma_semaphore, #tpu.memory_space<semaphore_mem>>
          %dma_start3A_87 = arith.constant 0 : i32
          %dma_start3A_88 = arith.constant 0 : i32
          %dma_start3A_89 = tpu.memref_slice %arg9[%run_scoped3A, %dma_start3A_87, %dma_start3A_88] : memref<2x64x128xf32, #tpu.memory_space<vmem>> -> memref<1x64x128xf32, #tpu.memory_space<vmem>>
          %dma_start3A_90 = tpu.memref_squeeze %dma_start3A_89 : memref<1x64x128xf32, #tpu.memory_space<vmem>> -> memref<64x128xf32, #tpu.memory_space<vmem>>
          %dma_start3A_91 = arith.constant 64 : i32
          %dma_start3A_92 = tpu.memref_slice %arg8[%add3A_50, %dma_start3A_91] : memref<158x128xi32, #tpu.memory_space<vmem>> -> memref<1x64xi32, #tpu.memory_space<vmem>>
          %dma_start3A_93 = tpu.memref_squeeze %dma_start3A_92 : memref<1x64xi32, #tpu.memory_space<vmem>> -> memref<64xi32, #tpu.memory_space<vmem>>
          %dma_start3A_94 = arith.constant 0 : i32
          %dma_start3A_95 = arith.constant 0 : i32
          %dma_start3A_96 = tpu.memref_slice %arg12[%dma_start3A_94, %dma_start3A_95] : memref<10240x128xf32, #tpu.memory_space<vmem_shared>> -> memref<10240x128xf32, #tpu.memory_space<vmem_shared>>
          tpu.enqueue_indirect_dma source(%dma_start3A_90 : memref<64x128xf32, #tpu.memory_space<vmem>>) target(%dma_start3A_96 : memref<10240x128xf32, #tpu.memory_space<vmem_shared>>) offsets(%dma_start3A_93 : memref<64xi32, #tpu.memory_space<vmem>>) semaphore(%run_scoped3A_86 : memref<!tpu.dma_semaphore, #tpu.memory_space<semaphore_mem>>) {add = true}
          %dma_wait3A_97 = arith.constant 0 : i32
          %dma_wait3A_98 = arith.constant 0 : i32
          %dma_wait3A_99 = tpu.memref_slice %arg9[%run_scoped3A, %dma_wait3A_97, %dma_wait3A_98] : memref<2x64x128xf32, #tpu.memory_space<vmem>> -> memref<1x64x128xf32, #tpu.memory_space<vmem>>
          %dma_wait3A_100 = tpu.memref_squeeze %dma_wait3A_99 : memref<1x64x128xf32, #tpu.memory_space<vmem>> -> memref<64x128xf32, #tpu.memory_space<vmem>>
          %dma_wait3A_101 = arith.constant 64 : i32
          %dma_wait3A_102 = tpu.memref_slice %arg8[%add3A_50, %dma_wait3A_101] : memref<158x128xi32, #tpu.memory_space<vmem>> -> memref<1x64xi32, #tpu.memory_space<vmem>>
          %dma_wait3A_103 = tpu.memref_squeeze %dma_wait3A_102 : memref<1x64xi32, #tpu.memory_space<vmem>> -> memref<64xi32, #tpu.memory_space<vmem>>
          %dma_wait3A_104 = arith.constant 0 : i32
          %dma_wait3A_105 = arith.constant 0 : i32
          %dma_wait3A_106 = tpu.memref_slice %arg12[%dma_wait3A_104, %dma_wait3A_105] : memref<10240x128xf32, #tpu.memory_space<vmem_shared>> -> memref<10240x128xf32, #tpu.memory_space<vmem_shared>>
          tpu.wait_indirect_dma semaphore(%run_scoped3A_86 : memref<!tpu.dma_semaphore, #tpu.memory_space<semaphore_mem>>) src(%dma_wait3A_100 : memref<64x128xf32, #tpu.memory_space<vmem>>) dst(%dma_wait3A_106 : memref<10240x128xf32, #tpu.memory_space<vmem_shared>>)
          tpu.yield
        }) : () -> ()
        %lt3A = arith.constant 78 : i32
        %lt3A_61 = arith.cmpi slt, %scan3A_47, %lt3A : i32
        %convert_element_type3A_62 = arith.extui %lt3A_61 : i1 to i32
        %cond3A_63 = arith.constant 0 : i32
        %cond3A_64 = arith.cmpi ne, %convert_element_type3A_62, %cond3A_63 : i32
        scf.if %cond3A_64 {
          %add3A_86 = arith.constant 2 : i32
          %add3A_87 = arith.addi %add3A_50, %add3A_86 : i32
          %dma_start3A_88 = arith.constant 0 : i32
          %dma_start3A_89 = arith.constant 0 : i32
          %dma_start3A_90 = arith.constant 0 : i32
          %dma_start3A_91 = tpu.memref_slice %arg9[%dma_start3A_88, %dma_start3A_89, %dma_start3A_90] : memref<2x64x128xf32, #tpu.memory_space<vmem>> -> memref<1x64x128xf32, #tpu.memory_space<vmem>>
          %dma_start3A_92 = tpu.memref_squeeze %dma_start3A_91 : memref<1x64x128xf32, #tpu.memory_space<vmem>> -> memref<64x128xf32, #tpu.memory_space<vmem>>
          %dma_start3A_93 = arith.constant 0 : i32
          %dma_start3A_94 = tpu.memref_slice %arg8[%add3A_87, %dma_start3A_93] : memref<158x128xi32, #tpu.memory_space<vmem>> -> memref<1x64xi32, #tpu.memory_space<vmem>>
          %dma_start3A_95 = tpu.memref_squeeze %dma_start3A_94 : memref<1x64xi32, #tpu.memory_space<vmem>> -> memref<64xi32, #tpu.memory_space<vmem>>
          %dma_start3A_96 = arith.constant 0 : i32
          %dma_start3A_97 = arith.constant 0 : i32
          %dma_start3A_98 = tpu.memref_slice %arg3[%dma_start3A_96, %dma_start3A_97] : memref<10240x128xf32, #tpu.memory_space<hbm>> -> memref<10240x128xf32, #tpu.memory_space<hbm>>
          tpu.enqueue_indirect_dma source(%dma_start3A_98 : memref<10240x128xf32, #tpu.memory_space<hbm>>) target(%dma_start3A_92 : memref<64x128xf32, #tpu.memory_space<vmem>>) offsets(%dma_start3A_95 : memref<64xi32, #tpu.memory_space<vmem>>) semaphore(%arg10 : memref<!tpu.dma_semaphore, #tpu.memory_space<semaphore_mem>>)
        } else {
        }
        %mul3A_65 = arith.constant 2 : i32
        %mul3A_66 = arith.muli %scan3A_47, %mul3A_65 : i32
        %add3A_67 = arith.constant 1 : i32
        %add3A_68 = arith.addi %mul3A_66, %add3A_67 : i32
        %dma_wait3A_69 = arith.constant 1 : i32
        %dma_wait3A_70 = arith.constant 0 : i32
        %dma_wait3A_71 = arith.constant 0 : i32
        %dma_wait3A_72 = tpu.memref_slice %arg9[%dma_wait3A_69, %dma_wait3A_70, %dma_wait3A_71] : memref<2x64x128xf32, #tpu.memory_space<vmem>> -> memref<1x64x128xf32, #tpu.memory_space<vmem>>
        %dma_wait3A_73 = tpu.memref_squeeze %dma_wait3A_72 : memref<1x64x128xf32, #tpu.memory_space<vmem>> -> memref<64x128xf32, #tpu.memory_space<vmem>>
        %dma_wait3A_74 = arith.constant 0 : i32
        %dma_wait3A_75 = tpu.memref_slice %arg8[%add3A_68, %dma_wait3A_74] : memref<158x128xi32, #tpu.memory_space<vmem>> -> memref<1x64xi32, #tpu.memory_space<vmem>>
        %dma_wait3A_76 = tpu.memref_squeeze %dma_wait3A_75 : memref<1x64xi32, #tpu.memory_space<vmem>> -> memref<64xi32, #tpu.memory_space<vmem>>
        %dma_wait3A_77 = arith.constant 0 : i32
        %dma_wait3A_78 = arith.constant 0 : i32
        %dma_wait3A_79 = tpu.memref_slice %arg3[%dma_wait3A_77, %dma_wait3A_78] : memref<10240x128xf32, #tpu.memory_space<hbm>> -> memref<10240x128xf32, #tpu.memory_space<hbm>>
        tpu.wait_indirect_dma semaphore(%arg11 : memref<!tpu.dma_semaphore, #tpu.memory_space<semaphore_mem>>) src(%dma_wait3A_79 : memref<10240x128xf32, #tpu.memory_space<hbm>>) dst(%dma_wait3A_73 : memref<64x128xf32, #tpu.memory_space<vmem>>)
        %run_scoped3A_80 = arith.constant 1 : i32
        "tpu.region"() ({
          %run_scoped3A_86 = tpu.sem_alloc : memref<!tpu.dma_semaphore, #tpu.memory_space<semaphore_mem>>
          %dma_start3A_87 = arith.constant 0 : i32
          %dma_start3A_88 = arith.constant 0 : i32
          %dma_start3A_89 = tpu.memref_slice %arg9[%run_scoped3A_80, %dma_start3A_87, %dma_start3A_88] : memref<2x64x128xf32, #tpu.memory_space<vmem>> -> memref<1x64x128xf32, #tpu.memory_space<vmem>>
          %dma_start3A_90 = tpu.memref_squeeze %dma_start3A_89 : memref<1x64x128xf32, #tpu.memory_space<vmem>> -> memref<64x128xf32, #tpu.memory_space<vmem>>
          %dma_start3A_91 = arith.constant 64 : i32
          %dma_start3A_92 = tpu.memref_slice %arg8[%add3A_68, %dma_start3A_91] : memref<158x128xi32, #tpu.memory_space<vmem>> -> memref<1x64xi32, #tpu.memory_space<vmem>>
          %dma_start3A_93 = tpu.memref_squeeze %dma_start3A_92 : memref<1x64xi32, #tpu.memory_space<vmem>> -> memref<64xi32, #tpu.memory_space<vmem>>
          %dma_start3A_94 = arith.constant 0 : i32
          %dma_start3A_95 = arith.constant 0 : i32
          %dma_start3A_96 = tpu.memref_slice %arg12[%dma_start3A_94, %dma_start3A_95] : memref<10240x128xf32, #tpu.memory_space<vmem_shared>> -> memref<10240x128xf32, #tpu.memory_space<vmem_shared>>
          tpu.enqueue_indirect_dma source(%dma_start3A_90 : memref<64x128xf32, #tpu.memory_space<vmem>>) target(%dma_start3A_96 : memref<10240x128xf32, #tpu.memory_space<vmem_shared>>) offsets(%dma_start3A_93 : memref<64xi32, #tpu.memory_space<vmem>>) semaphore(%run_scoped3A_86 : memref<!tpu.dma_semaphore, #tpu.memory_space<semaphore_mem>>) {add = true}
          %dma_wait3A_97 = arith.constant 0 : i32
          %dma_wait3A_98 = arith.constant 0 : i32
          %dma_wait3A_99 = tpu.memref_slice %arg9[%run_scoped3A_80, %dma_wait3A_97, %dma_wait3A_98] : memref<2x64x128xf32, #tpu.memory_space<vmem>> -> memref<1x64x128xf32, #tpu.memory_space<vmem>>
          %dma_wait3A_100 = tpu.memref_squeeze %dma_wait3A_99 : memref<1x64x128xf32, #tpu.memory_space<vmem>> -> memref<64x128xf32, #tpu.memory_space<vmem>>
          %dma_wait3A_101 = arith.constant 64 : i32
          %dma_wait3A_102 = tpu.memref_slice %arg8[%add3A_68, %dma_wait3A_101] : memref<158x128xi32, #tpu.memory_space<vmem>> -> memref<1x64xi32, #tpu.memory_space<vmem>>
          %dma_wait3A_103 = tpu.memref_squeeze %dma_wait3A_102 : memref<1x64xi32, #tpu.memory_space<vmem>> -> memref<64xi32, #tpu.memory_space<vmem>>
          %dma_wait3A_104 = arith.constant 0 : i32
          %dma_wait3A_105 = arith.constant 0 : i32
          %dma_wait3A_106 = tpu.memref_slice %arg12[%dma_wait3A_104, %dma_wait3A_105] : memref<10240x128xf32, #tpu.memory_space<vmem_shared>> -> memref<10240x128xf32, #tpu.memory_space<vmem_shared>>
          tpu.wait_indirect_dma semaphore(%run_scoped3A_86 : memref<!tpu.dma_semaphore, #tpu.memory_space<semaphore_mem>>) src(%dma_wait3A_100 : memref<64x128xf32, #tpu.memory_space<vmem>>) dst(%dma_wait3A_106 : memref<10240x128xf32, #tpu.memory_space<vmem_shared>>)
          tpu.yield
        }) : () -> ()
        %lt3A_81 = arith.constant 78 : i32
        %lt3A_82 = arith.cmpi slt, %scan3A_47, %lt3A_81 : i32
        %convert_element_type3A_83 = arith.extui %lt3A_82 : i1 to i32
        %cond3A_84 = arith.constant 0 : i32
        %cond3A_85 = arith.cmpi ne, %convert_element_type3A_83, %cond3A_84 : i32
        scf.if %cond3A_85 {
          %add3A_86 = arith.constant 2 : i32
          %add3A_87 = arith.addi %add3A_68, %add3A_86 : i32
          %dma_start3A_88 = arith.constant 1 : i32
          %dma_start3A_89 = arith.constant 0 : i32
          %dma_start3A_90 = arith.constant 0 : i32
          %dma_start3A_91 = tpu.memref_slice %arg9[%dma_start3A_88, %dma_start3A_89, %dma_start3A_90] : memref<2x64x128xf32, #tpu.memory_space<vmem>> -> memref<1x64x128xf32, #tpu.memory_space<vmem>>
          %dma_start3A_92 = tpu.memref_squeeze %dma_start3A_91 : memref<1x64x128xf32, #tpu.memory_space<vmem>> -> memref<64x128xf32, #tpu.memory_space<vmem>>
          %dma_start3A_93 = arith.constant 0 : i32
          %dma_start3A_94 = tpu.memref_slice %arg8[%add3A_87, %dma_start3A_93] : memref<158x128xi32, #tpu.memory_space<vmem>> -> memref<1x64xi32, #tpu.memory_space<vmem>>
          %dma_start3A_95 = tpu.memref_squeeze %dma_start3A_94 : memref<1x64xi32, #tpu.memory_space<vmem>> -> memref<64xi32, #tpu.memory_space<vmem>>
          %dma_start3A_96 = arith.constant 0 : i32
          %dma_start3A_97 = arith.constant 0 : i32
          %dma_start3A_98 = tpu.memref_slice %arg3[%dma_start3A_96, %dma_start3A_97] : memref<10240x128xf32, #tpu.memory_space<hbm>> -> memref<10240x128xf32, #tpu.memory_space<hbm>>
          tpu.enqueue_indirect_dma source(%dma_start3A_98 : memref<10240x128xf32, #tpu.memory_space<hbm>>) target(%dma_start3A_92 : memref<64x128xf32, #tpu.memory_space<vmem>>) offsets(%dma_start3A_95 : memref<64xi32, #tpu.memory_space<vmem>>) semaphore(%arg11 : memref<!tpu.dma_semaphore, #tpu.memory_space<semaphore_mem>>)
        } else {
        }
      }
      %scan3A_46 = arith.constant 79 : i32
    } else {
    }
    %barrier3A_8 = arith.constant 0 : index
    tpu.barrier barrier_id(%barrier3A_8)
    %eq3A_9 = arith.constant 0 : i32
    %eq3A_10 = arith.cmpi eq, %arg0, %eq3A_9 : i32
    %convert_element_type3A_11 = arith.extui %eq3A_10 : i1 to i32
    %cond3A_12 = arith.constant 0 : i32
    %cond3A_13 = arith.cmpi ne, %convert_element_type3A_11, %cond3A_12 : i32
    scf.if %cond3A_13 {
      "tpu.region"() ({
        %run_scoped3A = tpu.sem_alloc : memref<!tpu.dma_semaphore, #tpu.memory_space<semaphore_mem>>
        %dma_start3A = arith.constant 0 : i32
        %dma_start3A_19 = tpu.memref_slice %arg6[%mul3A_0, %dma_start3A] : memref<10240x128xf32, #tpu.memory_space<hbm>> -> memref<640x128xf32, #tpu.memory_space<hbm>>
        %dma_start3A_20 = arith.constant 0 : i32
        %dma_start3A_21 = tpu.memref_slice %arg12[%mul3A_0, %dma_start3A_20] : memref<10240x128xf32, #tpu.memory_space<vmem_shared>> -> memref<640x128xf32, #tpu.memory_space<vmem_shared>>
        tpu.enqueue_dma source(%dma_start3A_21 : memref<640x128xf32, #tpu.memory_space<vmem_shared>>) target(%dma_start3A_19 : memref<640x128xf32, #tpu.memory_space<hbm>>) target_semaphore(%run_scoped3A : memref<!tpu.dma_semaphore, #tpu.memory_space<semaphore_mem>>)
        %dma_wait3A = arith.constant 0 : i32
        %dma_wait3A_22 = tpu.memref_slice %arg6[%mul3A_0, %dma_wait3A] : memref<10240x128xf32, #tpu.memory_space<hbm>> -> memref<640x128xf32, #tpu.memory_space<hbm>>
        %dma_wait3A_23 = arith.constant 0 : i32
        %dma_wait3A_24 = tpu.memref_slice %arg12[%mul3A_0, %dma_wait3A_23] : memref<10240x128xf32, #tpu.memory_space<vmem_shared>> -> memref<640x128xf32, #tpu.memory_space<vmem_shared>>
        tpu.wait_dma2 semaphore(%run_scoped3A : memref<!tpu.dma_semaphore, #tpu.memory_space<semaphore_mem>>) src(%dma_wait3A_24 : memref<640x128xf32, #tpu.memory_space<vmem_shared>>) dst(%dma_wait3A_22 : memref<640x128xf32, #tpu.memory_space<hbm>>)
        tpu.yield
      }) : () -> ()
    } else {
    }
    %eq3A_14 = arith.constant 1 : i32
    %eq3A_15 = arith.cmpi eq, %arg0, %eq3A_14 : i32
    %convert_element_type3A_16 = arith.extui %eq3A_15 : i1 to i32
    %cond3A_17 = arith.constant 0 : i32
    %cond3A_18 = arith.cmpi ne, %convert_element_type3A_16, %cond3A_17 : i32
    scf.if %cond3A_18 {
      "tpu.region"() ({
        %run_scoped3A = tpu.sem_alloc : memref<!tpu.dma_semaphore, #tpu.memory_space<semaphore_mem>>
        %dma_start3A = arith.constant 0 : i32
        %dma_start3A_19 = tpu.memref_slice %arg7[%mul3A_0, %dma_start3A] : memref<10240x128xf32, #tpu.memory_space<hbm>> -> memref<640x128xf32, #tpu.memory_space<hbm>>
        %dma_start3A_20 = arith.constant 0 : i32
        %dma_start3A_21 = tpu.memref_slice %arg12[%mul3A_0, %dma_start3A_20] : memref<10240x128xf32, #tpu.memory_space<vmem_shared>> -> memref<640x128xf32, #tpu.memory_space<vmem_shared>>
        tpu.enqueue_dma source(%dma_start3A_21 : memref<640x128xf32, #tpu.memory_space<vmem_shared>>) target(%dma_start3A_19 : memref<640x128xf32, #tpu.memory_space<hbm>>) target_semaphore(%run_scoped3A : memref<!tpu.dma_semaphore, #tpu.memory_space<semaphore_mem>>)
        %dma_wait3A = arith.constant 0 : i32
        %dma_wait3A_22 = tpu.memref_slice %arg7[%mul3A_0, %dma_wait3A] : memref<10240x128xf32, #tpu.memory_space<hbm>> -> memref<640x128xf32, #tpu.memory_space<hbm>>
        %dma_wait3A_23 = arith.constant 0 : i32
        %dma_wait3A_24 = tpu.memref_slice %arg12[%mul3A_0, %dma_wait3A_23] : memref<10240x128xf32, #tpu.memory_space<vmem_shared>> -> memref<640x128xf32, #tpu.memory_space<vmem_shared>>
        tpu.wait_dma2 semaphore(%run_scoped3A : memref<!tpu.dma_semaphore, #tpu.memory_space<semaphore_mem>>) src(%dma_wait3A_24 : memref<640x128xf32, #tpu.memory_space<vmem_shared>>) dst(%dma_wait3A_22 : memref<640x128xf32, #tpu.memory_space<hbm>>)
        tpu.yield
      }) : () -> ()
    } else {
    }
    return
  }
}

#map = affine_map<(d0, d1) -> (0, 0)>
module attributes {stable_mosaic.version = 14 : i64} {
  func.func @_deg_body(%arg0: i32, %arg1: i32, %arg2: memref<32x5056xi32, #tpu.memory_space<hbm>>, %arg3: memref<32x10240xf32, #tpu.memory_space<hbm>>, %arg4: memref<5056xi32, #tpu.memory_space<vmem>>, %arg5: memref<10240xf32, #tpu.memory_space<vmem>>) attributes {dimension_semantics = [#tpu.dimension_semantics<core_parallel>, #tpu.dimension_semantics<subcore_parallel>], iteration_bounds = array<i64: 2, 16>, scalar_prefetch = 0 : i64, scratch_operands = 2 : i64, tpu.core_type = #tpu.core_type<sc_vector_subcore>, window_params = [{transform_indices = #map}, {transform_indices = #map}]} {
    %mul3A = arith.constant 2 : i32
    %mul3A_0 = arith.muli %arg1, %mul3A : i32
    %add3A = arith.addi %mul3A_0, %arg0 : i32
    "tpu.region"() ({
      %run_scoped3A = tpu.sem_alloc : memref<!tpu.dma_semaphore, #tpu.memory_space<semaphore_mem>>
      %dma_start3A = arith.constant 0 : i32
      %dma_start3A_13 = tpu.memref_slice %arg2[%add3A, %dma_start3A] : memref<32x5056xi32, #tpu.memory_space<hbm>> -> memref<1x5056xi32, #tpu.memory_space<hbm>>
      %dma_start3A_14 = tpu.memref_squeeze %dma_start3A_13 : memref<1x5056xi32, #tpu.memory_space<hbm>> -> memref<5056xi32, #tpu.memory_space<hbm>>
      %dma_start3A_15 = arith.constant 0 : i32
      %dma_start3A_16 = tpu.memref_slice %arg2[%add3A, %dma_start3A_15] : memref<32x5056xi32, #tpu.memory_space<hbm>> -> memref<1x5056xi32, #tpu.memory_space<hbm>>
      %dma_start3A_17 = tpu.memref_squeeze %dma_start3A_16 : memref<1x5056xi32, #tpu.memory_space<hbm>> -> memref<5056xi32, #tpu.memory_space<hbm>>
      tpu.enqueue_dma source(%dma_start3A_17 : memref<5056xi32, #tpu.memory_space<hbm>>) target(%arg4 : memref<5056xi32, #tpu.memory_space<vmem>>) target_semaphore(%run_scoped3A : memref<!tpu.dma_semaphore, #tpu.memory_space<semaphore_mem>>)
      %dma_wait3A = arith.constant 0 : i32
      %dma_wait3A_18 = tpu.memref_slice %arg2[%add3A, %dma_wait3A] : memref<32x5056xi32, #tpu.memory_space<hbm>> -> memref<1x5056xi32, #tpu.memory_space<hbm>>
      %dma_wait3A_19 = tpu.memref_squeeze %dma_wait3A_18 : memref<1x5056xi32, #tpu.memory_space<hbm>> -> memref<5056xi32, #tpu.memory_space<hbm>>
      %dma_wait3A_20 = arith.constant 0 : i32
      %dma_wait3A_21 = tpu.memref_slice %arg2[%add3A, %dma_wait3A_20] : memref<32x5056xi32, #tpu.memory_space<hbm>> -> memref<1x5056xi32, #tpu.memory_space<hbm>>
      %dma_wait3A_22 = tpu.memref_squeeze %dma_wait3A_21 : memref<1x5056xi32, #tpu.memory_space<hbm>> -> memref<5056xi32, #tpu.memory_space<hbm>>
      tpu.wait_dma2 semaphore(%run_scoped3A : memref<!tpu.dma_semaphore, #tpu.memory_space<semaphore_mem>>) src(%dma_wait3A_22 : memref<5056xi32, #tpu.memory_space<hbm>>) dst(%arg4 : memref<5056xi32, #tpu.memory_space<vmem>>)
      tpu.yield
    }) : () -> ()
    %scan3A = arith.constant 0 : i32
    %scan3A_1 = arith.constant 0 : i32
    %scan3A_2 = arith.constant 640 : i32
    %scan3A_3 = arith.addi %scan3A_1, %scan3A_2 : i32
    %scan3A_4 = arith.constant 1 : i32
    scf.for %scan3A_13 = %scan3A_1 to %scan3A_3 step %scan3A_4  : i32 {
      %broadcast_in_dim3A_14 = arith.constant 0.000000e+00 : f32
      %broadcast_in_dim3A_15 = vector.broadcast %broadcast_in_dim3A_14 : f32 to vector<16xf32>
      %mul3A_16 = arith.constant 16 : i32
      %mul3A_17 = arith.muli %scan3A_13, %mul3A_16 : i32
      %swap3A = arith.index_cast %mul3A_17 : i32 to index
      %swap3A_18 = tpu.vector_load %arg5[%swap3A] {strides = array<i32>} : memref<10240xf32, #tpu.memory_space<vmem>>, vector<16xf32>,
      tpu.vector_store %arg5[%swap3A], %broadcast_in_dim3A_15 {strides = array<i32>} : memref<10240xf32, #tpu.memory_space<vmem>>, vector<16xf32>,
    }
    %scan3A_5 = arith.constant 640 : i32
    %broadcast_in_dim3A = arith.constant 1.000000e+00 : f32
    %broadcast_in_dim3A_6 = vector.broadcast %broadcast_in_dim3A : f32 to vector<16xf32>
    %scan3A_7 = arith.constant 0 : i32
    %scan3A_8 = arith.constant 0 : i32
    %scan3A_9 = arith.constant 316 : i32
    %scan3A_10 = arith.addi %scan3A_8, %scan3A_9 : i32
    %scan3A_11 = arith.constant 1 : i32
    scf.for %scan3A_13 = %scan3A_8 to %scan3A_10 step %scan3A_11  : i32 {
      %mul3A_14 = arith.constant 16 : i32
      %mul3A_15 = arith.muli %scan3A_13, %mul3A_14 : i32
      %get3A = arith.index_cast %mul3A_15 : i32 to index
      %get3A_16 = tpu.vector_load %arg4[%get3A] {strides = array<i32>} : memref<5056xi32, #tpu.memory_space<vmem>>, vector<16xi32>,
      tpu.vector_store_idx %arg5[%get3A_16], %broadcast_in_dim3A_6 {add = true} : memref<10240xf32, #tpu.memory_space<vmem>>[vector<16xi32>], vector<16xf32>,
    }
    %scan3A_12 = arith.constant 316 : i32
    "tpu.region"() ({
      %run_scoped3A = tpu.sem_alloc : memref<!tpu.dma_semaphore, #tpu.memory_space<semaphore_mem>>
      %dma_start3A = arith.constant 0 : i32
      %dma_start3A_13 = tpu.memref_slice %arg3[%add3A, %dma_start3A] : memref<32x10240xf32, #tpu.memory_space<hbm>> -> memref<1x10240xf32, #tpu.memory_space<hbm>>
      %dma_start3A_14 = tpu.memref_squeeze %dma_start3A_13 : memref<1x10240xf32, #tpu.memory_space<hbm>> -> memref<10240xf32, #tpu.memory_space<hbm>>
      %dma_start3A_15 = arith.constant 0 : i32
      %dma_start3A_16 = tpu.memref_slice %arg3[%add3A, %dma_start3A_15] : memref<32x10240xf32, #tpu.memory_space<hbm>> -> memref<1x10240xf32, #tpu.memory_space<hbm>>
      %dma_start3A_17 = tpu.memref_squeeze %dma_start3A_16 : memref<1x10240xf32, #tpu.memory_space<hbm>> -> memref<10240xf32, #tpu.memory_space<hbm>>
      tpu.enqueue_dma source(%arg5 : memref<10240xf32, #tpu.memory_space<vmem>>) target(%dma_start3A_17 : memref<10240xf32, #tpu.memory_space<hbm>>) target_semaphore(%run_scoped3A : memref<!tpu.dma_semaphore, #tpu.memory_space<semaphore_mem>>)
      %dma_wait3A = arith.constant 0 : i32
      %dma_wait3A_18 = tpu.memref_slice %arg3[%add3A, %dma_wait3A] : memref<32x10240xf32, #tpu.memory_space<hbm>> -> memref<1x10240xf32, #tpu.memory_space<hbm>>
      %dma_wait3A_19 = tpu.memref_squeeze %dma_wait3A_18 : memref<1x10240xf32, #tpu.memory_space<hbm>> -> memref<10240xf32, #tpu.memory_space<hbm>>
      %dma_wait3A_20 = arith.constant 0 : i32
      %dma_wait3A_21 = tpu.memref_slice %arg3[%add3A, %dma_wait3A_20] : memref<32x10240xf32, #tpu.memory_space<hbm>> -> memref<1x10240xf32, #tpu.memory_space<hbm>>
      %dma_wait3A_22 = tpu.memref_squeeze %dma_wait3A_21 : memref<1x10240xf32, #tpu.memory_space<hbm>> -> memref<10240xf32, #tpu.memory_space<hbm>>
      tpu.wait_dma2 semaphore(%run_scoped3A : memref<!tpu.dma_semaphore, #tpu.memory_space<semaphore_mem>>) src(%arg5 : memref<10240xf32, #tpu.memory_space<vmem>>) dst(%dma_wait3A_22 : memref<10240xf32, #tpu.memory_space<hbm>>)
      tpu.yield
    }) : () -> ()
    return
  }
}

#map = affine_map<(d0, d1) -> (0, 0)>
#map1 = affine_map<(d0, d1) -> (0, 0, 0)>
module attributes {stable_mosaic.version = 14 : i64} {
  func.func @_seg_body(%arg0: i32, %arg1: i32, %arg2: memref<10240x128xf32, #tpu.memory_space<hbm>>, %arg3: memref<10240x128xf32, #tpu.memory_space<hbm>>, %arg4: memref<16x158x128xi32, #tpu.memory_space<hbm>>, %arg5: memref<640x128xf32, #tpu.memory_space<hbm>>, %arg6: memref<10240x128xf32, #tpu.memory_space<hbm>>, %arg7: memref<10240x128xf32, #tpu.memory_space<hbm>>, %arg8: memref<158x128xi32, #tpu.memory_space<vmem>>, %arg9: memref<2x64x128xf32, #tpu.memory_space<vmem>>, %arg10: memref<!tpu.dma_semaphore, #tpu.memory_space<semaphore_mem>>, %arg11: memref<!tpu.dma_semaphore, #tpu.memory_space<semaphore_mem>>, %arg12: memref<10240x128xf32, #tpu.memory_space<vmem_shared>>) attributes {dimension_semantics = [#tpu.dimension_semantics<core_parallel>, #tpu.dimension_semantics<subcore_parallel>], iteration_bounds = array<i64: 2, 16>, scalar_prefetch = 0 : i64, scratch_operands = 5 : i64, tpu.core_type = #tpu.core_type<sc_vector_subcore>, window_params = [{transform_indices = #map}, {transform_indices = #map}, {transform_indices = #map1}, {transform_indices = #map}, {transform_indices = #map}, {transform_indices = #map}]} {
    "tpu.region"() ({
      %run_scoped3A = tpu.sem_alloc : memref<!tpu.dma_semaphore, #tpu.memory_space<semaphore_mem>>
      %dma_start3A = arith.constant 0 : i32
      %dma_start3A_19 = arith.constant 0 : i32
      %dma_start3A_20 = tpu.memref_slice %arg4[%arg1, %dma_start3A, %dma_start3A_19] : memref<16x158x128xi32, #tpu.memory_space<hbm>> -> memref<1x158x128xi32, #tpu.memory_space<hbm>>
      %dma_start3A_21 = tpu.memref_squeeze %dma_start3A_20 : memref<1x158x128xi32, #tpu.memory_space<hbm>> -> memref<158x128xi32, #tpu.memory_space<hbm>>
      %dma_start3A_22 = arith.constant 0 : i32
      %dma_start3A_23 = arith.constant 0 : i32
      %dma_start3A_24 = tpu.memref_slice %arg4[%arg1, %dma_start3A_22, %dma_start3A_23] : memref<16x158x128xi32, #tpu.memory_space<hbm>> -> memref<1x158x128xi32, #tpu.memory_space<hbm>>
      %dma_start3A_25 = tpu.memref_squeeze %dma_start3A_24 : memref<1x158x128xi32, #tpu.memory_space<hbm>> -> memref<158x128xi32, #tpu.memory_space<hbm>>
      tpu.enqueue_dma source(%dma_start3A_25 : memref<158x128xi32, #tpu.memory_space<hbm>>) target(%arg8 : memref<158x128xi32, #tpu.memory_space<vmem>>) target_semaphore(%run_scoped3A : memref<!tpu.dma_semaphore, #tpu.memory_space<semaphore_mem>>)
      %dma_wait3A = arith.constant 0 : i32
      %dma_wait3A_26 = arith.constant 0 : i32
      %dma_wait3A_27 = tpu.memref_slice %arg4[%arg1, %dma_wait3A, %dma_wait3A_26] : memref<16x158x128xi32, #tpu.memory_space<hbm>> -> memref<1x158x128xi32, #tpu.memory_space<hbm>>
      %dma_wait3A_28 = tpu.memref_squeeze %dma_wait3A_27 : memref<1x158x128xi32, #tpu.memory_space<hbm>> -> memref<158x128xi32, #tpu.memory_space<hbm>>
      %dma_wait3A_29 = arith.constant 0 : i32
      %dma_wait3A_30 = arith.constant 0 : i32
      %dma_wait3A_31 = tpu.memref_slice %arg4[%arg1, %dma_wait3A_29, %dma_wait3A_30] : memref<16x158x128xi32, #tpu.memory_space<hbm>> -> memref<1x158x128xi32, #tpu.memory_space<hbm>>
      %dma_wait3A_32 = tpu.memref_squeeze %dma_wait3A_31 : memref<1x158x128xi32, #tpu.memory_space<hbm>> -> memref<158x128xi32, #tpu.memory_space<hbm>>
      tpu.wait_dma2 semaphore(%run_scoped3A : memref<!tpu.dma_semaphore, #tpu.memory_space<semaphore_mem>>) src(%dma_wait3A_32 : memref<158x128xi32, #tpu.memory_space<hbm>>) dst(%arg8 : memref<158x128xi32, #tpu.memory_space<vmem>>)
      tpu.yield
    }) : () -> ()
    %mul3A = arith.constant 640 : i32
    %mul3A_0 = arith.muli %arg1, %mul3A : i32
    "tpu.region"() ({
      %run_scoped3A = tpu.sem_alloc : memref<!tpu.dma_semaphore, #tpu.memory_space<semaphore_mem>>
      %dma_start3A = arith.constant 0 : i32
      %dma_start3A_19 = tpu.memref_slice %arg12[%mul3A_0, %dma_start3A] : memref<10240x128xf32, #tpu.memory_space<vmem_shared>> -> memref<640x128xf32, #tpu.memory_space<vmem_shared>>
      tpu.enqueue_dma source(%arg5 : memref<640x128xf32, #tpu.memory_space<hbm>>) target(%dma_start3A_19 : memref<640x128xf32, #tpu.memory_space<vmem_shared>>) target_semaphore(%run_scoped3A : memref<!tpu.dma_semaphore, #tpu.memory_space<semaphore_mem>>)
      %dma_wait3A = arith.constant 0 : i32
      %dma_wait3A_20 = tpu.memref_slice %arg12[%mul3A_0, %dma_wait3A] : memref<10240x128xf32, #tpu.memory_space<vmem_shared>> -> memref<640x128xf32, #tpu.memory_space<vmem_shared>>
      tpu.wait_dma2 semaphore(%run_scoped3A : memref<!tpu.dma_semaphore, #tpu.memory_space<semaphore_mem>>) src(%arg5 : memref<640x128xf32, #tpu.memory_space<hbm>>) dst(%dma_wait3A_20 : memref<640x128xf32, #tpu.memory_space<vmem_shared>>)
      tpu.yield
    }) : () -> ()
    %barrier3A = arith.constant 0 : index
    tpu.barrier barrier_id(%barrier3A)
    %eq3A = arith.constant 0 : i32
    %eq3A_1 = arith.cmpi eq, %arg0, %eq3A : i32
    %convert_element_type3A = arith.extui %eq3A_1 : i1 to i32
    %cond3A = arith.constant 0 : i32
    %cond3A_2 = arith.cmpi ne, %convert_element_type3A, %cond3A : i32
    scf.if %cond3A_2 {
      %dma_start3A = arith.constant 0 : i32
      %dma_start3A_19 = arith.constant 0 : i32
      %dma_start3A_20 = arith.constant 0 : i32
      %dma_start3A_21 = arith.constant 0 : i32
      %dma_start3A_22 = tpu.memref_slice %arg9[%dma_start3A_19, %dma_start3A_20, %dma_start3A_21] : memref<2x64x128xf32, #tpu.memory_space<vmem>> -> memref<1x64x128xf32, #tpu.memory_space<vmem>>
      %dma_start3A_23 = tpu.memref_squeeze %dma_start3A_22 : memref<1x64x128xf32, #tpu.memory_space<vmem>> -> memref<64x128xf32, #tpu.memory_space<vmem>>
      %dma_start3A_24 = arith.constant 0 : i32
      %dma_start3A_25 = tpu.memref_slice %arg8[%dma_start3A, %dma_start3A_24] : memref<158x128xi32, #tpu.memory_space<vmem>> -> memref<1x64xi32, #tpu.memory_space<vmem>>
      %dma_start3A_26 = tpu.memref_squeeze %dma_start3A_25 : memref<1x64xi32, #tpu.memory_space<vmem>> -> memref<64xi32, #tpu.memory_space<vmem>>
      %dma_start3A_27 = arith.constant 0 : i32
      %dma_start3A_28 = arith.constant 0 : i32
      %dma_start3A_29 = tpu.memref_slice %arg2[%dma_start3A_27, %dma_start3A_28] : memref<10240x128xf32, #tpu.memory_space<hbm>> -> memref<10240x128xf32, #tpu.memory_space<hbm>>
      tpu.enqueue_indirect_dma source(%dma_start3A_29 : memref<10240x128xf32, #tpu.memory_space<hbm>>) target(%dma_start3A_23 : memref<64x128xf32, #tpu.memory_space<vmem>>) offsets(%dma_start3A_26 : memref<64xi32, #tpu.memory_space<vmem>>) semaphore(%arg10 : memref<!tpu.dma_semaphore, #tpu.memory_space<semaphore_mem>>)
      %dma_start3A_30 = arith.constant 1 : i32
      %dma_start3A_31 = arith.constant 1 : i32
      %dma_start3A_32 = arith.constant 0 : i32
      %dma_start3A_33 = arith.constant 0 : i32
      %dma_start3A_34 = tpu.memref_slice %arg9[%dma_start3A_31, %dma_start3A_32, %dma_start3A_33] : memref<2x64x128xf32, #tpu.memory_space<vmem>> -> memref<1x64x128xf32, #tpu.memory_space<vmem>>
      %dma_start3A_35 = tpu.memref_squeeze %dma_start3A_34 : memref<1x64x128xf32, #tpu.memory_space<vmem>> -> memref<64x128xf32, #tpu.memory_space<vmem>>
      %dma_start3A_36 = arith.constant 0 : i32
      %dma_start3A_37 = tpu.memref_slice %arg8[%dma_start3A_30, %dma_start3A_36] : memref<158x128xi32, #tpu.memory_space<vmem>> -> memref<1x64xi32, #tpu.memory_space<vmem>>
      %dma_start3A_38 = tpu.memref_squeeze %dma_start3A_37 : memref<1x64xi32, #tpu.memory_space<vmem>> -> memref<64xi32, #tpu.memory_space<vmem>>
      %dma_start3A_39 = arith.constant 0 : i32
      %dma_start3A_40 = arith.constant 0 : i32
      %dma_start3A_41 = tpu.memref_slice %arg2[%dma_start3A_39, %dma_start3A_40] : memref<10240x128xf32, #tpu.memory_space<hbm>> -> memref<10240x128xf32, #tpu.memory_space<hbm>>
      tpu.enqueue_indirect_dma source(%dma_start3A_41 : memref<10240x128xf32, #tpu.memory_space<hbm>>) target(%dma_start3A_35 : memref<64x128xf32, #tpu.memory_space<vmem>>) offsets(%dma_start3A_38 : memref<64xi32, #tpu.memory_space<vmem>>) semaphore(%arg11 : memref<!tpu.dma_semaphore, #tpu.memory_space<semaphore_mem>>)
      %scan3A = arith.constant 0 : i32
      %scan3A_42 = arith.constant 0 : i32
      %scan3A_43 = arith.constant 79 : i32
      %scan3A_44 = arith.addi %scan3A_42, %scan3A_43 : i32
      %scan3A_45 = arith.constant 1 : i32
      scf.for %scan3A_47 = %scan3A_42 to %scan3A_44 step %scan3A_45  : i32 {
        %mul3A_48 = arith.constant 2 : i32
        %mul3A_49 = arith.muli %scan3A_47, %mul3A_48 : i32
        %add3A = arith.constant 0 : i32
        %add3A_50 = arith.addi %mul3A_49, %add3A : i32
        %dma_wait3A = arith.constant 0 : i32
        %dma_wait3A_51 = arith.constant 0 : i32
        %dma_wait3A_52 = arith.constant 0 : i32
        %dma_wait3A_53 = tpu.memref_slice %arg9[%dma_wait3A, %dma_wait3A_51, %dma_wait3A_52] : memref<2x64x128xf32, #tpu.memory_space<vmem>> -> memref<1x64x128xf32, #tpu.memory_space<vmem>>
        %dma_wait3A_54 = tpu.memref_squeeze %dma_wait3A_53 : memref<1x64x128xf32, #tpu.memory_space<vmem>> -> memref<64x128xf32, #tpu.memory_space<vmem>>
        %dma_wait3A_55 = arith.constant 0 : i32
        %dma_wait3A_56 = tpu.memref_slice %arg8[%add3A_50, %dma_wait3A_55] : memref<158x128xi32, #tpu.memory_space<vmem>> -> memref<1x64xi32, #tpu.memory_space<vmem>>
        %dma_wait3A_57 = tpu.memref_squeeze %dma_wait3A_56 : memref<1x64xi32, #tpu.memory_space<vmem>> -> memref<64xi32, #tpu.memory_space<vmem>>
        %dma_wait3A_58 = arith.constant 0 : i32
        %dma_wait3A_59 = arith.constant 0 : i32
        %dma_wait3A_60 = tpu.memref_slice %arg2[%dma_wait3A_58, %dma_wait3A_59] : memref<10240x128xf32, #tpu.memory_space<hbm>> -> memref<10240x128xf32, #tpu.memory_space<hbm>>
        tpu.wait_indirect_dma semaphore(%arg10 : memref<!tpu.dma_semaphore, #tpu.memory_space<semaphore_mem>>) src(%dma_wait3A_60 : memref<10240x128xf32, #tpu.memory_space<hbm>>) dst(%dma_wait3A_54 : memref<64x128xf32, #tpu.memory_space<vmem>>)
        %run_scoped3A = arith.constant 0 : i32
        "tpu.region"() ({
          %run_scoped3A_86 = tpu.sem_alloc : memref<!tpu.dma_semaphore, #tpu.memory_space<semaphore_mem>>
          %dma_start3A_87 = arith.constant 0 : i32
          %dma_start3A_88 = arith.constant 0 : i32
          %dma_start3A_89 = tpu.memref_slice %arg9[%run_scoped3A, %dma_start3A_87, %dma_start3A_88] : memref<2x64x128xf32, #tpu.memory_space<vmem>> -> memref<1x64x128xf32, #tpu.memory_space<vmem>>
          %dma_start3A_90 = tpu.memref_squeeze %dma_start3A_89 : memref<1x64x128xf32, #tpu.memory_space<vmem>> -> memref<64x128xf32, #tpu.memory_space<vmem>>
          %dma_start3A_91 = arith.constant 64 : i32
          %dma_start3A_92 = tpu.memref_slice %arg8[%add3A_50, %dma_start3A_91] : memref<158x128xi32, #tpu.memory_space<vmem>> -> memref<1x64xi32, #tpu.memory_space<vmem>>
          %dma_start3A_93 = tpu.memref_squeeze %dma_start3A_92 : memref<1x64xi32, #tpu.memory_space<vmem>> -> memref<64xi32, #tpu.memory_space<vmem>>
          %dma_start3A_94 = arith.constant 0 : i32
          %dma_start3A_95 = arith.constant 0 : i32
          %dma_start3A_96 = tpu.memref_slice %arg12[%dma_start3A_94, %dma_start3A_95] : memref<10240x128xf32, #tpu.memory_space<vmem_shared>> -> memref<10240x128xf32, #tpu.memory_space<vmem_shared>>
          tpu.enqueue_indirect_dma source(%dma_start3A_90 : memref<64x128xf32, #tpu.memory_space<vmem>>) target(%dma_start3A_96 : memref<10240x128xf32, #tpu.memory_space<vmem_shared>>) offsets(%dma_start3A_93 : memref<64xi32, #tpu.memory_space<vmem>>) semaphore(%run_scoped3A_86 : memref<!tpu.dma_semaphore, #tpu.memory_space<semaphore_mem>>) {add = true}
          %dma_wait3A_97 = arith.constant 0 : i32
          %dma_wait3A_98 = arith.constant 0 : i32
          %dma_wait3A_99 = tpu.memref_slice %arg9[%run_scoped3A, %dma_wait3A_97, %dma_wait3A_98] : memref<2x64x128xf32, #tpu.memory_space<vmem>> -> memref<1x64x128xf32, #tpu.memory_space<vmem>>
          %dma_wait3A_100 = tpu.memref_squeeze %dma_wait3A_99 : memref<1x64x128xf32, #tpu.memory_space<vmem>> -> memref<64x128xf32, #tpu.memory_space<vmem>>
          %dma_wait3A_101 = arith.constant 64 : i32
          %dma_wait3A_102 = tpu.memref_slice %arg8[%add3A_50, %dma_wait3A_101] : memref<158x128xi32, #tpu.memory_space<vmem>> -> memref<1x64xi32, #tpu.memory_space<vmem>>
          %dma_wait3A_103 = tpu.memref_squeeze %dma_wait3A_102 : memref<1x64xi32, #tpu.memory_space<vmem>> -> memref<64xi32, #tpu.memory_space<vmem>>
          %dma_wait3A_104 = arith.constant 0 : i32
          %dma_wait3A_105 = arith.constant 0 : i32
          %dma_wait3A_106 = tpu.memref_slice %arg12[%dma_wait3A_104, %dma_wait3A_105] : memref<10240x128xf32, #tpu.memory_space<vmem_shared>> -> memref<10240x128xf32, #tpu.memory_space<vmem_shared>>
          tpu.wait_indirect_dma semaphore(%run_scoped3A_86 : memref<!tpu.dma_semaphore, #tpu.memory_space<semaphore_mem>>) src(%dma_wait3A_100 : memref<64x128xf32, #tpu.memory_space<vmem>>) dst(%dma_wait3A_106 : memref<10240x128xf32, #tpu.memory_space<vmem_shared>>)
          tpu.yield
        }) : () -> ()
        %lt3A = arith.constant 78 : i32
        %lt3A_61 = arith.cmpi slt, %scan3A_47, %lt3A : i32
        %convert_element_type3A_62 = arith.extui %lt3A_61 : i1 to i32
        %cond3A_63 = arith.constant 0 : i32
        %cond3A_64 = arith.cmpi ne, %convert_element_type3A_62, %cond3A_63 : i32
        scf.if %cond3A_64 {
          %add3A_86 = arith.constant 2 : i32
          %add3A_87 = arith.addi %add3A_50, %add3A_86 : i32
          %dma_start3A_88 = arith.constant 0 : i32
          %dma_start3A_89 = arith.constant 0 : i32
          %dma_start3A_90 = arith.constant 0 : i32
          %dma_start3A_91 = tpu.memref_slice %arg9[%dma_start3A_88, %dma_start3A_89, %dma_start3A_90] : memref<2x64x128xf32, #tpu.memory_space<vmem>> -> memref<1x64x128xf32, #tpu.memory_space<vmem>>
          %dma_start3A_92 = tpu.memref_squeeze %dma_start3A_91 : memref<1x64x128xf32, #tpu.memory_space<vmem>> -> memref<64x128xf32, #tpu.memory_space<vmem>>
          %dma_start3A_93 = arith.constant 0 : i32
          %dma_start3A_94 = tpu.memref_slice %arg8[%add3A_87, %dma_start3A_93] : memref<158x128xi32, #tpu.memory_space<vmem>> -> memref<1x64xi32, #tpu.memory_space<vmem>>
          %dma_start3A_95 = tpu.memref_squeeze %dma_start3A_94 : memref<1x64xi32, #tpu.memory_space<vmem>> -> memref<64xi32, #tpu.memory_space<vmem>>
          %dma_start3A_96 = arith.constant 0 : i32
          %dma_start3A_97 = arith.constant 0 : i32
          %dma_start3A_98 = tpu.memref_slice %arg2[%dma_start3A_96, %dma_start3A_97] : memref<10240x128xf32, #tpu.memory_space<hbm>> -> memref<10240x128xf32, #tpu.memory_space<hbm>>
          tpu.enqueue_indirect_dma source(%dma_start3A_98 : memref<10240x128xf32, #tpu.memory_space<hbm>>) target(%dma_start3A_92 : memref<64x128xf32, #tpu.memory_space<vmem>>) offsets(%dma_start3A_95 : memref<64xi32, #tpu.memory_space<vmem>>) semaphore(%arg10 : memref<!tpu.dma_semaphore, #tpu.memory_space<semaphore_mem>>)
        } else {
        }
        %mul3A_65 = arith.constant 2 : i32
        %mul3A_66 = arith.muli %scan3A_47, %mul3A_65 : i32
        %add3A_67 = arith.constant 1 : i32
        %add3A_68 = arith.addi %mul3A_66, %add3A_67 : i32
        %dma_wait3A_69 = arith.constant 1 : i32
        %dma_wait3A_70 = arith.constant 0 : i32
        %dma_wait3A_71 = arith.constant 0 : i32
        %dma_wait3A_72 = tpu.memref_slice %arg9[%dma_wait3A_69, %dma_wait3A_70, %dma_wait3A_71] : memref<2x64x128xf32, #tpu.memory_space<vmem>> -> memref<1x64x128xf32, #tpu.memory_space<vmem>>
        %dma_wait3A_73 = tpu.memref_squeeze %dma_wait3A_72 : memref<1x64x128xf32, #tpu.memory_space<vmem>> -> memref<64x128xf32, #tpu.memory_space<vmem>>
        %dma_wait3A_74 = arith.constant 0 : i32
        %dma_wait3A_75 = tpu.memref_slice %arg8[%add3A_68, %dma_wait3A_74] : memref<158x128xi32, #tpu.memory_space<vmem>> -> memref<1x64xi32, #tpu.memory_space<vmem>>
        %dma_wait3A_76 = tpu.memref_squeeze %dma_wait3A_75 : memref<1x64xi32, #tpu.memory_space<vmem>> -> memref<64xi32, #tpu.memory_space<vmem>>
        %dma_wait3A_77 = arith.constant 0 : i32
        %dma_wait3A_78 = arith.constant 0 : i32
        %dma_wait3A_79 = tpu.memref_slice %arg2[%dma_wait3A_77, %dma_wait3A_78] : memref<10240x128xf32, #tpu.memory_space<hbm>> -> memref<10240x128xf32, #tpu.memory_space<hbm>>
        tpu.wait_indirect_dma semaphore(%arg11 : memref<!tpu.dma_semaphore, #tpu.memory_space<semaphore_mem>>) src(%dma_wait3A_79 : memref<10240x128xf32, #tpu.memory_space<hbm>>) dst(%dma_wait3A_73 : memref<64x128xf32, #tpu.memory_space<vmem>>)
        %run_scoped3A_80 = arith.constant 1 : i32
        "tpu.region"() ({
          %run_scoped3A_86 = tpu.sem_alloc : memref<!tpu.dma_semaphore, #tpu.memory_space<semaphore_mem>>
          %dma_start3A_87 = arith.constant 0 : i32
          %dma_start3A_88 = arith.constant 0 : i32
          %dma_start3A_89 = tpu.memref_slice %arg9[%run_scoped3A_80, %dma_start3A_87, %dma_start3A_88] : memref<2x64x128xf32, #tpu.memory_space<vmem>> -> memref<1x64x128xf32, #tpu.memory_space<vmem>>
          %dma_start3A_90 = tpu.memref_squeeze %dma_start3A_89 : memref<1x64x128xf32, #tpu.memory_space<vmem>> -> memref<64x128xf32, #tpu.memory_space<vmem>>
          %dma_start3A_91 = arith.constant 64 : i32
          %dma_start3A_92 = tpu.memref_slice %arg8[%add3A_68, %dma_start3A_91] : memref<158x128xi32, #tpu.memory_space<vmem>> -> memref<1x64xi32, #tpu.memory_space<vmem>>
          %dma_start3A_93 = tpu.memref_squeeze %dma_start3A_92 : memref<1x64xi32, #tpu.memory_space<vmem>> -> memref<64xi32, #tpu.memory_space<vmem>>
          %dma_start3A_94 = arith.constant 0 : i32
          %dma_start3A_95 = arith.constant 0 : i32
          %dma_start3A_96 = tpu.memref_slice %arg12[%dma_start3A_94, %dma_start3A_95] : memref<10240x128xf32, #tpu.memory_space<vmem_shared>> -> memref<10240x128xf32, #tpu.memory_space<vmem_shared>>
          tpu.enqueue_indirect_dma source(%dma_start3A_90 : memref<64x128xf32, #tpu.memory_space<vmem>>) target(%dma_start3A_96 : memref<10240x128xf32, #tpu.memory_space<vmem_shared>>) offsets(%dma_start3A_93 : memref<64xi32, #tpu.memory_space<vmem>>) semaphore(%run_scoped3A_86 : memref<!tpu.dma_semaphore, #tpu.memory_space<semaphore_mem>>) {add = true}
          %dma_wait3A_97 = arith.constant 0 : i32
          %dma_wait3A_98 = arith.constant 0 : i32
          %dma_wait3A_99 = tpu.memref_slice %arg9[%run_scoped3A_80, %dma_wait3A_97, %dma_wait3A_98] : memref<2x64x128xf32, #tpu.memory_space<vmem>> -> memref<1x64x128xf32, #tpu.memory_space<vmem>>
          %dma_wait3A_100 = tpu.memref_squeeze %dma_wait3A_99 : memref<1x64x128xf32, #tpu.memory_space<vmem>> -> memref<64x128xf32, #tpu.memory_space<vmem>>
          %dma_wait3A_101 = arith.constant 64 : i32
          %dma_wait3A_102 = tpu.memref_slice %arg8[%add3A_68, %dma_wait3A_101] : memref<158x128xi32, #tpu.memory_space<vmem>> -> memref<1x64xi32, #tpu.memory_space<vmem>>
          %dma_wait3A_103 = tpu.memref_squeeze %dma_wait3A_102 : memref<1x64xi32, #tpu.memory_space<vmem>> -> memref<64xi32, #tpu.memory_space<vmem>>
          %dma_wait3A_104 = arith.constant 0 : i32
          %dma_wait3A_105 = arith.constant 0 : i32
          %dma_wait3A_106 = tpu.memref_slice %arg12[%dma_wait3A_104, %dma_wait3A_105] : memref<10240x128xf32, #tpu.memory_space<vmem_shared>> -> memref<10240x128xf32, #tpu.memory_space<vmem_shared>>
          tpu.wait_indirect_dma semaphore(%run_scoped3A_86 : memref<!tpu.dma_semaphore, #tpu.memory_space<semaphore_mem>>) src(%dma_wait3A_100 : memref<64x128xf32, #tpu.memory_space<vmem>>) dst(%dma_wait3A_106 : memref<10240x128xf32, #tpu.memory_space<vmem_shared>>)
          tpu.yield
        }) : () -> ()
        %lt3A_81 = arith.constant 78 : i32
        %lt3A_82 = arith.cmpi slt, %scan3A_47, %lt3A_81 : i32
        %convert_element_type3A_83 = arith.extui %lt3A_82 : i1 to i32
        %cond3A_84 = arith.constant 0 : i32
        %cond3A_85 = arith.cmpi ne, %convert_element_type3A_83, %cond3A_84 : i32
        scf.if %cond3A_85 {
          %add3A_86 = arith.constant 2 : i32
          %add3A_87 = arith.addi %add3A_68, %add3A_86 : i32
          %dma_start3A_88 = arith.constant 1 : i32
          %dma_start3A_89 = arith.constant 0 : i32
          %dma_start3A_90 = arith.constant 0 : i32
          %dma_start3A_91 = tpu.memref_slice %arg9[%dma_start3A_88, %dma_start3A_89, %dma_start3A_90] : memref<2x64x128xf32, #tpu.memory_space<vmem>> -> memref<1x64x128xf32, #tpu.memory_space<vmem>>
          %dma_start3A_92 = tpu.memref_squeeze %dma_start3A_91 : memref<1x64x128xf32, #tpu.memory_space<vmem>> -> memref<64x128xf32, #tpu.memory_space<vmem>>
          %dma_start3A_93 = arith.constant 0 : i32
          %dma_start3A_94 = tpu.memref_slice %arg8[%add3A_87, %dma_start3A_93] : memref<158x128xi32, #tpu.memory_space<vmem>> -> memref<1x64xi32, #tpu.memory_space<vmem>>
          %dma_start3A_95 = tpu.memref_squeeze %dma_start3A_94 : memref<1x64xi32, #tpu.memory_space<vmem>> -> memref<64xi32, #tpu.memory_space<vmem>>
          %dma_start3A_96 = arith.constant 0 : i32
          %dma_start3A_97 = arith.constant 0 : i32
          %dma_start3A_98 = tpu.memref_slice %arg2[%dma_start3A_96, %dma_start3A_97] : memref<10240x128xf32, #tpu.memory_space<hbm>> -> memref<10240x128xf32, #tpu.memory_space<hbm>>
          tpu.enqueue_indirect_dma source(%dma_start3A_98 : memref<10240x128xf32, #tpu.memory_space<hbm>>) target(%dma_start3A_92 : memref<64x128xf32, #tpu.memory_space<vmem>>) offsets(%dma_start3A_95 : memref<64xi32, #tpu.memory_space<vmem>>) semaphore(%arg11 : memref<!tpu.dma_semaphore, #tpu.memory_space<semaphore_mem>>)
        } else {
        }
      }
      %scan3A_46 = arith.constant 79 : i32
    } else {
    }
    %eq3A_3 = arith.constant 1 : i32
    %eq3A_4 = arith.cmpi eq, %arg0, %eq3A_3 : i32
    %convert_element_type3A_5 = arith.extui %eq3A_4 : i1 to i32
    %cond3A_6 = arith.constant 0 : i32
    %cond3A_7 = arith.cmpi ne, %convert_element_type3A_5, %cond3A_6 : i32
    scf.if %cond3A_7 {
      %dma_start3A = arith.constant 0 : i32
      %dma_start3A_19 = arith.constant 0 : i32
      %dma_start3A_20 = arith.constant 0 : i32
      %dma_start3A_21 = arith.constant 0 : i32
      %dma_start3A_22 = tpu.memref_slice %arg9[%dma_start3A_19, %dma_start3A_20, %dma_start3A_21] : memref<2x64x128xf32, #tpu.memory_space<vmem>> -> memref<1x64x128xf32, #tpu.memory_space<vmem>>
      %dma_start3A_23 = tpu.memref_squeeze %dma_start3A_22 : memref<1x64x128xf32, #tpu.memory_space<vmem>> -> memref<64x128xf32, #tpu.memory_space<vmem>>
      %dma_start3A_24 = arith.constant 0 : i32
      %dma_start3A_25 = tpu.memref_slice %arg8[%dma_start3A, %dma_start3A_24] : memref<158x128xi32, #tpu.memory_space<vmem>> -> memref<1x64xi32, #tpu.memory_space<vmem>>
      %dma_start3A_26 = tpu.memref_squeeze %dma_start3A_25 : memref<1x64xi32, #tpu.memory_space<vmem>> -> memref<64xi32, #tpu.memory_space<vmem>>
      %dma_start3A_27 = arith.constant 0 : i32
      %dma_start3A_28 = arith.constant 0 : i32
      %dma_start3A_29 = tpu.memref_slice %arg3[%dma_start3A_27, %dma_start3A_28] : memref<10240x128xf32, #tpu.memory_space<hbm>> -> memref<10240x128xf32, #tpu.memory_space<hbm>>
      tpu.enqueue_indirect_dma source(%dma_start3A_29 : memref<10240x128xf32, #tpu.memory_space<hbm>>) target(%dma_start3A_23 : memref<64x128xf32, #tpu.memory_space<vmem>>) offsets(%dma_start3A_26 : memref<64xi32, #tpu.memory_space<vmem>>) semaphore(%arg10 : memref<!tpu.dma_semaphore, #tpu.memory_space<semaphore_mem>>)
      %dma_start3A_30 = arith.constant 1 : i32
      %dma_start3A_31 = arith.constant 1 : i32
      %dma_start3A_32 = arith.constant 0 : i32
      %dma_start3A_33 = arith.constant 0 : i32
      %dma_start3A_34 = tpu.memref_slice %arg9[%dma_start3A_31, %dma_start3A_32, %dma_start3A_33] : memref<2x64x128xf32, #tpu.memory_space<vmem>> -> memref<1x64x128xf32, #tpu.memory_space<vmem>>
      %dma_start3A_35 = tpu.memref_squeeze %dma_start3A_34 : memref<1x64x128xf32, #tpu.memory_space<vmem>> -> memref<64x128xf32, #tpu.memory_space<vmem>>
      %dma_start3A_36 = arith.constant 0 : i32
      %dma_start3A_37 = tpu.memref_slice %arg8[%dma_start3A_30, %dma_start3A_36] : memref<158x128xi32, #tpu.memory_space<vmem>> -> memref<1x64xi32, #tpu.memory_space<vmem>>
      %dma_start3A_38 = tpu.memref_squeeze %dma_start3A_37 : memref<1x64xi32, #tpu.memory_space<vmem>> -> memref<64xi32, #tpu.memory_space<vmem>>
      %dma_start3A_39 = arith.constant 0 : i32
      %dma_start3A_40 = arith.constant 0 : i32
      %dma_start3A_41 = tpu.memref_slice %arg3[%dma_start3A_39, %dma_start3A_40] : memref<10240x128xf32, #tpu.memory_space<hbm>> -> memref<10240x128xf32, #tpu.memory_space<hbm>>
      tpu.enqueue_indirect_dma source(%dma_start3A_41 : memref<10240x128xf32, #tpu.memory_space<hbm>>) target(%dma_start3A_35 : memref<64x128xf32, #tpu.memory_space<vmem>>) offsets(%dma_start3A_38 : memref<64xi32, #tpu.memory_space<vmem>>) semaphore(%arg11 : memref<!tpu.dma_semaphore, #tpu.memory_space<semaphore_mem>>)
      %scan3A = arith.constant 0 : i32
      %scan3A_42 = arith.constant 0 : i32
      %scan3A_43 = arith.constant 79 : i32
      %scan3A_44 = arith.addi %scan3A_42, %scan3A_43 : i32
      %scan3A_45 = arith.constant 1 : i32
      scf.for %scan3A_47 = %scan3A_42 to %scan3A_44 step %scan3A_45  : i32 {
        %mul3A_48 = arith.constant 2 : i32
        %mul3A_49 = arith.muli %scan3A_47, %mul3A_48 : i32
        %add3A = arith.constant 0 : i32
        %add3A_50 = arith.addi %mul3A_49, %add3A : i32
        %dma_wait3A = arith.constant 0 : i32
        %dma_wait3A_51 = arith.constant 0 : i32
        %dma_wait3A_52 = arith.constant 0 : i32
        %dma_wait3A_53 = tpu.memref_slice %arg9[%dma_wait3A, %dma_wait3A_51, %dma_wait3A_52] : memref<2x64x128xf32, #tpu.memory_space<vmem>> -> memref<1x64x128xf32, #tpu.memory_space<vmem>>
        %dma_wait3A_54 = tpu.memref_squeeze %dma_wait3A_53 : memref<1x64x128xf32, #tpu.memory_space<vmem>> -> memref<64x128xf32, #tpu.memory_space<vmem>>
        %dma_wait3A_55 = arith.constant 0 : i32
        %dma_wait3A_56 = tpu.memref_slice %arg8[%add3A_50, %dma_wait3A_55] : memref<158x128xi32, #tpu.memory_space<vmem>> -> memref<1x64xi32, #tpu.memory_space<vmem>>
        %dma_wait3A_57 = tpu.memref_squeeze %dma_wait3A_56 : memref<1x64xi32, #tpu.memory_space<vmem>> -> memref<64xi32, #tpu.memory_space<vmem>>
        %dma_wait3A_58 = arith.constant 0 : i32
        %dma_wait3A_59 = arith.constant 0 : i32
        %dma_wait3A_60 = tpu.memref_slice %arg3[%dma_wait3A_58, %dma_wait3A_59] : memref<10240x128xf32, #tpu.memory_space<hbm>> -> memref<10240x128xf32, #tpu.memory_space<hbm>>
        tpu.wait_indirect_dma semaphore(%arg10 : memref<!tpu.dma_semaphore, #tpu.memory_space<semaphore_mem>>) src(%dma_wait3A_60 : memref<10240x128xf32, #tpu.memory_space<hbm>>) dst(%dma_wait3A_54 : memref<64x128xf32, #tpu.memory_space<vmem>>)
        %run_scoped3A = arith.constant 0 : i32
        "tpu.region"() ({
          %run_scoped3A_86 = tpu.sem_alloc : memref<!tpu.dma_semaphore, #tpu.memory_space<semaphore_mem>>
          %dma_start3A_87 = arith.constant 0 : i32
          %dma_start3A_88 = arith.constant 0 : i32
          %dma_start3A_89 = tpu.memref_slice %arg9[%run_scoped3A, %dma_start3A_87, %dma_start3A_88] : memref<2x64x128xf32, #tpu.memory_space<vmem>> -> memref<1x64x128xf32, #tpu.memory_space<vmem>>
          %dma_start3A_90 = tpu.memref_squeeze %dma_start3A_89 : memref<1x64x128xf32, #tpu.memory_space<vmem>> -> memref<64x128xf32, #tpu.memory_space<vmem>>
          %dma_start3A_91 = arith.constant 64 : i32
          %dma_start3A_92 = tpu.memref_slice %arg8[%add3A_50, %dma_start3A_91] : memref<158x128xi32, #tpu.memory_space<vmem>> -> memref<1x64xi32, #tpu.memory_space<vmem>>
          %dma_start3A_93 = tpu.memref_squeeze %dma_start3A_92 : memref<1x64xi32, #tpu.memory_space<vmem>> -> memref<64xi32, #tpu.memory_space<vmem>>
          %dma_start3A_94 = arith.constant 0 : i32
          %dma_start3A_95 = arith.constant 0 : i32
          %dma_start3A_96 = tpu.memref_slice %arg12[%dma_start3A_94, %dma_start3A_95] : memref<10240x128xf32, #tpu.memory_space<vmem_shared>> -> memref<10240x128xf32, #tpu.memory_space<vmem_shared>>
          tpu.enqueue_indirect_dma source(%dma_start3A_90 : memref<64x128xf32, #tpu.memory_space<vmem>>) target(%dma_start3A_96 : memref<10240x128xf32, #tpu.memory_space<vmem_shared>>) offsets(%dma_start3A_93 : memref<64xi32, #tpu.memory_space<vmem>>) semaphore(%run_scoped3A_86 : memref<!tpu.dma_semaphore, #tpu.memory_space<semaphore_mem>>) {add = true}
          %dma_wait3A_97 = arith.constant 0 : i32
          %dma_wait3A_98 = arith.constant 0 : i32
          %dma_wait3A_99 = tpu.memref_slice %arg9[%run_scoped3A, %dma_wait3A_97, %dma_wait3A_98] : memref<2x64x128xf32, #tpu.memory_space<vmem>> -> memref<1x64x128xf32, #tpu.memory_space<vmem>>
          %dma_wait3A_100 = tpu.memref_squeeze %dma_wait3A_99 : memref<1x64x128xf32, #tpu.memory_space<vmem>> -> memref<64x128xf32, #tpu.memory_space<vmem>>
          %dma_wait3A_101 = arith.constant 64 : i32
          %dma_wait3A_102 = tpu.memref_slice %arg8[%add3A_50, %dma_wait3A_101] : memref<158x128xi32, #tpu.memory_space<vmem>> -> memref<1x64xi32, #tpu.memory_space<vmem>>
          %dma_wait3A_103 = tpu.memref_squeeze %dma_wait3A_102 : memref<1x64xi32, #tpu.memory_space<vmem>> -> memref<64xi32, #tpu.memory_space<vmem>>
          %dma_wait3A_104 = arith.constant 0 : i32
          %dma_wait3A_105 = arith.constant 0 : i32
          %dma_wait3A_106 = tpu.memref_slice %arg12[%dma_wait3A_104, %dma_wait3A_105] : memref<10240x128xf32, #tpu.memory_space<vmem_shared>> -> memref<10240x128xf32, #tpu.memory_space<vmem_shared>>
          tpu.wait_indirect_dma semaphore(%run_scoped3A_86 : memref<!tpu.dma_semaphore, #tpu.memory_space<semaphore_mem>>) src(%dma_wait3A_100 : memref<64x128xf32, #tpu.memory_space<vmem>>) dst(%dma_wait3A_106 : memref<10240x128xf32, #tpu.memory_space<vmem_shared>>)
          tpu.yield
        }) : () -> ()
        %lt3A = arith.constant 78 : i32
        %lt3A_61 = arith.cmpi slt, %scan3A_47, %lt3A : i32
        %convert_element_type3A_62 = arith.extui %lt3A_61 : i1 to i32
        %cond3A_63 = arith.constant 0 : i32
        %cond3A_64 = arith.cmpi ne, %convert_element_type3A_62, %cond3A_63 : i32
        scf.if %cond3A_64 {
          %add3A_86 = arith.constant 2 : i32
          %add3A_87 = arith.addi %add3A_50, %add3A_86 : i32
          %dma_start3A_88 = arith.constant 0 : i32
          %dma_start3A_89 = arith.constant 0 : i32
          %dma_start3A_90 = arith.constant 0 : i32
          %dma_start3A_91 = tpu.memref_slice %arg9[%dma_start3A_88, %dma_start3A_89, %dma_start3A_90] : memref<2x64x128xf32, #tpu.memory_space<vmem>> -> memref<1x64x128xf32, #tpu.memory_space<vmem>>
          %dma_start3A_92 = tpu.memref_squeeze %dma_start3A_91 : memref<1x64x128xf32, #tpu.memory_space<vmem>> -> memref<64x128xf32, #tpu.memory_space<vmem>>
          %dma_start3A_93 = arith.constant 0 : i32
          %dma_start3A_94 = tpu.memref_slice %arg8[%add3A_87, %dma_start3A_93] : memref<158x128xi32, #tpu.memory_space<vmem>> -> memref<1x64xi32, #tpu.memory_space<vmem>>
          %dma_start3A_95 = tpu.memref_squeeze %dma_start3A_94 : memref<1x64xi32, #tpu.memory_space<vmem>> -> memref<64xi32, #tpu.memory_space<vmem>>
          %dma_start3A_96 = arith.constant 0 : i32
          %dma_start3A_97 = arith.constant 0 : i32
          %dma_start3A_98 = tpu.memref_slice %arg3[%dma_start3A_96, %dma_start3A_97] : memref<10240x128xf32, #tpu.memory_space<hbm>> -> memref<10240x128xf32, #tpu.memory_space<hbm>>
          tpu.enqueue_indirect_dma source(%dma_start3A_98 : memref<10240x128xf32, #tpu.memory_space<hbm>>) target(%dma_start3A_92 : memref<64x128xf32, #tpu.memory_space<vmem>>) offsets(%dma_start3A_95 : memref<64xi32, #tpu.memory_space<vmem>>) semaphore(%arg10 : memref<!tpu.dma_semaphore, #tpu.memory_space<semaphore_mem>>)
        } else {
        }
        %mul3A_65 = arith.constant 2 : i32
        %mul3A_66 = arith.muli %scan3A_47, %mul3A_65 : i32
        %add3A_67 = arith.constant 1 : i32
        %add3A_68 = arith.addi %mul3A_66, %add3A_67 : i32
        %dma_wait3A_69 = arith.constant 1 : i32
        %dma_wait3A_70 = arith.constant 0 : i32
        %dma_wait3A_71 = arith.constant 0 : i32
        %dma_wait3A_72 = tpu.memref_slice %arg9[%dma_wait3A_69, %dma_wait3A_70, %dma_wait3A_71] : memref<2x64x128xf32, #tpu.memory_space<vmem>> -> memref<1x64x128xf32, #tpu.memory_space<vmem>>
        %dma_wait3A_73 = tpu.memref_squeeze %dma_wait3A_72 : memref<1x64x128xf32, #tpu.memory_space<vmem>> -> memref<64x128xf32, #tpu.memory_space<vmem>>
        %dma_wait3A_74 = arith.constant 0 : i32
        %dma_wait3A_75 = tpu.memref_slice %arg8[%add3A_68, %dma_wait3A_74] : memref<158x128xi32, #tpu.memory_space<vmem>> -> memref<1x64xi32, #tpu.memory_space<vmem>>
        %dma_wait3A_76 = tpu.memref_squeeze %dma_wait3A_75 : memref<1x64xi32, #tpu.memory_space<vmem>> -> memref<64xi32, #tpu.memory_space<vmem>>
        %dma_wait3A_77 = arith.constant 0 : i32
        %dma_wait3A_78 = arith.constant 0 : i32
        %dma_wait3A_79 = tpu.memref_slice %arg3[%dma_wait3A_77, %dma_wait3A_78] : memref<10240x128xf32, #tpu.memory_space<hbm>> -> memref<10240x128xf32, #tpu.memory_space<hbm>>
        tpu.wait_indirect_dma semaphore(%arg11 : memref<!tpu.dma_semaphore, #tpu.memory_space<semaphore_mem>>) src(%dma_wait3A_79 : memref<10240x128xf32, #tpu.memory_space<hbm>>) dst(%dma_wait3A_73 : memref<64x128xf32, #tpu.memory_space<vmem>>)
        %run_scoped3A_80 = arith.constant 1 : i32
        "tpu.region"() ({
          %run_scoped3A_86 = tpu.sem_alloc : memref<!tpu.dma_semaphore, #tpu.memory_space<semaphore_mem>>
          %dma_start3A_87 = arith.constant 0 : i32
          %dma_start3A_88 = arith.constant 0 : i32
          %dma_start3A_89 = tpu.memref_slice %arg9[%run_scoped3A_80, %dma_start3A_87, %dma_start3A_88] : memref<2x64x128xf32, #tpu.memory_space<vmem>> -> memref<1x64x128xf32, #tpu.memory_space<vmem>>
          %dma_start3A_90 = tpu.memref_squeeze %dma_start3A_89 : memref<1x64x128xf32, #tpu.memory_space<vmem>> -> memref<64x128xf32, #tpu.memory_space<vmem>>
          %dma_start3A_91 = arith.constant 64 : i32
          %dma_start3A_92 = tpu.memref_slice %arg8[%add3A_68, %dma_start3A_91] : memref<158x128xi32, #tpu.memory_space<vmem>> -> memref<1x64xi32, #tpu.memory_space<vmem>>
          %dma_start3A_93 = tpu.memref_squeeze %dma_start3A_92 : memref<1x64xi32, #tpu.memory_space<vmem>> -> memref<64xi32, #tpu.memory_space<vmem>>
          %dma_start3A_94 = arith.constant 0 : i32
          %dma_start3A_95 = arith.constant 0 : i32
          %dma_start3A_96 = tpu.memref_slice %arg12[%dma_start3A_94, %dma_start3A_95] : memref<10240x128xf32, #tpu.memory_space<vmem_shared>> -> memref<10240x128xf32, #tpu.memory_space<vmem_shared>>
          tpu.enqueue_indirect_dma source(%dma_start3A_90 : memref<64x128xf32, #tpu.memory_space<vmem>>) target(%dma_start3A_96 : memref<10240x128xf32, #tpu.memory_space<vmem_shared>>) offsets(%dma_start3A_93 : memref<64xi32, #tpu.memory_space<vmem>>) semaphore(%run_scoped3A_86 : memref<!tpu.dma_semaphore, #tpu.memory_space<semaphore_mem>>) {add = true}
          %dma_wait3A_97 = arith.constant 0 : i32
          %dma_wait3A_98 = arith.constant 0 : i32
          %dma_wait3A_99 = tpu.memref_slice %arg9[%run_scoped3A_80, %dma_wait3A_97, %dma_wait3A_98] : memref<2x64x128xf32, #tpu.memory_space<vmem>> -> memref<1x64x128xf32, #tpu.memory_space<vmem>>
          %dma_wait3A_100 = tpu.memref_squeeze %dma_wait3A_99 : memref<1x64x128xf32, #tpu.memory_space<vmem>> -> memref<64x128xf32, #tpu.memory_space<vmem>>
          %dma_wait3A_101 = arith.constant 64 : i32
          %dma_wait3A_102 = tpu.memref_slice %arg8[%add3A_68, %dma_wait3A_101] : memref<158x128xi32, #tpu.memory_space<vmem>> -> memref<1x64xi32, #tpu.memory_space<vmem>>
          %dma_wait3A_103 = tpu.memref_squeeze %dma_wait3A_102 : memref<1x64xi32, #tpu.memory_space<vmem>> -> memref<64xi32, #tpu.memory_space<vmem>>
          %dma_wait3A_104 = arith.constant 0 : i32
          %dma_wait3A_105 = arith.constant 0 : i32
          %dma_wait3A_106 = tpu.memref_slice %arg12[%dma_wait3A_104, %dma_wait3A_105] : memref<10240x128xf32, #tpu.memory_space<vmem_shared>> -> memref<10240x128xf32, #tpu.memory_space<vmem_shared>>
          tpu.wait_indirect_dma semaphore(%run_scoped3A_86 : memref<!tpu.dma_semaphore, #tpu.memory_space<semaphore_mem>>) src(%dma_wait3A_100 : memref<64x128xf32, #tpu.memory_space<vmem>>) dst(%dma_wait3A_106 : memref<10240x128xf32, #tpu.memory_space<vmem_shared>>)
          tpu.yield
        }) : () -> ()
        %lt3A_81 = arith.constant 78 : i32
        %lt3A_82 = arith.cmpi slt, %scan3A_47, %lt3A_81 : i32
        %convert_element_type3A_83 = arith.extui %lt3A_82 : i1 to i32
        %cond3A_84 = arith.constant 0 : i32
        %cond3A_85 = arith.cmpi ne, %convert_element_type3A_83, %cond3A_84 : i32
        scf.if %cond3A_85 {
          %add3A_86 = arith.constant 2 : i32
          %add3A_87 = arith.addi %add3A_68, %add3A_86 : i32
          %dma_start3A_88 = arith.constant 1 : i32
          %dma_start3A_89 = arith.constant 0 : i32
          %dma_start3A_90 = arith.constant 0 : i32
          %dma_start3A_91 = tpu.memref_slice %arg9[%dma_start3A_88, %dma_start3A_89, %dma_start3A_90] : memref<2x64x128xf32, #tpu.memory_space<vmem>> -> memref<1x64x128xf32, #tpu.memory_space<vmem>>
          %dma_start3A_92 = tpu.memref_squeeze %dma_start3A_91 : memref<1x64x128xf32, #tpu.memory_space<vmem>> -> memref<64x128xf32, #tpu.memory_space<vmem>>
          %dma_start3A_93 = arith.constant 0 : i32
          %dma_start3A_94 = tpu.memref_slice %arg8[%add3A_87, %dma_start3A_93] : memref<158x128xi32, #tpu.memory_space<vmem>> -> memref<1x64xi32, #tpu.memory_space<vmem>>
          %dma_start3A_95 = tpu.memref_squeeze %dma_start3A_94 : memref<1x64xi32, #tpu.memory_space<vmem>> -> memref<64xi32, #tpu.memory_space<vmem>>
          %dma_start3A_96 = arith.constant 0 : i32
          %dma_start3A_97 = arith.constant 0 : i32
          %dma_start3A_98 = tpu.memref_slice %arg3[%dma_start3A_96, %dma_start3A_97] : memref<10240x128xf32, #tpu.memory_space<hbm>> -> memref<10240x128xf32, #tpu.memory_space<hbm>>
          tpu.enqueue_indirect_dma source(%dma_start3A_98 : memref<10240x128xf32, #tpu.memory_space<hbm>>) target(%dma_start3A_92 : memref<64x128xf32, #tpu.memory_space<vmem>>) offsets(%dma_start3A_95 : memref<64xi32, #tpu.memory_space<vmem>>) semaphore(%arg11 : memref<!tpu.dma_semaphore, #tpu.memory_space<semaphore_mem>>)
        } else {
        }
      }
      %scan3A_46 = arith.constant 79 : i32
    } else {
    }
    %barrier3A_8 = arith.constant 0 : index
    tpu.barrier barrier_id(%barrier3A_8)
    %eq3A_9 = arith.constant 0 : i32
    %eq3A_10 = arith.cmpi eq, %arg0, %eq3A_9 : i32
    %convert_element_type3A_11 = arith.extui %eq3A_10 : i1 to i32
    %cond3A_12 = arith.constant 0 : i32
    %cond3A_13 = arith.cmpi ne, %convert_element_type3A_11, %cond3A_12 : i32
    scf.if %cond3A_13 {
      "tpu.region"() ({
        %run_scoped3A = tpu.sem_alloc : memref<!tpu.dma_semaphore, #tpu.memory_space<semaphore_mem>>
        %dma_start3A = arith.constant 0 : i32
        %dma_start3A_19 = tpu.memref_slice %arg6[%mul3A_0, %dma_start3A] : memref<10240x128xf32, #tpu.memory_space<hbm>> -> memref<640x128xf32, #tpu.memory_space<hbm>>
        %dma_start3A_20 = arith.constant 0 : i32
        %dma_start3A_21 = tpu.memref_slice %arg12[%mul3A_0, %dma_start3A_20] : memref<10240x128xf32, #tpu.memory_space<vmem_shared>> -> memref<640x128xf32, #tpu.memory_space<vmem_shared>>
        tpu.enqueue_dma source(%dma_start3A_21 : memref<640x128xf32, #tpu.memory_space<vmem_shared>>) target(%dma_start3A_19 : memref<640x128xf32, #tpu.memory_space<hbm>>) target_semaphore(%run_scoped3A : memref<!tpu.dma_semaphore, #tpu.memory_space<semaphore_mem>>)
        %dma_wait3A = arith.constant 0 : i32
        %dma_wait3A_22 = tpu.memref_slice %arg6[%mul3A_0, %dma_wait3A] : memref<10240x128xf32, #tpu.memory_space<hbm>> -> memref<640x128xf32, #tpu.memory_space<hbm>>
        %dma_wait3A_23 = arith.constant 0 : i32
        %dma_wait3A_24 = tpu.memref_slice %arg12[%mul3A_0, %dma_wait3A_23] : memref<10240x128xf32, #tpu.memory_space<vmem_shared>> -> memref<640x128xf32, #tpu.memory_space<vmem_shared>>
        tpu.wait_dma2 semaphore(%run_scoped3A : memref<!tpu.dma_semaphore, #tpu.memory_space<semaphore_mem>>) src(%dma_wait3A_24 : memref<640x128xf32, #tpu.memory_space<vmem_shared>>) dst(%dma_wait3A_22 : memref<640x128xf32, #tpu.memory_space<hbm>>)
        tpu.yield
      }) : () -> ()
    } else {
    }
    %eq3A_14 = arith.constant 1 : i32
    %eq3A_15 = arith.cmpi eq, %arg0, %eq3A_14 : i32
    %convert_element_type3A_16 = arith.extui %eq3A_15 : i1 to i32
    %cond3A_17 = arith.constant 0 : i32
    %cond3A_18 = arith.cmpi ne, %convert_element_type3A_16, %cond3A_17 : i32
    scf.if %cond3A_18 {
      "tpu.region"() ({
        %run_scoped3A = tpu.sem_alloc : memref<!tpu.dma_semaphore, #tpu.memory_space<semaphore_mem>>
        %dma_start3A = arith.constant 0 : i32
        %dma_start3A_19 = tpu.memref_slice %arg7[%mul3A_0, %dma_start3A] : memref<10240x128xf32, #tpu.memory_space<hbm>> -> memref<640x128xf32, #tpu.memory_space<hbm>>
        %dma_start3A_20 = arith.constant 0 : i32
        %dma_start3A_21 = tpu.memref_slice %arg12[%mul3A_0, %dma_start3A_20] : memref<10240x128xf32, #tpu.memory_space<vmem_shared>> -> memref<640x128xf32, #tpu.memory_space<vmem_shared>>
        tpu.enqueue_dma source(%dma_start3A_21 : memref<640x128xf32, #tpu.memory_space<vmem_shared>>) target(%dma_start3A_19 : memref<640x128xf32, #tpu.memory_space<hbm>>) target_semaphore(%run_scoped3A : memref<!tpu.dma_semaphore, #tpu.memory_space<semaphore_mem>>)
        %dma_wait3A = arith.constant 0 : i32
        %dma_wait3A_22 = tpu.memref_slice %arg7[%mul3A_0, %dma_wait3A] : memref<10240x128xf32, #tpu.memory_space<hbm>> -> memref<640x128xf32, #tpu.memory_space<hbm>>
        %dma_wait3A_23 = arith.constant 0 : i32
        %dma_wait3A_24 = tpu.memref_slice %arg12[%mul3A_0, %dma_wait3A_23] : memref<10240x128xf32, #tpu.memory_space<vmem_shared>> -> memref<640x128xf32, #tpu.memory_space<vmem_shared>>
        tpu.wait_dma2 semaphore(%run_scoped3A : memref<!tpu.dma_semaphore, #tpu.memory_space<semaphore_mem>>) src(%dma_wait3A_24 : memref<640x128xf32, #tpu.memory_space<vmem_shared>>) dst(%dma_wait3A_22 : memref<640x128xf32, #tpu.memory_space<hbm>>)
        tpu.yield
      }) : () -> ()
    } else {
    }
    return
  }
}

#map = affine_map<(d0, d1) -> (0, 0)>
#map1 = affine_map<(d0, d1) -> (0, 0, 0)>
module attributes {stable_mosaic.version = 14 : i64} {
  func.func @_gather01_body(%arg0: i32, %arg1: i32, %arg2: memref<10240x256xf32, #tpu.memory_space<hbm>>, %arg3: memref<10240x256xf32, #tpu.memory_space<hbm>>, %arg4: memref<3x32x128xi32, #tpu.memory_space<hbm>>, %arg5: memref<6x4096x256xf32, #tpu.memory_space<hbm>>, %arg6: memref<128xi32, #tpu.memory_space<vmem>>, %arg7: memref<128x256xf32, #tpu.memory_space<vmem>>) attributes {dimension_semantics = [#tpu.dimension_semantics<core_parallel>, #tpu.dimension_semantics<subcore_parallel>], iteration_bounds = array<i64: 2, 16>, scalar_prefetch = 0 : i64, scratch_operands = 2 : i64, tpu.core_type = #tpu.core_type<sc_vector_subcore>, window_params = [{transform_indices = #map}, {transform_indices = #map}, {transform_indices = #map1}, {transform_indices = #map1}]} {
    %mul3A = arith.constant 2 : i32
    %mul3A_0 = arith.muli %arg1, %mul3A : i32
    %add3A = arith.addi %mul3A_0, %arg0 : i32
    %run_scoped3A = arith.constant 0 : i32
    "tpu.region"() ({
      %run_scoped3A_21 = tpu.sem_alloc : memref<!tpu.dma_semaphore, #tpu.memory_space<semaphore_mem>>
      %dma_start3A = arith.constant 0 : i32
      %dma_start3A_22 = tpu.memref_slice %arg4[%run_scoped3A, %add3A, %dma_start3A] : memref<3x32x128xi32, #tpu.memory_space<hbm>> -> memref<1x1x128xi32, #tpu.memory_space<hbm>>
      %dma_start3A_23 = tpu.memref_squeeze %dma_start3A_22 : memref<1x1x128xi32, #tpu.memory_space<hbm>> -> memref<128xi32, #tpu.memory_space<hbm>>
      %dma_start3A_24 = arith.constant 0 : i32
      %dma_start3A_25 = tpu.memref_slice %arg4[%run_scoped3A, %add3A, %dma_start3A_24] : memref<3x32x128xi32, #tpu.memory_space<hbm>> -> memref<1x1x128xi32, #tpu.memory_space<hbm>>
      %dma_start3A_26 = tpu.memref_squeeze %dma_start3A_25 : memref<1x1x128xi32, #tpu.memory_space<hbm>> -> memref<128xi32, #tpu.memory_space<hbm>>
      tpu.enqueue_dma source(%dma_start3A_26 : memref<128xi32, #tpu.memory_space<hbm>>) target(%arg6 : memref<128xi32, #tpu.memory_space<vmem>>) target_semaphore(%run_scoped3A_21 : memref<!tpu.dma_semaphore, #tpu.memory_space<semaphore_mem>>)
      %dma_wait3A = arith.constant 0 : i32
      %dma_wait3A_27 = tpu.memref_slice %arg4[%run_scoped3A, %add3A, %dma_wait3A] : memref<3x32x128xi32, #tpu.memory_space<hbm>> -> memref<1x1x128xi32, #tpu.memory_space<hbm>>
      %dma_wait3A_28 = tpu.memref_squeeze %dma_wait3A_27 : memref<1x1x128xi32, #tpu.memory_space<hbm>> -> memref<128xi32, #tpu.memory_space<hbm>>
      %dma_wait3A_29 = arith.constant 0 : i32
      %dma_wait3A_30 = tpu.memref_slice %arg4[%run_scoped3A, %add3A, %dma_wait3A_29] : memref<3x32x128xi32, #tpu.memory_space<hbm>> -> memref<1x1x128xi32, #tpu.memory_space<hbm>>
      %dma_wait3A_31 = tpu.memref_squeeze %dma_wait3A_30 : memref<1x1x128xi32, #tpu.memory_space<hbm>> -> memref<128xi32, #tpu.memory_space<hbm>>
      tpu.wait_dma2 semaphore(%run_scoped3A_21 : memref<!tpu.dma_semaphore, #tpu.memory_space<semaphore_mem>>) src(%dma_wait3A_31 : memref<128xi32, #tpu.memory_space<hbm>>) dst(%arg6 : memref<128xi32, #tpu.memory_space<vmem>>)
      tpu.yield
    }) : () -> ()
    "tpu.region"() ({
      %run_scoped3A_21 = tpu.sem_alloc : memref<!tpu.dma_semaphore, #tpu.memory_space<semaphore_mem>>
      %dma_start3A = arith.constant 0 : i32
      %dma_start3A_22 = arith.constant 0 : i32
      %dma_start3A_23 = tpu.memref_slice %arg2[%dma_start3A, %dma_start3A_22] : memref<10240x256xf32, #tpu.memory_space<hbm>> -> memref<10240x256xf32, #tpu.memory_space<hbm>>
      tpu.enqueue_indirect_dma source(%dma_start3A_23 : memref<10240x256xf32, #tpu.memory_space<hbm>>) target(%arg7 : memref<128x256xf32, #tpu.memory_space<vmem>>) offsets(%arg6 : memref<128xi32, #tpu.memory_space<vmem>>) semaphore(%run_scoped3A_21 : memref<!tpu.dma_semaphore, #tpu.memory_space<semaphore_mem>>)
      %dma_wait3A = arith.constant 0 : i32
      %dma_wait3A_24 = arith.constant 0 : i32
      %dma_wait3A_25 = tpu.memref_slice %arg2[%dma_wait3A, %dma_wait3A_24] : memref<10240x256xf32, #tpu.memory_space<hbm>> -> memref<10240x256xf32, #tpu.memory_space<hbm>>
      tpu.wait_indirect_dma semaphore(%run_scoped3A_21 : memref<!tpu.dma_semaphore, #tpu.memory_space<semaphore_mem>>) src(%dma_wait3A_25 : memref<10240x256xf32, #tpu.memory_space<hbm>>) dst(%arg7 : memref<128x256xf32, #tpu.memory_space<vmem>>)
      tpu.yield
    }) : () -> ()
    %mul3A_1 = arith.constant 128 : i32
    %mul3A_2 = arith.muli %add3A, %mul3A_1 : i32
    %run_scoped3A_3 = arith.constant 0 : i32
    "tpu.region"() ({
      %run_scoped3A_21 = tpu.sem_alloc : memref<!tpu.dma_semaphore, #tpu.memory_space<semaphore_mem>>
      %dma_start3A = arith.constant 0 : i32
      %dma_start3A_22 = tpu.memref_slice %arg5[%run_scoped3A_3, %mul3A_2, %dma_start3A] : memref<6x4096x256xf32, #tpu.memory_space<hbm>> -> memref<1x128x256xf32, #tpu.memory_space<hbm>>
      %dma_start3A_23 = tpu.memref_squeeze %dma_start3A_22 : memref<1x128x256xf32, #tpu.memory_space<hbm>> -> memref<128x256xf32, #tpu.memory_space<hbm>>
      %dma_start3A_24 = arith.constant 0 : i32
      %dma_start3A_25 = tpu.memref_slice %arg5[%run_scoped3A_3, %mul3A_2, %dma_start3A_24] : memref<6x4096x256xf32, #tpu.memory_space<hbm>> -> memref<1x128x256xf32, #tpu.memory_space<hbm>>
      %dma_start3A_26 = tpu.memref_squeeze %dma_start3A_25 : memref<1x128x256xf32, #tpu.memory_space<hbm>> -> memref<128x256xf32, #tpu.memory_space<hbm>>
      tpu.enqueue_dma source(%arg7 : memref<128x256xf32, #tpu.memory_space<vmem>>) target(%dma_start3A_26 : memref<128x256xf32, #tpu.memory_space<hbm>>) target_semaphore(%run_scoped3A_21 : memref<!tpu.dma_semaphore, #tpu.memory_space<semaphore_mem>>)
      %dma_wait3A = arith.constant 0 : i32
      %dma_wait3A_27 = tpu.memref_slice %arg5[%run_scoped3A_3, %mul3A_2, %dma_wait3A] : memref<6x4096x256xf32, #tpu.memory_space<hbm>> -> memref<1x128x256xf32, #tpu.memory_space<hbm>>
      %dma_wait3A_28 = tpu.memref_squeeze %dma_wait3A_27 : memref<1x128x256xf32, #tpu.memory_space<hbm>> -> memref<128x256xf32, #tpu.memory_space<hbm>>
      %dma_wait3A_29 = arith.constant 0 : i32
      %dma_wait3A_30 = tpu.memref_slice %arg5[%run_scoped3A_3, %mul3A_2, %dma_wait3A_29] : memref<6x4096x256xf32, #tpu.memory_space<hbm>> -> memref<1x128x256xf32, #tpu.memory_space<hbm>>
      %dma_wait3A_31 = tpu.memref_squeeze %dma_wait3A_30 : memref<1x128x256xf32, #tpu.memory_space<hbm>> -> memref<128x256xf32, #tpu.memory_space<hbm>>
      tpu.wait_dma2 semaphore(%run_scoped3A_21 : memref<!tpu.dma_semaphore, #tpu.memory_space<semaphore_mem>>) src(%arg7 : memref<128x256xf32, #tpu.memory_space<vmem>>) dst(%dma_wait3A_31 : memref<128x256xf32, #tpu.memory_space<hbm>>)
      tpu.yield
    }) : () -> ()
    "tpu.region"() ({
      %run_scoped3A_21 = tpu.sem_alloc : memref<!tpu.dma_semaphore, #tpu.memory_space<semaphore_mem>>
      %dma_start3A = arith.constant 0 : i32
      %dma_start3A_22 = arith.constant 0 : i32
      %dma_start3A_23 = tpu.memref_slice %arg3[%dma_start3A, %dma_start3A_22] : memref<10240x256xf32, #tpu.memory_space<hbm>> -> memref<10240x256xf32, #tpu.memory_space<hbm>>
      tpu.enqueue_indirect_dma source(%dma_start3A_23 : memref<10240x256xf32, #tpu.memory_space<hbm>>) target(%arg7 : memref<128x256xf32, #tpu.memory_space<vmem>>) offsets(%arg6 : memref<128xi32, #tpu.memory_space<vmem>>) semaphore(%run_scoped3A_21 : memref<!tpu.dma_semaphore, #tpu.memory_space<semaphore_mem>>)
      %dma_wait3A = arith.constant 0 : i32
      %dma_wait3A_24 = arith.constant 0 : i32
      %dma_wait3A_25 = tpu.memref_slice %arg3[%dma_wait3A, %dma_wait3A_24] : memref<10240x256xf32, #tpu.memory_space<hbm>> -> memref<10240x256xf32, #tpu.memory_space<hbm>>
      tpu.wait_indirect_dma semaphore(%run_scoped3A_21 : memref<!tpu.dma_semaphore, #tpu.memory_space<semaphore_mem>>) src(%dma_wait3A_25 : memref<10240x256xf32, #tpu.memory_space<hbm>>) dst(%arg7 : memref<128x256xf32, #tpu.memory_space<vmem>>)
      tpu.yield
    }) : () -> ()
    %mul3A_4 = arith.constant 128 : i32
    %mul3A_5 = arith.muli %add3A, %mul3A_4 : i32
    %run_scoped3A_6 = arith.constant 1 : i32
    "tpu.region"() ({
      %run_scoped3A_21 = tpu.sem_alloc : memref<!tpu.dma_semaphore, #tpu.memory_space<semaphore_mem>>
      %dma_start3A = arith.constant 0 : i32
      %dma_start3A_22 = tpu.memref_slice %arg5[%run_scoped3A_6, %mul3A_5, %dma_start3A] : memref<6x4096x256xf32, #tpu.memory_space<hbm>> -> memref<1x128x256xf32, #tpu.memory_space<hbm>>
      %dma_start3A_23 = tpu.memref_squeeze %dma_start3A_22 : memref<1x128x256xf32, #tpu.memory_space<hbm>> -> memref<128x256xf32, #tpu.memory_space<hbm>>
      %dma_start3A_24 = arith.constant 0 : i32
      %dma_start3A_25 = tpu.memref_slice %arg5[%run_scoped3A_6, %mul3A_5, %dma_start3A_24] : memref<6x4096x256xf32, #tpu.memory_space<hbm>> -> memref<1x128x256xf32, #tpu.memory_space<hbm>>
      %dma_start3A_26 = tpu.memref_squeeze %dma_start3A_25 : memref<1x128x256xf32, #tpu.memory_space<hbm>> -> memref<128x256xf32, #tpu.memory_space<hbm>>
      tpu.enqueue_dma source(%arg7 : memref<128x256xf32, #tpu.memory_space<vmem>>) target(%dma_start3A_26 : memref<128x256xf32, #tpu.memory_space<hbm>>) target_semaphore(%run_scoped3A_21 : memref<!tpu.dma_semaphore, #tpu.memory_space<semaphore_mem>>)
      %dma_wait3A = arith.constant 0 : i32
      %dma_wait3A_27 = tpu.memref_slice %arg5[%run_scoped3A_6, %mul3A_5, %dma_wait3A] : memref<6x4096x256xf32, #tpu.memory_space<hbm>> -> memref<1x128x256xf32, #tpu.memory_space<hbm>>
      %dma_wait3A_28 = tpu.memref_squeeze %dma_wait3A_27 : memref<1x128x256xf32, #tpu.memory_space<hbm>> -> memref<128x256xf32, #tpu.memory_space<hbm>>
      %dma_wait3A_29 = arith.constant 0 : i32
      %dma_wait3A_30 = tpu.memref_slice %arg5[%run_scoped3A_6, %mul3A_5, %dma_wait3A_29] : memref<6x4096x256xf32, #tpu.memory_space<hbm>> -> memref<1x128x256xf32, #tpu.memory_space<hbm>>
      %dma_wait3A_31 = tpu.memref_squeeze %dma_wait3A_30 : memref<1x128x256xf32, #tpu.memory_space<hbm>> -> memref<128x256xf32, #tpu.memory_space<hbm>>
      tpu.wait_dma2 semaphore(%run_scoped3A_21 : memref<!tpu.dma_semaphore, #tpu.memory_space<semaphore_mem>>) src(%arg7 : memref<128x256xf32, #tpu.memory_space<vmem>>) dst(%dma_wait3A_31 : memref<128x256xf32, #tpu.memory_space<hbm>>)
      tpu.yield
    }) : () -> ()
    %run_scoped3A_7 = arith.constant 1 : i32
    "tpu.region"() ({
      %run_scoped3A_21 = tpu.sem_alloc : memref<!tpu.dma_semaphore, #tpu.memory_space<semaphore_mem>>
      %dma_start3A = arith.constant 0 : i32
      %dma_start3A_22 = tpu.memref_slice %arg4[%run_scoped3A_7, %add3A, %dma_start3A] : memref<3x32x128xi32, #tpu.memory_space<hbm>> -> memref<1x1x128xi32, #tpu.memory_space<hbm>>
      %dma_start3A_23 = tpu.memref_squeeze %dma_start3A_22 : memref<1x1x128xi32, #tpu.memory_space<hbm>> -> memref<128xi32, #tpu.memory_space<hbm>>
      %dma_start3A_24 = arith.constant 0 : i32
      %dma_start3A_25 = tpu.memref_slice %arg4[%run_scoped3A_7, %add3A, %dma_start3A_24] : memref<3x32x128xi32, #tpu.memory_space<hbm>> -> memref<1x1x128xi32, #tpu.memory_space<hbm>>
      %dma_start3A_26 = tpu.memref_squeeze %dma_start3A_25 : memref<1x1x128xi32, #tpu.memory_space<hbm>> -> memref<128xi32, #tpu.memory_space<hbm>>
      tpu.enqueue_dma source(%dma_start3A_26 : memref<128xi32, #tpu.memory_space<hbm>>) target(%arg6 : memref<128xi32, #tpu.memory_space<vmem>>) target_semaphore(%run_scoped3A_21 : memref<!tpu.dma_semaphore, #tpu.memory_space<semaphore_mem>>)
      %dma_wait3A = arith.constant 0 : i32
      %dma_wait3A_27 = tpu.memref_slice %arg4[%run_scoped3A_7, %add3A, %dma_wait3A] : memref<3x32x128xi32, #tpu.memory_space<hbm>> -> memref<1x1x128xi32, #tpu.memory_space<hbm>>
      %dma_wait3A_28 = tpu.memref_squeeze %dma_wait3A_27 : memref<1x1x128xi32, #tpu.memory_space<hbm>> -> memref<128xi32, #tpu.memory_space<hbm>>
      %dma_wait3A_29 = arith.constant 0 : i32
      %dma_wait3A_30 = tpu.memref_slice %arg4[%run_scoped3A_7, %add3A, %dma_wait3A_29] : memref<3x32x128xi32, #tpu.memory_space<hbm>> -> memref<1x1x128xi32, #tpu.memory_space<hbm>>
      %dma_wait3A_31 = tpu.memref_squeeze %dma_wait3A_30 : memref<1x1x128xi32, #tpu.memory_space<hbm>> -> memref<128xi32, #tpu.memory_space<hbm>>
      tpu.wait_dma2 semaphore(%run_scoped3A_21 : memref<!tpu.dma_semaphore, #tpu.memory_space<semaphore_mem>>) src(%dma_wait3A_31 : memref<128xi32, #tpu.memory_space<hbm>>) dst(%arg6 : memref<128xi32, #tpu.memory_space<vmem>>)
      tpu.yield
    }) : () -> ()
    "tpu.region"() ({
      %run_scoped3A_21 = tpu.sem_alloc : memref<!tpu.dma_semaphore, #tpu.memory_space<semaphore_mem>>
      %dma_start3A = arith.constant 0 : i32
      %dma_start3A_22 = arith.constant 0 : i32
      %dma_start3A_23 = tpu.memref_slice %arg2[%dma_start3A, %dma_start3A_22] : memref<10240x256xf32, #tpu.memory_space<hbm>> -> memref<10240x256xf32, #tpu.memory_space<hbm>>
      tpu.enqueue_indirect_dma source(%dma_start3A_23 : memref<10240x256xf32, #tpu.memory_space<hbm>>) target(%arg7 : memref<128x256xf32, #tpu.memory_space<vmem>>) offsets(%arg6 : memref<128xi32, #tpu.memory_space<vmem>>) semaphore(%run_scoped3A_21 : memref<!tpu.dma_semaphore, #tpu.memory_space<semaphore_mem>>)
      %dma_wait3A = arith.constant 0 : i32
      %dma_wait3A_24 = arith.constant 0 : i32
      %dma_wait3A_25 = tpu.memref_slice %arg2[%dma_wait3A, %dma_wait3A_24] : memref<10240x256xf32, #tpu.memory_space<hbm>> -> memref<10240x256xf32, #tpu.memory_space<hbm>>
      tpu.wait_indirect_dma semaphore(%run_scoped3A_21 : memref<!tpu.dma_semaphore, #tpu.memory_space<semaphore_mem>>) src(%dma_wait3A_25 : memref<10240x256xf32, #tpu.memory_space<hbm>>) dst(%arg7 : memref<128x256xf32, #tpu.memory_space<vmem>>)
      tpu.yield
    }) : () -> ()
    %mul3A_8 = arith.constant 128 : i32
    %mul3A_9 = arith.muli %add3A, %mul3A_8 : i32
    %run_scoped3A_10 = arith.constant 2 : i32
    "tpu.region"() ({
      %run_scoped3A_21 = tpu.sem_alloc : memref<!tpu.dma_semaphore, #tpu.memory_space<semaphore_mem>>
      %dma_start3A = arith.constant 0 : i32
      %dma_start3A_22 = tpu.memref_slice %arg5[%run_scoped3A_10, %mul3A_9, %dma_start3A] : memref<6x4096x256xf32, #tpu.memory_space<hbm>> -> memref<1x128x256xf32, #tpu.memory_space<hbm>>
      %dma_start3A_23 = tpu.memref_squeeze %dma_start3A_22 : memref<1x128x256xf32, #tpu.memory_space<hbm>> -> memref<128x256xf32, #tpu.memory_space<hbm>>
      %dma_start3A_24 = arith.constant 0 : i32
      %dma_start3A_25 = tpu.memref_slice %arg5[%run_scoped3A_10, %mul3A_9, %dma_start3A_24] : memref<6x4096x256xf32, #tpu.memory_space<hbm>> -> memref<1x128x256xf32, #tpu.memory_space<hbm>>
      %dma_start3A_26 = tpu.memref_squeeze %dma_start3A_25 : memref<1x128x256xf32, #tpu.memory_space<hbm>> -> memref<128x256xf32, #tpu.memory_space<hbm>>
      tpu.enqueue_dma source(%arg7 : memref<128x256xf32, #tpu.memory_space<vmem>>) target(%dma_start3A_26 : memref<128x256xf32, #tpu.memory_space<hbm>>) target_semaphore(%run_scoped3A_21 : memref<!tpu.dma_semaphore, #tpu.memory_space<semaphore_mem>>)
      %dma_wait3A = arith.constant 0 : i32
      %dma_wait3A_27 = tpu.memref_slice %arg5[%run_scoped3A_10, %mul3A_9, %dma_wait3A] : memref<6x4096x256xf32, #tpu.memory_space<hbm>> -> memref<1x128x256xf32, #tpu.memory_space<hbm>>
      %dma_wait3A_28 = tpu.memref_squeeze %dma_wait3A_27 : memref<1x128x256xf32, #tpu.memory_space<hbm>> -> memref<128x256xf32, #tpu.memory_space<hbm>>
      %dma_wait3A_29 = arith.constant 0 : i32
      %dma_wait3A_30 = tpu.memref_slice %arg5[%run_scoped3A_10, %mul3A_9, %dma_wait3A_29] : memref<6x4096x256xf32, #tpu.memory_space<hbm>> -> memref<1x128x256xf32, #tpu.memory_space<hbm>>
      %dma_wait3A_31 = tpu.memref_squeeze %dma_wait3A_30 : memref<1x128x256xf32, #tpu.memory_space<hbm>> -> memref<128x256xf32, #tpu.memory_space<hbm>>
      tpu.wait_dma2 semaphore(%run_scoped3A_21 : memref<!tpu.dma_semaphore, #tpu.memory_space<semaphore_mem>>) src(%arg7 : memref<128x256xf32, #tpu.memory_space<vmem>>) dst(%dma_wait3A_31 : memref<128x256xf32, #tpu.memory_space<hbm>>)
      tpu.yield
    }) : () -> ()
    "tpu.region"() ({
      %run_scoped3A_21 = tpu.sem_alloc : memref<!tpu.dma_semaphore, #tpu.memory_space<semaphore_mem>>
      %dma_start3A = arith.constant 0 : i32
      %dma_start3A_22 = arith.constant 0 : i32
      %dma_start3A_23 = tpu.memref_slice %arg3[%dma_start3A, %dma_start3A_22] : memref<10240x256xf32, #tpu.memory_space<hbm>> -> memref<10240x256xf32, #tpu.memory_space<hbm>>
      tpu.enqueue_indirect_dma source(%dma_start3A_23 : memref<10240x256xf32, #tpu.memory_space<hbm>>) target(%arg7 : memref<128x256xf32, #tpu.memory_space<vmem>>) offsets(%arg6 : memref<128xi32, #tpu.memory_space<vmem>>) semaphore(%run_scoped3A_21 : memref<!tpu.dma_semaphore, #tpu.memory_space<semaphore_mem>>)
      %dma_wait3A = arith.constant 0 : i32
      %dma_wait3A_24 = arith.constant 0 : i32
      %dma_wait3A_25 = tpu.memref_slice %arg3[%dma_wait3A, %dma_wait3A_24] : memref<10240x256xf32, #tpu.memory_space<hbm>> -> memref<10240x256xf32, #tpu.memory_space<hbm>>
      tpu.wait_indirect_dma semaphore(%run_scoped3A_21 : memref<!tpu.dma_semaphore, #tpu.memory_space<semaphore_mem>>) src(%dma_wait3A_25 : memref<10240x256xf32, #tpu.memory_space<hbm>>) dst(%arg7 : memref<128x256xf32, #tpu.memory_space<vmem>>)
      tpu.yield
    }) : () -> ()
    %mul3A_11 = arith.constant 128 : i32
    %mul3A_12 = arith.muli %add3A, %mul3A_11 : i32
    %run_scoped3A_13 = arith.constant 3 : i32
    "tpu.region"() ({
      %run_scoped3A_21 = tpu.sem_alloc : memref<!tpu.dma_semaphore, #tpu.memory_space<semaphore_mem>>
      %dma_start3A = arith.constant 0 : i32
      %dma_start3A_22 = tpu.memref_slice %arg5[%run_scoped3A_13, %mul3A_12, %dma_start3A] : memref<6x4096x256xf32, #tpu.memory_space<hbm>> -> memref<1x128x256xf32, #tpu.memory_space<hbm>>
      %dma_start3A_23 = tpu.memref_squeeze %dma_start3A_22 : memref<1x128x256xf32, #tpu.memory_space<hbm>> -> memref<128x256xf32, #tpu.memory_space<hbm>>
      %dma_start3A_24 = arith.constant 0 : i32
      %dma_start3A_25 = tpu.memref_slice %arg5[%run_scoped3A_13, %mul3A_12, %dma_start3A_24] : memref<6x4096x256xf32, #tpu.memory_space<hbm>> -> memref<1x128x256xf32, #tpu.memory_space<hbm>>
      %dma_start3A_26 = tpu.memref_squeeze %dma_start3A_25 : memref<1x128x256xf32, #tpu.memory_space<hbm>> -> memref<128x256xf32, #tpu.memory_space<hbm>>
      tpu.enqueue_dma source(%arg7 : memref<128x256xf32, #tpu.memory_space<vmem>>) target(%dma_start3A_26 : memref<128x256xf32, #tpu.memory_space<hbm>>) target_semaphore(%run_scoped3A_21 : memref<!tpu.dma_semaphore, #tpu.memory_space<semaphore_mem>>)
      %dma_wait3A = arith.constant 0 : i32
      %dma_wait3A_27 = tpu.memref_slice %arg5[%run_scoped3A_13, %mul3A_12, %dma_wait3A] : memref<6x4096x256xf32, #tpu.memory_space<hbm>> -> memref<1x128x256xf32, #tpu.memory_space<hbm>>
      %dma_wait3A_28 = tpu.memref_squeeze %dma_wait3A_27 : memref<1x128x256xf32, #tpu.memory_space<hbm>> -> memref<128x256xf32, #tpu.memory_space<hbm>>
      %dma_wait3A_29 = arith.constant 0 : i32
      %dma_wait3A_30 = tpu.memref_slice %arg5[%run_scoped3A_13, %mul3A_12, %dma_wait3A_29] : memref<6x4096x256xf32, #tpu.memory_space<hbm>> -> memref<1x128x256xf32, #tpu.memory_space<hbm>>
      %dma_wait3A_31 = tpu.memref_squeeze %dma_wait3A_30 : memref<1x128x256xf32, #tpu.memory_space<hbm>> -> memref<128x256xf32, #tpu.memory_space<hbm>>
      tpu.wait_dma2 semaphore(%run_scoped3A_21 : memref<!tpu.dma_semaphore, #tpu.memory_space<semaphore_mem>>) src(%arg7 : memref<128x256xf32, #tpu.memory_space<vmem>>) dst(%dma_wait3A_31 : memref<128x256xf32, #tpu.memory_space<hbm>>)
      tpu.yield
    }) : () -> ()
    %run_scoped3A_14 = arith.constant 2 : i32
    "tpu.region"() ({
      %run_scoped3A_21 = tpu.sem_alloc : memref<!tpu.dma_semaphore, #tpu.memory_space<semaphore_mem>>
      %dma_start3A = arith.constant 0 : i32
      %dma_start3A_22 = tpu.memref_slice %arg4[%run_scoped3A_14, %add3A, %dma_start3A] : memref<3x32x128xi32, #tpu.memory_space<hbm>> -> memref<1x1x128xi32, #tpu.memory_space<hbm>>
      %dma_start3A_23 = tpu.memref_squeeze %dma_start3A_22 : memref<1x1x128xi32, #tpu.memory_space<hbm>> -> memref<128xi32, #tpu.memory_space<hbm>>
      %dma_start3A_24 = arith.constant 0 : i32
      %dma_start3A_25 = tpu.memref_slice %arg4[%run_scoped3A_14, %add3A, %dma_start3A_24] : memref<3x32x128xi32, #tpu.memory_space<hbm>> -> memref<1x1x128xi32, #tpu.memory_space<hbm>>
      %dma_start3A_26 = tpu.memref_squeeze %dma_start3A_25 : memref<1x1x128xi32, #tpu.memory_space<hbm>> -> memref<128xi32, #tpu.memory_space<hbm>>
      tpu.enqueue_dma source(%dma_start3A_26 : memref<128xi32, #tpu.memory_space<hbm>>) target(%arg6 : memref<128xi32, #tpu.memory_space<vmem>>) target_semaphore(%run_scoped3A_21 : memref<!tpu.dma_semaphore, #tpu.memory_space<semaphore_mem>>)
      %dma_wait3A = arith.constant 0 : i32
      %dma_wait3A_27 = tpu.memref_slice %arg4[%run_scoped3A_14, %add3A, %dma_wait3A] : memref<3x32x128xi32, #tpu.memory_space<hbm>> -> memref<1x1x128xi32, #tpu.memory_space<hbm>>
      %dma_wait3A_28 = tpu.memref_squeeze %dma_wait3A_27 : memref<1x1x128xi32, #tpu.memory_space<hbm>> -> memref<128xi32, #tpu.memory_space<hbm>>
      %dma_wait3A_29 = arith.constant 0 : i32
      %dma_wait3A_30 = tpu.memref_slice %arg4[%run_scoped3A_14, %add3A, %dma_wait3A_29] : memref<3x32x128xi32, #tpu.memory_space<hbm>> -> memref<1x1x128xi32, #tpu.memory_space<hbm>>
      %dma_wait3A_31 = tpu.memref_squeeze %dma_wait3A_30 : memref<1x1x128xi32, #tpu.memory_space<hbm>> -> memref<128xi32, #tpu.memory_space<hbm>>
      tpu.wait_dma2 semaphore(%run_scoped3A_21 : memref<!tpu.dma_semaphore, #tpu.memory_space<semaphore_mem>>) src(%dma_wait3A_31 : memref<128xi32, #tpu.memory_space<hbm>>) dst(%arg6 : memref<128xi32, #tpu.memory_space<vmem>>)
      tpu.yield
    }) : () -> ()
    "tpu.region"() ({
      %run_scoped3A_21 = tpu.sem_alloc : memref<!tpu.dma_semaphore, #tpu.memory_space<semaphore_mem>>
      %dma_start3A = arith.constant 0 : i32
      %dma_start3A_22 = arith.constant 0 : i32
      %dma_start3A_23 = tpu.memref_slice %arg2[%dma_start3A, %dma_start3A_22] : memref<10240x256xf32, #tpu.memory_space<hbm>> -> memref<10240x256xf32, #tpu.memory_space<hbm>>
      tpu.enqueue_indirect_dma source(%dma_start3A_23 : memref<10240x256xf32, #tpu.memory_space<hbm>>) target(%arg7 : memref<128x256xf32, #tpu.memory_space<vmem>>) offsets(%arg6 : memref<128xi32, #tpu.memory_space<vmem>>) semaphore(%run_scoped3A_21 : memref<!tpu.dma_semaphore, #tpu.memory_space<semaphore_mem>>)
      %dma_wait3A = arith.constant 0 : i32
      %dma_wait3A_24 = arith.constant 0 : i32
      %dma_wait3A_25 = tpu.memref_slice %arg2[%dma_wait3A, %dma_wait3A_24] : memref<10240x256xf32, #tpu.memory_space<hbm>> -> memref<10240x256xf32, #tpu.memory_space<hbm>>
      tpu.wait_indirect_dma semaphore(%run_scoped3A_21 : memref<!tpu.dma_semaphore, #tpu.memory_space<semaphore_mem>>) src(%dma_wait3A_25 : memref<10240x256xf32, #tpu.memory_space<hbm>>) dst(%arg7 : memref<128x256xf32, #tpu.memory_space<vmem>>)
      tpu.yield
    }) : () -> ()
    %mul3A_15 = arith.constant 128 : i32
    %mul3A_16 = arith.muli %add3A, %mul3A_15 : i32
    %run_scoped3A_17 = arith.constant 4 : i32
    "tpu.region"() ({
      %run_scoped3A_21 = tpu.sem_alloc : memref<!tpu.dma_semaphore, #tpu.memory_space<semaphore_mem>>
      %dma_start3A = arith.constant 0 : i32
      %dma_start3A_22 = tpu.memref_slice %arg5[%run_scoped3A_17, %mul3A_16, %dma_start3A] : memref<6x4096x256xf32, #tpu.memory_space<hbm>> -> memref<1x128x256xf32, #tpu.memory_space<hbm>>
      %dma_start3A_23 = tpu.memref_squeeze %dma_start3A_22 : memref<1x128x256xf32, #tpu.memory_space<hbm>> -> memref<128x256xf32, #tpu.memory_space<hbm>>
      %dma_start3A_24 = arith.constant 0 : i32
      %dma_start3A_25 = tpu.memref_slice %arg5[%run_scoped3A_17, %mul3A_16, %dma_start3A_24] : memref<6x4096x256xf32, #tpu.memory_space<hbm>> -> memref<1x128x256xf32, #tpu.memory_space<hbm>>
      %dma_start3A_26 = tpu.memref_squeeze %dma_start3A_25 : memref<1x128x256xf32, #tpu.memory_space<hbm>> -> memref<128x256xf32, #tpu.memory_space<hbm>>
      tpu.enqueue_dma source(%arg7 : memref<128x256xf32, #tpu.memory_space<vmem>>) target(%dma_start3A_26 : memref<128x256xf32, #tpu.memory_space<hbm>>) target_semaphore(%run_scoped3A_21 : memref<!tpu.dma_semaphore, #tpu.memory_space<semaphore_mem>>)
      %dma_wait3A = arith.constant 0 : i32
      %dma_wait3A_27 = tpu.memref_slice %arg5[%run_scoped3A_17, %mul3A_16, %dma_wait3A] : memref<6x4096x256xf32, #tpu.memory_space<hbm>> -> memref<1x128x256xf32, #tpu.memory_space<hbm>>
      %dma_wait3A_28 = tpu.memref_squeeze %dma_wait3A_27 : memref<1x128x256xf32, #tpu.memory_space<hbm>> -> memref<128x256xf32, #tpu.memory_space<hbm>>
      %dma_wait3A_29 = arith.constant 0 : i32
      %dma_wait3A_30 = tpu.memref_slice %arg5[%run_scoped3A_17, %mul3A_16, %dma_wait3A_29] : memref<6x4096x256xf32, #tpu.memory_space<hbm>> -> memref<1x128x256xf32, #tpu.memory_space<hbm>>
      %dma_wait3A_31 = tpu.memref_squeeze %dma_wait3A_30 : memref<1x128x256xf32, #tpu.memory_space<hbm>> -> memref<128x256xf32, #tpu.memory_space<hbm>>
      tpu.wait_dma2 semaphore(%run_scoped3A_21 : memref<!tpu.dma_semaphore, #tpu.memory_space<semaphore_mem>>) src(%arg7 : memref<128x256xf32, #tpu.memory_space<vmem>>) dst(%dma_wait3A_31 : memref<128x256xf32, #tpu.memory_space<hbm>>)
      tpu.yield
    }) : () -> ()
    "tpu.region"() ({
      %run_scoped3A_21 = tpu.sem_alloc : memref<!tpu.dma_semaphore, #tpu.memory_space<semaphore_mem>>
      %dma_start3A = arith.constant 0 : i32
      %dma_start3A_22 = arith.constant 0 : i32
      %dma_start3A_23 = tpu.memref_slice %arg3[%dma_start3A, %dma_start3A_22] : memref<10240x256xf32, #tpu.memory_space<hbm>> -> memref<10240x256xf32, #tpu.memory_space<hbm>>
      tpu.enqueue_indirect_dma source(%dma_start3A_23 : memref<10240x256xf32, #tpu.memory_space<hbm>>) target(%arg7 : memref<128x256xf32, #tpu.memory_space<vmem>>) offsets(%arg6 : memref<128xi32, #tpu.memory_space<vmem>>) semaphore(%run_scoped3A_21 : memref<!tpu.dma_semaphore, #tpu.memory_space<semaphore_mem>>)
      %dma_wait3A = arith.constant 0 : i32
      %dma_wait3A_24 = arith.constant 0 : i32
      %dma_wait3A_25 = tpu.memref_slice %arg3[%dma_wait3A, %dma_wait3A_24] : memref<10240x256xf32, #tpu.memory_space<hbm>> -> memref<10240x256xf32, #tpu.memory_space<hbm>>
      tpu.wait_indirect_dma semaphore(%run_scoped3A_21 : memref<!tpu.dma_semaphore, #tpu.memory_space<semaphore_mem>>) src(%dma_wait3A_25 : memref<10240x256xf32, #tpu.memory_space<hbm>>) dst(%arg7 : memref<128x256xf32, #tpu.memory_space<vmem>>)
      tpu.yield
    }) : () -> ()
    %mul3A_18 = arith.constant 128 : i32
    %mul3A_19 = arith.muli %add3A, %mul3A_18 : i32
    %run_scoped3A_20 = arith.constant 5 : i32
    "tpu.region"() ({
      %run_scoped3A_21 = tpu.sem_alloc : memref<!tpu.dma_semaphore, #tpu.memory_space<semaphore_mem>>
      %dma_start3A = arith.constant 0 : i32
      %dma_start3A_22 = tpu.memref_slice %arg5[%run_scoped3A_20, %mul3A_19, %dma_start3A] : memref<6x4096x256xf32, #tpu.memory_space<hbm>> -> memref<1x128x256xf32, #tpu.memory_space<hbm>>
      %dma_start3A_23 = tpu.memref_squeeze %dma_start3A_22 : memref<1x128x256xf32, #tpu.memory_space<hbm>> -> memref<128x256xf32, #tpu.memory_space<hbm>>
      %dma_start3A_24 = arith.constant 0 : i32
      %dma_start3A_25 = tpu.memref_slice %arg5[%run_scoped3A_20, %mul3A_19, %dma_start3A_24] : memref<6x4096x256xf32, #tpu.memory_space<hbm>> -> memref<1x128x256xf32, #tpu.memory_space<hbm>>
      %dma_start3A_26 = tpu.memref_squeeze %dma_start3A_25 : memref<1x128x256xf32, #tpu.memory_space<hbm>> -> memref<128x256xf32, #tpu.memory_space<hbm>>
      tpu.enqueue_dma source(%arg7 : memref<128x256xf32, #tpu.memory_space<vmem>>) target(%dma_start3A_26 : memref<128x256xf32, #tpu.memory_space<hbm>>) target_semaphore(%run_scoped3A_21 : memref<!tpu.dma_semaphore, #tpu.memory_space<semaphore_mem>>)
      %dma_wait3A = arith.constant 0 : i32
      %dma_wait3A_27 = tpu.memref_slice %arg5[%run_scoped3A_20, %mul3A_19, %dma_wait3A] : memref<6x4096x256xf32, #tpu.memory_space<hbm>> -> memref<1x128x256xf32, #tpu.memory_space<hbm>>
      %dma_wait3A_28 = tpu.memref_squeeze %dma_wait3A_27 : memref<1x128x256xf32, #tpu.memory_space<hbm>> -> memref<128x256xf32, #tpu.memory_space<hbm>>
      %dma_wait3A_29 = arith.constant 0 : i32
      %dma_wait3A_30 = tpu.memref_slice %arg5[%run_scoped3A_20, %mul3A_19, %dma_wait3A_29] : memref<6x4096x256xf32, #tpu.memory_space<hbm>> -> memref<1x128x256xf32, #tpu.memory_space<hbm>>
      %dma_wait3A_31 = tpu.memref_squeeze %dma_wait3A_30 : memref<1x128x256xf32, #tpu.memory_space<hbm>> -> memref<128x256xf32, #tpu.memory_space<hbm>>
      tpu.wait_dma2 semaphore(%run_scoped3A_21 : memref<!tpu.dma_semaphore, #tpu.memory_space<semaphore_mem>>) src(%arg7 : memref<128x256xf32, #tpu.memory_space<vmem>>) dst(%dma_wait3A_31 : memref<128x256xf32, #tpu.memory_space<hbm>>)
      tpu.yield
    }) : () -> ()
    return
  }
}

#map = affine_map<(d0, d1) -> (0, 0)>
#map1 = affine_map<(d0, d1) -> (0, 0, 0)>
module attributes {stable_mosaic.version = 14 : i64} {
  func.func @_gather2_body(%arg0: i32, %arg1: i32, %arg2: memref<10240x256xf32, #tpu.memory_space<hbm>>, %arg3: memref<3x32x128xi32, #tpu.memory_space<hbm>>, %arg4: memref<3x4096x256xf32, #tpu.memory_space<hbm>>, %arg5: memref<128xi32, #tpu.memory_space<vmem>>, %arg6: memref<128x256xf32, #tpu.memory_space<vmem>>) attributes {dimension_semantics = [#tpu.dimension_semantics<core_parallel>, #tpu.dimension_semantics<subcore_parallel>], iteration_bounds = array<i64: 2, 16>, scalar_prefetch = 0 : i64, scratch_operands = 2 : i64, tpu.core_type = #tpu.core_type<sc_vector_subcore>, window_params = [{transform_indices = #map}, {transform_indices = #map1}, {transform_indices = #map1}]} {
    %mul3A = arith.constant 2 : i32
    %mul3A_0 = arith.muli %arg1, %mul3A : i32
    %add3A = arith.addi %mul3A_0, %arg0 : i32
    %run_scoped3A = arith.constant 0 : i32
    "tpu.region"() ({
      %run_scoped3A_12 = tpu.sem_alloc : memref<!tpu.dma_semaphore, #tpu.memory_space<semaphore_mem>>
      %dma_start3A = arith.constant 0 : i32
      %dma_start3A_13 = tpu.memref_slice %arg3[%run_scoped3A, %add3A, %dma_start3A] : memref<3x32x128xi32, #tpu.memory_space<hbm>> -> memref<1x1x128xi32, #tpu.memory_space<hbm>>
      %dma_start3A_14 = tpu.memref_squeeze %dma_start3A_13 : memref<1x1x128xi32, #tpu.memory_space<hbm>> -> memref<128xi32, #tpu.memory_space<hbm>>
      %dma_start3A_15 = arith.constant 0 : i32
      %dma_start3A_16 = tpu.memref_slice %arg3[%run_scoped3A, %add3A, %dma_start3A_15] : memref<3x32x128xi32, #tpu.memory_space<hbm>> -> memref<1x1x128xi32, #tpu.memory_space<hbm>>
      %dma_start3A_17 = tpu.memref_squeeze %dma_start3A_16 : memref<1x1x128xi32, #tpu.memory_space<hbm>> -> memref<128xi32, #tpu.memory_space<hbm>>
      tpu.enqueue_dma source(%dma_start3A_17 : memref<128xi32, #tpu.memory_space<hbm>>) target(%arg5 : memref<128xi32, #tpu.memory_space<vmem>>) target_semaphore(%run_scoped3A_12 : memref<!tpu.dma_semaphore, #tpu.memory_space<semaphore_mem>>)
      %dma_wait3A = arith.constant 0 : i32
      %dma_wait3A_18 = tpu.memref_slice %arg3[%run_scoped3A, %add3A, %dma_wait3A] : memref<3x32x128xi32, #tpu.memory_space<hbm>> -> memref<1x1x128xi32, #tpu.memory_space<hbm>>
      %dma_wait3A_19 = tpu.memref_squeeze %dma_wait3A_18 : memref<1x1x128xi32, #tpu.memory_space<hbm>> -> memref<128xi32, #tpu.memory_space<hbm>>
      %dma_wait3A_20 = arith.constant 0 : i32
      %dma_wait3A_21 = tpu.memref_slice %arg3[%run_scoped3A, %add3A, %dma_wait3A_20] : memref<3x32x128xi32, #tpu.memory_space<hbm>> -> memref<1x1x128xi32, #tpu.memory_space<hbm>>
      %dma_wait3A_22 = tpu.memref_squeeze %dma_wait3A_21 : memref<1x1x128xi32, #tpu.memory_space<hbm>> -> memref<128xi32, #tpu.memory_space<hbm>>
      tpu.wait_dma2 semaphore(%run_scoped3A_12 : memref<!tpu.dma_semaphore, #tpu.memory_space<semaphore_mem>>) src(%dma_wait3A_22 : memref<128xi32, #tpu.memory_space<hbm>>) dst(%arg5 : memref<128xi32, #tpu.memory_space<vmem>>)
      tpu.yield
    }) : () -> ()
    "tpu.region"() ({
      %run_scoped3A_12 = tpu.sem_alloc : memref<!tpu.dma_semaphore, #tpu.memory_space<semaphore_mem>>
      %dma_start3A = arith.constant 0 : i32
      %dma_start3A_13 = arith.constant 0 : i32
      %dma_start3A_14 = tpu.memref_slice %arg2[%dma_start3A, %dma_start3A_13] : memref<10240x256xf32, #tpu.memory_space<hbm>> -> memref<10240x256xf32, #tpu.memory_space<hbm>>
      tpu.enqueue_indirect_dma source(%dma_start3A_14 : memref<10240x256xf32, #tpu.memory_space<hbm>>) target(%arg6 : memref<128x256xf32, #tpu.memory_space<vmem>>) offsets(%arg5 : memref<128xi32, #tpu.memory_space<vmem>>) semaphore(%run_scoped3A_12 : memref<!tpu.dma_semaphore, #tpu.memory_space<semaphore_mem>>)
      %dma_wait3A = arith.constant 0 : i32
      %dma_wait3A_15 = arith.constant 0 : i32
      %dma_wait3A_16 = tpu.memref_slice %arg2[%dma_wait3A, %dma_wait3A_15] : memref<10240x256xf32, #tpu.memory_space<hbm>> -> memref<10240x256xf32, #tpu.memory_space<hbm>>
      tpu.wait_indirect_dma semaphore(%run_scoped3A_12 : memref<!tpu.dma_semaphore, #tpu.memory_space<semaphore_mem>>) src(%dma_wait3A_16 : memref<10240x256xf32, #tpu.memory_space<hbm>>) dst(%arg6 : memref<128x256xf32, #tpu.memory_space<vmem>>)
      tpu.yield
    }) : () -> ()
    %mul3A_1 = arith.constant 128 : i32
    %mul3A_2 = arith.muli %add3A, %mul3A_1 : i32
    %run_scoped3A_3 = arith.constant 0 : i32
    "tpu.region"() ({
      %run_scoped3A_12 = tpu.sem_alloc : memref<!tpu.dma_semaphore, #tpu.memory_space<semaphore_mem>>
      %dma_start3A = arith.constant 0 : i32
      %dma_start3A_13 = tpu.memref_slice %arg4[%run_scoped3A_3, %mul3A_2, %dma_start3A] : memref<3x4096x256xf32, #tpu.memory_space<hbm>> -> memref<1x128x256xf32, #tpu.memory_space<hbm>>
      %dma_start3A_14 = tpu.memref_squeeze %dma_start3A_13 : memref<1x128x256xf32, #tpu.memory_space<hbm>> -> memref<128x256xf32, #tpu.memory_space<hbm>>
      %dma_start3A_15 = arith.constant 0 : i32
      %dma_start3A_16 = tpu.memref_slice %arg4[%run_scoped3A_3, %mul3A_2, %dma_start3A_15] : memref<3x4096x256xf32, #tpu.memory_space<hbm>> -> memref<1x128x256xf32, #tpu.memory_space<hbm>>
      %dma_start3A_17 = tpu.memref_squeeze %dma_start3A_16 : memref<1x128x256xf32, #tpu.memory_space<hbm>> -> memref<128x256xf32, #tpu.memory_space<hbm>>
      tpu.enqueue_dma source(%arg6 : memref<128x256xf32, #tpu.memory_space<vmem>>) target(%dma_start3A_17 : memref<128x256xf32, #tpu.memory_space<hbm>>) target_semaphore(%run_scoped3A_12 : memref<!tpu.dma_semaphore, #tpu.memory_space<semaphore_mem>>)
      %dma_wait3A = arith.constant 0 : i32
      %dma_wait3A_18 = tpu.memref_slice %arg4[%run_scoped3A_3, %mul3A_2, %dma_wait3A] : memref<3x4096x256xf32, #tpu.memory_space<hbm>> -> memref<1x128x256xf32, #tpu.memory_space<hbm>>
      %dma_wait3A_19 = tpu.memref_squeeze %dma_wait3A_18 : memref<1x128x256xf32, #tpu.memory_space<hbm>> -> memref<128x256xf32, #tpu.memory_space<hbm>>
      %dma_wait3A_20 = arith.constant 0 : i32
      %dma_wait3A_21 = tpu.memref_slice %arg4[%run_scoped3A_3, %mul3A_2, %dma_wait3A_20] : memref<3x4096x256xf32, #tpu.memory_space<hbm>> -> memref<1x128x256xf32, #tpu.memory_space<hbm>>
      %dma_wait3A_22 = tpu.memref_squeeze %dma_wait3A_21 : memref<1x128x256xf32, #tpu.memory_space<hbm>> -> memref<128x256xf32, #tpu.memory_space<hbm>>
      tpu.wait_dma2 semaphore(%run_scoped3A_12 : memref<!tpu.dma_semaphore, #tpu.memory_space<semaphore_mem>>) src(%arg6 : memref<128x256xf32, #tpu.memory_space<vmem>>) dst(%dma_wait3A_22 : memref<128x256xf32, #tpu.memory_space<hbm>>)
      tpu.yield
    }) : () -> ()
    %run_scoped3A_4 = arith.constant 1 : i32
    "tpu.region"() ({
      %run_scoped3A_12 = tpu.sem_alloc : memref<!tpu.dma_semaphore, #tpu.memory_space<semaphore_mem>>
      %dma_start3A = arith.constant 0 : i32
      %dma_start3A_13 = tpu.memref_slice %arg3[%run_scoped3A_4, %add3A, %dma_start3A] : memref<3x32x128xi32, #tpu.memory_space<hbm>> -> memref<1x1x128xi32, #tpu.memory_space<hbm>>
      %dma_start3A_14 = tpu.memref_squeeze %dma_start3A_13 : memref<1x1x128xi32, #tpu.memory_space<hbm>> -> memref<128xi32, #tpu.memory_space<hbm>>
      %dma_start3A_15 = arith.constant 0 : i32
      %dma_start3A_16 = tpu.memref_slice %arg3[%run_scoped3A_4, %add3A, %dma_start3A_15] : memref<3x32x128xi32, #tpu.memory_space<hbm>> -> memref<1x1x128xi32, #tpu.memory_space<hbm>>
      %dma_start3A_17 = tpu.memref_squeeze %dma_start3A_16 : memref<1x1x128xi32, #tpu.memory_space<hbm>> -> memref<128xi32, #tpu.memory_space<hbm>>
      tpu.enqueue_dma source(%dma_start3A_17 : memref<128xi32, #tpu.memory_space<hbm>>) target(%arg5 : memref<128xi32, #tpu.memory_space<vmem>>) target_semaphore(%run_scoped3A_12 : memref<!tpu.dma_semaphore, #tpu.memory_space<semaphore_mem>>)
      %dma_wait3A = arith.constant 0 : i32
      %dma_wait3A_18 = tpu.memref_slice %arg3[%run_scoped3A_4, %add3A, %dma_wait3A] : memref<3x32x128xi32, #tpu.memory_space<hbm>> -> memref<1x1x128xi32, #tpu.memory_space<hbm>>
      %dma_wait3A_19 = tpu.memref_squeeze %dma_wait3A_18 : memref<1x1x128xi32, #tpu.memory_space<hbm>> -> memref<128xi32, #tpu.memory_space<hbm>>
      %dma_wait3A_20 = arith.constant 0 : i32
      %dma_wait3A_21 = tpu.memref_slice %arg3[%run_scoped3A_4, %add3A, %dma_wait3A_20] : memref<3x32x128xi32, #tpu.memory_space<hbm>> -> memref<1x1x128xi32, #tpu.memory_space<hbm>>
      %dma_wait3A_22 = tpu.memref_squeeze %dma_wait3A_21 : memref<1x1x128xi32, #tpu.memory_space<hbm>> -> memref<128xi32, #tpu.memory_space<hbm>>
      tpu.wait_dma2 semaphore(%run_scoped3A_12 : memref<!tpu.dma_semaphore, #tpu.memory_space<semaphore_mem>>) src(%dma_wait3A_22 : memref<128xi32, #tpu.memory_space<hbm>>) dst(%arg5 : memref<128xi32, #tpu.memory_space<vmem>>)
      tpu.yield
    }) : () -> ()
    "tpu.region"() ({
      %run_scoped3A_12 = tpu.sem_alloc : memref<!tpu.dma_semaphore, #tpu.memory_space<semaphore_mem>>
      %dma_start3A = arith.constant 0 : i32
      %dma_start3A_13 = arith.constant 0 : i32
      %dma_start3A_14 = tpu.memref_slice %arg2[%dma_start3A, %dma_start3A_13] : memref<10240x256xf32, #tpu.memory_space<hbm>> -> memref<10240x256xf32, #tpu.memory_space<hbm>>
      tpu.enqueue_indirect_dma source(%dma_start3A_14 : memref<10240x256xf32, #tpu.memory_space<hbm>>) target(%arg6 : memref<128x256xf32, #tpu.memory_space<vmem>>) offsets(%arg5 : memref<128xi32, #tpu.memory_space<vmem>>) semaphore(%run_scoped3A_12 : memref<!tpu.dma_semaphore, #tpu.memory_space<semaphore_mem>>)
      %dma_wait3A = arith.constant 0 : i32
      %dma_wait3A_15 = arith.constant 0 : i32
      %dma_wait3A_16 = tpu.memref_slice %arg2[%dma_wait3A, %dma_wait3A_15] : memref<10240x256xf32, #tpu.memory_space<hbm>> -> memref<10240x256xf32, #tpu.memory_space<hbm>>
      tpu.wait_indirect_dma semaphore(%run_scoped3A_12 : memref<!tpu.dma_semaphore, #tpu.memory_space<semaphore_mem>>) src(%dma_wait3A_16 : memref<10240x256xf32, #tpu.memory_space<hbm>>) dst(%arg6 : memref<128x256xf32, #tpu.memory_space<vmem>>)
      tpu.yield
    }) : () -> ()
    %mul3A_5 = arith.constant 128 : i32
    %mul3A_6 = arith.muli %add3A, %mul3A_5 : i32
    %run_scoped3A_7 = arith.constant 1 : i32
    "tpu.region"() ({
      %run_scoped3A_12 = tpu.sem_alloc : memref<!tpu.dma_semaphore, #tpu.memory_space<semaphore_mem>>
      %dma_start3A = arith.constant 0 : i32
      %dma_start3A_13 = tpu.memref_slice %arg4[%run_scoped3A_7, %mul3A_6, %dma_start3A] : memref<3x4096x256xf32, #tpu.memory_space<hbm>> -> memref<1x128x256xf32, #tpu.memory_space<hbm>>
      %dma_start3A_14 = tpu.memref_squeeze %dma_start3A_13 : memref<1x128x256xf32, #tpu.memory_space<hbm>> -> memref<128x256xf32, #tpu.memory_space<hbm>>
      %dma_start3A_15 = arith.constant 0 : i32
      %dma_start3A_16 = tpu.memref_slice %arg4[%run_scoped3A_7, %mul3A_6, %dma_start3A_15] : memref<3x4096x256xf32, #tpu.memory_space<hbm>> -> memref<1x128x256xf32, #tpu.memory_space<hbm>>
      %dma_start3A_17 = tpu.memref_squeeze %dma_start3A_16 : memref<1x128x256xf32, #tpu.memory_space<hbm>> -> memref<128x256xf32, #tpu.memory_space<hbm>>
      tpu.enqueue_dma source(%arg6 : memref<128x256xf32, #tpu.memory_space<vmem>>) target(%dma_start3A_17 : memref<128x256xf32, #tpu.memory_space<hbm>>) target_semaphore(%run_scoped3A_12 : memref<!tpu.dma_semaphore, #tpu.memory_space<semaphore_mem>>)
      %dma_wait3A = arith.constant 0 : i32
      %dma_wait3A_18 = tpu.memref_slice %arg4[%run_scoped3A_7, %mul3A_6, %dma_wait3A] : memref<3x4096x256xf32, #tpu.memory_space<hbm>> -> memref<1x128x256xf32, #tpu.memory_space<hbm>>
      %dma_wait3A_19 = tpu.memref_squeeze %dma_wait3A_18 : memref<1x128x256xf32, #tpu.memory_space<hbm>> -> memref<128x256xf32, #tpu.memory_space<hbm>>
      %dma_wait3A_20 = arith.constant 0 : i32
      %dma_wait3A_21 = tpu.memref_slice %arg4[%run_scoped3A_7, %mul3A_6, %dma_wait3A_20] : memref<3x4096x256xf32, #tpu.memory_space<hbm>> -> memref<1x128x256xf32, #tpu.memory_space<hbm>>
      %dma_wait3A_22 = tpu.memref_squeeze %dma_wait3A_21 : memref<1x128x256xf32, #tpu.memory_space<hbm>> -> memref<128x256xf32, #tpu.memory_space<hbm>>
      tpu.wait_dma2 semaphore(%run_scoped3A_12 : memref<!tpu.dma_semaphore, #tpu.memory_space<semaphore_mem>>) src(%arg6 : memref<128x256xf32, #tpu.memory_space<vmem>>) dst(%dma_wait3A_22 : memref<128x256xf32, #tpu.memory_space<hbm>>)
      tpu.yield
    }) : () -> ()
    %run_scoped3A_8 = arith.constant 2 : i32
    "tpu.region"() ({
      %run_scoped3A_12 = tpu.sem_alloc : memref<!tpu.dma_semaphore, #tpu.memory_space<semaphore_mem>>
      %dma_start3A = arith.constant 0 : i32
      %dma_start3A_13 = tpu.memref_slice %arg3[%run_scoped3A_8, %add3A, %dma_start3A] : memref<3x32x128xi32, #tpu.memory_space<hbm>> -> memref<1x1x128xi32, #tpu.memory_space<hbm>>
      %dma_start3A_14 = tpu.memref_squeeze %dma_start3A_13 : memref<1x1x128xi32, #tpu.memory_space<hbm>> -> memref<128xi32, #tpu.memory_space<hbm>>
      %dma_start3A_15 = arith.constant 0 : i32
      %dma_start3A_16 = tpu.memref_slice %arg3[%run_scoped3A_8, %add3A, %dma_start3A_15] : memref<3x32x128xi32, #tpu.memory_space<hbm>> -> memref<1x1x128xi32, #tpu.memory_space<hbm>>
      %dma_start3A_17 = tpu.memref_squeeze %dma_start3A_16 : memref<1x1x128xi32, #tpu.memory_space<hbm>> -> memref<128xi32, #tpu.memory_space<hbm>>
      tpu.enqueue_dma source(%dma_start3A_17 : memref<128xi32, #tpu.memory_space<hbm>>) target(%arg5 : memref<128xi32, #tpu.memory_space<vmem>>) target_semaphore(%run_scoped3A_12 : memref<!tpu.dma_semaphore, #tpu.memory_space<semaphore_mem>>)
      %dma_wait3A = arith.constant 0 : i32
      %dma_wait3A_18 = tpu.memref_slice %arg3[%run_scoped3A_8, %add3A, %dma_wait3A] : memref<3x32x128xi32, #tpu.memory_space<hbm>> -> memref<1x1x128xi32, #tpu.memory_space<hbm>>
      %dma_wait3A_19 = tpu.memref_squeeze %dma_wait3A_18 : memref<1x1x128xi32, #tpu.memory_space<hbm>> -> memref<128xi32, #tpu.memory_space<hbm>>
      %dma_wait3A_20 = arith.constant 0 : i32
      %dma_wait3A_21 = tpu.memref_slice %arg3[%run_scoped3A_8, %add3A, %dma_wait3A_20] : memref<3x32x128xi32, #tpu.memory_space<hbm>> -> memref<1x1x128xi32, #tpu.memory_space<hbm>>
      %dma_wait3A_22 = tpu.memref_squeeze %dma_wait3A_21 : memref<1x1x128xi32, #tpu.memory_space<hbm>> -> memref<128xi32, #tpu.memory_space<hbm>>
      tpu.wait_dma2 semaphore(%run_scoped3A_12 : memref<!tpu.dma_semaphore, #tpu.memory_space<semaphore_mem>>) src(%dma_wait3A_22 : memref<128xi32, #tpu.memory_space<hbm>>) dst(%arg5 : memref<128xi32, #tpu.memory_space<vmem>>)
      tpu.yield
    }) : () -> ()
    "tpu.region"() ({
      %run_scoped3A_12 = tpu.sem_alloc : memref<!tpu.dma_semaphore, #tpu.memory_space<semaphore_mem>>
      %dma_start3A = arith.constant 0 : i32
      %dma_start3A_13 = arith.constant 0 : i32
      %dma_start3A_14 = tpu.memref_slice %arg2[%dma_start3A, %dma_start3A_13] : memref<10240x256xf32, #tpu.memory_space<hbm>> -> memref<10240x256xf32, #tpu.memory_space<hbm>>
      tpu.enqueue_indirect_dma source(%dma_start3A_14 : memref<10240x256xf32, #tpu.memory_space<hbm>>) target(%arg6 : memref<128x256xf32, #tpu.memory_space<vmem>>) offsets(%arg5 : memref<128xi32, #tpu.memory_space<vmem>>) semaphore(%run_scoped3A_12 : memref<!tpu.dma_semaphore, #tpu.memory_space<semaphore_mem>>)
      %dma_wait3A = arith.constant 0 : i32
      %dma_wait3A_15 = arith.constant 0 : i32
      %dma_wait3A_16 = tpu.memref_slice %arg2[%dma_wait3A, %dma_wait3A_15] : memref<10240x256xf32, #tpu.memory_space<hbm>> -> memref<10240x256xf32, #tpu.memory_space<hbm>>
      tpu.wait_indirect_dma semaphore(%run_scoped3A_12 : memref<!tpu.dma_semaphore, #tpu.memory_space<semaphore_mem>>) src(%dma_wait3A_16 : memref<10240x256xf32, #tpu.memory_space<hbm>>) dst(%arg6 : memref<128x256xf32, #tpu.memory_space<vmem>>)
      tpu.yield
    }) : () -> ()
    %mul3A_9 = arith.constant 128 : i32
    %mul3A_10 = arith.muli %add3A, %mul3A_9 : i32
    %run_scoped3A_11 = arith.constant 2 : i32
    "tpu.region"() ({
      %run_scoped3A_12 = tpu.sem_alloc : memref<!tpu.dma_semaphore, #tpu.memory_space<semaphore_mem>>
      %dma_start3A = arith.constant 0 : i32
      %dma_start3A_13 = tpu.memref_slice %arg4[%run_scoped3A_11, %mul3A_10, %dma_start3A] : memref<3x4096x256xf32, #tpu.memory_space<hbm>> -> memref<1x128x256xf32, #tpu.memory_space<hbm>>
      %dma_start3A_14 = tpu.memref_squeeze %dma_start3A_13 : memref<1x128x256xf32, #tpu.memory_space<hbm>> -> memref<128x256xf32, #tpu.memory_space<hbm>>
      %dma_start3A_15 = arith.constant 0 : i32
      %dma_start3A_16 = tpu.memref_slice %arg4[%run_scoped3A_11, %mul3A_10, %dma_start3A_15] : memref<3x4096x256xf32, #tpu.memory_space<hbm>> -> memref<1x128x256xf32, #tpu.memory_space<hbm>>
      %dma_start3A_17 = tpu.memref_squeeze %dma_start3A_16 : memref<1x128x256xf32, #tpu.memory_space<hbm>> -> memref<128x256xf32, #tpu.memory_space<hbm>>
      tpu.enqueue_dma source(%arg6 : memref<128x256xf32, #tpu.memory_space<vmem>>) target(%dma_start3A_17 : memref<128x256xf32, #tpu.memory_space<hbm>>) target_semaphore(%run_scoped3A_12 : memref<!tpu.dma_semaphore, #tpu.memory_space<semaphore_mem>>)
      %dma_wait3A = arith.constant 0 : i32
      %dma_wait3A_18 = tpu.memref_slice %arg4[%run_scoped3A_11, %mul3A_10, %dma_wait3A] : memref<3x4096x256xf32, #tpu.memory_space<hbm>> -> memref<1x128x256xf32, #tpu.memory_space<hbm>>
      %dma_wait3A_19 = tpu.memref_squeeze %dma_wait3A_18 : memref<1x128x256xf32, #tpu.memory_space<hbm>> -> memref<128x256xf32, #tpu.memory_space<hbm>>
      %dma_wait3A_20 = arith.constant 0 : i32
      %dma_wait3A_21 = tpu.memref_slice %arg4[%run_scoped3A_11, %mul3A_10, %dma_wait3A_20] : memref<3x4096x256xf32, #tpu.memory_space<hbm>> -> memref<1x128x256xf32, #tpu.memory_space<hbm>>
      %dma_wait3A_22 = tpu.memref_squeeze %dma_wait3A_21 : memref<1x128x256xf32, #tpu.memory_space<hbm>> -> memref<128x256xf32, #tpu.memory_space<hbm>>
      tpu.wait_dma2 semaphore(%run_scoped3A_12 : memref<!tpu.dma_semaphore, #tpu.memory_space<semaphore_mem>>) src(%arg6 : memref<128x256xf32, #tpu.memory_space<vmem>>) dst(%dma_wait3A_22 : memref<128x256xf32, #tpu.memory_space<hbm>>)
      tpu.yield
    }) : () -> ()
    return
  }
}

module attributes {stable_mosaic.version = 14 : i64} {
  func.func @_prep_body(%arg0: i32, %arg1: memref<32x1280xf32, #tpu.memory_space<vmem>>, %arg2: memref<1280x256xf32, #tpu.memory_space<vmem>>, %arg3: memref<1280x1xf32, #tpu.memory_space<vmem>>, %arg4: memref<1280x128xf32, #tpu.memory_space<vmem>>, %arg5: memref<1280x128xf32, #tpu.memory_space<vmem>>) attributes {dimension_semantics = [#tpu.dimension_semantics<parallel>], iteration_bounds = array<i64: 8>, scalar_prefetch = 0 : i64, scratch_operands = 0 : i64, tpu.core_type = #tpu.core_type<tc>, window_params = [{transform_indices = @transform_0, window_bounds = array<i64: 32, 1280>}, {transform_indices = @transform_1, window_bounds = array<i64: 1280, 256>}, {transform_indices = @transform_2, window_bounds = array<i64: 1280, 1>}, {transform_indices = @transform_3, window_bounds = array<i64: 1280, 128>}, {transform_indices = @transform_4, window_bounds = array<i64: 1280, 128>}]} {
    %get3A = arith.constant 0 : index
    %get3A_0 = arith.constant 0 : index
    %get3A_1 = vector.load %arg1[%get3A, %get3A_0] : memref<32x1280xf32, #tpu.memory_space<vmem>>, vector<32x1280xf32>
    %reduce_sum3A = arith.constant dense<0.000000e+00> : vector<1280xf32>
    %reduce_sum3A_2 = vector.multi_reduction <add>, %get3A_1, %reduce_sum3A [0] : vector<32x1280xf32> to vector<1280xf32>
    %max3A = arith.constant 1.000000e+00 : f32
    %max3A_3 = vector.broadcast %max3A : f32 to vector<1280xf32>
    %max3A_4 = arith.maximumf %reduce_sum3A_2, %max3A_3 : vector<1280xf32>
    %rsqrt3A = math.rsqrt %max3A_4 : vector<1280xf32>
    %broadcast_in_dim3A = vector.shape_cast %rsqrt3A : vector<1280xf32> to vector<1280x1xf32>
    %swap3A = arith.constant 0 : index
    %swap3A_5 = arith.constant 0 : index
    %swap3A_6 = vector.load %arg3[%swap3A, %swap3A_5] : memref<1280x1xf32, #tpu.memory_space<vmem>>, vector<1280x1xf32>
    tpu.vector_store %arg3[%swap3A, %swap3A_5], %broadcast_in_dim3A {strides = array<i32>} : memref<1280x1xf32, #tpu.memory_space<vmem>>, vector<1280x1xf32>,
    %get3A_7 = arith.constant 0 : index
    %get3A_8 = arith.constant 0 : index
    %get3A_9 = vector.load %arg2[%get3A_7, %get3A_8] : memref<1280x256xf32, #tpu.memory_space<vmem>>, vector<1280x256xf32>
    %broadcast_in_dim3A_10 = vector.shape_cast %rsqrt3A : vector<1280xf32> to vector<1280x1xf32>
    %mul3A = vector.broadcast %broadcast_in_dim3A_10 : vector<1280x1xf32> to vector<1280x256xf32>
    %mul3A_11 = arith.mulf %get3A_9, %mul3A : vector<1280x256xf32>
    %slice3A = vector.extract_strided_slice %mul3A_11 {offsets = [0, 0], sizes = [1280, 128], strides = [1, 1]} : vector<1280x256xf32> to vector<1280x128xf32>
    %swap3A_12 = arith.constant 0 : index
    %swap3A_13 = arith.constant 0 : index
    %swap3A_14 = vector.load %arg4[%swap3A_12, %swap3A_13] : memref<1280x128xf32, #tpu.memory_space<vmem>>, vector<1280x128xf32>
    tpu.vector_store %arg4[%swap3A_12, %swap3A_13], %slice3A {strides = array<i32>} : memref<1280x128xf32, #tpu.memory_space<vmem>>, vector<1280x128xf32>,
    %slice3A_15 = vector.extract_strided_slice %mul3A_11 {offsets = [0, 128], sizes = [1280, 128], strides = [1, 1]} : vector<1280x256xf32> to vector<1280x128xf32>
    %swap3A_16 = arith.constant 0 : index
    %swap3A_17 = arith.constant 0 : index
    %swap3A_18 = vector.load %arg5[%swap3A_16, %swap3A_17] : memref<1280x128xf32, #tpu.memory_space<vmem>>, vector<1280x128xf32>
    tpu.vector_store %arg5[%swap3A_16, %swap3A_17], %slice3A_15 {strides = array<i32>} : memref<1280x128xf32, #tpu.memory_space<vmem>>, vector<1280x128xf32>,
    return
  }
  func.func @transform_0(%arg0: i32) -> (i32, i32) {
    %c0_i32 = arith.constant 0 : i32
    %c0_i32_0 = arith.constant 0 : i32
    return %c0_i32, %arg0 : i32, i32
  }
  func.func @transform_1(%arg0: i32) -> (i32, i32) {
    %c0_i32 = arith.constant 0 : i32
    %c0_i32_0 = arith.constant 0 : i32
    return %arg0, %c0_i32 : i32, i32
  }
  func.func @transform_2(%arg0: i32) -> (i32, i32) {
    %c0_i32 = arith.constant 0 : i32
    %c0_i32_0 = arith.constant 0 : i32
    return %arg0, %c0_i32 : i32, i32
  }
  func.func @transform_3(%arg0: i32) -> (i32, i32) {
    %c0_i32 = arith.constant 0 : i32
    %c0_i32_0 = arith.constant 0 : i32
    return %arg0, %c0_i32 : i32, i32
  }
  func.func @transform_4(%arg0: i32) -> (i32, i32) {
    %c0_i32 = arith.constant 0 : i32
    %c0_i32_0 = arith.constant 0 : i32
    return %arg0, %c0_i32 : i32, i32
  }
}

module attributes {stable_mosaic.version = 14 : i64} {
  func.func @_layer_body(%arg0: i32, %arg1: memref<1280x1xf32, #tpu.memory_space<vmem>>, %arg2: memref<1280x256xf32, #tpu.memory_space<vmem>>, %arg3: memref<1280x128xf32, #tpu.memory_space<vmem>>, %arg4: memref<1280x128xf32, #tpu.memory_space<vmem>>, %arg5: memref<256x256xf32, #tpu.memory_space<vmem>>, %arg6: memref<256x256xf32, #tpu.memory_space<vmem>>, %arg7: memref<1280x256xf32, #tpu.memory_space<vmem>>, %arg8: memref<1280x128xf32, #tpu.memory_space<vmem>>, %arg9: memref<1280x128xf32, #tpu.memory_space<vmem>>) attributes {dimension_semantics = [#tpu.dimension_semantics<parallel>], iteration_bounds = array<i64: 8>, scalar_prefetch = 0 : i64, scratch_operands = 0 : i64, tpu.core_type = #tpu.core_type<tc>, window_params = [{transform_indices = @transform_0, window_bounds = array<i64: 1280, 1>}, {transform_indices = @transform_1, window_bounds = array<i64: 1280, 256>}, {transform_indices = @transform_2, window_bounds = array<i64: 1280, 128>}, {transform_indices = @transform_3, window_bounds = array<i64: 1280, 128>}, {pipeline_mode = #tpu.pipeline_mode<synchronous>, transform_indices = @transform_4, window_bounds = array<i64: 256, 256>}, {pipeline_mode = #tpu.pipeline_mode<synchronous>, transform_indices = @transform_5, window_bounds = array<i64: 256, 256>}, {transform_indices = @transform_6, window_bounds = array<i64: 1280, 256>}, {transform_indices = @transform_7, window_bounds = array<i64: 1280, 128>}, {transform_indices = @transform_8, window_bounds = array<i64: 1280, 128>}]} {
    %get3A = arith.constant 0 : index
    %get3A_0 = arith.constant 0 : index
    %get3A_1 = vector.load %arg1[%get3A, %get3A_0] : memref<1280x1xf32, #tpu.memory_space<vmem>>, vector<1280x1xf32>
    %get3A_2 = arith.constant 0 : index
    %get3A_3 = arith.constant 0 : index
    %get3A_4 = vector.load %arg2[%get3A_2, %get3A_3] : memref<1280x256xf32, #tpu.memory_space<vmem>>, vector<1280x256xf32>
    %get3A_5 = arith.constant 0 : index
    %get3A_6 = arith.constant 0 : index
    %get3A_7 = vector.load %arg3[%get3A_5, %get3A_6] : memref<1280x128xf32, #tpu.memory_space<vmem>>, vector<1280x128xf32>
    %get3A_8 = arith.constant 0 : index
    %get3A_9 = arith.constant 0 : index
    %get3A_10 = vector.load %arg4[%get3A_8, %get3A_9] : memref<1280x128xf32, #tpu.memory_space<vmem>>, vector<1280x128xf32>
    %concatenate3A = tpu.concatenate %get3A_7, %get3A_10 in 1 : vector<1280x128xf32>, vector<1280x128xf32> -> vector<1280x256xf32>
    %mul3A = vector.broadcast %get3A_1 : vector<1280x1xf32> to vector<1280x256xf32>
    %mul3A_11 = arith.mulf %mul3A, %concatenate3A : vector<1280x256xf32>
    %add3A = arith.addf %mul3A_11, %get3A_4 : vector<1280x256xf32>
    %get3A_12 = arith.constant 0 : index
    %get3A_13 = arith.constant 0 : index
    %get3A_14 = vector.load %arg5[%get3A_12, %get3A_13] : memref<256x256xf32, #tpu.memory_space<vmem>>, vector<256x256xf32>
    %dot_general3A = arith.constant dense<0.000000e+00> : vector<1280x256xf32>
    %dot_general3A_15 = tpu.matmul %add3A, %get3A_14, %dot_general3A {dimension_numbers = #tpu.dot_dimension_numbers<[1], [0], [0], [1], [0, 0, 1, 1], [], []>, transpose_lhs_hint = false} : vector<1280x256xf32>, vector<256x256xf32>, vector<1280x256xf32> -> vector<1280x256xf32>
    %mul3A_16 = vector.broadcast %get3A_1 : vector<1280x1xf32> to vector<1280x256xf32>
    %mul3A_17 = arith.mulf %mul3A_16, %get3A_4 : vector<1280x256xf32>
    %mul3A_18 = arith.mulf %mul3A_17, %concatenate3A : vector<1280x256xf32>
    %get3A_19 = arith.constant 0 : index
    %get3A_20 = arith.constant 0 : index
    %get3A_21 = vector.load %arg6[%get3A_19, %get3A_20] : memref<256x256xf32, #tpu.memory_space<vmem>>, vector<256x256xf32>
    %dot_general3A_22 = arith.constant dense<0.000000e+00> : vector<1280x256xf32>
    %dot_general3A_23 = tpu.matmul %mul3A_18, %get3A_21, %dot_general3A_22 {dimension_numbers = #tpu.dot_dimension_numbers<[1], [0], [0], [1], [0, 0, 1, 1], [], []>, transpose_lhs_hint = false} : vector<1280x256xf32>, vector<256x256xf32>, vector<1280x256xf32> -> vector<1280x256xf32>
    %add3A_24 = arith.addf %dot_general3A_15, %dot_general3A_23 : vector<1280x256xf32>
    %ge3A = arith.constant 0.000000e+00 : f32
    %ge3A_25 = vector.broadcast %ge3A : f32 to vector<1280x256xf32>
    %ge3A_26 = arith.cmpf oge, %add3A_24, %ge3A_25 : vector<1280x256xf32>
    %mul3A_27 = arith.constant 2.000000e-01 : f32
    %mul3A_28 = vector.broadcast %mul3A_27 : f32 to vector<1280x256xf32>
    %mul3A_29 = arith.mulf %mul3A_28, %add3A_24 : vector<1280x256xf32>
    %select_n3A = arith.select %ge3A_26, %add3A_24, %mul3A_29 : vector<1280x256xi1>, vector<1280x256xf32>
    %mul3A_30 = arith.mulf %select_n3A, %select_n3A : vector<1280x256xf32>
    %reduce_sum3A = arith.constant dense<0.000000e+00> : vector<1280xf32>
    %reduce_sum3A_31 = vector.multi_reduction <add>, %mul3A_30, %reduce_sum3A [1] : vector<1280x256xf32> to vector<1280xf32>
    %broadcast_in_dim3A = vector.shape_cast %reduce_sum3A_31 : vector<1280xf32> to vector<1280x1xf32>
    %sqrt3A = math.sqrt %broadcast_in_dim3A : vector<1280x1xf32>
    %max3A = arith.constant 9.99999996E-13 : f32
    %max3A_32 = vector.broadcast %max3A : f32 to vector<1280x1xf32>
    %max3A_33 = arith.maximumf %sqrt3A, %max3A_32 : vector<1280x1xf32>
    %div3A = vector.broadcast %max3A_33 : vector<1280x1xf32> to vector<1280x256xf32>
    %div3A_34 = arith.divf %select_n3A, %div3A : vector<1280x256xf32>
    %swap3A = arith.constant 0 : index
    %swap3A_35 = arith.constant 0 : index
    %swap3A_36 = vector.load %arg7[%swap3A, %swap3A_35] : memref<1280x256xf32, #tpu.memory_space<vmem>>, vector<1280x256xf32>
    tpu.vector_store %arg7[%swap3A, %swap3A_35], %div3A_34 {strides = array<i32>} : memref<1280x256xf32, #tpu.memory_space<vmem>>, vector<1280x256xf32>,
    %mul3A_37 = vector.broadcast %get3A_1 : vector<1280x1xf32> to vector<1280x256xf32>
    %mul3A_38 = arith.mulf %div3A_34, %mul3A_37 : vector<1280x256xf32>
    %slice3A = vector.extract_strided_slice %mul3A_38 {offsets = [0, 0], sizes = [1280, 128], strides = [1, 1]} : vector<1280x256xf32> to vector<1280x128xf32>
    %swap3A_39 = arith.constant 0 : index
    %swap3A_40 = arith.constant 0 : index
    %swap3A_41 = vector.load %arg8[%swap3A_39, %swap3A_40] : memref<1280x128xf32, #tpu.memory_space<vmem>>, vector<1280x128xf32>
    tpu.vector_store %arg8[%swap3A_39, %swap3A_40], %slice3A {strides = array<i32>} : memref<1280x128xf32, #tpu.memory_space<vmem>>, vector<1280x128xf32>,
    %slice3A_42 = vector.extract_strided_slice %mul3A_38 {offsets = [0, 128], sizes = [1280, 128], strides = [1, 1]} : vector<1280x256xf32> to vector<1280x128xf32>
    %swap3A_43 = arith.constant 0 : index
    %swap3A_44 = arith.constant 0 : index
    %swap3A_45 = vector.load %arg9[%swap3A_43, %swap3A_44] : memref<1280x128xf32, #tpu.memory_space<vmem>>, vector<1280x128xf32>
    tpu.vector_store %arg9[%swap3A_43, %swap3A_44], %slice3A_42 {strides = array<i32>} : memref<1280x128xf32, #tpu.memory_space<vmem>>, vector<1280x128xf32>,
    return
  }
  func.func @transform_0(%arg0: i32) -> (i32, i32) {
    %c0_i32 = arith.constant 0 : i32
    %c0_i32_0 = arith.constant 0 : i32
    return %arg0, %c0_i32 : i32, i32
  }
  func.func @transform_1(%arg0: i32) -> (i32, i32) {
    %c0_i32 = arith.constant 0 : i32
    %c0_i32_0 = arith.constant 0 : i32
    return %arg0, %c0_i32 : i32, i32
  }
  func.func @transform_2(%arg0: i32) -> (i32, i32) {
    %c0_i32 = arith.constant 0 : i32
    %c0_i32_0 = arith.constant 0 : i32
    return %arg0, %c0_i32 : i32, i32
  }
  func.func @transform_3(%arg0: i32) -> (i32, i32) {
    %c0_i32 = arith.constant 0 : i32
    %c0_i32_0 = arith.constant 0 : i32
    return %arg0, %c0_i32 : i32, i32
  }
  func.func @transform_4(%arg0: i32) -> (i32, i32) {
    %c0_i32 = arith.constant 0 : i32
    %c0_i32_0 = arith.constant 0 : i32
    %c0_i32_1 = arith.constant 0 : i32
    return %c0_i32, %c0_i32_0 : i32, i32
  }
  func.func @transform_5(%arg0: i32) -> (i32, i32) {
    %c0_i32 = arith.constant 0 : i32
    %c0_i32_0 = arith.constant 0 : i32
    %c0_i32_1 = arith.constant 0 : i32
    return %c0_i32, %c0_i32_0 : i32, i32
  }
  func.func @transform_6(%arg0: i32) -> (i32, i32) {
    %c0_i32 = arith.constant 0 : i32
    %c0_i32_0 = arith.constant 0 : i32
    return %arg0, %c0_i32 : i32, i32
  }
  func.func @transform_7(%arg0: i32) -> (i32, i32) {
    %c0_i32 = arith.constant 0 : i32
    %c0_i32_0 = arith.constant 0 : i32
    return %arg0, %c0_i32 : i32, i32
  }
  func.func @transform_8(%arg0: i32) -> (i32, i32) {
    %c0_i32 = arith.constant 0 : i32
    %c0_i32_0 = arith.constant 0 : i32
    return %arg0, %c0_i32 : i32, i32
  }
}

module attributes {stable_mosaic.version = 14 : i64} {
  func.func @_layer_body(%arg0: i32, %arg1: memref<1280x1xf32, #tpu.memory_space<vmem>>, %arg2: memref<1280x256xf32, #tpu.memory_space<vmem>>, %arg3: memref<1280x128xf32, #tpu.memory_space<vmem>>, %arg4: memref<1280x128xf32, #tpu.memory_space<vmem>>, %arg5: memref<256x256xf32, #tpu.memory_space<vmem>>, %arg6: memref<256x256xf32, #tpu.memory_space<vmem>>, %arg7: memref<1280x256xf32, #tpu.memory_space<vmem>>, %arg8: memref<1280x128xf32, #tpu.memory_space<vmem>>, %arg9: memref<1280x128xf32, #tpu.memory_space<vmem>>) attributes {dimension_semantics = [#tpu.dimension_semantics<parallel>], iteration_bounds = array<i64: 8>, scalar_prefetch = 0 : i64, scratch_operands = 0 : i64, tpu.core_type = #tpu.core_type<tc>, window_params = [{transform_indices = @transform_0, window_bounds = array<i64: 1280, 1>}, {transform_indices = @transform_1, window_bounds = array<i64: 1280, 256>}, {transform_indices = @transform_2, window_bounds = array<i64: 1280, 128>}, {transform_indices = @transform_3, window_bounds = array<i64: 1280, 128>}, {pipeline_mode = #tpu.pipeline_mode<synchronous>, transform_indices = @transform_4, window_bounds = array<i64: 256, 256>}, {pipeline_mode = #tpu.pipeline_mode<synchronous>, transform_indices = @transform_5, window_bounds = array<i64: 256, 256>}, {transform_indices = @transform_6, window_bounds = array<i64: 1280, 256>}, {transform_indices = @transform_7, window_bounds = array<i64: 1280, 128>}, {transform_indices = @transform_8, window_bounds = array<i64: 1280, 128>}]} {
    %get3A = arith.constant 0 : index
    %get3A_0 = arith.constant 0 : index
    %get3A_1 = vector.load %arg1[%get3A, %get3A_0] : memref<1280x1xf32, #tpu.memory_space<vmem>>, vector<1280x1xf32>
    %get3A_2 = arith.constant 0 : index
    %get3A_3 = arith.constant 0 : index
    %get3A_4 = vector.load %arg2[%get3A_2, %get3A_3] : memref<1280x256xf32, #tpu.memory_space<vmem>>, vector<1280x256xf32>
    %get3A_5 = arith.constant 0 : index
    %get3A_6 = arith.constant 0 : index
    %get3A_7 = vector.load %arg3[%get3A_5, %get3A_6] : memref<1280x128xf32, #tpu.memory_space<vmem>>, vector<1280x128xf32>
    %get3A_8 = arith.constant 0 : index
    %get3A_9 = arith.constant 0 : index
    %get3A_10 = vector.load %arg4[%get3A_8, %get3A_9] : memref<1280x128xf32, #tpu.memory_space<vmem>>, vector<1280x128xf32>
    %concatenate3A = tpu.concatenate %get3A_7, %get3A_10 in 1 : vector<1280x128xf32>, vector<1280x128xf32> -> vector<1280x256xf32>
    %mul3A = vector.broadcast %get3A_1 : vector<1280x1xf32> to vector<1280x256xf32>
    %mul3A_11 = arith.mulf %mul3A, %concatenate3A : vector<1280x256xf32>
    %add3A = arith.addf %mul3A_11, %get3A_4 : vector<1280x256xf32>
    %get3A_12 = arith.constant 0 : index
    %get3A_13 = arith.constant 0 : index
    %get3A_14 = vector.load %arg5[%get3A_12, %get3A_13] : memref<256x256xf32, #tpu.memory_space<vmem>>, vector<256x256xf32>
    %dot_general3A = arith.constant dense<0.000000e+00> : vector<1280x256xf32>
    %dot_general3A_15 = tpu.matmul %add3A, %get3A_14, %dot_general3A {dimension_numbers = #tpu.dot_dimension_numbers<[1], [0], [0], [1], [0, 0, 1, 1], [], []>, transpose_lhs_hint = false} : vector<1280x256xf32>, vector<256x256xf32>, vector<1280x256xf32> -> vector<1280x256xf32>
    %mul3A_16 = vector.broadcast %get3A_1 : vector<1280x1xf32> to vector<1280x256xf32>
    %mul3A_17 = arith.mulf %mul3A_16, %get3A_4 : vector<1280x256xf32>
    %mul3A_18 = arith.mulf %mul3A_17, %concatenate3A : vector<1280x256xf32>
    %get3A_19 = arith.constant 0 : index
    %get3A_20 = arith.constant 0 : index
    %get3A_21 = vector.load %arg6[%get3A_19, %get3A_20] : memref<256x256xf32, #tpu.memory_space<vmem>>, vector<256x256xf32>
    %dot_general3A_22 = arith.constant dense<0.000000e+00> : vector<1280x256xf32>
    %dot_general3A_23 = tpu.matmul %mul3A_18, %get3A_21, %dot_general3A_22 {dimension_numbers = #tpu.dot_dimension_numbers<[1], [0], [0], [1], [0, 0, 1, 1], [], []>, transpose_lhs_hint = false} : vector<1280x256xf32>, vector<256x256xf32>, vector<1280x256xf32> -> vector<1280x256xf32>
    %add3A_24 = arith.addf %dot_general3A_15, %dot_general3A_23 : vector<1280x256xf32>
    %ge3A = arith.constant 0.000000e+00 : f32
    %ge3A_25 = vector.broadcast %ge3A : f32 to vector<1280x256xf32>
    %ge3A_26 = arith.cmpf oge, %add3A_24, %ge3A_25 : vector<1280x256xf32>
    %mul3A_27 = arith.constant 2.000000e-01 : f32
    %mul3A_28 = vector.broadcast %mul3A_27 : f32 to vector<1280x256xf32>
    %mul3A_29 = arith.mulf %mul3A_28, %add3A_24 : vector<1280x256xf32>
    %select_n3A = arith.select %ge3A_26, %add3A_24, %mul3A_29 : vector<1280x256xi1>, vector<1280x256xf32>
    %mul3A_30 = arith.mulf %select_n3A, %select_n3A : vector<1280x256xf32>
    %reduce_sum3A = arith.constant dense<0.000000e+00> : vector<1280xf32>
    %reduce_sum3A_31 = vector.multi_reduction <add>, %mul3A_30, %reduce_sum3A [1] : vector<1280x256xf32> to vector<1280xf32>
    %broadcast_in_dim3A = vector.shape_cast %reduce_sum3A_31 : vector<1280xf32> to vector<1280x1xf32>
    %sqrt3A = math.sqrt %broadcast_in_dim3A : vector<1280x1xf32>
    %max3A = arith.constant 9.99999996E-13 : f32
    %max3A_32 = vector.broadcast %max3A : f32 to vector<1280x1xf32>
    %max3A_33 = arith.maximumf %sqrt3A, %max3A_32 : vector<1280x1xf32>
    %div3A = vector.broadcast %max3A_33 : vector<1280x1xf32> to vector<1280x256xf32>
    %div3A_34 = arith.divf %select_n3A, %div3A : vector<1280x256xf32>
    %swap3A = arith.constant 0 : index
    %swap3A_35 = arith.constant 0 : index
    %swap3A_36 = vector.load %arg7[%swap3A, %swap3A_35] : memref<1280x256xf32, #tpu.memory_space<vmem>>, vector<1280x256xf32>
    tpu.vector_store %arg7[%swap3A, %swap3A_35], %div3A_34 {strides = array<i32>} : memref<1280x256xf32, #tpu.memory_space<vmem>>, vector<1280x256xf32>,
    %mul3A_37 = vector.broadcast %get3A_1 : vector<1280x1xf32> to vector<1280x256xf32>
    %mul3A_38 = arith.mulf %div3A_34, %mul3A_37 : vector<1280x256xf32>
    %slice3A = vector.extract_strided_slice %mul3A_38 {offsets = [0, 0], sizes = [1280, 128], strides = [1, 1]} : vector<1280x256xf32> to vector<1280x128xf32>
    %swap3A_39 = arith.constant 0 : index
    %swap3A_40 = arith.constant 0 : index
    %swap3A_41 = vector.load %arg8[%swap3A_39, %swap3A_40] : memref<1280x128xf32, #tpu.memory_space<vmem>>, vector<1280x128xf32>
    tpu.vector_store %arg8[%swap3A_39, %swap3A_40], %slice3A {strides = array<i32>} : memref<1280x128xf32, #tpu.memory_space<vmem>>, vector<1280x128xf32>,
    %slice3A_42 = vector.extract_strided_slice %mul3A_38 {offsets = [0, 128], sizes = [1280, 128], strides = [1, 1]} : vector<1280x256xf32> to vector<1280x128xf32>
    %swap3A_43 = arith.constant 0 : index
    %swap3A_44 = arith.constant 0 : index
    %swap3A_45 = vector.load %arg9[%swap3A_43, %swap3A_44] : memref<1280x128xf32, #tpu.memory_space<vmem>>, vector<1280x128xf32>
    tpu.vector_store %arg9[%swap3A_43, %swap3A_44], %slice3A_42 {strides = array<i32>} : memref<1280x128xf32, #tpu.memory_space<vmem>>, vector<1280x128xf32>,
    return
  }
  func.func @transform_0(%arg0: i32) -> (i32, i32) {
    %c0_i32 = arith.constant 0 : i32
    %c0_i32_0 = arith.constant 0 : i32
    return %arg0, %c0_i32 : i32, i32
  }
  func.func @transform_1(%arg0: i32) -> (i32, i32) {
    %c0_i32 = arith.constant 0 : i32
    %c0_i32_0 = arith.constant 0 : i32
    return %arg0, %c0_i32 : i32, i32
  }
  func.func @transform_2(%arg0: i32) -> (i32, i32) {
    %c0_i32 = arith.constant 0 : i32
    %c0_i32_0 = arith.constant 0 : i32
    return %arg0, %c0_i32 : i32, i32
  }
  func.func @transform_3(%arg0: i32) -> (i32, i32) {
    %c0_i32 = arith.constant 0 : i32
    %c0_i32_0 = arith.constant 0 : i32
    return %arg0, %c0_i32 : i32, i32
  }
  func.func @transform_4(%arg0: i32) -> (i32, i32) {
    %c0_i32 = arith.constant 0 : i32
    %c0_i32_0 = arith.constant 0 : i32
    %c0_i32_1 = arith.constant 0 : i32
    return %c0_i32, %c0_i32_0 : i32, i32
  }
  func.func @transform_5(%arg0: i32) -> (i32, i32) {
    %c0_i32 = arith.constant 0 : i32
    %c0_i32_0 = arith.constant 0 : i32
    %c0_i32_1 = arith.constant 0 : i32
    return %c0_i32, %c0_i32_0 : i32, i32
  }
  func.func @transform_6(%arg0: i32) -> (i32, i32) {
    %c0_i32 = arith.constant 0 : i32
    %c0_i32_0 = arith.constant 0 : i32
    return %arg0, %c0_i32 : i32, i32
  }
  func.func @transform_7(%arg0: i32) -> (i32, i32) {
    %c0_i32 = arith.constant 0 : i32
    %c0_i32_0 = arith.constant 0 : i32
    return %arg0, %c0_i32 : i32, i32
  }
  func.func @transform_8(%arg0: i32) -> (i32, i32) {
    %c0_i32 = arith.constant 0 : i32
    %c0_i32_0 = arith.constant 0 : i32
    return %arg0, %c0_i32 : i32, i32
  }
}

module attributes {stable_mosaic.version = 14 : i64} {
  func.func @_loss_body(%arg0: i32, %arg1: memref<6x512x256xf32, #tpu.memory_space<vmem>>, %arg2: memref<3x512x256xf32, #tpu.memory_space<vmem>>, %arg3: memref<1x2xf32, #tpu.memory_space<vmem>>) attributes {dimension_semantics = [#tpu.dimension_semantics<arbitrary>], iteration_bounds = array<i64: 8>, scalar_prefetch = 0 : i64, scratch_operands = 0 : i64, tpu.core_type = #tpu.core_type<tc>, window_params = [{transform_indices = @transform_0, window_bounds = array<i64: 6, 512, 256>}, {transform_indices = @transform_1, window_bounds = array<i64: 3, 512, 256>}, {pipeline_mode = #tpu.pipeline_mode<synchronous>, transform_indices = @transform_2, window_bounds = array<i64: 1, 2>}]} {
    %eq3A = arith.constant 0 : i32
    %eq3A_0 = arith.cmpi eq, %arg0, %eq3A : i32
    %convert_element_type3A = arith.extui %eq3A_0 : i1 to i32
    %cond3A = arith.constant 0 : i32
    %cond3A_1 = arith.cmpi ne, %convert_element_type3A, %cond3A : i32
    scf.if %cond3A_1 {
      %broadcast_in_dim3A_152 = arith.constant 0.000000e+00 : f32
      %broadcast_in_dim3A_153 = vector.broadcast %broadcast_in_dim3A_152 : f32 to vector<1x2xf32>
      %swap3A_154 = arith.constant 0 : index
      %swap3A_155 = arith.constant 0 : index
      %swap3A_156 = vector.load %arg3[%swap3A_154, %swap3A_155] : memref<1x2xf32, #tpu.memory_space<vmem>>, vector<1x2xf32>
      tpu.vector_store %arg3[%swap3A_154, %swap3A_155], %broadcast_in_dim3A_153 {strides = array<i32>} : memref<1x2xf32, #tpu.memory_space<vmem>>, vector<1x2xf32>,
    } else {
    }
    %broadcast_in_dim3A = arith.constant 0.000000e+00 : f32
    %broadcast_in_dim3A_2 = vector.broadcast %broadcast_in_dim3A : f32 to vector<512xf32>
    %broadcast_in_dim3A_3 = arith.constant 0.000000e+00 : f32
    %broadcast_in_dim3A_4 = vector.broadcast %broadcast_in_dim3A_3 : f32 to vector<512xf32>
    %get3A = arith.constant 0 : index
    %get3A_5 = arith.constant 0 : index
    %get3A_6 = arith.constant 0 : index
    %get3A_7 = vector.load %arg1[%get3A, %get3A_5, %get3A_6] : memref<6x512x256xf32, #tpu.memory_space<vmem>>, vector<1x512x256xf32>
    %get3A_8 = vector.shape_cast %get3A_7 : vector<1x512x256xf32> to vector<512x256xf32>
    %get3A_9 = arith.constant 2 : index
    %get3A_10 = arith.constant 0 : index
    %get3A_11 = arith.constant 0 : index
    %get3A_12 = vector.load %arg1[%get3A_9, %get3A_10, %get3A_11] : memref<6x512x256xf32, #tpu.memory_space<vmem>>, vector<1x512x256xf32>
    %get3A_13 = vector.shape_cast %get3A_12 : vector<1x512x256xf32> to vector<512x256xf32>
    %get3A_14 = arith.constant 4 : index
    %get3A_15 = arith.constant 0 : index
    %get3A_16 = arith.constant 0 : index
    %get3A_17 = vector.load %arg1[%get3A_14, %get3A_15, %get3A_16] : memref<6x512x256xf32, #tpu.memory_space<vmem>>, vector<1x512x256xf32>
    %get3A_18 = vector.shape_cast %get3A_17 : vector<1x512x256xf32> to vector<512x256xf32>
    %mul3A = arith.mulf %get3A_8, %get3A_13 : vector<512x256xf32>
    %reduce_sum3A = arith.constant dense<0.000000e+00> : vector<512xf32>
    %reduce_sum3A_19 = vector.multi_reduction <add>, %mul3A, %reduce_sum3A [1] : vector<512x256xf32> to vector<512xf32>
    %add3A = arith.addf %broadcast_in_dim3A_2, %reduce_sum3A_19 : vector<512xf32>
    %mul3A_20 = arith.mulf %get3A_8, %get3A_18 : vector<512x256xf32>
    %reduce_sum3A_21 = arith.constant dense<0.000000e+00> : vector<512xf32>
    %reduce_sum3A_22 = vector.multi_reduction <add>, %mul3A_20, %reduce_sum3A_21 [1] : vector<512x256xf32> to vector<512xf32>
    %add3A_23 = arith.addf %broadcast_in_dim3A_4, %reduce_sum3A_22 : vector<512xf32>
    %mul3A_24 = arith.mulf %get3A_8, %get3A_8 : vector<512x256xf32>
    %reduce_sum3A_25 = vector.shape_cast %mul3A_24 : vector<512x256xf32> to vector<1x512x256xf32>
    %reduce_sum3A_26 = arith.constant dense<0.000000e+00> : vector<1xf32>
    %reduce_sum3A_27 = vector.multi_reduction <add>, %reduce_sum3A_25, %reduce_sum3A_26 [1, 2] : vector<1x512x256xf32> to vector<1xf32>
    %reduce_sum3A_28 = vector.shape_cast %reduce_sum3A_27 : vector<1xf32> to vector<1x1x1xf32>
    %reduce_sum3A_29 = vector.extract %reduce_sum3A_28[0, 0, 0] : f32 from vector<1x1x1xf32>
    %add3A_30 = arith.constant 0.000000e+00 : f32
    %add3A_31 = arith.addf %add3A_30, %reduce_sum3A_29 : f32
    %mul3A_32 = arith.mulf %get3A_13, %get3A_13 : vector<512x256xf32>
    %reduce_sum3A_33 = vector.shape_cast %mul3A_32 : vector<512x256xf32> to vector<1x512x256xf32>
    %reduce_sum3A_34 = arith.constant dense<0.000000e+00> : vector<1xf32>
    %reduce_sum3A_35 = vector.multi_reduction <add>, %reduce_sum3A_33, %reduce_sum3A_34 [1, 2] : vector<1x512x256xf32> to vector<1xf32>
    %reduce_sum3A_36 = vector.shape_cast %reduce_sum3A_35 : vector<1xf32> to vector<1x1x1xf32>
    %reduce_sum3A_37 = vector.extract %reduce_sum3A_36[0, 0, 0] : f32 from vector<1x1x1xf32>
    %add3A_38 = arith.addf %add3A_31, %reduce_sum3A_37 : f32
    %mul3A_39 = arith.mulf %get3A_18, %get3A_18 : vector<512x256xf32>
    %reduce_sum3A_40 = vector.shape_cast %mul3A_39 : vector<512x256xf32> to vector<1x512x256xf32>
    %reduce_sum3A_41 = arith.constant dense<0.000000e+00> : vector<1xf32>
    %reduce_sum3A_42 = vector.multi_reduction <add>, %reduce_sum3A_40, %reduce_sum3A_41 [1, 2] : vector<1x512x256xf32> to vector<1xf32>
    %reduce_sum3A_43 = vector.shape_cast %reduce_sum3A_42 : vector<1xf32> to vector<1x1x1xf32>
    %reduce_sum3A_44 = vector.extract %reduce_sum3A_43[0, 0, 0] : f32 from vector<1x1x1xf32>
    %add3A_45 = arith.addf %add3A_38, %reduce_sum3A_44 : f32
    %get3A_46 = arith.constant 1 : index
    %get3A_47 = arith.constant 0 : index
    %get3A_48 = arith.constant 0 : index
    %get3A_49 = vector.load %arg1[%get3A_46, %get3A_47, %get3A_48] : memref<6x512x256xf32, #tpu.memory_space<vmem>>, vector<1x512x256xf32>
    %get3A_50 = vector.shape_cast %get3A_49 : vector<1x512x256xf32> to vector<512x256xf32>
    %get3A_51 = arith.constant 3 : index
    %get3A_52 = arith.constant 0 : index
    %get3A_53 = arith.constant 0 : index
    %get3A_54 = vector.load %arg1[%get3A_51, %get3A_52, %get3A_53] : memref<6x512x256xf32, #tpu.memory_space<vmem>>, vector<1x512x256xf32>
    %get3A_55 = vector.shape_cast %get3A_54 : vector<1x512x256xf32> to vector<512x256xf32>
    %get3A_56 = arith.constant 5 : index
    %get3A_57 = arith.constant 0 : index
    %get3A_58 = arith.constant 0 : index
    %get3A_59 = vector.load %arg1[%get3A_56, %get3A_57, %get3A_58] : memref<6x512x256xf32, #tpu.memory_space<vmem>>, vector<1x512x256xf32>
    %get3A_60 = vector.shape_cast %get3A_59 : vector<1x512x256xf32> to vector<512x256xf32>
    %mul3A_61 = arith.mulf %get3A_50, %get3A_55 : vector<512x256xf32>
    %reduce_sum3A_62 = arith.constant dense<0.000000e+00> : vector<512xf32>
    %reduce_sum3A_63 = vector.multi_reduction <add>, %mul3A_61, %reduce_sum3A_62 [1] : vector<512x256xf32> to vector<512xf32>
    %add3A_64 = arith.addf %add3A, %reduce_sum3A_63 : vector<512xf32>
    %mul3A_65 = arith.mulf %get3A_50, %get3A_60 : vector<512x256xf32>
    %reduce_sum3A_66 = arith.constant dense<0.000000e+00> : vector<512xf32>
    %reduce_sum3A_67 = vector.multi_reduction <add>, %mul3A_65, %reduce_sum3A_66 [1] : vector<512x256xf32> to vector<512xf32>
    %add3A_68 = arith.addf %add3A_23, %reduce_sum3A_67 : vector<512xf32>
    %mul3A_69 = arith.mulf %get3A_50, %get3A_50 : vector<512x256xf32>
    %reduce_sum3A_70 = vector.shape_cast %mul3A_69 : vector<512x256xf32> to vector<1x512x256xf32>
    %reduce_sum3A_71 = arith.constant dense<0.000000e+00> : vector<1xf32>
    %reduce_sum3A_72 = vector.multi_reduction <add>, %reduce_sum3A_70, %reduce_sum3A_71 [1, 2] : vector<1x512x256xf32> to vector<1xf32>
    %reduce_sum3A_73 = vector.shape_cast %reduce_sum3A_72 : vector<1xf32> to vector<1x1x1xf32>
    %reduce_sum3A_74 = vector.extract %reduce_sum3A_73[0, 0, 0] : f32 from vector<1x1x1xf32>
    %add3A_75 = arith.addf %add3A_45, %reduce_sum3A_74 : f32
    %mul3A_76 = arith.mulf %get3A_55, %get3A_55 : vector<512x256xf32>
    %reduce_sum3A_77 = vector.shape_cast %mul3A_76 : vector<512x256xf32> to vector<1x512x256xf32>
    %reduce_sum3A_78 = arith.constant dense<0.000000e+00> : vector<1xf32>
    %reduce_sum3A_79 = vector.multi_reduction <add>, %reduce_sum3A_77, %reduce_sum3A_78 [1, 2] : vector<1x512x256xf32> to vector<1xf32>
    %reduce_sum3A_80 = vector.shape_cast %reduce_sum3A_79 : vector<1xf32> to vector<1x1x1xf32>
    %reduce_sum3A_81 = vector.extract %reduce_sum3A_80[0, 0, 0] : f32 from vector<1x1x1xf32>
    %add3A_82 = arith.addf %add3A_75, %reduce_sum3A_81 : f32
    %mul3A_83 = arith.mulf %get3A_60, %get3A_60 : vector<512x256xf32>
    %reduce_sum3A_84 = vector.shape_cast %mul3A_83 : vector<512x256xf32> to vector<1x512x256xf32>
    %reduce_sum3A_85 = arith.constant dense<0.000000e+00> : vector<1xf32>
    %reduce_sum3A_86 = vector.multi_reduction <add>, %reduce_sum3A_84, %reduce_sum3A_85 [1, 2] : vector<1x512x256xf32> to vector<1xf32>
    %reduce_sum3A_87 = vector.shape_cast %reduce_sum3A_86 : vector<1xf32> to vector<1x1x1xf32>
    %reduce_sum3A_88 = vector.extract %reduce_sum3A_87[0, 0, 0] : f32 from vector<1x1x1xf32>
    %add3A_89 = arith.addf %add3A_82, %reduce_sum3A_88 : f32
    %get3A_90 = arith.constant 0 : index
    %get3A_91 = arith.constant 0 : index
    %get3A_92 = arith.constant 0 : index
    %get3A_93 = vector.load %arg2[%get3A_90, %get3A_91, %get3A_92] : memref<3x512x256xf32, #tpu.memory_space<vmem>>, vector<1x512x256xf32>
    %get3A_94 = vector.shape_cast %get3A_93 : vector<1x512x256xf32> to vector<512x256xf32>
    %get3A_95 = arith.constant 1 : index
    %get3A_96 = arith.constant 0 : index
    %get3A_97 = arith.constant 0 : index
    %get3A_98 = vector.load %arg2[%get3A_95, %get3A_96, %get3A_97] : memref<3x512x256xf32, #tpu.memory_space<vmem>>, vector<1x512x256xf32>
    %get3A_99 = vector.shape_cast %get3A_98 : vector<1x512x256xf32> to vector<512x256xf32>
    %get3A_100 = arith.constant 2 : index
    %get3A_101 = arith.constant 0 : index
    %get3A_102 = arith.constant 0 : index
    %get3A_103 = vector.load %arg2[%get3A_100, %get3A_101, %get3A_102] : memref<3x512x256xf32, #tpu.memory_space<vmem>>, vector<1x512x256xf32>
    %get3A_104 = vector.shape_cast %get3A_103 : vector<1x512x256xf32> to vector<512x256xf32>
    %mul3A_105 = arith.mulf %get3A_94, %get3A_99 : vector<512x256xf32>
    %reduce_sum3A_106 = arith.constant dense<0.000000e+00> : vector<512xf32>
    %reduce_sum3A_107 = vector.multi_reduction <add>, %mul3A_105, %reduce_sum3A_106 [1] : vector<512x256xf32> to vector<512xf32>
    %add3A_108 = arith.addf %add3A_64, %reduce_sum3A_107 : vector<512xf32>
    %mul3A_109 = arith.mulf %get3A_94, %get3A_104 : vector<512x256xf32>
    %reduce_sum3A_110 = arith.constant dense<0.000000e+00> : vector<512xf32>
    %reduce_sum3A_111 = vector.multi_reduction <add>, %mul3A_109, %reduce_sum3A_110 [1] : vector<512x256xf32> to vector<512xf32>
    %add3A_112 = arith.addf %add3A_68, %reduce_sum3A_111 : vector<512xf32>
    %mul3A_113 = arith.mulf %get3A_94, %get3A_94 : vector<512x256xf32>
    %reduce_sum3A_114 = vector.shape_cast %mul3A_113 : vector<512x256xf32> to vector<1x512x256xf32>
    %reduce_sum3A_115 = arith.constant dense<0.000000e+00> : vector<1xf32>
    %reduce_sum3A_116 = vector.multi_reduction <add>, %reduce_sum3A_114, %reduce_sum3A_115 [1, 2] : vector<1x512x256xf32> to vector<1xf32>
    %reduce_sum3A_117 = vector.shape_cast %reduce_sum3A_116 : vector<1xf32> to vector<1x1x1xf32>
    %reduce_sum3A_118 = vector.extract %reduce_sum3A_117[0, 0, 0] : f32 from vector<1x1x1xf32>
    %add3A_119 = arith.addf %add3A_89, %reduce_sum3A_118 : f32
    %mul3A_120 = arith.mulf %get3A_99, %get3A_99 : vector<512x256xf32>
    %reduce_sum3A_121 = vector.shape_cast %mul3A_120 : vector<512x256xf32> to vector<1x512x256xf32>
    %reduce_sum3A_122 = arith.constant dense<0.000000e+00> : vector<1xf32>
    %reduce_sum3A_123 = vector.multi_reduction <add>, %reduce_sum3A_121, %reduce_sum3A_122 [1, 2] : vector<1x512x256xf32> to vector<1xf32>
    %reduce_sum3A_124 = vector.shape_cast %reduce_sum3A_123 : vector<1xf32> to vector<1x1x1xf32>
    %reduce_sum3A_125 = vector.extract %reduce_sum3A_124[0, 0, 0] : f32 from vector<1x1x1xf32>
    %add3A_126 = arith.addf %add3A_119, %reduce_sum3A_125 : f32
    %mul3A_127 = arith.mulf %get3A_104, %get3A_104 : vector<512x256xf32>
    %reduce_sum3A_128 = vector.shape_cast %mul3A_127 : vector<512x256xf32> to vector<1x512x256xf32>
    %reduce_sum3A_129 = arith.constant dense<0.000000e+00> : vector<1xf32>
    %reduce_sum3A_130 = vector.multi_reduction <add>, %reduce_sum3A_128, %reduce_sum3A_129 [1, 2] : vector<1x512x256xf32> to vector<1xf32>
    %reduce_sum3A_131 = vector.shape_cast %reduce_sum3A_130 : vector<1xf32> to vector<1x1x1xf32>
    %reduce_sum3A_132 = vector.extract %reduce_sum3A_131[0, 0, 0] : f32 from vector<1x1x1xf32>
    %add3A_133 = arith.addf %add3A_126, %reduce_sum3A_132 : f32
    %sub3A = arith.subf %add3A_108, %add3A_112 : vector<512xf32>
    %min3A = arith.constant 0.000000e+00 : f32
    %min3A_134 = vector.broadcast %min3A : f32 to vector<512xf32>
    %min3A_135 = arith.minimumf %sub3A, %min3A_134 : vector<512xf32>
    %abs3A = math.absf %sub3A : vector<512xf32>
    %neg3A = arith.constant 0.000000e+00 : f32
    %neg3A_136 = vector.broadcast %neg3A : f32 to vector<512xf32>
    %neg3A_137 = arith.subf %neg3A_136, %abs3A : vector<512xf32>
    %exp3A = math.exp %neg3A_137 : vector<512xf32>
    %log1p3A = math.log1p %exp3A : vector<512xf32>
    %sub3A_138 = arith.subf %min3A_135, %log1p3A : vector<512xf32>
    %reduce_sum3A_139 = vector.shape_cast %sub3A_138 : vector<512xf32> to vector<1x512xf32>
    %reduce_sum3A_140 = arith.constant dense<0.000000e+00> : vector<1xf32>
    %reduce_sum3A_141 = vector.multi_reduction <add>, %reduce_sum3A_139, %reduce_sum3A_140 [1] : vector<1x512xf32> to vector<1xf32>
    %reduce_sum3A_142 = vector.shape_cast %reduce_sum3A_141 : vector<1xf32> to vector<1x1xf32>
    %reduce_sum3A_143 = vector.extract %reduce_sum3A_142[0, 0] : f32 from vector<1x1xf32>
    %stack3A = vector.broadcast %reduce_sum3A_143 : f32 to vector<1xf32>
    %stack3A_144 = vector.broadcast %add3A_133 : f32 to vector<1xf32>
    %stack3A_145 = tpu.concatenate %stack3A, %stack3A_144 in 0 : vector<1xf32>, vector<1xf32> -> vector<2xf32>
    %reshape3A = vector.shape_cast %stack3A_145 : vector<2xf32> to vector<1x2xf32>
    %get3A_146 = arith.constant 0 : index
    %get3A_147 = arith.constant 0 : index
    %get3A_148 = vector.load %arg3[%get3A_146, %get3A_147] : memref<1x2xf32, #tpu.memory_space<vmem>>, vector<1x2xf32>
    %add3A_149 = arith.addf %get3A_148, %reshape3A : vector<1x2xf32>
    %swap3A = arith.constant 0 : index
    %swap3A_150 = arith.constant 0 : index
    %swap3A_151 = vector.load %arg3[%swap3A, %swap3A_150] : memref<1x2xf32, #tpu.memory_space<vmem>>, vector<1x2xf32>
    tpu.vector_store %arg3[%swap3A, %swap3A_150], %add3A_149 {strides = array<i32>} : memref<1x2xf32, #tpu.memory_space<vmem>>, vector<1x2xf32>,
    return
  }
  func.func @transform_0(%arg0: i32) -> (i32, i32, i32) {
    %c0_i32 = arith.constant 0 : i32
    %c0_i32_0 = arith.constant 0 : i32
    %c0_i32_1 = arith.constant 0 : i32
    return %c0_i32, %arg0, %c0_i32_0 : i32, i32, i32
  }
  func.func @transform_1(%arg0: i32) -> (i32, i32, i32) {
    %c0_i32 = arith.constant 0 : i32
    %c0_i32_0 = arith.constant 0 : i32
    %c0_i32_1 = arith.constant 0 : i32
    return %c0_i32, %arg0, %c0_i32_0 : i32, i32, i32
  }
  func.func @transform_2(%arg0: i32) -> (i32, i32) {
    %c0_i32 = arith.constant 0 : i32
    %c0_i32_0 = arith.constant 0 : i32
    %c0_i32_1 = arith.constant 0 : i32
    return %c0_i32, %c0_i32_0 : i32, i32
  }
}

</mosaic_0001>

<sc_bundles>
// kernel: kernel.11.cloned.1.call-start
scs
__scs_entry_jumppad:
0x0: {  	(pc) =	sbr.rel $0x88, $3  }
0x1: {  	(tag) =	ssettag $0x0;
	lr =	simm.s32 $0x1  }
0x2: {  	[smem:$0x3F97] =	sst lr;
	_ =	strace $0xD0000000  }
0x3: {  	_ = 	snop  }
0x4: {  	_ = 	snop  }
0x5: {  	_ = 	snop  }
0x6: {  	_ = 	snop  }
0x7: {  	_ = 	snop  }
__scs_overlays_trampoline_lowered:
0x8: {  	[smem:$0x3FA6] =	sst s0  }
0x9: {  	[smem:$0x3FA7] =	sst s1  }
0xa: {  	[smem:$0x3FA8] =	sst s2  }
0xb: {  	[smem:$0x3FA9] =	sst s3  }
0xc: {  	[smem:$0x3FAA] =	sst s4  }
0xd: {  	[smem:$0x3FAB] =	sst s5  }
0xe: {  	[smem:$0x3FAC] =	sst s6  }
0xf: {  	[smem:$0x3FAD] =	sst s7  }
0x10: {  	[smem:$0x3FAE] =	sst s8  }
0x11: {  	[smem:$0x3FAF] =	sst s9;
	s0 =	simm.s32 @!p0 $0x0  }
0x12: {  	s1 =	sld [smem:$0x3F95];
	s0 =	simm.s32 @p0 $0x1  }
0x13: {  	[smem:$0x3FB0] =	sst s0;
	s0 =	simm.s32 @!p1 $0x0  }
0x14: {  	s2 =	sld [smem:$0x3F94];
	s0 =	simm.s32 @p1 $0x1  }
0x15: {  	[smem:$0x3FB1] =	sst s0;
	s0 =	simm.s32 @!p2 $0x0  }
0x16: {  	s3 =	sld [smem:$0x3FDB];
	s0 =	simm.s32 @p2 $0x1  }
0x17: {  	s4 =	simm.s32 $0x1BF5;
	[smem:$0x3FB3] =	sst s0  }
0x18: {  	s0 =	sld [smem:$0x3F96];
	_ =	swait.ge [sflag:s4], $0x0  }
0x19: {  	s7 =	sld [smem:$0x3F97]  }
0x1a: {  	s8 =	sadd.s32 $0xFFFFE003, lr  }
0x1b: {  	s9 =	sadd.s32 $0xFFFFFEF7, lr;
	s5 =	simm.s32 $0xFFFFFFFF;
	p2 =	slt.u32 s8, $0xFFFFF086  }
0x1c: {  	p1 =	slt.u32 s9, $0xF7A;
	s5 =	simm.s32 @!p2 $0x0  }
0x1d: {  	s5 =	simm.s32 @p1 $0x1;
	p0 =	seq.s32 s7, s2  }
0x1e: {  	s7 =	smul.u32 @!p0 $0xF7A, s2;
	p2 =	seq.s32 @!p0 s5, $0x0  }
0x1f: {  	s9 =	smul.u32 $0xF7A, s1;
	s8 =	simm.s32 @!p0 $0x1BF5;
	p2 =	por !p2, p0  }
0x20: {  	[sflag:s8] =	ssyncset.s32 @!p0 $0xFFFFF086;
	s6 =	sadd.s32 @!p0 s3, s7;
	s7 =	simm.s32 @!p0 $0x108  }
0x21: {  	s3 =	sadd.s32 s3, s9;
	s6 =	sadd.s32 @!p0 $0x88, s6;
	s7 =	simm.s32 @p2 $0x1082  }
0x22: {  	[simem:s7], [sflag:s8] =	dma.local @!p0 [hbm:s6], $0xF7A  }
0x23: {  	s9 =	sor.u32 $0xD0000000, s2;
	s6 =	simm.s32 $0x108;
	_ =	swait.ge @!p0 [sflag:s8], $0x0  }
0x24: {  	s3 =	sadd.s32 $0x88, s3;
	s6 =	simm.s32 @!p1 $0x1082;
	[sflag:s4] =	ssyncset.s32 $0xFFFFF086  }
0x25: {  	[simem:s6], [sflag:s4] =	dma.local [hbm:s3], $0xF7A  }
0x26: {  	[smem:$0x3F97] =	sst s1;
	(tag) =	ssettag s2;
	_ =	strace s9  }
0x27: {  	s1 =	sld [smem:$0x3FA7]  }
0x28: {  	s2 =	sld [smem:$0x3FA8]  }
0x29: {  	s4 =	sld [smem:$0x3FAA]  }
0x2a: {  	p0 =	seq.s32 s5, $0x0;
	s5 =	sld [smem:$0x3FAB]  }
0x2b: {  	s6 =	sld [smem:$0x3FAC]  }
0x2c: {  	s7 =	sld [smem:$0x3FAD]  }
0x2d: {  	s3 =	simm.s32 $0x108;
	s8 =	sld [smem:$0x3FAE]  }
0x2e: {  	s3 =	simm.s32 @!p0 $0x1082;
	s9 =	sld [smem:$0x3FAF]  }
0x2f: {  	lr =	sadd.s32 s0, s3;
	s0 =	sld [smem:$0x3FA6]  }
0x30: {  	s3 =	sld [smem:$0x3FA9]  }
0x31: {  	[smem:$0x3FB2] =	sst s10  }
0x32: {  	s10 =	sld [smem:$0x3FB0];
	_ =	sdelay $0x3  }
0x33: {  	p0 =	seq.s32 s10, $0x1;
	s10 =	sld [smem:$0x3FB2];
	_ =	sdelay $0x3  }
0x34: {  	[smem:$0x3FB2] =	sst s10  }
0x35: {  	s10 =	sld [smem:$0x3FB1];
	_ =	sdelay $0x3  }
0x36: {  	p1 =	seq.s32 s10, $0x1;
	s10 =	sld [smem:$0x3FB2];
	_ =	sdelay $0x3  }
0x37: {  	[smem:$0x3FB2] =	sst s10  }
0x38: {  	s10 =	sld [smem:$0x3FB3]  }
0x39: {  	_ = 	snop;
	(pc) =	sbr.ind lr, $3  }
0x3a: {  	_ = 	snop  }
0x3b: {  	_ = 	snop  }
0x3c: {  	p2 =	seq.s32 s10, $0x1;
	s10 =	sld [smem:$0x3FB2]  }
0x3d: {  	_ =	shalt  }
0x3e: {  	_ =	shalt  }
0x3f: {  	_ =	shalt  }
0x40: {  	_ =	shalt  }
0x41: {  	_ =	shalt  }
0x42: {  	_ =	shalt  }
0x43: {  	_ =	shalt  }
0x44: {  	_ =	shalt  }
0x45: {  	_ =	shalt  }
0x46: {  	_ =	shalt  }
0x47: {  	_ =	shalt  }
0x48: {  	_ =	shalt  }
0x49: {  	_ =	shalt  }
0x4a: {  	_ =	shalt  }
0x4b: {  	_ =	shalt  }
0x4c: {  	_ =	shalt  }
0x4d: {  	_ =	shalt  }
0x4e: {  	_ =	shalt  }
0x4f: {  	_ =	shalt  }
0x50: {  	_ =	shalt  }
0x51: {  	_ =	shalt  }
0x52: {  	_ =	shalt  }
0x53: {  	_ =	shalt  }
0x54: {  	_ =	shalt  }
0x55: {  	_ =	shalt  }
0x56: {  	_ =	shalt  }
0x57: {  	_ =	shalt  }
0x58: {  	_ =	shalt  }
0x59: {  	_ =	shalt  }
0x5a: {  	_ =	shalt  }
0x5b: {  	_ =	shalt  }
0x5c: {  	_ =	shalt  }
0x5d: {  	_ =	shalt  }
0x5e: {  	_ =	shalt  }
0x5f: {  	_ =	shalt  }
0x60: {  	_ =	shalt  }
0x61: {  	_ =	shalt  }
0x62: {  	_ =	shalt  }
0x63: {  	_ =	shalt  }
0x64: {  	_ =	shalt  }
0x65: {  	_ =	shalt  }
0x66: {  	_ =	shalt  }
0x67: {  	_ =	shalt  }
0x68: {  	_ =	shalt  }
0x69: {  	_ =	shalt  }
0x6a: {  	_ =	shalt  }
0x6b: {  	_ =	shalt  }
0x6c: {  	_ =	shalt  }
0x6d: {  	_ =	shalt  }
0x6e: {  	_ =	shalt  }
0x6f: {  	_ =	shalt  }
0x70: {  	_ =	shalt  }
0x71: {  	_ =	shalt  }
0x72: {  	_ =	shalt  }
0x73: {  	_ =	shalt  }
0x74: {  	_ =	shalt  }
0x75: {  	_ =	shalt  }
0x76: {  	_ =	shalt  }
0x77: {  	_ =	shalt  }
0x78: {  	_ =	shalt  }
0x79: {  	_ =	shalt  }
0x7a: {  	_ =	shalt  }
0x7b: {  	_ =	shalt  }
0x7c: {  	_ =	shalt  }
0x7d: {  	_ =	shalt  }
0x7e: {  	_ =	shalt  }
0x7f: {  	_ =	shalt  }
0x80: {  	_ =	shalt  }
0x81: {  	_ =	shalt  }
0x82: {  	_ =	shalt  }
0x83: {  	_ =	shalt  }
0x84: {  	_ =	shalt  }
0x85: {  	_ =	shalt  }
0x86: {  	_ =	shalt  }
0x87: {  	_ =	shalt  }
.Lfunc_end0:
.L_simem_size_0:
called_computation_lowered:
.L_overlay_start_0:
0x88: {  	s2 =	sld [smem:$0x3FD9]  }
0x89: {  	s3 =	sld [smem:$0x3FFE];
	_ =	sdelay $0x1  }
0x8a: {  	s1 =	srdreg.scid  }
0x8b: {  	s0 =	sand.u32 $0x1, s1  }
0x8c: {  	s16 =	sshll.u32 s0, $0xA;
	s2 =	sadd.s32 s3, s2  }
0x8d: {  	s2 =	sadd.s32 s2, s16  }
0x8e: {  	[smem:$0x3FBE] =	sst s2  }
0x8f: {  	_ = 	snop  }
0x90: {  	(tm) =	ssettm $0x1  }
0x91: {  	s17 =	sld [smem:$0x3FFB];
	_ =	sdelay $0x3  }
0x92: {  	_ =	strace s17  }
0x93: {  	s2 =	sld [smem:$0x3FFC];
	_ =	sdelay $0x3  }
0x94: {  	_ =	strace s2  }
0x95: {  	s2 =	sld [smem:$0x3FFD];
	_ =	sdelay $0x3  }
0x96: {  	_ =	strace s2  }
0x97: {  	_ =	strace $0x8FFFFFFF  }
0x98: {  	s18 =	sld [smem:$0x3FDB];
	_ =	sdelay $0x1  }
0x99: {  	s19 =	simm.s32 $_scs_section_size  }
0x9a: {  	s4 =	simm.s32 $_size__tile_overlayer_lowered;
	s5 =	simm.s32 $_tile_overlayer_lowered  }
0x9b: {  	s22 =	simm.s32 $0x1BFF;
	s21 =	sshll.u32 s5, $0x1;
	s2 =	sadd.s32 s19, s18  }
0x9c: {  	s6 =	simm.s32 $0x0;
	s20 =	sshll.u32 s4, $0x1;
	s4 =	sadd.s32 s21, s2  }
0x9d: {  	[timem:s6], [sflag:s22] =	dma.local [hbm:s4], s20  }
0x9e: {  	_ =	swait.ge [sflag:s22], s20  }
0x9f: {  	s3 =	ssub.s32 $0x0, s20;
	[sflag:s22] =	ssyncset.done $0x0  }
0xa0: {  	[sflag:s22] =	ssyncadd.s32 s3;
	_ =	sdelay $0x1  }
0xa1: {  	s23 =	simm.s32 $0x1B8B  }
0xa2: {  	_ =	swait.ge [sflag:s23], $0x1  }
0xa3: {  	[sflag:s23] =	ssyncset.done $0x0  }
0xa4: {  	s25 =	simm.s32 $0x1B8E;
	s24 =	sld [smem:$0x3FFE];
	[sflag:s23] =	ssyncadd.s32 $0xFFFFFFFF  }
0xa5: {  	s26 =	simm.s32 $execute0_lowered;
	[smem:$0x3FD2] =	sst s25  }
0xa6: {  	s4 =	sshll.u32 s26, $0x1;
	_ =	strace $0x80000046;
	[dreg:$0x1] =	wrdreg $0xFFFFFFFF  }
0xa7: {  	s28 =	simm.s32 $_size_execute0_lowered;
	s2 =	sadd.s32 s2, s4;
	[dreg:$0x0] =	wrdreg $0x0  }
0xa8: {  	s4 =	sshll.u32 s28, $0x1;
	[dreg:$0x2] =	wrdreg s2  }
0xa9: {  	[dreg:$0x3] =	wrdreg s4  }
0xaa: {  	[dreg:$0x4] =	wrdreg $0xC0  }
0xab: {  	_ =	task [dreg:s6], $0x5FFFF  }
0xac: {  	[dreg:$0x1] =	wrdreg $0xFFFFFFFF  }
0xad: {  	[dreg:$0x0] =	wrdreg $0x60  }
0xae: {  	[dreg:$0x2] =	wrdreg s24  }
0xaf: {  	[dreg:$0x3] =	wrdreg $0x9  }
0xb0: {  	_ =	task.clear_ibuf [dreg:s6], $0x4FFFF;
	_ =	strace $0x90000046  }
0xb1: {  	s29 =	simm.s32 $0x9;
	_ =	strace $0x80000048  }
0xb2: {  	_ =	swait.ge [sflag:s29], $0x1  }
0xb3: {  	[sflag:s29] =	ssyncadd.s32 $0xFFFFFFFF  }
0xb4: {  	_ =	strace $0x90000048  }
0xb5: {  	_ =	sfence  }
0xb6: {  	s30 =	sld [smem:$0x0];
	_ =	sdelay $0x2  }
0xb7: {  	s31 =	sshll.u32 s1, $0xD;
	s1 =	sshrl.u32 s1, $0x2  }
0xb8: {  	s3 =	sand.u32 $0x4000, s31;
	s1 =	sadd.s32 s1, s30  }
0xb9: {  	s0 =	sor.u32 s3, s0;
	s1 =	sshll.u32 s1, $0x11  }
0xba: {  	s0 =	sor.u32 s1, s0  }
0xbb: {  	s0 =	sadd.s32 $0x8F2B, s0  }
0xbc: {  	[sflag:s0] =	ssyncadd.remote.s32 $0x1  }
0xbd: {  	_ =	sfence.sel $0xFFFF  }
0xbe: {  	[dreg:$0x0] =	wrdreg $0xFFFFFFFF;
	(pc) =	sbr.abs _section_cstart, $3  }
0xbf: {  	[dreg:$0x1] =	wrdreg $0xFFFFFFFF  }
0xc0: {  	_ =	task.clear_ibuf [dreg:s6], $0x2FFFF;
	_ =	strace $0x9FFFFFFF  }
0xc1: {  	(tm) =	ssettm $0x7FFFFFFF  }
tec
execute0_lowered:
.L_overlay_start_1:
0x0: {  	(tag) =	ssettag $0x1  }
0x1: {  	s3 =	rddreg [dreg:$0x0]  }
0x2: {  	s0 =	rddreg [dreg:$0x1]  }
0x3: {  	s1 =	stileid.u32;
	s2 =	simm.s32 $0x0;
	s4 =	srdreg.scid  }
0x4: {  	s9 =	simm.s32 $0x1400;
	s10 =	simm.s32 $0x0;
	s5 =	sshrl.u32 s1, $0x2  }
0x5: {  	s4 =	sand.u32 $0x1, s4;
	s6 =	sshll.u32 s1, $0x8;
	[smem:$0x7FF] =	sst s2  }
0x6: {  	s7 =	smul.u32 $0xA000, s5;
	s8 =	sshll.u32 s4, $0x7;
	s6 =	sand.u32 $0x300, s6  }
0x7: {  	s5 =	smul.u32 $0x14000, s5;
	s4 =	ssub.s32 $0x2, s4;
	s6 =	sor.u32 s8, s6  }
0x8: {  	_ =	strace $0x80000047;
	s30 =	sshrl.u32 s4, $0x1;
	s7 =	sor.u32 s7, s6  }
0x9: {  	s8 =	simm.s32 $0x1;
	s5 =	sor.u32 s5, s6;
	s29 =	sshrl.u32 s7, $0x3  }
0xa: {  	s31 =	ssub.s32 s4, s30;
	s5 =	sshrl.u32 s5, $0x3;
	s6 =	sadd.s32 s29, s3  }
0xb: {  	s7 =	simm.s32 $0x400;
	s5 =	sadd.s32 s5, s3;
	s3 =	sadd.s32 $0x4C00, s6  }
0xc: {  	v0 =	vimm.f32 $0.0e+00;
	v1 =	vimm.f32 $1.000000000e+00;
	s4 =	sadd.s32 $0x9C00, s5;
	s5 =	smax.u32 s31, $0x1;
	s6 =	simm.s32 $0x80  }
.LBB2_1:
0xd: {  	[tilespmem:s2], [sflag:$0x1] =	stream.strided.gather [hbm4b:s3+s6], $0x1400, s7, s6, $0x38;
	[tilespmem:$0x3C00] =	vst v63  }
0xe: {  	_ =	swait.ge [sflag:s8], $0x1400  }
0xf: {  	[sflag:s8] =	ssyncset.done $0x0  }
0x10: {  	s11 =	simm.s32 $0x0;
	[sflag:s8] =	ssyncadd.s32 $0xFFFFEC00  }
.LBB2_2:
0x11: {  	p0 =	sne.s32 s11, $0x9FC0  }
.Ltmp0:
0x12: {  	_ = 	snop;
	(pc) =	sbr.rel @p0 .LBB2_2-.Ltmp0, $3  }
0x13: {  	_ =	sdelay $0x1  }
0x14: {  	s12 =	sshra.s32 s11, $0x2  }
0x15: {  	s11 =	sadd.s32 $0x40, s11;
	[tilespmem:s12+$0x1400] =	vst v0  }
0x16: {  	s12 =	simm.s32 $0x0;
	s11 =	simm.s32 $0x40  }
.LBB2_4:
0x17: {  	p0 =	sne.s32 s11, $0x4EC0;
	v2 =	vld [tilespmem:s12+$0x0];
	_ =	sdelay $0x3  }
.Ltmp1:
0x18: {  	(pc) =	sbr.rel @p0 .LBB2_4-.Ltmp1, $2  }
0x19: {  	_ =	sdelay $0x2  }
0x1a: {  	s12 =	sshra.s32 s11, $0x2;
	s11 =	sadd.s32 $0x40, s11;
	[tilespmem:v2+s9+$0x0] =	vst.idx.add.f32.msk $0xffff, v1  }
0x1b: {  	v2 =	vld [tilespmem:s12+$0x0];
	_ =	sdelay $0x5  }
0x1c: {  	s10 =	sadd.s32 $0x1, s10  }
0x1d: {  	p0 =	sne.s32 s10, s5  }
.Ltmp2:
0x1e: {  	[tilespmem:v2+s9+$0x0] =	vst.idx.add.f32.msk $0xffff, v1;
	(pc) =	sbr.rel @p0 .LBB2_1-.Ltmp2, $4  }
0x1f: {  	[hbm4b:s4+s6] =	stream.strided.scatter [tilespmem:s9], [sflag:$0x1], $0x2800, s7, s6, $0x38;
	[tilespmem:$0x3C00] =	vst v63  }
0x20: {  	_ =	swait.ge [sflag:s8], $0x2800  }
0x21: {  	[sflag:s8] =	ssyncset.done $0x0  }
0x22: {  	[sflag:s8] =	ssyncadd.s32 $0xFFFFD800  }
0x23: {  	_ =	sfence.sel $0x180000  }
0x24: {  	[bflag:$0x0] =	sbarrier.arrive $0xFFFF  }
0x25: {  	p0 =	sne.s32 s1, $0x0;
	_ =	strace $0x90000047  }
0x26: {  	s0 =	sadd.s32 @!p0 $0x100000, s0;
	[bflag:$0x2] =	sbarrier.arrive $0xFFFF  }
0x27: {  	[sflag:s0] =	ssyncadd.tile.s32 @!p0 $0x1;
	_ =	shalt  }
.Lfunc_end2:
_tile_overlayer_lowered:
.L_overlay_start_2:
0x28: {  	(tag) =	ssettag $0x2  }
0x29: {  	s0 =	rddreg [dreg:$0x0];
	s2 =	stileid.u32  }
0x2a: {  	s1 =	rddreg [dreg:$0x1];
	p0 =	sne.s32 s2, $0x0  }
0x2b: {  	s3 =	rddreg [dreg:$0x2];
	[bflag:$0x3] =	sbarrier.arrive $0xFFFF;
	s2 =	simm.s32 @!p0 $0x1C01  }
0x2c: {  	[timem:s3], [sflag:s2] =	dma.local @!p0 [hbm:s0], s1  }
0x2d: {  	s0 =	simm.s32 @!p0 $0x1  }
0x2e: {  	_ =	swait.ge @!p0 [sflag:s0], s1  }
0x2f: {  	s1 =	ssub.s32 @!p0 $0x0, s1;
	[sflag:s0] =	ssyncset.done @!p0 $0x0  }
0x30: {  	[sflag:s0] =	ssyncadd.s32 @!p0 s1  }
0x31: {  	[bflag:$0x3] =	sbarrier.arrive $0xFFFF  }
0x32: {  	_ =	shalt  }

// kernel: kernel.14.cloned.1.call-start
scs
__scs_entry_jumppad:
0x0: {  	(pc) =	sbr.rel $0x88, $3  }
0x1: {  	(tag) =	ssettag $0x0;
	lr =	simm.s32 $0x1  }
0x2: {  	[smem:$0x3F97] =	sst lr;
	_ =	strace $0xD0000000  }
0x3: {  	_ = 	snop  }
0x4: {  	_ = 	snop  }
0x5: {  	_ = 	snop  }
0x6: {  	_ = 	snop  }
0x7: {  	_ = 	snop  }
__scs_overlays_trampoline_lowered:
0x8: {  	[smem:$0x3FA6] =	sst s0  }
0x9: {  	[smem:$0x3FA7] =	sst s1  }
0xa: {  	[smem:$0x3FA8] =	sst s2  }
0xb: {  	[smem:$0x3FA9] =	sst s3  }
0xc: {  	[smem:$0x3FAA] =	sst s4  }
0xd: {  	[smem:$0x3FAB] =	sst s5  }
0xe: {  	[smem:$0x3FAC] =	sst s6  }
0xf: {  	[smem:$0x3FAD] =	sst s7  }
0x10: {  	[smem:$0x3FAE] =	sst s8  }
0x11: {  	[smem:$0x3FAF] =	sst s9;
	s0 =	simm.s32 @!p0 $0x0  }
0x12: {  	s1 =	sld [smem:$0x3F95];
	s0 =	simm.s32 @p0 $0x1  }
0x13: {  	[smem:$0x3FB0] =	sst s0;
	s0 =	simm.s32 @!p1 $0x0  }
0x14: {  	s2 =	sld [smem:$0x3F94];
	s0 =	simm.s32 @p1 $0x1  }
0x15: {  	[smem:$0x3FB1] =	sst s0;
	s0 =	simm.s32 @!p2 $0x0  }
0x16: {  	s3 =	sld [smem:$0x3FDB];
	s0 =	simm.s32 @p2 $0x1  }
0x17: {  	s4 =	simm.s32 $0x1BF5;
	[smem:$0x3FB3] =	sst s0  }
0x18: {  	s0 =	sld [smem:$0x3F96];
	_ =	swait.ge [sflag:s4], $0x0  }
0x19: {  	s7 =	sld [smem:$0x3F97]  }
0x1a: {  	s8 =	sadd.s32 $0xFFFFE003, lr  }
0x1b: {  	s9 =	sadd.s32 $0xFFFFFEF7, lr;
	s5 =	simm.s32 $0xFFFFFFFF;
	p2 =	slt.u32 s8, $0xFFFFF086  }
0x1c: {  	p1 =	slt.u32 s9, $0xF7A;
	s5 =	simm.s32 @!p2 $0x0  }
0x1d: {  	s5 =	simm.s32 @p1 $0x1;
	p0 =	seq.s32 s7, s2  }
0x1e: {  	s7 =	smul.u32 @!p0 $0xF7A, s2;
	p2 =	seq.s32 @!p0 s5, $0x0  }
0x1f: {  	s9 =	smul.u32 $0xF7A, s1;
	s8 =	simm.s32 @!p0 $0x1BF5;
	p2 =	por !p2, p0  }
0x20: {  	[sflag:s8] =	ssyncset.s32 @!p0 $0xFFFFF086;
	s6 =	sadd.s32 @!p0 s3, s7;
	s7 =	simm.s32 @!p0 $0x108  }
0x21: {  	s3 =	sadd.s32 s3, s9;
	s6 =	sadd.s32 @!p0 $0x88, s6;
	s7 =	simm.s32 @p2 $0x1082  }
0x22: {  	[simem:s7], [sflag:s8] =	dma.local @!p0 [hbm:s6], $0xF7A  }
0x23: {  	s9 =	sor.u32 $0xD0000000, s2;
	s6 =	simm.s32 $0x108;
	_ =	swait.ge @!p0 [sflag:s8], $0x0  }
0x24: {  	s3 =	sadd.s32 $0x88, s3;
	s6 =	simm.s32 @!p1 $0x1082;
	[sflag:s4] =	ssyncset.s32 $0xFFFFF086  }
0x25: {  	[simem:s6], [sflag:s4] =	dma.local [hbm:s3], $0xF7A  }
0x26: {  	[smem:$0x3F97] =	sst s1;
	(tag) =	ssettag s2;
	_ =	strace s9  }
0x27: {  	s1 =	sld [smem:$0x3FA7]  }
0x28: {  	s2 =	sld [smem:$0x3FA8]  }
0x29: {  	s4 =	sld [smem:$0x3FAA]  }
0x2a: {  	p0 =	seq.s32 s5, $0x0;
	s5 =	sld [smem:$0x3FAB]  }
0x2b: {  	s6 =	sld [smem:$0x3FAC]  }
0x2c: {  	s7 =	sld [smem:$0x3FAD]  }
0x2d: {  	s3 =	simm.s32 $0x108;
	s8 =	sld [smem:$0x3FAE]  }
0x2e: {  	s3 =	simm.s32 @!p0 $0x1082;
	s9 =	sld [smem:$0x3FAF]  }
0x2f: {  	lr =	sadd.s32 s0, s3;
	s0 =	sld [smem:$0x3FA6]  }
0x30: {  	s3 =	sld [smem:$0x3FA9]  }
0x31: {  	[smem:$0x3FB2] =	sst s10  }
0x32: {  	s10 =	sld [smem:$0x3FB0];
	_ =	sdelay $0x3  }
0x33: {  	p0 =	seq.s32 s10, $0x1;
	s10 =	sld [smem:$0x3FB2];
	_ =	sdelay $0x3  }
0x34: {  	[smem:$0x3FB2] =	sst s10  }
0x35: {  	s10 =	sld [smem:$0x3FB1];
	_ =	sdelay $0x3  }
0x36: {  	p1 =	seq.s32 s10, $0x1;
	s10 =	sld [smem:$0x3FB2];
	_ =	sdelay $0x3  }
0x37: {  	[smem:$0x3FB2] =	sst s10  }
0x38: {  	s10 =	sld [smem:$0x3FB3]  }
0x39: {  	_ = 	snop;
	(pc) =	sbr.ind lr, $3  }
0x3a: {  	_ = 	snop  }
0x3b: {  	_ = 	snop  }
0x3c: {  	p2 =	seq.s32 s10, $0x1;
	s10 =	sld [smem:$0x3FB2]  }
0x3d: {  	_ =	shalt  }
0x3e: {  	_ =	shalt  }
0x3f: {  	_ =	shalt  }
0x40: {  	_ =	shalt  }
0x41: {  	_ =	shalt  }
0x42: {  	_ =	shalt  }
0x43: {  	_ =	shalt  }
0x44: {  	_ =	shalt  }
0x45: {  	_ =	shalt  }
0x46: {  	_ =	shalt  }
0x47: {  	_ =	shalt  }
0x48: {  	_ =	shalt  }
0x49: {  	_ =	shalt  }
0x4a: {  	_ =	shalt  }
0x4b: {  	_ =	shalt  }
0x4c: {  	_ =	shalt  }
0x4d: {  	_ =	shalt  }
0x4e: {  	_ =	shalt  }
0x4f: {  	_ =	shalt  }
0x50: {  	_ =	shalt  }
0x51: {  	_ =	shalt  }
0x52: {  	_ =	shalt  }
0x53: {  	_ =	shalt  }
0x54: {  	_ =	shalt  }
0x55: {  	_ =	shalt  }
0x56: {  	_ =	shalt  }
0x57: {  	_ =	shalt  }
0x58: {  	_ =	shalt  }
0x59: {  	_ =	shalt  }
0x5a: {  	_ =	shalt  }
0x5b: {  	_ =	shalt  }
0x5c: {  	_ =	shalt  }
0x5d: {  	_ =	shalt  }
0x5e: {  	_ =	shalt  }
0x5f: {  	_ =	shalt  }
0x60: {  	_ =	shalt  }
0x61: {  	_ =	shalt  }
0x62: {  	_ =	shalt  }
0x63: {  	_ =	shalt  }
0x64: {  	_ =	shalt  }
0x65: {  	_ =	shalt  }
0x66: {  	_ =	shalt  }
0x67: {  	_ =	shalt  }
0x68: {  	_ =	shalt  }
0x69: {  	_ =	shalt  }
0x6a: {  	_ =	shalt  }
0x6b: {  	_ =	shalt  }
0x6c: {  	_ =	shalt  }
0x6d: {  	_ =	shalt  }
0x6e: {  	_ =	shalt  }
0x6f: {  	_ =	shalt  }
0x70: {  	_ =	shalt  }
0x71: {  	_ =	shalt  }
0x72: {  	_ =	shalt  }
0x73: {  	_ =	shalt  }
0x74: {  	_ =	shalt  }
0x75: {  	_ =	shalt  }
0x76: {  	_ =	shalt  }
0x77: {  	_ =	shalt  }
0x78: {  	_ =	shalt  }
0x79: {  	_ =	shalt  }
0x7a: {  	_ =	shalt  }
0x7b: {  	_ =	shalt  }
0x7c: {  	_ =	shalt  }
0x7d: {  	_ =	shalt  }
0x7e: {  	_ =	shalt  }
0x7f: {  	_ =	shalt  }
0x80: {  	_ =	shalt  }
0x81: {  	_ =	shalt  }
0x82: {  	_ =	shalt  }
0x83: {  	_ =	shalt  }
0x84: {  	_ =	shalt  }
0x85: {  	_ =	shalt  }
0x86: {  	_ =	shalt  }
0x87: {  	_ =	shalt  }
.Lfunc_end0:
.L_simem_size_0:
called_computation.1_lowered:
.L_overlay_start_0:
0x88: {  	s2 =	sld [smem:$0x3FD9]  }
0x89: {  	s3 =	sld [smem:$0x3FFE];
	_ =	sdelay $0x1  }
0x8a: {  	s1 =	srdreg.scid  }
0x8b: {  	s0 =	sand.u32 $0x1, s1  }
0x8c: {  	s16 =	sshll.u32 s0, $0xA;
	s2 =	sadd.s32 s3, s2  }
0x8d: {  	s2 =	sadd.s32 s2, s16  }
0x8e: {  	[smem:$0x3FBE] =	sst s2  }
0x8f: {  	_ = 	snop  }
0x90: {  	(tm) =	ssettm $0x1  }
0x91: {  	s17 =	sld [smem:$0x3FFB];
	_ =	sdelay $0x3  }
0x92: {  	_ =	strace s17  }
0x93: {  	s2 =	sld [smem:$0x3FFC];
	_ =	sdelay $0x3  }
0x94: {  	_ =	strace s2  }
0x95: {  	s2 =	sld [smem:$0x3FFD];
	_ =	sdelay $0x3  }
0x96: {  	_ =	strace s2  }
0x97: {  	_ =	strace $0x8FFFFFFF  }
0x98: {  	s18 =	sld [smem:$0x3FDB];
	_ =	sdelay $0x1  }
0x99: {  	s19 =	simm.s32 $_scs_section_size  }
0x9a: {  	s4 =	simm.s32 $_size__tile_overlayer_lowered;
	s5 =	simm.s32 $_tile_overlayer_lowered  }
0x9b: {  	s22 =	simm.s32 $0x1BFF;
	s21 =	sshll.u32 s5, $0x1;
	s2 =	sadd.s32 s19, s18  }
0x9c: {  	s6 =	simm.s32 $0x0;
	s20 =	sshll.u32 s4, $0x1;
	s4 =	sadd.s32 s21, s2  }
0x9d: {  	[timem:s6], [sflag:s22] =	dma.local [hbm:s4], s20  }
0x9e: {  	_ =	swait.ge [sflag:s22], s20  }
0x9f: {  	s3 =	ssub.s32 $0x0, s20;
	[sflag:s22] =	ssyncset.done $0x0  }
0xa0: {  	[sflag:s22] =	ssyncadd.s32 s3;
	_ =	sdelay $0x1  }
0xa1: {  	s23 =	simm.s32 $0x1B8B  }
0xa2: {  	_ =	swait.ge [sflag:s23], $0x1  }
0xa3: {  	[sflag:s23] =	ssyncset.done $0x0  }
0xa4: {  	s25 =	simm.s32 $0x1B8E;
	s24 =	sld [smem:$0x3FFE];
	[sflag:s23] =	ssyncadd.s32 $0xFFFFFFFF  }
0xa5: {  	s26 =	simm.s32 $execute0_lowered;
	[smem:$0x3FD2] =	sst s25  }
0xa6: {  	s4 =	sshll.u32 s26, $0x1;
	_ =	strace $0x80000049;
	[dreg:$0x1] =	wrdreg $0xFFFFFFFF  }
0xa7: {  	s28 =	simm.s32 $_size_execute0_lowered;
	s2 =	sadd.s32 s2, s4;
	[dreg:$0x0] =	wrdreg $0x0  }
0xa8: {  	s4 =	sshll.u32 s28, $0x1;
	[dreg:$0x2] =	wrdreg s2  }
0xa9: {  	[dreg:$0x3] =	wrdreg s4  }
0xaa: {  	[dreg:$0x4] =	wrdreg $0xC0  }
0xab: {  	_ =	task [dreg:s6], $0x5FFFF  }
0xac: {  	[dreg:$0x1] =	wrdreg $0xFFFFFFFF  }
0xad: {  	[dreg:$0x0] =	wrdreg $0x60  }
0xae: {  	[dreg:$0x2] =	wrdreg s24  }
0xaf: {  	[dreg:$0x3] =	wrdreg $0x90000  }
0xb0: {  	[dreg:$0x4] =	wrdreg $0x9  }
0xb1: {  	_ =	task.clear_ibuf [dreg:s6], $0x5FFFF;
	_ =	strace $0x90000049  }
0xb2: {  	s29 =	simm.s32 $0x9;
	_ =	strace $0x8000004B  }
0xb3: {  	_ =	swait.ge [sflag:s29], $0x1  }
0xb4: {  	[sflag:s29] =	ssyncadd.s32 $0xFFFFFFFF  }
0xb5: {  	_ =	strace $0x9000004B  }
0xb6: {  	_ =	sfence  }
0xb7: {  	s30 =	sld [smem:$0x0];
	_ =	sdelay $0x2  }
0xb8: {  	s31 =	sshll.u32 s1, $0xD;
	s1 =	sshrl.u32 s1, $0x2  }
0xb9: {  	s3 =	sand.u32 $0x4000, s31;
	s1 =	sadd.s32 s1, s30  }
0xba: {  	s0 =	sor.u32 s3, s0;
	s1 =	sshll.u32 s1, $0x11  }
0xbb: {  	s0 =	sor.u32 s1, s0  }
0xbc: {  	s0 =	sadd.s32 $0x8F2B, s0  }
0xbd: {  	[sflag:s0] =	ssyncadd.remote.s32 $0x1  }
0xbe: {  	_ =	sfence.sel $0xFFFF  }
0xbf: {  	[dreg:$0x0] =	wrdreg $0xFFFFFFFF;
	(pc) =	sbr.abs _section_cstart, $3  }
0xc0: {  	[dreg:$0x1] =	wrdreg $0xFFFFFFFF  }
0xc1: {  	_ =	task.clear_ibuf [dreg:s6], $0x2FFFF;
	_ =	strace $0x9FFFFFFF  }
0xc2: {  	(tm) =	ssettm $0x7FFFFFFF  }
0xc3: {  	_ =	shalt  }
tec
execute0_lowered:
.L_overlay_start_1:
0x0: {  	(tag) =	ssettag $0x1  }
0x1: {  	s8 =	rddreg [dreg:$0x0]  }
0x2: {  	s2 =	rddreg [dreg:$0x1]  }
0x3: {  	s0 =	rddreg [dreg:$0x2];
	s3 =	simm.s32 $0x0  }
0x4: {  	s1 =	stileid.u32;
	s7 =	srdreg.scid;
	s15 =	simm.s32 $0x40  }
0x5: {  	s16 =	simm.s32 $0x5000;
	s17 =	simm.s32 $0x80;
	s18 =	simm.s32 $0x7000  }
0x6: {  	s19 =	simm.s32 $0x1;
	s20 =	simm.s32 $0x2;
	s21 =	simm.s32 $0x4E40  }
0x7: {  	s22 =	simm.s32 $0x4EC0;
	s23 =	simm.s32 $0x0;
	[smem:$0x7FF] =	sst s3  }
0x8: {  	s6 =	smul.u32 $0xA00, s1;
	s4 =	sadd.s32 $0x6DC00, s8;
	s5 =	sadd.s32 $0x95C00, s8  }
0x9: {  	s12 =	sand.u32 $0x1, s7;
	s11 =	smul.u32 $0x50000, s1;
	s7 =	sadd.s32 $0xBDC00, s8  }
0xa: {  	s31 =	sshll.u32 s1, $0x6;
	_ =	strace $0x8000004A;
	s10 =	ssub.s32 $0x2, s12  }
.Ltmp0:
0xb: {  	p0 =	sne.s32 s12, $0x0;
	s12 =	simm.s32 $0x3;
	(pc) =	sbr.rel .LBB2_1-.Ltmp0, $4  }
0xc: {  	s9 =	sadd.s32 s6, s8;
	s6 =	sadd.s32 $0x4C00, s8;
	s13 =	sshrl.u32 s10, $0x1  }
0xd: {  	s8 =	sadd.s32 $0xE5C00, s8;
	s30 =	sshrl.u32 s11, $0x2;
	s13 =	ssub.s32 s10, s13  }
0xe: {  	s9 =	sadd.s32 $0x13C00, s9;
	s14 =	sadd.s32 s30, s2;
	s10 =	smul.u32 $0x2800, s1  }
0xf: {  	s11 =	smax.u32 s13, $0x1;
	s13 =	sor.u32 $0x1C03, s31;
	s14 =	sshrl.u32 s14, $0x3  }
.LBB2_7:
0x10: {  	[tilespmem:s18], [sflag:$0x2] =	stream.indirect.gather [hbm4b:s5+s15], $0x80, s25, s15, $0xb8;
	[tilespmem:$0x1D000] =	vst v63  }
0x11: {  	s24 =	smov.u32 s8  }
.LBB2_8:
0x12: {  	_ =	swait.ge [sflag:s19], $0x2000  }
0x13: {  	[sflag:s19] =	ssyncset.done $0x0  }
0x14: {  	[sflag:s19] =	ssyncadd.s32 $0xFFFFE000  }
0x15: {  	[spmem:s2] =	stream.indirect.scatter.add.f32 [tilespmem:s16], [sflag:$0x3], $0x80, s21, s15, $0xb8;
	[tilespmem:$0x1D000] =	vst v63  }
0x16: {  	_ =	swait.ge [sflag:s12], $0x2000  }
0x17: {  	[sflag:s12] =	ssyncset.done $0x0  }
0x18: {  	[sflag:s12] =	ssyncadd.s32 $0xFFFFE000  }
0x19: {  	_ =	swait.ge [sflag:s20], $0x2000  }
0x1a: {  	[sflag:s20] =	ssyncset.done $0x0  }
0x1b: {  	[sflag:s20] =	ssyncadd.s32 $0xFFFFE000  }
0x1c: {  	[spmem:s2] =	stream.indirect.scatter.add.f32 [tilespmem:s18], [sflag:$0x3], $0x80, s22, s15, $0xb8;
	[tilespmem:$0x1D000] =	vst v63  }
0x1d: {  	_ =	swait.ge [sflag:s12], $0x2000  }
0x1e: {  	s23 =	sadd.s32 $0x1, s23;
	[sflag:s12] =	ssyncset.done $0x0  }
0x1f: {  	p1 =	sne.s32 s23, s11;
	[sflag:s12] =	ssyncadd.s32 $0xFFFFE000  }
.Ltmp1:
0x20: {  	s24 =	sadd.s32 s24, s10;
	[bflag:$0x0] =	sbarrier.arrive $0xFFFF;
	(pc) =	sbr.rel @!p1 .LBB2_9-.Ltmp1, $4  }
0x21: {  	[hbm:s24], [sflag:s13] =	dma.local [spmem:s14], $0x2800  }
0x22: {  	_ =	swait.ge [sflag:s12], $0x2800  }
0x23: {  	[sflag:s12] =	ssyncset.done $0x0  }
0x24: {  	[sflag:s12] =	ssyncadd.s32 $0xFFFFD800  }
.LBB2_1:
0x25: {  	[tilespmem:s3], [sflag:$0x3] =	stream.linear.gather [hbm4b:s9+s3], $0x4F00, $0x38;
	[tilespmem:$0x1D000] =	vst v63  }
0x26: {  	_ =	swait.ge [sflag:s12], $0x4F00  }
0x27: {  	[sflag:s12] =	ssyncset.done $0x0  }
0x28: {  	[sflag:s12] =	ssyncadd.s32 $0xFFFFB100  }
0x29: {  	[spmem:s14], [sflag:s13] =	dma.local [hbm:s6], $0x2800  }
.Ltmp2:
0x2a: {  	_ =	swait.ge [sflag:s12], $0x2800;
	(pc) =	sbr.rel @p0 .LBB2_5-.Ltmp2, $3  }
0x2b: {  	[sflag:s12] =	ssyncset.done $0x0  }
0x2c: {  	[sflag:s12] =	ssyncadd.s32 $0xFFFFD800  }
0x2d: {  	[bflag:$0x0] =	sbarrier.arrive $0xFFFF;
	_ =	sdelay $0x1  }
0x2e: {  	[tilespmem:s16], [sflag:$0x1] =	stream.indirect.gather [hbm4b:s4+s15], $0x80, s3, s15, $0xb8;
	[tilespmem:$0x1D000] =	vst v63  }
0x2f: {  	_ = 	snop  }
0x30: {  	[tilespmem:s18], [sflag:$0x2] =	stream.indirect.gather [hbm4b:s4+s15], $0x80, s17, s15, $0xb8;
	[tilespmem:$0x1D000] =	vst v63  }
0x31: {  	_ =	swait.ge [sflag:s19], $0x2000  }
0x32: {  	[sflag:s19] =	ssyncset.done $0x0  }
0x33: {  	s24 =	simm.s32 $0x40;
	[sflag:s19] =	ssyncadd.s32 $0xFFFFE000  }
0x34: {  	[spmem:s2] =	stream.indirect.scatter.add.f32 [tilespmem:s16], [sflag:$0x3], $0x80, s24, s15, $0xb8;
	[tilespmem:$0x1D000] =	vst v63  }
0x35: {  	_ =	swait.ge [sflag:s12], $0x2000  }
0x36: {  	[sflag:s12] =	ssyncset.done $0x0  }
0x37: {  	s30 =	simm.s32 $0x100;
	[sflag:s12] =	ssyncadd.s32 $0xFFFFE000  }
0x38: {  	[tilespmem:s16], [sflag:$0x1] =	stream.indirect.gather [hbm4b:s4+s15], $0x80, s30, s15, $0xb8;
	[tilespmem:$0x1D000] =	vst v63  }
0x39: {  	_ =	swait.ge [sflag:s20], $0x2000  }
0x3a: {  	[sflag:s20] =	ssyncset.done $0x0  }
0x3b: {  	s31 =	simm.s32 $0xC0;
	[sflag:s20] =	ssyncadd.s32 $0xFFFFE000  }
0x3c: {  	[spmem:s2] =	stream.indirect.scatter.add.f32 [tilespmem:s18], [sflag:$0x3], $0x80, s31, s15, $0xb8;
	[tilespmem:$0x1D000] =	vst v63  }
0x3d: {  	_ =	swait.ge [sflag:s12], $0x2000  }
0x3e: {  	[sflag:s12] =	ssyncset.done $0x0  }
0x3f: {  	s25 =	simm.s32 $0x180;
	s24 =	simm.s32 $0xFFFECC00;
	[sflag:s12] =	ssyncadd.s32 $0xFFFFE000  }
.LBB2_3:
0x40: {  	[tilespmem:s18], [sflag:$0x2] =	stream.indirect.gather [hbm4b:s4+s15], $0x80, s25, s15, $0xb8;
	[tilespmem:$0x1D000] =	vst v63  }
0x41: {  	s25 =	smov.u32 s24  }
0x42: {  	p1 =	seq.s32 s24, $0xFFFFFC00;
	s24 =	sadd.s32 $0x400, s24;
	_ =	swait.ge [sflag:s19], $0x2000  }
0x43: {  	s25 =	sshra.s32 s25, $0x2;
	[sflag:s19] =	ssyncset.done $0x0  }
0x44: {  	s26 =	sadd.s32 $0x4E40, s25;
	[sflag:s19] =	ssyncadd.s32 $0xFFFFE000  }
0x45: {  	[spmem:s2] =	stream.indirect.scatter.add.f32 [tilespmem:s16], [sflag:$0x3], $0x80, s26, s15, $0xb8;
	[tilespmem:$0x1D000] =	vst v63  }
0x46: {  	_ =	swait.ge [sflag:s12], $0x2000  }
0x47: {  	[sflag:s12] =	ssyncset.done $0x0  }
0x48: {  	s26 =	sadd.s32 $0x4F00, s25;
	[sflag:s12] =	ssyncadd.s32 $0xFFFFE000  }
0x49: {  	[tilespmem:s16], [sflag:$0x1] =	stream.indirect.gather [hbm4b:s4+s15], $0x80, s26, s15, $0xb8;
	[tilespmem:$0x1D000] =	vst v63  }
0x4a: {  	_ =	swait.ge [sflag:s20], $0x2000  }
0x4b: {  	[sflag:s20] =	ssyncset.done $0x0  }
.Ltmp3:
0x4c: {  	s26 =	sadd.s32 $0x4EC0, s25;
	[sflag:s20] =	ssyncadd.s32 $0xFFFFE000;
	(pc) =	sbr.rel @!p1 .LBB2_3-.Ltmp3, $4  }
0x4d: {  	[spmem:s2] =	stream.indirect.scatter.add.f32 [tilespmem:s18], [sflag:$0x3], $0x80, s26, s15, $0xb8;
	[tilespmem:$0x1D000] =	vst v63  }
0x4e: {  	_ =	swait.ge [sflag:s12], $0x2000  }
0x4f: {  	[sflag:s12] =	ssyncset.done $0x0  }
0x50: {  	s25 =	sadd.s32 $0x4F80, s25;
	[sflag:s12] =	ssyncadd.s32 $0xFFFFE000  }
.Ltmp4:
0x51: {  	(pc) =	sbr.rel .LBB2_8-.Ltmp4, $3  }
0x52: {  	_ =	sdelay $0x1  }
0x53: {  	[tilespmem:s18], [sflag:$0x2] =	stream.indirect.gather [hbm4b:s4+s15], $0x80, s25, s15, $0xb8;
	[tilespmem:$0x1D000] =	vst v63  }
0x54: {  	s24 =	smov.u32 s7  }
.LBB2_5:
0x55: {  	[tilespmem:s16], [sflag:$0x1] =	stream.indirect.gather [hbm4b:s5+s15], $0x80, s3, s15, $0xb8;
	[tilespmem:$0x1D000] =	vst v63  }
0x56: {  	_ = 	snop  }
0x57: {  	[tilespmem:s18], [sflag:$0x2] =	stream.indirect.gather [hbm4b:s5+s15], $0x80, s17, s15, $0xb8;
	[tilespmem:$0x1D000] =	vst v63  }
0x58: {  	_ =	swait.ge [sflag:s19], $0x2000  }
0x59: {  	[sflag:s19] =	ssyncset.done $0x0  }
0x5a: {  	s24 =	simm.s32 $0x40;
	[sflag:s19] =	ssyncadd.s32 $0xFFFFE000  }
0x5b: {  	[spmem:s2] =	stream.indirect.scatter.add.f32 [tilespmem:s16], [sflag:$0x3], $0x80, s24, s15, $0xb8;
	[tilespmem:$0x1D000] =	vst v63  }
0x5c: {  	_ =	swait.ge [sflag:s12], $0x2000  }
0x5d: {  	[sflag:s12] =	ssyncset.done $0x0  }
0x5e: {  	s30 =	simm.s32 $0x100;
	[sflag:s12] =	ssyncadd.s32 $0xFFFFE000  }
0x5f: {  	[tilespmem:s16], [sflag:$0x1] =	stream.indirect.gather [hbm4b:s5+s15], $0x80, s30, s15, $0xb8;
	[tilespmem:$0x1D000] =	vst v63  }
0x60: {  	_ =	swait.ge [sflag:s20], $0x2000  }
0x61: {  	[sflag:s20] =	ssyncset.done $0x0  }
0x62: {  	s31 =	simm.s32 $0xC0;
	[sflag:s20] =	ssyncadd.s32 $0xFFFFE000  }
0x63: {  	[spmem:s2] =	stream.indirect.scatter.add.f32 [tilespmem:s18], [sflag:$0x3], $0x80, s31, s15, $0xb8;
	[tilespmem:$0x1D000] =	vst v63  }
0x64: {  	_ =	swait.ge [sflag:s12], $0x2000  }
0x65: {  	[sflag:s12] =	ssyncset.done $0x0  }
0x66: {  	s25 =	simm.s32 $0x180;
	s24 =	simm.s32 $0xFFFECC00;
	[sflag:s12] =	ssyncadd.s32 $0xFFFFE000  }
.LBB2_6:
0x67: {  	[tilespmem:s18], [sflag:$0x2] =	stream.indirect.gather [hbm4b:s5+s15], $0x80, s25, s15, $0xb8;
	[tilespmem:$0x1D000] =	vst v63  }
0x68: {  	s25 =	smov.u32 s24  }
0x69: {  	p1 =	sne.s32 s24, $0xFFFFFC00;
	s24 =	sadd.s32 $0x400, s24;
	_ =	swait.ge [sflag:s19], $0x2000  }
0x6a: {  	s25 =	sshra.s32 s25, $0x2;
	[sflag:s19] =	ssyncset.done $0x0  }
0x6b: {  	s26 =	sadd.s32 $0x4E40, s25;
	[sflag:s19] =	ssyncadd.s32 $0xFFFFE000  }
0x6c: {  	[spmem:s2] =	stream.indirect.scatter.add.f32 [tilespmem:s16], [sflag:$0x3], $0x80, s26, s15, $0xb8;
	[tilespmem:$0x1D000] =	vst v63  }
0x6d: {  	_ =	swait.ge [sflag:s12], $0x2000  }
0x6e: {  	[sflag:s12] =	ssyncset.done $0x0  }
0x6f: {  	s26 =	sadd.s32 $0x4F00, s25;
	[sflag:s12] =	ssyncadd.s32 $0xFFFFE000  }
0x70: {  	[tilespmem:s16], [sflag:$0x1] =	stream.indirect.gather [hbm4b:s5+s15], $0x80, s26, s15, $0xb8;
	[tilespmem:$0x1D000] =	vst v63  }
0x71: {  	_ =	swait.ge [sflag:s20], $0x2000  }
0x72: {  	[sflag:s20] =	ssyncset.done $0x0  }
.Ltmp5:
0x73: {  	s26 =	sadd.s32 $0x4EC0, s25;
	[sflag:s20] =	ssyncadd.s32 $0xFFFFE000;
	(pc) =	sbr.rel @p1 .LBB2_6-.Ltmp5, $4  }
0x74: {  	[spmem:s2] =	stream.indirect.scatter.add.f32 [tilespmem:s18], [sflag:$0x3], $0x80, s26, s15, $0xb8;
	[tilespmem:$0x1D000] =	vst v63  }
0x75: {  	_ =	swait.ge [sflag:s12], $0x2000  }
0x76: {  	[sflag:s12] =	ssyncset.done $0x0  }
0x77: {  	s25 =	sadd.s32 $0x4F80, s25;
	[sflag:s12] =	ssyncadd.s32 $0xFFFFE000  }
.Ltmp6:
0x78: {  	_ = 	snop;
	(pc) =	sbr.rel .LBB2_7-.Ltmp6, $1  }
0x79: {  	_ =	sdelay $0x3  }
.LBB2_9:
0x7a: {  	_ =	sfence.sel $0x180000  }
0x7b: {  	[bflag:$0x0] =	sbarrier.arrive $0xFFFF  }
0x7c: {  	p0 =	sne.s32 s1, $0x0;
	_ =	strace $0x9000004A  }
0x7d: {  	s0 =	sadd.s32 @!p0 $0x100000, s0;
	[bflag:$0x2] =	sbarrier.arrive $0xFFFF  }
0x7e: {  	[sflag:s0] =	ssyncadd.tile.s32 @!p0 $0x1;
	_ =	shalt  }
.Lfunc_end2:
_tile_overlayer_lowered:
.L_overlay_start_2:
0x7f: {  	(tag) =	ssettag $0x2  }
0x80: {  	s0 =	rddreg [dreg:$0x0];
	s2 =	stileid.u32  }
0x81: {  	s1 =	rddreg [dreg:$0x1];
	p0 =	sne.s32 s2, $0x0  }
0x82: {  	s3 =	rddreg [dreg:$0x2];
	[bflag:$0x3] =	sbarrier.arrive $0xFFFF;
	s2 =	simm.s32 @!p0 $0x1C03  }
0x83: {  	[timem:s3], [sflag:s2] =	dma.local @!p0 [hbm:s0], s1  }
0x84: {  	s0 =	simm.s32 @!p0 $0x3  }
0x85: {  	_ =	swait.ge @!p0 [sflag:s0], s1  }
0x86: {  	s1 =	ssub.s32 @!p0 $0x0, s1;
	[sflag:s0] =	ssyncset.done @!p0 $0x0  }
0x87: {  	[sflag:s0] =	ssyncadd.s32 @!p0 s1  }
0x88: {  	[bflag:$0x3] =	sbarrier.arrive $0xFFFF  }
0x89: {  	_ =	shalt  }

// kernel: kernel.17.cloned.1.call-start
scs
__scs_entry_jumppad:
0x0: {  	(pc) =	sbr.rel $0x88, $3  }
0x1: {  	(tag) =	ssettag $0x0;
	lr =	simm.s32 $0x1  }
0x2: {  	[smem:$0x3F97] =	sst lr;
	_ =	strace $0xD0000000  }
0x3: {  	_ = 	snop  }
0x4: {  	_ = 	snop  }
0x5: {  	_ = 	snop  }
0x6: {  	_ = 	snop  }
0x7: {  	_ = 	snop  }
__scs_overlays_trampoline_lowered:
0x8: {  	[smem:$0x3FA6] =	sst s0  }
0x9: {  	[smem:$0x3FA7] =	sst s1  }
0xa: {  	[smem:$0x3FA8] =	sst s2  }
0xb: {  	[smem:$0x3FA9] =	sst s3  }
0xc: {  	[smem:$0x3FAA] =	sst s4  }
0xd: {  	[smem:$0x3FAB] =	sst s5  }
0xe: {  	[smem:$0x3FAC] =	sst s6  }
0xf: {  	[smem:$0x3FAD] =	sst s7  }
0x10: {  	[smem:$0x3FAE] =	sst s8  }
0x11: {  	[smem:$0x3FAF] =	sst s9;
	s0 =	simm.s32 @!p0 $0x0  }
0x12: {  	s1 =	sld [smem:$0x3F95];
	s0 =	simm.s32 @p0 $0x1  }
0x13: {  	[smem:$0x3FB0] =	sst s0;
	s0 =	simm.s32 @!p1 $0x0  }
0x14: {  	s2 =	sld [smem:$0x3F94];
	s0 =	simm.s32 @p1 $0x1  }
0x15: {  	[smem:$0x3FB1] =	sst s0;
	s0 =	simm.s32 @!p2 $0x0  }
0x16: {  	s3 =	sld [smem:$0x3FDB];
	s0 =	simm.s32 @p2 $0x1  }
0x17: {  	s4 =	simm.s32 $0x1BF5;
	[smem:$0x3FB3] =	sst s0  }
0x18: {  	s0 =	sld [smem:$0x3F96];
	_ =	swait.ge [sflag:s4], $0x0  }
0x19: {  	s7 =	sld [smem:$0x3F97]  }
0x1a: {  	s8 =	sadd.s32 $0xFFFFE003, lr  }
0x1b: {  	s9 =	sadd.s32 $0xFFFFFEF7, lr;
	s5 =	simm.s32 $0xFFFFFFFF;
	p2 =	slt.u32 s8, $0xFFFFF086  }
0x1c: {  	p1 =	slt.u32 s9, $0xF7A;
	s5 =	simm.s32 @!p2 $0x0  }
0x1d: {  	s5 =	simm.s32 @p1 $0x1;
	p0 =	seq.s32 s7, s2  }
0x1e: {  	s7 =	smul.u32 @!p0 $0xF7A, s2;
	p2 =	seq.s32 @!p0 s5, $0x0  }
0x1f: {  	s9 =	smul.u32 $0xF7A, s1;
	s8 =	simm.s32 @!p0 $0x1BF5;
	p2 =	por !p2, p0  }
0x20: {  	[sflag:s8] =	ssyncset.s32 @!p0 $0xFFFFF086;
	s6 =	sadd.s32 @!p0 s3, s7;
	s7 =	simm.s32 @!p0 $0x108  }
0x21: {  	s3 =	sadd.s32 s3, s9;
	s6 =	sadd.s32 @!p0 $0x88, s6;
	s7 =	simm.s32 @p2 $0x1082  }
0x22: {  	[simem:s7], [sflag:s8] =	dma.local @!p0 [hbm:s6], $0xF7A  }
0x23: {  	s9 =	sor.u32 $0xD0000000, s2;
	s6 =	simm.s32 $0x108;
	_ =	swait.ge @!p0 [sflag:s8], $0x0  }
0x24: {  	s3 =	sadd.s32 $0x88, s3;
	s6 =	simm.s32 @!p1 $0x1082;
	[sflag:s4] =	ssyncset.s32 $0xFFFFF086  }
0x25: {  	[simem:s6], [sflag:s4] =	dma.local [hbm:s3], $0xF7A  }
0x26: {  	[smem:$0x3F97] =	sst s1;
	(tag) =	ssettag s2;
	_ =	strace s9  }
0x27: {  	s1 =	sld [smem:$0x3FA7]  }
0x28: {  	s2 =	sld [smem:$0x3FA8]  }
0x29: {  	s4 =	sld [smem:$0x3FAA]  }
0x2a: {  	p0 =	seq.s32 s5, $0x0;
	s5 =	sld [smem:$0x3FAB]  }
0x2b: {  	s6 =	sld [smem:$0x3FAC]  }
0x2c: {  	s7 =	sld [smem:$0x3FAD]  }
0x2d: {  	s3 =	simm.s32 $0x108;
	s8 =	sld [smem:$0x3FAE]  }
0x2e: {  	s3 =	simm.s32 @!p0 $0x1082;
	s9 =	sld [smem:$0x3FAF]  }
0x2f: {  	lr =	sadd.s32 s0, s3;
	s0 =	sld [smem:$0x3FA6]  }
0x30: {  	s3 =	sld [smem:$0x3FA9]  }
0x31: {  	[smem:$0x3FB2] =	sst s10  }
0x32: {  	s10 =	sld [smem:$0x3FB0];
	_ =	sdelay $0x3  }
0x33: {  	p0 =	seq.s32 s10, $0x1;
	s10 =	sld [smem:$0x3FB2];
	_ =	sdelay $0x3  }
0x34: {  	[smem:$0x3FB2] =	sst s10  }
0x35: {  	s10 =	sld [smem:$0x3FB1];
	_ =	sdelay $0x3  }
0x36: {  	p1 =	seq.s32 s10, $0x1;
	s10 =	sld [smem:$0x3FB2];
	_ =	sdelay $0x3  }
0x37: {  	[smem:$0x3FB2] =	sst s10  }
0x38: {  	s10 =	sld [smem:$0x3FB3]  }
0x39: {  	_ = 	snop;
	(pc) =	sbr.ind lr, $3  }
0x3a: {  	_ = 	snop  }
0x3b: {  	_ = 	snop  }
0x3c: {  	p2 =	seq.s32 s10, $0x1;
	s10 =	sld [smem:$0x3FB2]  }
0x3d: {  	_ =	shalt  }
0x3e: {  	_ =	shalt  }
0x3f: {  	_ =	shalt  }
0x40: {  	_ =	shalt  }
0x41: {  	_ =	shalt  }
0x42: {  	_ =	shalt  }
0x43: {  	_ =	shalt  }
0x44: {  	_ =	shalt  }
0x45: {  	_ =	shalt  }
0x46: {  	_ =	shalt  }
0x47: {  	_ =	shalt  }
0x48: {  	_ =	shalt  }
0x49: {  	_ =	shalt  }
0x4a: {  	_ =	shalt  }
0x4b: {  	_ =	shalt  }
0x4c: {  	_ =	shalt  }
0x4d: {  	_ =	shalt  }
0x4e: {  	_ =	shalt  }
0x4f: {  	_ =	shalt  }
0x50: {  	_ =	shalt  }
0x51: {  	_ =	shalt  }
0x52: {  	_ =	shalt  }
0x53: {  	_ =	shalt  }
0x54: {  	_ =	shalt  }
0x55: {  	_ =	shalt  }
0x56: {  	_ =	shalt  }
0x57: {  	_ =	shalt  }
0x58: {  	_ =	shalt  }
0x59: {  	_ =	shalt  }
0x5a: {  	_ =	shalt  }
0x5b: {  	_ =	shalt  }
0x5c: {  	_ =	shalt  }
0x5d: {  	_ =	shalt  }
0x5e: {  	_ =	shalt  }
0x5f: {  	_ =	shalt  }
0x60: {  	_ =	shalt  }
0x61: {  	_ =	shalt  }
0x62: {  	_ =	shalt  }
0x63: {  	_ =	shalt  }
0x64: {  	_ =	shalt  }
0x65: {  	_ =	shalt  }
0x66: {  	_ =	shalt  }
0x67: {  	_ =	shalt  }
0x68: {  	_ =	shalt  }
0x69: {  	_ =	shalt  }
0x6a: {  	_ =	shalt  }
0x6b: {  	_ =	shalt  }
0x6c: {  	_ =	shalt  }
0x6d: {  	_ =	shalt  }
0x6e: {  	_ =	shalt  }
0x6f: {  	_ =	shalt  }
0x70: {  	_ =	shalt  }
0x71: {  	_ =	shalt  }
0x72: {  	_ =	shalt  }
0x73: {  	_ =	shalt  }
0x74: {  	_ =	shalt  }
0x75: {  	_ =	shalt  }
0x76: {  	_ =	shalt  }
0x77: {  	_ =	shalt  }
0x78: {  	_ =	shalt  }
0x79: {  	_ =	shalt  }
0x7a: {  	_ =	shalt  }
0x7b: {  	_ =	shalt  }
0x7c: {  	_ =	shalt  }
0x7d: {  	_ =	shalt  }
0x7e: {  	_ =	shalt  }
0x7f: {  	_ =	shalt  }
0x80: {  	_ =	shalt  }
0x81: {  	_ =	shalt  }
0x82: {  	_ =	shalt  }
0x83: {  	_ =	shalt  }
0x84: {  	_ =	shalt  }
0x85: {  	_ =	shalt  }
0x86: {  	_ =	shalt  }
0x87: {  	_ =	shalt  }
.Lfunc_end0:
.L_simem_size_0:
called_computation.2_lowered:
.L_overlay_start_0:
0x88: {  	s2 =	sld [smem:$0x3FD9]  }
0x89: {  	s3 =	sld [smem:$0x3FFE];
	_ =	sdelay $0x1  }
0x8a: {  	s1 =	srdreg.scid  }
0x8b: {  	s0 =	sand.u32 $0x1, s1  }
0x8c: {  	s16 =	sshll.u32 s0, $0xA;
	s2 =	sadd.s32 s3, s2  }
0x8d: {  	s2 =	sadd.s32 s2, s16  }
0x8e: {  	[smem:$0x3FBE] =	sst s2  }
0x8f: {  	_ = 	snop  }
0x90: {  	(tm) =	ssettm $0x1  }
0x91: {  	s17 =	sld [smem:$0x3FFB];
	_ =	sdelay $0x3  }
0x92: {  	_ =	strace s17  }
0x93: {  	s2 =	sld [smem:$0x3FFC];
	_ =	sdelay $0x3  }
0x94: {  	_ =	strace s2  }
0x95: {  	s2 =	sld [smem:$0x3FFD];
	_ =	sdelay $0x3  }
0x96: {  	_ =	strace s2  }
0x97: {  	_ =	strace $0x8FFFFFFF  }
0x98: {  	s18 =	sld [smem:$0x3FDB];
	_ =	sdelay $0x1  }
0x99: {  	s19 =	simm.s32 $_scs_section_size  }
0x9a: {  	s4 =	simm.s32 $_size__tile_overlayer_lowered;
	s5 =	simm.s32 $_tile_overlayer_lowered  }
0x9b: {  	s22 =	simm.s32 $0x1BFF;
	s21 =	sshll.u32 s5, $0x1;
	s2 =	sadd.s32 s19, s18  }
0x9c: {  	s6 =	simm.s32 $0x0;
	s20 =	sshll.u32 s4, $0x1;
	s4 =	sadd.s32 s21, s2  }
0x9d: {  	[timem:s6], [sflag:s22] =	dma.local [hbm:s4], s20  }
0x9e: {  	_ =	swait.ge [sflag:s22], s20  }
0x9f: {  	s3 =	ssub.s32 $0x0, s20;
	[sflag:s22] =	ssyncset.done $0x0  }
0xa0: {  	[sflag:s22] =	ssyncadd.s32 s3;
	_ =	sdelay $0x1  }
0xa1: {  	s23 =	simm.s32 $0x1B8B  }
0xa2: {  	_ =	swait.ge [sflag:s23], $0x1  }
0xa3: {  	[sflag:s23] =	ssyncset.done $0x0  }
0xa4: {  	s25 =	simm.s32 $0x1B8E;
	s24 =	sld [smem:$0x3FFE];
	[sflag:s23] =	ssyncadd.s32 $0xFFFFFFFF  }
0xa5: {  	s26 =	simm.s32 $execute0_lowered;
	[smem:$0x3FD2] =	sst s25  }
0xa6: {  	s4 =	sshll.u32 s26, $0x1;
	_ =	strace $0x8000004C;
	[dreg:$0x1] =	wrdreg $0xFFFFFFFF  }
0xa7: {  	s28 =	simm.s32 $_size_execute0_lowered;
	s2 =	sadd.s32 s2, s4;
	[dreg:$0x0] =	wrdreg $0x0  }
0xa8: {  	s4 =	sshll.u32 s28, $0x1;
	[dreg:$0x2] =	wrdreg s2  }
0xa9: {  	[dreg:$0x3] =	wrdreg s4  }
0xaa: {  	[dreg:$0x4] =	wrdreg $0xC0  }
0xab: {  	_ =	task [dreg:s6], $0x5FFFF  }
0xac: {  	[dreg:$0x1] =	wrdreg $0xFFFFFFFF  }
0xad: {  	[dreg:$0x0] =	wrdreg $0x60  }
0xae: {  	[dreg:$0x2] =	wrdreg s24  }
0xaf: {  	[dreg:$0x3] =	wrdreg $0x90000  }
0xb0: {  	[dreg:$0x4] =	wrdreg $0xA  }
0xb1: {  	_ =	task.clear_ibuf [dreg:s6], $0x5FFFF;
	_ =	strace $0x9000004C  }
0xb2: {  	s29 =	simm.s32 $0xA;
	_ =	strace $0x8000004E  }
0xb3: {  	_ =	swait.ge [sflag:s29], $0x1  }
0xb4: {  	[sflag:s29] =	ssyncadd.s32 $0xFFFFFFFF  }
0xb5: {  	_ =	strace $0x9000004E  }
0xb6: {  	_ =	sfence  }
0xb7: {  	s30 =	sld [smem:$0x0];
	_ =	sdelay $0x2  }
0xb8: {  	s31 =	sshll.u32 s1, $0xD;
	s1 =	sshrl.u32 s1, $0x2  }
0xb9: {  	s3 =	sand.u32 $0x4000, s31;
	s1 =	sadd.s32 s1, s30  }
0xba: {  	s0 =	sor.u32 s3, s0;
	s1 =	sshll.u32 s1, $0x11  }
0xbb: {  	s0 =	sor.u32 s1, s0  }
0xbc: {  	s0 =	sadd.s32 $0x8F2B, s0  }
0xbd: {  	[sflag:s0] =	ssyncadd.remote.s32 $0x1  }
0xbe: {  	_ =	sfence.sel $0xFFFF  }
0xbf: {  	[dreg:$0x0] =	wrdreg $0xFFFFFFFF;
	(pc) =	sbr.abs _section_cstart, $3  }
0xc0: {  	[dreg:$0x1] =	wrdreg $0xFFFFFFFF  }
0xc1: {  	_ =	task.clear_ibuf [dreg:s6], $0x2FFFF;
	_ =	strace $0x9FFFFFFF  }
0xc2: {  	(tm) =	ssettm $0x7FFFFFFF  }
0xc3: {  	_ =	shalt  }
tec
execute0_lowered:
.L_overlay_start_1:
0x0: {  	(tag) =	ssettag $0x1  }
0x1: {  	s8 =	rddreg [dreg:$0x0]  }
0x2: {  	s2 =	rddreg [dreg:$0x1]  }
0x3: {  	s0 =	rddreg [dreg:$0x2];
	s3 =	simm.s32 $0x0  }
0x4: {  	s1 =	stileid.u32;
	s7 =	srdreg.scid;
	s15 =	simm.s32 $0x40  }
0x5: {  	s16 =	simm.s32 $0x5000;
	s17 =	simm.s32 $0x80;
	s18 =	simm.s32 $0x7000  }
0x6: {  	s19 =	simm.s32 $0x1;
	s20 =	simm.s32 $0x2;
	s21 =	simm.s32 $0x4E40  }
0x7: {  	s22 =	simm.s32 $0x4EC0;
	s23 =	simm.s32 $0x0;
	[smem:$0x7FF] =	sst s3  }
0x8: {  	s6 =	smul.u32 $0xA00, s1;
	s4 =	sadd.s32 $0xBDC00, s8;
	s5 =	sadd.s32 $0xE5C00, s8  }
0x9: {  	s12 =	sand.u32 $0x1, s7;
	s11 =	smul.u32 $0x50000, s1;
	s7 =	sadd.s32 $0x10DC00, s8  }
0xa: {  	s31 =	sshll.u32 s1, $0x6;
	_ =	strace $0x8000004D;
	s10 =	ssub.s32 $0x2, s12  }
.Ltmp0:
0xb: {  	p0 =	sne.s32 s12, $0x0;
	s12 =	simm.s32 $0x3;
	(pc) =	sbr.rel .LBB2_1-.Ltmp0, $4  }
0xc: {  	s9 =	sadd.s32 s6, s8;
	s6 =	sadd.s32 $0x4C00, s8;
	s13 =	sshrl.u32 s10, $0x1  }
0xd: {  	s8 =	sadd.s32 $0x135C00, s8;
	s30 =	sshrl.u32 s11, $0x2;
	s13 =	ssub.s32 s10, s13  }
0xe: {  	s9 =	sadd.s32 $0x13C00, s9;
	s14 =	sadd.s32 s30, s2;
	s10 =	smul.u32 $0x2800, s1  }
0xf: {  	s11 =	smax.u32 s13, $0x1;
	s13 =	sor.u32 $0x1C03, s31;
	s14 =	sshrl.u32 s14, $0x3  }
.LBB2_7:
0x10: {  	[tilespmem:s18], [sflag:$0x2] =	stream.indirect.gather [hbm4b:s5+s15], $0x80, s25, s15, $0xb8;
	[tilespmem:$0x1D000] =	vst v63  }
0x11: {  	s24 =	smov.u32 s8  }
.LBB2_8:
0x12: {  	_ =	swait.ge [sflag:s19], $0x2000  }
0x13: {  	[sflag:s19] =	ssyncset.done $0x0  }
0x14: {  	[sflag:s19] =	ssyncadd.s32 $0xFFFFE000  }
0x15: {  	[spmem:s2] =	stream.indirect.scatter.add.f32 [tilespmem:s16], [sflag:$0x3], $0x80, s21, s15, $0xb8;
	[tilespmem:$0x1D000] =	vst v63  }
0x16: {  	_ =	swait.ge [sflag:s12], $0x2000  }
0x17: {  	[sflag:s12] =	ssyncset.done $0x0  }
0x18: {  	[sflag:s12] =	ssyncadd.s32 $0xFFFFE000  }
0x19: {  	_ =	swait.ge [sflag:s20], $0x2000  }
0x1a: {  	[sflag:s20] =	ssyncset.done $0x0  }
0x1b: {  	[sflag:s20] =	ssyncadd.s32 $0xFFFFE000  }
0x1c: {  	[spmem:s2] =	stream.indirect.scatter.add.f32 [tilespmem:s18], [sflag:$0x3], $0x80, s22, s15, $0xb8;
	[tilespmem:$0x1D000] =	vst v63  }
0x1d: {  	_ =	swait.ge [sflag:s12], $0x2000  }
0x1e: {  	s23 =	sadd.s32 $0x1, s23;
	[sflag:s12] =	ssyncset.done $0x0  }
0x1f: {  	p1 =	sne.s32 s23, s11;
	[sflag:s12] =	ssyncadd.s32 $0xFFFFE000  }
.Ltmp1:
0x20: {  	s24 =	sadd.s32 s24, s10;
	[bflag:$0x0] =	sbarrier.arrive $0xFFFF;
	(pc) =	sbr.rel @!p1 .LBB2_9-.Ltmp1, $4  }
0x21: {  	[hbm:s24], [sflag:s13] =	dma.local [spmem:s14], $0x2800  }
0x22: {  	_ =	swait.ge [sflag:s12], $0x2800  }
0x23: {  	[sflag:s12] =	ssyncset.done $0x0  }
0x24: {  	[sflag:s12] =	ssyncadd.s32 $0xFFFFD800  }
.LBB2_1:
0x25: {  	[tilespmem:s3], [sflag:$0x3] =	stream.linear.gather [hbm4b:s9+s3], $0x4F00, $0x38;
	[tilespmem:$0x1D000] =	vst v63  }
0x26: {  	_ =	swait.ge [sflag:s12], $0x4F00  }
0x27: {  	[sflag:s12] =	ssyncset.done $0x0  }
0x28: {  	[sflag:s12] =	ssyncadd.s32 $0xFFFFB100  }
0x29: {  	[spmem:s14], [sflag:s13] =	dma.local [hbm:s6], $0x2800  }
.Ltmp2:
0x2a: {  	_ =	swait.ge [sflag:s12], $0x2800;
	(pc) =	sbr.rel @p0 .LBB2_5-.Ltmp2, $3  }
0x2b: {  	[sflag:s12] =	ssyncset.done $0x0  }
0x2c: {  	[sflag:s12] =	ssyncadd.s32 $0xFFFFD800  }
0x2d: {  	[bflag:$0x0] =	sbarrier.arrive $0xFFFF;
	_ =	sdelay $0x1  }
0x2e: {  	[tilespmem:s16], [sflag:$0x1] =	stream.indirect.gather [hbm4b:s4+s15], $0x80, s3, s15, $0xb8;
	[tilespmem:$0x1D000] =	vst v63  }
0x2f: {  	_ = 	snop  }
0x30: {  	[tilespmem:s18], [sflag:$0x2] =	stream.indirect.gather [hbm4b:s4+s15], $0x80, s17, s15, $0xb8;
	[tilespmem:$0x1D000] =	vst v63  }
0x31: {  	_ =	swait.ge [sflag:s19], $0x2000  }
0x32: {  	[sflag:s19] =	ssyncset.done $0x0  }
0x33: {  	s24 =	simm.s32 $0x40;
	[sflag:s19] =	ssyncadd.s32 $0xFFFFE000  }
0x34: {  	[spmem:s2] =	stream.indirect.scatter.add.f32 [tilespmem:s16], [sflag:$0x3], $0x80, s24, s15, $0xb8;
	[tilespmem:$0x1D000] =	vst v63  }
0x35: {  	_ =	swait.ge [sflag:s12], $0x2000  }
0x36: {  	[sflag:s12] =	ssyncset.done $0x0  }
0x37: {  	s30 =	simm.s32 $0x100;
	[sflag:s12] =	ssyncadd.s32 $0xFFFFE000  }
0x38: {  	[tilespmem:s16], [sflag:$0x1] =	stream.indirect.gather [hbm4b:s4+s15], $0x80, s30, s15, $0xb8;
	[tilespmem:$0x1D000] =	vst v63  }
0x39: {  	_ =	swait.ge [sflag:s20], $0x2000  }
0x3a: {  	[sflag:s20] =	ssyncset.done $0x0  }
0x3b: {  	s31 =	simm.s32 $0xC0;
	[sflag:s20] =	ssyncadd.s32 $0xFFFFE000  }
0x3c: {  	[spmem:s2] =	stream.indirect.scatter.add.f32 [tilespmem:s18], [sflag:$0x3], $0x80, s31, s15, $0xb8;
	[tilespmem:$0x1D000] =	vst v63  }
0x3d: {  	_ =	swait.ge [sflag:s12], $0x2000  }
0x3e: {  	[sflag:s12] =	ssyncset.done $0x0  }
0x3f: {  	s25 =	simm.s32 $0x180;
	s24 =	simm.s32 $0xFFFECC00;
	[sflag:s12] =	ssyncadd.s32 $0xFFFFE000  }
.LBB2_3:
0x40: {  	[tilespmem:s18], [sflag:$0x2] =	stream.indirect.gather [hbm4b:s4+s15], $0x80, s25, s15, $0xb8;
	[tilespmem:$0x1D000] =	vst v63  }
0x41: {  	s25 =	smov.u32 s24  }
0x42: {  	p1 =	seq.s32 s24, $0xFFFFFC00;
	s24 =	sadd.s32 $0x400, s24;
	_ =	swait.ge [sflag:s19], $0x2000  }
0x43: {  	s25 =	sshra.s32 s25, $0x2;
	[sflag:s19] =	ssyncset.done $0x0  }
0x44: {  	s26 =	sadd.s32 $0x4E40, s25;
	[sflag:s19] =	ssyncadd.s32 $0xFFFFE000  }
0x45: {  	[spmem:s2] =	stream.indirect.scatter.add.f32 [tilespmem:s16], [sflag:$0x3], $0x80, s26, s15, $0xb8;
	[tilespmem:$0x1D000] =	vst v63  }
0x46: {  	_ =	swait.ge [sflag:s12], $0x2000  }
0x47: {  	[sflag:s12] =	ssyncset.done $0x0  }
0x48: {  	s26 =	sadd.s32 $0x4F00, s25;
	[sflag:s12] =	ssyncadd.s32 $0xFFFFE000  }
0x49: {  	[tilespmem:s16], [sflag:$0x1] =	stream.indirect.gather [hbm4b:s4+s15], $0x80, s26, s15, $0xb8;
	[tilespmem:$0x1D000] =	vst v63  }
0x4a: {  	_ =	swait.ge [sflag:s20], $0x2000  }
0x4b: {  	[sflag:s20] =	ssyncset.done $0x0  }
.Ltmp3:
0x4c: {  	s26 =	sadd.s32 $0x4EC0, s25;
	[sflag:s20] =	ssyncadd.s32 $0xFFFFE000;
	(pc) =	sbr.rel @!p1 .LBB2_3-.Ltmp3, $4  }
0x4d: {  	[spmem:s2] =	stream.indirect.scatter.add.f32 [tilespmem:s18], [sflag:$0x3], $0x80, s26, s15, $0xb8;
	[tilespmem:$0x1D000] =	vst v63  }
0x4e: {  	_ =	swait.ge [sflag:s12], $0x2000  }
0x4f: {  	[sflag:s12] =	ssyncset.done $0x0  }
0x50: {  	s25 =	sadd.s32 $0x4F80, s25;
	[sflag:s12] =	ssyncadd.s32 $0xFFFFE000  }
.Ltmp4:
0x51: {  	(pc) =	sbr.rel .LBB2_8-.Ltmp4, $3  }
0x52: {  	_ =	sdelay $0x1  }
0x53: {  	[tilespmem:s18], [sflag:$0x2] =	stream.indirect.gather [hbm4b:s4+s15], $0x80, s25, s15, $0xb8;
	[tilespmem:$0x1D000] =	vst v63  }
0x54: {  	s24 =	smov.u32 s7  }
.LBB2_5:
0x55: {  	[tilespmem:s16], [sflag:$0x1] =	stream.indirect.gather [hbm4b:s5+s15], $0x80, s3, s15, $0xb8;
	[tilespmem:$0x1D000] =	vst v63  }
0x56: {  	_ = 	snop  }
0x57: {  	[tilespmem:s18], [sflag:$0x2] =	stream.indirect.gather [hbm4b:s5+s15], $0x80, s17, s15, $0xb8;
	[tilespmem:$0x1D000] =	vst v63  }
0x58: {  	_ =	swait.ge [sflag:s19], $0x2000  }
0x59: {  	[sflag:s19] =	ssyncset.done $0x0  }
0x5a: {  	s24 =	simm.s32 $0x40;
	[sflag:s19] =	ssyncadd.s32 $0xFFFFE000  }
0x5b: {  	[spmem:s2] =	stream.indirect.scatter.add.f32 [tilespmem:s16], [sflag:$0x3], $0x80, s24, s15, $0xb8;
	[tilespmem:$0x1D000] =	vst v63  }
0x5c: {  	_ =	swait.ge [sflag:s12], $0x2000  }
0x5d: {  	[sflag:s12] =	ssyncset.done $0x0  }
0x5e: {  	s30 =	simm.s32 $0x100;
	[sflag:s12] =	ssyncadd.s32 $0xFFFFE000  }
0x5f: {  	[tilespmem:s16], [sflag:$0x1] =	stream.indirect.gather [hbm4b:s5+s15], $0x80, s30, s15, $0xb8;
	[tilespmem:$0x1D000] =	vst v63  }
0x60: {  	_ =	swait.ge [sflag:s20], $0x2000  }
0x61: {  	[sflag:s20] =	ssyncset.done $0x0  }
0x62: {  	s31 =	simm.s32 $0xC0;
	[sflag:s20] =	ssyncadd.s32 $0xFFFFE000  }
0x63: {  	[spmem:s2] =	stream.indirect.scatter.add.f32 [tilespmem:s18], [sflag:$0x3], $0x80, s31, s15, $0xb8;
	[tilespmem:$0x1D000] =	vst v63  }
0x64: {  	_ =	swait.ge [sflag:s12], $0x2000  }
0x65: {  	[sflag:s12] =	ssyncset.done $0x0  }
0x66: {  	s25 =	simm.s32 $0x180;
	s24 =	simm.s32 $0xFFFECC00;
	[sflag:s12] =	ssyncadd.s32 $0xFFFFE000  }
.LBB2_6:
0x67: {  	[tilespmem:s18], [sflag:$0x2] =	stream.indirect.gather [hbm4b:s5+s15], $0x80, s25, s15, $0xb8;
	[tilespmem:$0x1D000] =	vst v63  }
0x68: {  	s25 =	smov.u32 s24  }
0x69: {  	p1 =	sne.s32 s24, $0xFFFFFC00;
	s24 =	sadd.s32 $0x400, s24;
	_ =	swait.ge [sflag:s19], $0x2000  }
0x6a: {  	s25 =	sshra.s32 s25, $0x2;
	[sflag:s19] =	ssyncset.done $0x0  }
0x6b: {  	s26 =	sadd.s32 $0x4E40, s25;
	[sflag:s19] =	ssyncadd.s32 $0xFFFFE000  }
0x6c: {  	[spmem:s2] =	stream.indirect.scatter.add.f32 [tilespmem:s16], [sflag:$0x3], $0x80, s26, s15, $0xb8;
	[tilespmem:$0x1D000] =	vst v63  }
0x6d: {  	_ =	swait.ge [sflag:s12], $0x2000  }
0x6e: {  	[sflag:s12] =	ssyncset.done $0x0  }
0x6f: {  	s26 =	sadd.s32 $0x4F00, s25;
	[sflag:s12] =	ssyncadd.s32 $0xFFFFE000  }
0x70: {  	[tilespmem:s16], [sflag:$0x1] =	stream.indirect.gather [hbm4b:s5+s15], $0x80, s26, s15, $0xb8;
	[tilespmem:$0x1D000] =	vst v63  }
0x71: {  	_ =	swait.ge [sflag:s20], $0x2000  }
0x72: {  	[sflag:s20] =	ssyncset.done $0x0  }
.Ltmp5:
0x73: {  	s26 =	sadd.s32 $0x4EC0, s25;
	[sflag:s20] =	ssyncadd.s32 $0xFFFFE000;
	(pc) =	sbr.rel @p1 .LBB2_6-.Ltmp5, $4  }
0x74: {  	[spmem:s2] =	stream.indirect.scatter.add.f32 [tilespmem:s18], [sflag:$0x3], $0x80, s26, s15, $0xb8;
	[tilespmem:$0x1D000] =	vst v63  }
0x75: {  	_ =	swait.ge [sflag:s12], $0x2000  }
0x76: {  	[sflag:s12] =	ssyncset.done $0x0  }
0x77: {  	s25 =	sadd.s32 $0x4F80, s25;
	[sflag:s12] =	ssyncadd.s32 $0xFFFFE000  }
.Ltmp6:
0x78: {  	_ = 	snop;
	(pc) =	sbr.rel .LBB2_7-.Ltmp6, $1  }
0x79: {  	_ =	sdelay $0x3  }
.LBB2_9:
0x7a: {  	_ =	sfence.sel $0x180000  }
0x7b: {  	[bflag:$0x0] =	sbarrier.arrive $0xFFFF  }
0x7c: {  	p0 =	sne.s32 s1, $0x0;
	_ =	strace $0x9000004D  }
0x7d: {  	s0 =	sadd.s32 @!p0 $0x100000, s0;
	[bflag:$0x2] =	sbarrier.arrive $0xFFFF  }
0x7e: {  	[sflag:s0] =	ssyncadd.tile.s32 @!p0 $0x1;
	_ =	shalt  }
.Lfunc_end2:
_tile_overlayer_lowered:
.L_overlay_start_2:
0x7f: {  	(tag) =	ssettag $0x2  }
0x80: {  	s0 =	rddreg [dreg:$0x0];
	s2 =	stileid.u32  }
0x81: {  	s1 =	rddreg [dreg:$0x1];
	p0 =	sne.s32 s2, $0x0  }
0x82: {  	s3 =	rddreg [dreg:$0x2];
	[bflag:$0x3] =	sbarrier.arrive $0xFFFF;
	s2 =	simm.s32 @!p0 $0x1C03  }
0x83: {  	[timem:s3], [sflag:s2] =	dma.local @!p0 [hbm:s0], s1  }
0x84: {  	s0 =	simm.s32 @!p0 $0x3  }
0x85: {  	_ =	swait.ge @!p0 [sflag:s0], s1  }
0x86: {  	s1 =	ssub.s32 @!p0 $0x0, s1;
	[sflag:s0] =	ssyncset.done @!p0 $0x0  }
0x87: {  	[sflag:s0] =	ssyncadd.s32 @!p0 s1  }
0x88: {  	[bflag:$0x3] =	sbarrier.arrive $0xFFFF  }
0x89: {  	_ =	shalt  }

// kernel: kernel.20.cloned.1.call-start
scs
__scs_entry_jumppad:
0x0: {  	(pc) =	sbr.rel $0x88, $3  }
0x1: {  	(tag) =	ssettag $0x0;
	lr =	simm.s32 $0x1  }
0x2: {  	[smem:$0x3F97] =	sst lr;
	_ =	strace $0xD0000000  }
0x3: {  	_ = 	snop  }
0x4: {  	_ = 	snop  }
0x5: {  	_ = 	snop  }
0x6: {  	_ = 	snop  }
0x7: {  	_ = 	snop  }
__scs_overlays_trampoline_lowered:
0x8: {  	[smem:$0x3FA6] =	sst s0  }
0x9: {  	[smem:$0x3FA7] =	sst s1  }
0xa: {  	[smem:$0x3FA8] =	sst s2  }
0xb: {  	[smem:$0x3FA9] =	sst s3  }
0xc: {  	[smem:$0x3FAA] =	sst s4  }
0xd: {  	[smem:$0x3FAB] =	sst s5  }
0xe: {  	[smem:$0x3FAC] =	sst s6  }
0xf: {  	[smem:$0x3FAD] =	sst s7  }
0x10: {  	[smem:$0x3FAE] =	sst s8  }
0x11: {  	[smem:$0x3FAF] =	sst s9;
	s0 =	simm.s32 @!p0 $0x0  }
0x12: {  	s1 =	sld [smem:$0x3F95];
	s0 =	simm.s32 @p0 $0x1  }
0x13: {  	[smem:$0x3FB0] =	sst s0;
	s0 =	simm.s32 @!p1 $0x0  }
0x14: {  	s2 =	sld [smem:$0x3F94];
	s0 =	simm.s32 @p1 $0x1  }
0x15: {  	[smem:$0x3FB1] =	sst s0;
	s0 =	simm.s32 @!p2 $0x0  }
0x16: {  	s3 =	sld [smem:$0x3FDB];
	s0 =	simm.s32 @p2 $0x1  }
0x17: {  	s4 =	simm.s32 $0x1BF5;
	[smem:$0x3FB3] =	sst s0  }
0x18: {  	s0 =	sld [smem:$0x3F96];
	_ =	swait.ge [sflag:s4], $0x0  }
0x19: {  	s7 =	sld [smem:$0x3F97]  }
0x1a: {  	s8 =	sadd.s32 $0xFFFFE003, lr  }
0x1b: {  	s9 =	sadd.s32 $0xFFFFFEF7, lr;
	s5 =	simm.s32 $0xFFFFFFFF;
	p2 =	slt.u32 s8, $0xFFFFF086  }
0x1c: {  	p1 =	slt.u32 s9, $0xF7A;
	s5 =	simm.s32 @!p2 $0x0  }
0x1d: {  	s5 =	simm.s32 @p1 $0x1;
	p0 =	seq.s32 s7, s2  }
0x1e: {  	s7 =	smul.u32 @!p0 $0xF7A, s2;
	p2 =	seq.s32 @!p0 s5, $0x0  }
0x1f: {  	s9 =	smul.u32 $0xF7A, s1;
	s8 =	simm.s32 @!p0 $0x1BF5;
	p2 =	por !p2, p0  }
0x20: {  	[sflag:s8] =	ssyncset.s32 @!p0 $0xFFFFF086;
	s6 =	sadd.s32 @!p0 s3, s7;
	s7 =	simm.s32 @!p0 $0x108  }
0x21: {  	s3 =	sadd.s32 s3, s9;
	s6 =	sadd.s32 @!p0 $0x88, s6;
	s7 =	simm.s32 @p2 $0x1082  }
0x22: {  	[simem:s7], [sflag:s8] =	dma.local @!p0 [hbm:s6], $0xF7A  }
0x23: {  	s9 =	sor.u32 $0xD0000000, s2;
	s6 =	simm.s32 $0x108;
	_ =	swait.ge @!p0 [sflag:s8], $0x0  }
0x24: {  	s3 =	sadd.s32 $0x88, s3;
	s6 =	simm.s32 @!p1 $0x1082;
	[sflag:s4] =	ssyncset.s32 $0xFFFFF086  }
0x25: {  	[simem:s6], [sflag:s4] =	dma.local [hbm:s3], $0xF7A  }
0x26: {  	[smem:$0x3F97] =	sst s1;
	(tag) =	ssettag s2;
	_ =	strace s9  }
0x27: {  	s1 =	sld [smem:$0x3FA7]  }
0x28: {  	s2 =	sld [smem:$0x3FA8]  }
0x29: {  	s4 =	sld [smem:$0x3FAA]  }
0x2a: {  	p0 =	seq.s32 s5, $0x0;
	s5 =	sld [smem:$0x3FAB]  }
0x2b: {  	s6 =	sld [smem:$0x3FAC]  }
0x2c: {  	s7 =	sld [smem:$0x3FAD]  }
0x2d: {  	s3 =	simm.s32 $0x108;
	s8 =	sld [smem:$0x3FAE]  }
0x2e: {  	s3 =	simm.s32 @!p0 $0x1082;
	s9 =	sld [smem:$0x3FAF]  }
0x2f: {  	lr =	sadd.s32 s0, s3;
	s0 =	sld [smem:$0x3FA6]  }
0x30: {  	s3 =	sld [smem:$0x3FA9]  }
0x31: {  	[smem:$0x3FB2] =	sst s10  }
0x32: {  	s10 =	sld [smem:$0x3FB0];
	_ =	sdelay $0x3  }
0x33: {  	p0 =	seq.s32 s10, $0x1;
	s10 =	sld [smem:$0x3FB2];
	_ =	sdelay $0x3  }
0x34: {  	[smem:$0x3FB2] =	sst s10  }
0x35: {  	s10 =	sld [smem:$0x3FB1];
	_ =	sdelay $0x3  }
0x36: {  	p1 =	seq.s32 s10, $0x1;
	s10 =	sld [smem:$0x3FB2];
	_ =	sdelay $0x3  }
0x37: {  	[smem:$0x3FB2] =	sst s10  }
0x38: {  	s10 =	sld [smem:$0x3FB3]  }
0x39: {  	_ = 	snop;
	(pc) =	sbr.ind lr, $3  }
0x3a: {  	_ = 	snop  }
0x3b: {  	_ = 	snop  }
0x3c: {  	p2 =	seq.s32 s10, $0x1;
	s10 =	sld [smem:$0x3FB2]  }
0x3d: {  	_ =	shalt  }
0x3e: {  	_ =	shalt  }
0x3f: {  	_ =	shalt  }
0x40: {  	_ =	shalt  }
0x41: {  	_ =	shalt  }
0x42: {  	_ =	shalt  }
0x43: {  	_ =	shalt  }
0x44: {  	_ =	shalt  }
0x45: {  	_ =	shalt  }
0x46: {  	_ =	shalt  }
0x47: {  	_ =	shalt  }
0x48: {  	_ =	shalt  }
0x49: {  	_ =	shalt  }
0x4a: {  	_ =	shalt  }
0x4b: {  	_ =	shalt  }
0x4c: {  	_ =	shalt  }
0x4d: {  	_ =	shalt  }
0x4e: {  	_ =	shalt  }
0x4f: {  	_ =	shalt  }
0x50: {  	_ =	shalt  }
0x51: {  	_ =	shalt  }
0x52: {  	_ =	shalt  }
0x53: {  	_ =	shalt  }
0x54: {  	_ =	shalt  }
0x55: {  	_ =	shalt  }
0x56: {  	_ =	shalt  }
0x57: {  	_ =	shalt  }
0x58: {  	_ =	shalt  }
0x59: {  	_ =	shalt  }
0x5a: {  	_ =	shalt  }
0x5b: {  	_ =	shalt  }
0x5c: {  	_ =	shalt  }
0x5d: {  	_ =	shalt  }
0x5e: {  	_ =	shalt  }
0x5f: {  	_ =	shalt  }
0x60: {  	_ =	shalt  }
0x61: {  	_ =	shalt  }
0x62: {  	_ =	shalt  }
0x63: {  	_ =	shalt  }
0x64: {  	_ =	shalt  }
0x65: {  	_ =	shalt  }
0x66: {  	_ =	shalt  }
0x67: {  	_ =	shalt  }
0x68: {  	_ =	shalt  }
0x69: {  	_ =	shalt  }
0x6a: {  	_ =	shalt  }
0x6b: {  	_ =	shalt  }
0x6c: {  	_ =	shalt  }
0x6d: {  	_ =	shalt  }
0x6e: {  	_ =	shalt  }
0x6f: {  	_ =	shalt  }
0x70: {  	_ =	shalt  }
0x71: {  	_ =	shalt  }
0x72: {  	_ =	shalt  }
0x73: {  	_ =	shalt  }
0x74: {  	_ =	shalt  }
0x75: {  	_ =	shalt  }
0x76: {  	_ =	shalt  }
0x77: {  	_ =	shalt  }
0x78: {  	_ =	shalt  }
0x79: {  	_ =	shalt  }
0x7a: {  	_ =	shalt  }
0x7b: {  	_ =	shalt  }
0x7c: {  	_ =	shalt  }
0x7d: {  	_ =	shalt  }
0x7e: {  	_ =	shalt  }
0x7f: {  	_ =	shalt  }
0x80: {  	_ =	shalt  }
0x81: {  	_ =	shalt  }
0x82: {  	_ =	shalt  }
0x83: {  	_ =	shalt  }
0x84: {  	_ =	shalt  }
0x85: {  	_ =	shalt  }
0x86: {  	_ =	shalt  }
0x87: {  	_ =	shalt  }
.Lfunc_end0:
.L_simem_size_0:
called_computation.3_lowered:
.L_overlay_start_0:
0x88: {  	s2 =	sld [smem:$0x3FD9]  }
0x89: {  	s3 =	sld [smem:$0x3FFE];
	_ =	sdelay $0x1  }
0x8a: {  	s1 =	srdreg.scid  }
0x8b: {  	s0 =	sand.u32 $0x1, s1  }
0x8c: {  	s17 =	sshll.u32 s0, $0xA;
	s2 =	sadd.s32 s3, s2  }
0x8d: {  	s2 =	sadd.s32 s2, s17  }
0x8e: {  	[smem:$0x3FBE] =	sst s2  }
0x8f: {  	_ = 	snop  }
0x90: {  	(tm) =	ssettm $0x1  }
0x91: {  	s18 =	sld [smem:$0x3FFB];
	_ =	sdelay $0x3  }
0x92: {  	_ =	strace s18  }
0x93: {  	s2 =	sld [smem:$0x3FFC];
	_ =	sdelay $0x3  }
0x94: {  	_ =	strace s2  }
0x95: {  	s2 =	sld [smem:$0x3FFD];
	_ =	sdelay $0x3  }
0x96: {  	_ =	strace s2  }
0x97: {  	_ =	strace $0x8FFFFFFF  }
0x98: {  	s19 =	sld [smem:$0x3FDB];
	_ =	sdelay $0x1  }
0x99: {  	s20 =	simm.s32 $_scs_section_size  }
0x9a: {  	s4 =	simm.s32 $_size__tile_overlayer_lowered;
	s5 =	simm.s32 $_tile_overlayer_lowered  }
0x9b: {  	s6 =	simm.s32 $0x1BFF;
	s21 =	sshll.u32 s5, $0x1;
	s3 =	sadd.s32 s20, s19  }
0x9c: {  	s22 =	simm.s32 $0x0;
	s4 =	sshll.u32 s4, $0x1;
	s5 =	sadd.s32 s21, s3  }
0x9d: {  	[timem:s22], [sflag:s6] =	dma.local [hbm:s5], s4  }
0x9e: {  	_ =	swait.ge [sflag:s6], s4  }
0x9f: {  	s4 =	ssub.s32 $0x0, s4;
	[sflag:s6] =	ssyncset.done $0x0  }
0xa0: {  	[sflag:s6] =	ssyncadd.s32 s4;
	_ =	sdelay $0x1  }
0xa1: {  	s23 =	simm.s32 $0x1B8B  }
0xa2: {  	_ =	swait.ge [sflag:s23], $0x1  }
0xa3: {  	[sflag:s23] =	ssyncset.done $0x0  }
0xa4: {  	[sflag:s23] =	ssyncadd.s32 $0xFFFFFFFF  }
0xa5: {  	s4 =	sld [smem:$0x0]  }
0xa6: {  	s5 =	sand.u32 $0xFFFFFFFE, s1  }
0xa7: {  	p0 =	sne.s32 s1, s5  }
0xa8: {  	s5 =	sshll.u32 @p0 s5, $0xE  }
0xa9: {  	s5 =	sadd.s32 @p0 $0x11B8D, s5;
	s6 =	sshll.u32 @p0 s4, $0x11  }
0xaa: {  	s5 =	sor.u32 @p0 s6, s5  }
0xab: {  	[sflag:s5] =	ssyncadd.remote.s32 @p0 $0x1;
	_ =	sdelay $0x1  }
0xac: {  	s5 =	simm.s32 @p0 $0x1B8D  }
0xad: {  	_ =	swait.eq @p0 [sflag:s5], $0x1  }
0xae: {  	[sflag:s5] =	ssyncadd.s32 @p0 $0xFFFFFFFF  }
0xaf: {  	s6 =	sshll.u32 @!p0 s1, $0xE  }
0xb0: {  	s6 =	sor.u32 @!p0 $0x4000, s6;
	s5 =	simm.s32 @!p0 $0x1B8D  }
0xb1: {  	s4 =	sshll.u32 @!p0 s4, $0x11;
	s6 =	sadd.s32 @!p0 $0x11B8D, s6;
	_ =	swait.eq @!p0 [sflag:s5], $0x1  }
0xb2: {  	s4 =	sor.u32 @!p0 s4, s6;
	[sflag:s5] =	ssyncadd.s32 @!p0 $0xFFFFFFFF  }
0xb3: {  	s25 =	simm.s32 $0x1B8E;
	s24 =	sld [smem:$0x3FFE];
	[sflag:s4] =	ssyncadd.remote.s32 @!p0 $0x1  }
0xb4: {  	s26 =	simm.s32 $execute0_lowered;
	[smem:$0x3FD2] =	sst s25  }
0xb5: {  	s5 =	sshll.u32 s26, $0x1;
	_ =	strace $0x8000004F;
	[dreg:$0x1] =	wrdreg $0xFFFFFFFF  }
0xb6: {  	s28 =	simm.s32 $_size_execute0_lowered;
	s3 =	sadd.s32 s3, s5;
	[dreg:$0x0] =	wrdreg $0x0  }
0xb7: {  	s5 =	sshll.u32 s28, $0x1;
	[dreg:$0x2] =	wrdreg s3  }
0xb8: {  	[dreg:$0x3] =	wrdreg s5  }
0xb9: {  	[dreg:$0x4] =	wrdreg $0xC0  }
0xba: {  	_ =	task [dreg:s22], $0x5FFFF  }
0xbb: {  	[dreg:$0x1] =	wrdreg $0xFFFFFFFF  }
0xbc: {  	[dreg:$0x0] =	wrdreg $0x60  }
0xbd: {  	[dreg:$0x2] =	wrdreg s24  }
0xbe: {  	[dreg:$0x3] =	wrdreg $0x9  }
0xbf: {  	_ =	task.clear_ibuf [dreg:s22], $0x4FFFF;
	_ =	strace $0x9000004F  }
0xc0: {  	s29 =	simm.s32 $0x9;
	_ =	strace $0x80000051  }
0xc1: {  	_ =	swait.ge [sflag:s29], $0x1  }
0xc2: {  	[sflag:s29] =	ssyncadd.s32 $0xFFFFFFFF  }
0xc3: {  	_ =	strace $0x90000051  }
0xc4: {  	_ =	sfence  }
0xc5: {  	s30 =	sld [smem:$0x0];
	_ =	sdelay $0x2  }
0xc6: {  	s31 =	sshll.u32 s1, $0xD;
	s1 =	sshrl.u32 s1, $0x2  }
0xc7: {  	s4 =	sand.u32 $0x4000, s31;
	s1 =	sadd.s32 s1, s30  }
0xc8: {  	s0 =	sor.u32 s4, s0;
	s1 =	sshll.u32 s1, $0x11  }
0xc9: {  	s0 =	sor.u32 s1, s0  }
0xca: {  	s0 =	sadd.s32 $0x8F2B, s0  }
0xcb: {  	[sflag:s0] =	ssyncadd.remote.s32 $0x1  }
0xcc: {  	_ =	sfence.sel $0xFFFF  }
0xcd: {  	[dreg:$0x0] =	wrdreg $0xFFFFFFFF;
	(pc) =	sbr.abs _section_cstart, $3  }
0xce: {  	[dreg:$0x1] =	wrdreg $0xFFFFFFFF  }
0xcf: {  	_ =	task.clear_ibuf [dreg:s22], $0x2FFFF;
	_ =	strace $0x9FFFFFFF  }
0xd0: {  	(tm) =	ssettm $0x7FFFFFFF  }
0xd1: {  	_ =	shalt  }
tec
execute0_lowered:
.L_overlay_start_1:
0x0: {  	(tag) =	ssettag $0x1  }
0x1: {  	s5 =	rddreg [dreg:$0x0]  }
0x2: {  	s2 =	simm.s32 $0x0;
	s3 =	srdreg.scid;
	s1 =	stileid.u32  }
0x3: {  	s14 =	simm.s32 $0x1;
	s15 =	simm.s32 $0x80;
	s16 =	simm.s32 $0x880  }
0x4: {  	s17 =	simm.s32 $0x1080;
	s18 =	simm.s32 $0x1880;
	s19 =	simm.s32 $0x2080  }
0x5: {  	s20 =	simm.s32 $0x2880;
	s21 =	simm.s32 $0x3080;
	s22 =	simm.s32 $0x3880  }
0x6: {  	s23 =	simm.s32 $0x4080;
	s24 =	simm.s32 $0x4880;
	s25 =	simm.s32 $0x5080  }
0x7: {  	s28 =	simm.s32 $0x6080;
	s29 =	simm.s32 $0x6880;
	s30 =	simm.s32 $0x7080  }
0x8: {  	s31 =	simm.s32 $0x7880;
	[smem:$0x7FF] =	sst s2;
	s6 =	sand.u32 $0x1, s3  }
0x9: {  	s4 =	sshll.u32 s1, $0x1;
	s3 =	sadd.s32 $0x1DC00, s5;
	_ =	strace $0x80000050  }
0xa: {  	s7 =	sor.u32 s6, s4;
	s4 =	sadd.s32 $0x6DC00, s5;
	s6 =	ssub.s32 $0x2, s6  }
0xb: {  	s8 =	sshll.u32 s7, $0x4;
	s7 =	sshll.u32 s7, $0xC;
	s26 =	sshrl.u32 s6, $0x1  }
0xc: {  	s12 =	sadd.s32 s7, s5;
	s13 =	ssub.s32 s6, s26;
	s26 =	simm.s32 $0x5880  }
0xd: {  	s10 =	sadd.s32 s8, s5;
	s5 =	sadd.s32 $0x15DC00, s12;
	s6 =	sadd.s32 $0x17DC00, s12  }
0xe: {  	v2 =	vlaneseq.u32;
	s11 =	sadd.s32 $0x7400, s10;
	s7 =	sadd.s32 $0x19DC00, s12;
	s8 =	sadd.s32 $0x7600, s10  }
0xf: {  	vm0 =	vmmov $0xffff;
	v1 =	vshrl.u32 v2, $0x3;
	s9 =	sadd.s32 $0x1BDC00, s12;
	s10 =	sadd.s32 $0x7800, s10;
	s13 =	smax.u32 s13, $0x1  }
0x10: {  	v0 =	vand.u32 $0x7, v2;
	v2 =	vor.u32 $0x8, v2;
	v1 =	vmul.u32 $0x8, v1;
	[dreg:$0x2] =	wrdreg s11;
	s11 =	sadd.s32 $0x1DDC00, s12;
	s12 =	sadd.s32 $0x1FDC00, s12  }
.LBB2_1:
0x11: {  	s0 =	rddreg [dreg:$0x2]  }
0x12: {  	[tilespmem:s2], [sflag:$0x1] =	stream.linear.gather [hbm4b:s0+s2], $0x80, $0x38;
	[tilespmem:$0x8080] =	vst v63  }
0x13: {  	_ =	swait.ge [sflag:s14], $0x80  }
0x14: {  	[sflag:s14] =	ssyncset.done $0x0  }
0x15: {  	[sflag:s14] =	ssyncadd.s32 $0xFFFFFF80  }
0x16: {  	v3 =	vld [tilespmem:$0x0];
	_ =	sdelay $0x4  }
0x17: {  	v4 =	vshll.u32 v3, $0x1  }
0x18: {  	v3 =	vand.u32 $0x7, v3;
	v4 =	vand.u32 $0xFFFFFFF0, v4  }
0x19: {  	v3 =	vor.u32 v3, v4  }
0x1a: {  	v4 =	vperm.xlane v3, v0;
	_ =	sdelay $0x1  }
0x1b: {  	v3 =	vperm.xlane v3, v2;
	v4 =	vadd.s32 v1, v4;
	_ =	sdelay $0x1  }
0x1c: {  	v3 =	vadd.s32 v1, v3;
	_ =	sdelay $0x2  }
0x1d: {  	[tilespmem:s15], [sflag:$0x1] =	stream.indirect_vreg.gather [hbm4b:s3+s2], $0x80, v4, vm0, $0xb8;
	[tilespmem:$0x8080] =	vst v63  }
0x1e: {  	_ = 	snop  }
0x1f: {  	[tilespmem:s16], [sflag:$0x1] =	stream.indirect_vreg.gather [hbm4b:s3+s2], $0x80, v3, vm0, $0xb8;
	[tilespmem:$0x8080] =	vst v63  }
0x20: {  	v3 =	vld [tilespmem:$0x10];
	_ =	sdelay $0x4  }
0x21: {  	v17 =	vshll.u32 v3, $0x1  }
0x22: {  	v3 =	vand.u32 $0x7, v3;
	v4 =	vand.u32 $0xFFFFFFF0, v17  }
0x23: {  	v3 =	vor.u32 v3, v4  }
0x24: {  	v4 =	vperm.xlane v3, v0;
	_ =	sdelay $0x1  }
0x25: {  	v3 =	vperm.xlane v3, v2;
	v4 =	vadd.s32 v1, v4;
	_ =	sdelay $0x1  }
0x26: {  	v3 =	vadd.s32 v1, v3;
	_ =	sdelay $0x2  }
0x27: {  	[tilespmem:s17], [sflag:$0x1] =	stream.indirect_vreg.gather [hbm4b:s3+s2], $0x80, v4, vm0, $0xb8;
	[tilespmem:$0x8080] =	vst v63  }
0x28: {  	_ = 	snop  }
0x29: {  	[tilespmem:s18], [sflag:$0x1] =	stream.indirect_vreg.gather [hbm4b:s3+s2], $0x80, v3, vm0, $0xb8;
	[tilespmem:$0x8080] =	vst v63  }
0x2a: {  	v3 =	vld [tilespmem:$0x20];
	_ =	sdelay $0x4  }
0x2b: {  	v18 =	vshll.u32 v3, $0x1  }
0x2c: {  	v3 =	vand.u32 $0x7, v3;
	v4 =	vand.u32 $0xFFFFFFF0, v18  }
0x2d: {  	v3 =	vor.u32 v3, v4  }
0x2e: {  	v4 =	vperm.xlane v3, v0;
	_ =	sdelay $0x1  }
0x2f: {  	v3 =	vperm.xlane v3, v2;
	v4 =	vadd.s32 v1, v4;
	_ =	sdelay $0x1  }
0x30: {  	v3 =	vadd.s32 v1, v3;
	_ =	sdelay $0x2  }
0x31: {  	[tilespmem:s19], [sflag:$0x1] =	stream.indirect_vreg.gather [hbm4b:s3+s2], $0x80, v4, vm0, $0xb8;
	[tilespmem:$0x8080] =	vst v63  }
0x32: {  	_ = 	snop  }
0x33: {  	[tilespmem:s20], [sflag:$0x1] =	stream.indirect_vreg.gather [hbm4b:s3+s2], $0x80, v3, vm0, $0xb8;
	[tilespmem:$0x8080] =	vst v63  }
0x34: {  	v3 =	vld [tilespmem:$0x30];
	_ =	sdelay $0x4  }
0x35: {  	v19 =	vshll.u32 v3, $0x1  }
0x36: {  	v3 =	vand.u32 $0x7, v3;
	v4 =	vand.u32 $0xFFFFFFF0, v19  }
0x37: {  	v3 =	vor.u32 v3, v4  }
0x38: {  	v4 =	vperm.xlane v3, v0;
	_ =	sdelay $0x1  }
0x39: {  	v3 =	vperm.xlane v3, v2;
	v4 =	vadd.s32 v1, v4;
	_ =	sdelay $0x1  }
0x3a: {  	v3 =	vadd.s32 v1, v3;
	_ =	sdelay $0x2  }
0x3b: {  	[tilespmem:s21], [sflag:$0x1] =	stream.indirect_vreg.gather [hbm4b:s3+s2], $0x80, v4, vm0, $0xb8;
	[tilespmem:$0x8080] =	vst v63  }
0x3c: {  	_ = 	snop  }
0x3d: {  	[tilespmem:s22], [sflag:$0x1] =	stream.indirect_vreg.gather [hbm4b:s3+s2], $0x80, v3, vm0, $0xb8;
	[tilespmem:$0x8080] =	vst v63  }
0x3e: {  	v3 =	vld [tilespmem:$0x40];
	_ =	sdelay $0x4  }
0x3f: {  	v20 =	vshll.u32 v3, $0x1  }
0x40: {  	v3 =	vand.u32 $0x7, v3;
	v4 =	vand.u32 $0xFFFFFFF0, v20  }
0x41: {  	v3 =	vor.u32 v3, v4  }
0x42: {  	v4 =	vperm.xlane v3, v0;
	_ =	sdelay $0x1  }
0x43: {  	v3 =	vperm.xlane v3, v2;
	v4 =	vadd.s32 v1, v4;
	_ =	sdelay $0x1  }
0x44: {  	v3 =	vadd.s32 v1, v3;
	_ =	sdelay $0x2  }
0x45: {  	[tilespmem:s23], [sflag:$0x1] =	stream.indirect_vreg.gather [hbm4b:s3+s2], $0x80, v4, vm0, $0xb8;
	[tilespmem:$0x8080] =	vst v63  }
0x46: {  	_ = 	snop  }
0x47: {  	[tilespmem:s24], [sflag:$0x1] =	stream.indirect_vreg.gather [hbm4b:s3+s2], $0x80, v3, vm0, $0xb8;
	[tilespmem:$0x8080] =	vst v63  }
0x48: {  	v3 =	vld [tilespmem:$0x50];
	_ =	sdelay $0x4  }
0x49: {  	v21 =	vshll.u32 v3, $0x1  }
0x4a: {  	v3 =	vand.u32 $0x7, v3;
	v4 =	vand.u32 $0xFFFFFFF0, v21  }
0x4b: {  	v3 =	vor.u32 v3, v4  }
0x4c: {  	v4 =	vperm.xlane v3, v0;
	_ =	sdelay $0x1  }
0x4d: {  	v3 =	vperm.xlane v3, v2;
	v4 =	vadd.s32 v1, v4;
	_ =	sdelay $0x1  }
0x4e: {  	v3 =	vadd.s32 v1, v3;
	_ =	sdelay $0x2  }
0x4f: {  	[tilespmem:s25], [sflag:$0x1] =	stream.indirect_vreg.gather [hbm4b:s3+s2], $0x80, v4, vm0, $0xb8;
	[tilespmem:$0x8080] =	vst v63  }
0x50: {  	_ = 	snop  }
0x51: {  	[tilespmem:s26], [sflag:$0x1] =	stream.indirect_vreg.gather [hbm4b:s3+s2], $0x80, v3, vm0, $0xb8;
	[tilespmem:$0x8080] =	vst v63  }
0x52: {  	v3 =	vld [tilespmem:$0x60];
	_ =	sdelay $0x4  }
0x53: {  	v22 =	vshll.u32 v3, $0x1  }
0x54: {  	v3 =	vand.u32 $0x7, v3;
	v4 =	vand.u32 $0xFFFFFFF0, v22  }
0x55: {  	v3 =	vor.u32 v3, v4  }
0x56: {  	v4 =	vperm.xlane v3, v0;
	_ =	sdelay $0x1  }
0x57: {  	v3 =	vperm.xlane v3, v2;
	v4 =	vadd.s32 v1, v4;
	_ =	sdelay $0x1  }
0x58: {  	v3 =	vadd.s32 v1, v3;
	_ =	sdelay $0x2  }
0x59: {  	[tilespmem:s28], [sflag:$0x1] =	stream.indirect_vreg.gather [hbm4b:s3+s2], $0x80, v4, vm0, $0xb8;
	[tilespmem:$0x8080] =	vst v63  }
0x5a: {  	_ = 	snop  }
0x5b: {  	[tilespmem:s29], [sflag:$0x1] =	stream.indirect_vreg.gather [hbm4b:s3+s2], $0x80, v3, vm0, $0xb8;
	[tilespmem:$0x8080] =	vst v63  }
0x5c: {  	v3 =	vld [tilespmem:$0x70];
	_ =	sdelay $0x4  }
0x5d: {  	v23 =	vshll.u32 v3, $0x1  }
0x5e: {  	v3 =	vand.u32 $0x7, v3;
	v4 =	vand.u32 $0xFFFFFFF0, v23  }
0x5f: {  	v3 =	vor.u32 v3, v4  }
0x60: {  	v4 =	vperm.xlane v3, v0;
	_ =	sdelay $0x1  }
0x61: {  	v3 =	vperm.xlane v3, v2;
	v4 =	vadd.s32 v1, v4;
	_ =	sdelay $0x1  }
0x62: {  	v3 =	vadd.s32 v1, v3;
	_ =	sdelay $0x2  }
0x63: {  	[tilespmem:s30], [sflag:$0x1] =	stream.indirect_vreg.gather [hbm4b:s3+s2], $0x80, v4, vm0, $0xb8;
	[tilespmem:$0x8080] =	vst v63  }
0x64: {  	_ = 	snop  }
0x65: {  	[tilespmem:s31], [sflag:$0x1] =	stream.indirect_vreg.gather [hbm4b:s3+s2], $0x80, v3, vm0, $0xb8;
	[tilespmem:$0x8080] =	vst v63  }
0x66: {  	_ =	swait.ge [sflag:s14], $0x8000  }
0x67: {  	[sflag:s14] =	ssyncset.done $0x0  }
0x68: {  	[sflag:s14] =	ssyncadd.s32 $0xFFFF8000  }
0x69: {  	[hbm4b:s5+s2] =	stream.linear.scatter [tilespmem:s15], [sflag:$0x1], $0x8000, $0x38;
	[tilespmem:$0x8080] =	vst v63  }
0x6a: {  	_ =	swait.ge [sflag:s14], $0x8000  }
0x6b: {  	[sflag:s14] =	ssyncset.done $0x0  }
0x6c: {  	[sflag:s14] =	ssyncadd.s32 $0xFFFF8000  }
0x6d: {  	v3 =	vld [tilespmem:$0x0];
	_ =	sdelay $0x4  }
0x6e: {  	v24 =	vshll.u32 v3, $0x1  }
0x6f: {  	v3 =	vand.u32 $0x7, v3;
	v4 =	vand.u32 $0xFFFFFFF0, v24  }
0x70: {  	v3 =	vor.u32 v3, v4  }
0x71: {  	v4 =	vperm.xlane v3, v0;
	_ =	sdelay $0x1  }
0x72: {  	v3 =	vperm.xlane v3, v2;
	v4 =	vadd.s32 v1, v4;
	_ =	sdelay $0x1  }
0x73: {  	v3 =	vadd.s32 v1, v3;
	_ =	sdelay $0x2  }
0x74: {  	[tilespmem:s15], [sflag:$0x1] =	stream.indirect_vreg.gather [hbm4b:s4+s2], $0x80, v4, vm0, $0xb8;
	[tilespmem:$0x8080] =	vst v63  }
0x75: {  	_ = 	snop  }
0x76: {  	[tilespmem:s16], [sflag:$0x1] =	stream.indirect_vreg.gather [hbm4b:s4+s2], $0x80, v3, vm0, $0xb8;
	[tilespmem:$0x8080] =	vst v63  }
0x77: {  	v3 =	vld [tilespmem:$0x10];
	_ =	sdelay $0x4  }
0x78: {  	v25 =	vshll.u32 v3, $0x1  }
0x79: {  	v3 =	vand.u32 $0x7, v3;
	v4 =	vand.u32 $0xFFFFFFF0, v25  }
0x7a: {  	v3 =	vor.u32 v3, v4  }
0x7b: {  	v4 =	vperm.xlane v3, v0;
	_ =	sdelay $0x1  }
0x7c: {  	v3 =	vperm.xlane v3, v2;
	v4 =	vadd.s32 v1, v4;
	_ =	sdelay $0x1  }
0x7d: {  	v3 =	vadd.s32 v1, v3;
	_ =	sdelay $0x2  }
0x7e: {  	[tilespmem:s17], [sflag:$0x1] =	stream.indirect_vreg.gather [hbm4b:s4+s2], $0x80, v4, vm0, $0xb8;
	[tilespmem:$0x8080] =	vst v63  }
0x7f: {  	_ = 	snop  }
0x80: {  	[tilespmem:s18], [sflag:$0x1] =	stream.indirect_vreg.gather [hbm4b:s4+s2], $0x80, v3, vm0, $0xb8;
	[tilespmem:$0x8080] =	vst v63  }
0x81: {  	v3 =	vld [tilespmem:$0x20];
	_ =	sdelay $0x4  }
0x82: {  	v26 =	vshll.u32 v3, $0x1  }
0x83: {  	v3 =	vand.u32 $0x7, v3;
	v4 =	vand.u32 $0xFFFFFFF0, v26  }
0x84: {  	v3 =	vor.u32 v3, v4  }
0x85: {  	v4 =	vperm.xlane v3, v0;
	_ =	sdelay $0x1  }
0x86: {  	v3 =	vperm.xlane v3, v2;
	v4 =	vadd.s32 v1, v4;
	_ =	sdelay $0x1  }
0x87: {  	v3 =	vadd.s32 v1, v3;
	_ =	sdelay $0x2  }
0x88: {  	[tilespmem:s19], [sflag:$0x1] =	stream.indirect_vreg.gather [hbm4b:s4+s2], $0x80, v4, vm0, $0xb8;
	[tilespmem:$0x8080] =	vst v63  }
0x89: {  	_ = 	snop  }
0x8a: {  	[tilespmem:s20], [sflag:$0x1] =	stream.indirect_vreg.gather [hbm4b:s4+s2], $0x80, v3, vm0, $0xb8;
	[tilespmem:$0x8080] =	vst v63  }
0x8b: {  	v3 =	vld [tilespmem:$0x30];
	_ =	sdelay $0x4  }
0x8c: {  	v27 =	vshll.u32 v3, $0x1  }
0x8d: {  	v3 =	vand.u32 $0x7, v3;
	v4 =	vand.u32 $0xFFFFFFF0, v27  }
0x8e: {  	v3 =	vor.u32 v3, v4  }
0x8f: {  	v4 =	vperm.xlane v3, v0;
	_ =	sdelay $0x1  }
0x90: {  	v3 =	vperm.xlane v3, v2;
	v4 =	vadd.s32 v1, v4;
	_ =	sdelay $0x1  }
0x91: {  	v3 =	vadd.s32 v1, v3;
	_ =	sdelay $0x2  }
0x92: {  	[tilespmem:s21], [sflag:$0x1] =	stream.indirect_vreg.gather [hbm4b:s4+s2], $0x80, v4, vm0, $0xb8;
	[tilespmem:$0x8080] =	vst v63  }
0x93: {  	_ = 	snop  }
0x94: {  	[tilespmem:s22], [sflag:$0x1] =	stream.indirect_vreg.gather [hbm4b:s4+s2], $0x80, v3, vm0, $0xb8;
	[tilespmem:$0x8080] =	vst v63  }
0x95: {  	v3 =	vld [tilespmem:$0x40];
	_ =	sdelay $0x4  }
0x96: {  	v28 =	vshll.u32 v3, $0x1  }
0x97: {  	v3 =	vand.u32 $0x7, v3;
	v4 =	vand.u32 $0xFFFFFFF0, v28  }
0x98: {  	v3 =	vor.u32 v3, v4  }
0x99: {  	v4 =	vperm.xlane v3, v0;
	_ =	sdelay $0x1  }
0x9a: {  	v3 =	vperm.xlane v3, v2;
	v4 =	vadd.s32 v1, v4;
	_ =	sdelay $0x1  }
0x9b: {  	v3 =	vadd.s32 v1, v3;
	_ =	sdelay $0x2  }
0x9c: {  	[tilespmem:s23], [sflag:$0x1] =	stream.indirect_vreg.gather [hbm4b:s4+s2], $0x80, v4, vm0, $0xb8;
	[tilespmem:$0x8080] =	vst v63  }
0x9d: {  	_ = 	snop  }
0x9e: {  	[tilespmem:s24], [sflag:$0x1] =	stream.indirect_vreg.gather [hbm4b:s4+s2], $0x80, v3, vm0, $0xb8;
	[tilespmem:$0x8080] =	vst v63  }
0x9f: {  	v3 =	vld [tilespmem:$0x50];
	_ =	sdelay $0x4  }
0xa0: {  	v29 =	vshll.u32 v3, $0x1  }
0xa1: {  	v3 =	vand.u32 $0x7, v3;
	v4 =	vand.u32 $0xFFFFFFF0, v29  }
0xa2: {  	v3 =	vor.u32 v3, v4  }
0xa3: {  	v4 =	vperm.xlane v3, v0;
	_ =	sdelay $0x1  }
0xa4: {  	v3 =	vperm.xlane v3, v2;
	v4 =	vadd.s32 v1, v4;
	_ =	sdelay $0x1  }
0xa5: {  	v3 =	vadd.s32 v1, v3;
	_ =	sdelay $0x2  }
0xa6: {  	[tilespmem:s25], [sflag:$0x1] =	stream.indirect_vreg.gather [hbm4b:s4+s2], $0x80, v4, vm0, $0xb8;
	[tilespmem:$0x8080] =	vst v63  }
0xa7: {  	_ = 	snop  }
0xa8: {  	[tilespmem:s26], [sflag:$0x1] =	stream.indirect_vreg.gather [hbm4b:s4+s2], $0x80, v3, vm0, $0xb8;
	[tilespmem:$0x8080] =	vst v63  }
0xa9: {  	v3 =	vld [tilespmem:$0x60];
	_ =	sdelay $0x4  }
0xaa: {  	v30 =	vshll.u32 v3, $0x1  }
0xab: {  	v3 =	vand.u32 $0x7, v3;
	v4 =	vand.u32 $0xFFFFFFF0, v30  }
0xac: {  	v3 =	vor.u32 v3, v4  }
0xad: {  	v4 =	vperm.xlane v3, v0;
	_ =	sdelay $0x1  }
0xae: {  	v3 =	vperm.xlane v3, v2;
	v4 =	vadd.s32 v1, v4;
	_ =	sdelay $0x1  }
0xaf: {  	v3 =	vadd.s32 v1, v3;
	_ =	sdelay $0x2  }
0xb0: {  	[tilespmem:s28], [sflag:$0x1] =	stream.indirect_vreg.gather [hbm4b:s4+s2], $0x80, v4, vm0, $0xb8;
	[tilespmem:$0x8080] =	vst v63  }
0xb1: {  	_ = 	snop  }
0xb2: {  	[tilespmem:s29], [sflag:$0x1] =	stream.indirect_vreg.gather [hbm4b:s4+s2], $0x80, v3, vm0, $0xb8;
	[tilespmem:$0x8080] =	vst v63  }
0xb3: {  	v3 =	vld [tilespmem:$0x70];
	_ =	sdelay $0x4  }
0xb4: {  	v31 =	vshll.u32 v3, $0x1  }
0xb5: {  	v3 =	vand.u32 $0x7, v3;
	v4 =	vand.u32 $0xFFFFFFF0, v31  }
0xb6: {  	v3 =	vor.u32 v3, v4  }
0xb7: {  	v4 =	vperm.xlane v3, v0;
	_ =	sdelay $0x1  }
0xb8: {  	v3 =	vperm.xlane v3, v2;
	v4 =	vadd.s32 v1, v4;
	_ =	sdelay $0x1  }
0xb9: {  	v3 =	vadd.s32 v1, v3;
	_ =	sdelay $0x2  }
0xba: {  	[tilespmem:s30], [sflag:$0x1] =	stream.indirect_vreg.gather [hbm4b:s4+s2], $0x80, v4, vm0, $0xb8;
	[tilespmem:$0x8080] =	vst v63  }
0xbb: {  	_ = 	snop  }
0xbc: {  	[tilespmem:s31], [sflag:$0x1] =	stream.indirect_vreg.gather [hbm4b:s4+s2], $0x80, v3, vm0, $0xb8;
	[tilespmem:$0x8080] =	vst v63  }
0xbd: {  	_ =	swait.ge [sflag:s14], $0x8000  }
0xbe: {  	[sflag:s14] =	ssyncset.done $0x0  }
0xbf: {  	[sflag:s14] =	ssyncadd.s32 $0xFFFF8000  }
0xc0: {  	[hbm4b:s6+s2] =	stream.linear.scatter [tilespmem:s15], [sflag:$0x1], $0x8000, $0x38;
	[tilespmem:$0x8080] =	vst v63  }
0xc1: {  	_ =	swait.ge [sflag:s14], $0x8000  }
0xc2: {  	[sflag:s14] =	ssyncset.done $0x0  }
0xc3: {  	[sflag:s14] =	ssyncadd.s32 $0xFFFF8000  }
0xc4: {  	[tilespmem:s2], [sflag:$0x1] =	stream.linear.gather [hbm4b:s8+s2], $0x80, $0x38;
	[tilespmem:$0x8080] =	vst v63  }
0xc5: {  	_ =	swait.ge [sflag:s14], $0x80  }
0xc6: {  	[sflag:s14] =	ssyncset.done $0x0  }
0xc7: {  	[sflag:s14] =	ssyncadd.s32 $0xFFFFFF80  }
0xc8: {  	v3 =	vld [tilespmem:$0x0];
	_ =	sdelay $0x4  }
0xc9: {  	v32 =	vshll.u32 v3, $0x1  }
0xca: {  	v3 =	vand.u32 $0x7, v3;
	v4 =	vand.u32 $0xFFFFFFF0, v32  }
0xcb: {  	v3 =	vor.u32 v3, v4  }
0xcc: {  	v4 =	vperm.xlane v3, v0;
	_ =	sdelay $0x1  }
0xcd: {  	v3 =	vperm.xlane v3, v2;
	v4 =	vadd.s32 v1, v4;
	_ =	sdelay $0x1  }
0xce: {  	v3 =	vadd.s32 v1, v3;
	_ =	sdelay $0x2  }
0xcf: {  	[tilespmem:s15], [sflag:$0x1] =	stream.indirect_vreg.gather [hbm4b:s3+s2], $0x80, v4, vm0, $0xb8;
	[tilespmem:$0x8080] =	vst v63  }
0xd0: {  	_ = 	snop  }
0xd1: {  	[tilespmem:s16], [sflag:$0x1] =	stream.indirect_vreg.gather [hbm4b:s3+s2], $0x80, v3, vm0, $0xb8;
	[tilespmem:$0x8080] =	vst v63  }
0xd2: {  	v3 =	vld [tilespmem:$0x10];
	_ =	sdelay $0x4  }
0xd3: {  	v33 =	vshll.u32 v3, $0x1  }
0xd4: {  	v3 =	vand.u32 $0x7, v3;
	v4 =	vand.u32 $0xFFFFFFF0, v33  }
0xd5: {  	v3 =	vor.u32 v3, v4  }
0xd6: {  	v4 =	vperm.xlane v3, v0;
	_ =	sdelay $0x1  }
0xd7: {  	v3 =	vperm.xlane v3, v2;
	v4 =	vadd.s32 v1, v4;
	_ =	sdelay $0x1  }
0xd8: {  	v3 =	vadd.s32 v1, v3;
	_ =	sdelay $0x2  }
0xd9: {  	[tilespmem:s17], [sflag:$0x1] =	stream.indirect_vreg.gather [hbm4b:s3+s2], $0x80, v4, vm0, $0xb8;
	[tilespmem:$0x8080] =	vst v63  }
0xda: {  	_ = 	snop  }
0xdb: {  	[tilespmem:s18], [sflag:$0x1] =	stream.indirect_vreg.gather [hbm4b:s3+s2], $0x80, v3, vm0, $0xb8;
	[tilespmem:$0x8080] =	vst v63  }
0xdc: {  	v3 =	vld [tilespmem:$0x20];
	_ =	sdelay $0x4  }
0xdd: {  	v34 =	vshll.u32 v3, $0x1  }
0xde: {  	v3 =	vand.u32 $0x7, v3;
	v4 =	vand.u32 $0xFFFFFFF0, v34  }
0xdf: {  	v3 =	vor.u32 v3, v4  }
0xe0: {  	v4 =	vperm.xlane v3, v0;
	_ =	sdelay $0x1  }
0xe1: {  	v3 =	vperm.xlane v3, v2;
	v4 =	vadd.s32 v1, v4;
	_ =	sdelay $0x1  }
0xe2: {  	v3 =	vadd.s32 v1, v3;
	_ =	sdelay $0x2  }
0xe3: {  	[tilespmem:s19], [sflag:$0x1] =	stream.indirect_vreg.gather [hbm4b:s3+s2], $0x80, v4, vm0, $0xb8;
	[tilespmem:$0x8080] =	vst v63  }
0xe4: {  	_ = 	snop  }
0xe5: {  	[tilespmem:s20], [sflag:$0x1] =	stream.indirect_vreg.gather [hbm4b:s3+s2], $0x80, v3, vm0, $0xb8;
	[tilespmem:$0x8080] =	vst v63  }
0xe6: {  	v3 =	vld [tilespmem:$0x30];
	_ =	sdelay $0x4  }
0xe7: {  	v35 =	vshll.u32 v3, $0x1  }
0xe8: {  	v3 =	vand.u32 $0x7, v3;
	v4 =	vand.u32 $0xFFFFFFF0, v35  }
0xe9: {  	v3 =	vor.u32 v3, v4  }
0xea: {  	v4 =	vperm.xlane v3, v0;
	_ =	sdelay $0x1  }
0xeb: {  	v3 =	vperm.xlane v3, v2;
	v4 =	vadd.s32 v1, v4;
	_ =	sdelay $0x1  }
0xec: {  	v3 =	vadd.s32 v1, v3;
	_ =	sdelay $0x2  }
0xed: {  	[tilespmem:s21], [sflag:$0x1] =	stream.indirect_vreg.gather [hbm4b:s3+s2], $0x80, v4, vm0, $0xb8;
	[tilespmem:$0x8080] =	vst v63  }
0xee: {  	_ = 	snop  }
0xef: {  	[tilespmem:s22], [sflag:$0x1] =	stream.indirect_vreg.gather [hbm4b:s3+s2], $0x80, v3, vm0, $0xb8;
	[tilespmem:$0x8080] =	vst v63  }
0xf0: {  	v3 =	vld [tilespmem:$0x40];
	_ =	sdelay $0x4  }
0xf1: {  	v36 =	vshll.u32 v3, $0x1  }
0xf2: {  	v3 =	vand.u32 $0x7, v3;
	v4 =	vand.u32 $0xFFFFFFF0, v36  }
0xf3: {  	v3 =	vor.u32 v3, v4  }
0xf4: {  	v4 =	vperm.xlane v3, v0;
	_ =	sdelay $0x1  }
0xf5: {  	v3 =	vperm.xlane v3, v2;
	v4 =	vadd.s32 v1, v4;
	_ =	sdelay $0x1  }
0xf6: {  	v3 =	vadd.s32 v1, v3;
	_ =	sdelay $0x2  }
0xf7: {  	[tilespmem:s23], [sflag:$0x1] =	stream.indirect_vreg.gather [hbm4b:s3+s2], $0x80, v4, vm0, $0xb8;
	[tilespmem:$0x8080] =	vst v63  }
0xf8: {  	_ = 	snop  }
0xf9: {  	[tilespmem:s24], [sflag:$0x1] =	stream.indirect_vreg.gather [hbm4b:s3+s2], $0x80, v3, vm0, $0xb8;
	[tilespmem:$0x8080] =	vst v63  }
0xfa: {  	v3 =	vld [tilespmem:$0x50];
	_ =	sdelay $0x4  }
0xfb: {  	v37 =	vshll.u32 v3, $0x1  }
0xfc: {  	v3 =	vand.u32 $0x7, v3;
	v4 =	vand.u32 $0xFFFFFFF0, v37  }
0xfd: {  	v3 =	vor.u32 v3, v4  }
0xfe: {  	v4 =	vperm.xlane v3, v0;
	_ =	sdelay $0x1  }
0xff: {  	v3 =	vperm.xlane v3, v2;
	v4 =	vadd.s32 v1, v4;
	_ =	sdelay $0x1  }
0x100: {  	v3 =	vadd.s32 v1, v3;
	_ =	sdelay $0x2  }
0x101: {  	[tilespmem:s25], [sflag:$0x1] =	stream.indirect_vreg.gather [hbm4b:s3+s2], $0x80, v4, vm0, $0xb8;
	[tilespmem:$0x8080] =	vst v63  }
0x102: {  	_ = 	snop  }
0x103: {  	[tilespmem:s26], [sflag:$0x1] =	stream.indirect_vreg.gather [hbm4b:s3+s2], $0x80, v3, vm0, $0xb8;
	[tilespmem:$0x8080] =	vst v63  }
0x104: {  	v3 =	vld [tilespmem:$0x60];
	_ =	sdelay $0x4  }
0x105: {  	v38 =	vshll.u32 v3, $0x1  }
0x106: {  	v3 =	vand.u32 $0x7, v3;
	v4 =	vand.u32 $0xFFFFFFF0, v38  }
0x107: {  	v3 =	vor.u32 v3, v4  }
0x108: {  	v4 =	vperm.xlane v3, v0;
	_ =	sdelay $0x1  }
0x109: {  	v3 =	vperm.xlane v3, v2;
	v4 =	vadd.s32 v1, v4;
	_ =	sdelay $0x1  }
0x10a: {  	v3 =	vadd.s32 v1, v3;
	_ =	sdelay $0x2  }
0x10b: {  	[tilespmem:s28], [sflag:$0x1] =	stream.indirect_vreg.gather [hbm4b:s3+s2], $0x80, v4, vm0, $0xb8;
	[tilespmem:$0x8080] =	vst v63  }
0x10c: {  	_ = 	snop  }
0x10d: {  	[tilespmem:s29], [sflag:$0x1] =	stream.indirect_vreg.gather [hbm4b:s3+s2], $0x80, v3, vm0, $0xb8;
	[tilespmem:$0x8080] =	vst v63  }
0x10e: {  	v3 =	vld [tilespmem:$0x70];
	_ =	sdelay $0x4  }
0x10f: {  	v39 =	vshll.u32 v3, $0x1  }
0x110: {  	v3 =	vand.u32 $0x7, v3;
	v4 =	vand.u32 $0xFFFFFFF0, v39  }
0x111: {  	v3 =	vor.u32 v3, v4  }
0x112: {  	v4 =	vperm.xlane v3, v0;
	_ =	sdelay $0x1  }
0x113: {  	v3 =	vperm.xlane v3, v2;
	v4 =	vadd.s32 v1, v4;
	_ =	sdelay $0x1  }
0x114: {  	v3 =	vadd.s32 v1, v3;
	_ =	sdelay $0x2  }
0x115: {  	[tilespmem:s30], [sflag:$0x1] =	stream.indirect_vreg.gather [hbm4b:s3+s2], $0x80, v4, vm0, $0xb8;
	[tilespmem:$0x8080] =	vst v63  }
0x116: {  	_ = 	snop  }
0x117: {  	[tilespmem:s31], [sflag:$0x1] =	stream.indirect_vreg.gather [hbm4b:s3+s2], $0x80, v3, vm0, $0xb8;
	[tilespmem:$0x8080] =	vst v63  }
0x118: {  	_ =	swait.ge [sflag:s14], $0x8000  }
0x119: {  	[sflag:s14] =	ssyncset.done $0x0  }
0x11a: {  	[sflag:s14] =	ssyncadd.s32 $0xFFFF8000  }
0x11b: {  	[hbm4b:s7+s2] =	stream.linear.scatter [tilespmem:s15], [sflag:$0x1], $0x8000, $0x38;
	[tilespmem:$0x8080] =	vst v63  }
0x11c: {  	_ =	swait.ge [sflag:s14], $0x8000  }
0x11d: {  	[sflag:s14] =	ssyncset.done $0x0  }
0x11e: {  	[sflag:s14] =	ssyncadd.s32 $0xFFFF8000  }
0x11f: {  	v3 =	vld [tilespmem:$0x0];
	_ =	sdelay $0x4  }
0x120: {  	v40 =	vshll.u32 v3, $0x1  }
0x121: {  	v3 =	vand.u32 $0x7, v3;
	v4 =	vand.u32 $0xFFFFFFF0, v40  }
0x122: {  	v3 =	vor.u32 v3, v4  }
0x123: {  	v4 =	vperm.xlane v3, v0;
	_ =	sdelay $0x1  }
0x124: {  	v3 =	vperm.xlane v3, v2;
	v4 =	vadd.s32 v1, v4;
	_ =	sdelay $0x1  }
0x125: {  	v3 =	vadd.s32 v1, v3;
	_ =	sdelay $0x2  }
0x126: {  	[tilespmem:s15], [sflag:$0x1] =	stream.indirect_vreg.gather [hbm4b:s4+s2], $0x80, v4, vm0, $0xb8;
	[tilespmem:$0x8080] =	vst v63  }
0x127: {  	_ = 	snop  }
0x128: {  	[tilespmem:s16], [sflag:$0x1] =	stream.indirect_vreg.gather [hbm4b:s4+s2], $0x80, v3, vm0, $0xb8;
	[tilespmem:$0x8080] =	vst v63  }
0x129: {  	v3 =	vld [tilespmem:$0x10];
	_ =	sdelay $0x4  }
0x12a: {  	v41 =	vshll.u32 v3, $0x1  }
0x12b: {  	v3 =	vand.u32 $0x7, v3;
	v4 =	vand.u32 $0xFFFFFFF0, v41  }
0x12c: {  	v3 =	vor.u32 v3, v4  }
0x12d: {  	v4 =	vperm.xlane v3, v0;
	_ =	sdelay $0x1  }
0x12e: {  	v3 =	vperm.xlane v3, v2;
	v4 =	vadd.s32 v1, v4;
	_ =	sdelay $0x1  }
0x12f: {  	v3 =	vadd.s32 v1, v3;
	_ =	sdelay $0x2  }
0x130: {  	[tilespmem:s17], [sflag:$0x1] =	stream.indirect_vreg.gather [hbm4b:s4+s2], $0x80, v4, vm0, $0xb8;
	[tilespmem:$0x8080] =	vst v63  }
0x131: {  	_ = 	snop  }
0x132: {  	[tilespmem:s18], [sflag:$0x1] =	stream.indirect_vreg.gather [hbm4b:s4+s2], $0x80, v3, vm0, $0xb8;
	[tilespmem:$0x8080] =	vst v63  }
0x133: {  	v3 =	vld [tilespmem:$0x20];
	_ =	sdelay $0x4  }
0x134: {  	v42 =	vshll.u32 v3, $0x1  }
0x135: {  	v3 =	vand.u32 $0x7, v3;
	v4 =	vand.u32 $0xFFFFFFF0, v42  }
0x136: {  	v3 =	vor.u32 v3, v4  }
0x137: {  	v4 =	vperm.xlane v3, v0;
	_ =	sdelay $0x1  }
0x138: {  	v3 =	vperm.xlane v3, v2;
	v4 =	vadd.s32 v1, v4;
	_ =	sdelay $0x1  }
0x139: {  	v3 =	vadd.s32 v1, v3;
	_ =	sdelay $0x2  }
0x13a: {  	[tilespmem:s19], [sflag:$0x1] =	stream.indirect_vreg.gather [hbm4b:s4+s2], $0x80, v4, vm0, $0xb8;
	[tilespmem:$0x8080] =	vst v63  }
0x13b: {  	_ = 	snop  }
0x13c: {  	[tilespmem:s20], [sflag:$0x1] =	stream.indirect_vreg.gather [hbm4b:s4+s2], $0x80, v3, vm0, $0xb8;
	[tilespmem:$0x8080] =	vst v63  }
0x13d: {  	v3 =	vld [tilespmem:$0x30];
	_ =	sdelay $0x4  }
0x13e: {  	v43 =	vshll.u32 v3, $0x1  }
0x13f: {  	v3 =	vand.u32 $0x7, v3;
	v4 =	vand.u32 $0xFFFFFFF0, v43  }
0x140: {  	v3 =	vor.u32 v3, v4  }
0x141: {  	v4 =	vperm.xlane v3, v0;
	_ =	sdelay $0x1  }
0x142: {  	v3 =	vperm.xlane v3, v2;
	v4 =	vadd.s32 v1, v4;
	_ =	sdelay $0x1  }
0x143: {  	v3 =	vadd.s32 v1, v3;
	_ =	sdelay $0x2  }
0x144: {  	[tilespmem:s21], [sflag:$0x1] =	stream.indirect_vreg.gather [hbm4b:s4+s2], $0x80, v4, vm0, $0xb8;
	[tilespmem:$0x8080] =	vst v63  }
0x145: {  	_ = 	snop  }
0x146: {  	[tilespmem:s22], [sflag:$0x1] =	stream.indirect_vreg.gather [hbm4b:s4+s2], $0x80, v3, vm0, $0xb8;
	[tilespmem:$0x8080] =	vst v63  }
0x147: {  	v3 =	vld [tilespmem:$0x40];
	_ =	sdelay $0x4  }
0x148: {  	v44 =	vshll.u32 v3, $0x1  }
0x149: {  	v3 =	vand.u32 $0x7, v3;
	v4 =	vand.u32 $0xFFFFFFF0, v44  }
0x14a: {  	v3 =	vor.u32 v3, v4  }
0x14b: {  	v4 =	vperm.xlane v3, v0;
	_ =	sdelay $0x1  }
0x14c: {  	v3 =	vperm.xlane v3, v2;
	v4 =	vadd.s32 v1, v4;
	_ =	sdelay $0x1  }
0x14d: {  	v3 =	vadd.s32 v1, v3;
	_ =	sdelay $0x2  }
0x14e: {  	[tilespmem:s23], [sflag:$0x1] =	stream.indirect_vreg.gather [hbm4b:s4+s2], $0x80, v4, vm0, $0xb8;
	[tilespmem:$0x8080] =	vst v63  }
0x14f: {  	_ = 	snop  }
0x150: {  	[tilespmem:s24], [sflag:$0x1] =	stream.indirect_vreg.gather [hbm4b:s4+s2], $0x80, v3, vm0, $0xb8;
	[tilespmem:$0x8080] =	vst v63  }
0x151: {  	v3 =	vld [tilespmem:$0x50];
	_ =	sdelay $0x4  }
0x152: {  	v45 =	vshll.u32 v3, $0x1  }
0x153: {  	v3 =	vand.u32 $0x7, v3;
	v4 =	vand.u32 $0xFFFFFFF0, v45  }
0x154: {  	v3 =	vor.u32 v3, v4  }
0x155: {  	v4 =	vperm.xlane v3, v0;
	_ =	sdelay $0x1  }
0x156: {  	v3 =	vperm.xlane v3, v2;
	v4 =	vadd.s32 v1, v4;
	_ =	sdelay $0x1  }
0x157: {  	v3 =	vadd.s32 v1, v3;
	_ =	sdelay $0x2  }
0x158: {  	[tilespmem:s25], [sflag:$0x1] =	stream.indirect_vreg.gather [hbm4b:s4+s2], $0x80, v4, vm0, $0xb8;
	[tilespmem:$0x8080] =	vst v63  }
0x159: {  	_ = 	snop  }
0x15a: {  	[tilespmem:s26], [sflag:$0x1] =	stream.indirect_vreg.gather [hbm4b:s4+s2], $0x80, v3, vm0, $0xb8;
	[tilespmem:$0x8080] =	vst v63  }
0x15b: {  	v3 =	vld [tilespmem:$0x60];
	_ =	sdelay $0x4  }
0x15c: {  	v46 =	vshll.u32 v3, $0x1  }
0x15d: {  	v3 =	vand.u32 $0x7, v3;
	v4 =	vand.u32 $0xFFFFFFF0, v46  }
0x15e: {  	v3 =	vor.u32 v3, v4  }
0x15f: {  	v4 =	vperm.xlane v3, v0;
	_ =	sdelay $0x1  }
0x160: {  	v3 =	vperm.xlane v3, v2;
	v4 =	vadd.s32 v1, v4;
	_ =	sdelay $0x1  }
0x161: {  	v3 =	vadd.s32 v1, v3;
	_ =	sdelay $0x2  }
0x162: {  	[tilespmem:s28], [sflag:$0x1] =	stream.indirect_vreg.gather [hbm4b:s4+s2], $0x80, v4, vm0, $0xb8;
	[tilespmem:$0x8080] =	vst v63  }
0x163: {  	_ = 	snop  }
0x164: {  	[tilespmem:s29], [sflag:$0x1] =	stream.indirect_vreg.gather [hbm4b:s4+s2], $0x80, v3, vm0, $0xb8;
	[tilespmem:$0x8080] =	vst v63  }
0x165: {  	v3 =	vld [tilespmem:$0x70];
	_ =	sdelay $0x4  }
0x166: {  	v47 =	vshll.u32 v3, $0x1  }
0x167: {  	v3 =	vand.u32 $0x7, v3;
	v4 =	vand.u32 $0xFFFFFFF0, v47  }
0x168: {  	v3 =	vor.u32 v3, v4  }
0x169: {  	v4 =	vperm.xlane v3, v0;
	_ =	sdelay $0x1  }
0x16a: {  	v3 =	vperm.xlane v3, v2;
	v4 =	vadd.s32 v1, v4;
	_ =	sdelay $0x1  }
0x16b: {  	v3 =	vadd.s32 v1, v3;
	_ =	sdelay $0x2  }
0x16c: {  	[tilespmem:s30], [sflag:$0x1] =	stream.indirect_vreg.gather [hbm4b:s4+s2], $0x80, v4, vm0, $0xb8;
	[tilespmem:$0x8080] =	vst v63  }
0x16d: {  	_ = 	snop  }
0x16e: {  	[tilespmem:s31], [sflag:$0x1] =	stream.indirect_vreg.gather [hbm4b:s4+s2], $0x80, v3, vm0, $0xb8;
	[tilespmem:$0x8080] =	vst v63  }
0x16f: {  	_ =	swait.ge [sflag:s14], $0x8000  }
0x170: {  	[sflag:s14] =	ssyncset.done $0x0  }
0x171: {  	[sflag:s14] =	ssyncadd.s32 $0xFFFF8000  }
0x172: {  	[hbm4b:s9+s2] =	stream.linear.scatter [tilespmem:s15], [sflag:$0x1], $0x8000, $0x38;
	[tilespmem:$0x8080] =	vst v63  }
0x173: {  	_ =	swait.ge [sflag:s14], $0x8000  }
0x174: {  	[sflag:s14] =	ssyncset.done $0x0  }
0x175: {  	[sflag:s14] =	ssyncadd.s32 $0xFFFF8000  }
0x176: {  	[tilespmem:s2], [sflag:$0x1] =	stream.linear.gather [hbm4b:s10+s2], $0x80, $0x38;
	[tilespmem:$0x8080] =	vst v63  }
0x177: {  	_ =	swait.ge [sflag:s14], $0x80  }
0x178: {  	[sflag:s14] =	ssyncset.done $0x0  }
0x179: {  	[sflag:s14] =	ssyncadd.s32 $0xFFFFFF80  }
0x17a: {  	v3 =	vld [tilespmem:$0x0];
	_ =	sdelay $0x4  }
0x17b: {  	v48 =	vshll.u32 v3, $0x1  }
0x17c: {  	v3 =	vand.u32 $0x7, v3;
	v4 =	vand.u32 $0xFFFFFFF0, v48  }
0x17d: {  	v3 =	vor.u32 v3, v4  }
0x17e: {  	v4 =	vperm.xlane v3, v0;
	_ =	sdelay $0x1  }
0x17f: {  	v3 =	vperm.xlane v3, v2;
	v4 =	vadd.s32 v1, v4;
	_ =	sdelay $0x1  }
0x180: {  	v3 =	vadd.s32 v1, v3;
	_ =	sdelay $0x2  }
0x181: {  	[tilespmem:s15], [sflag:$0x1] =	stream.indirect_vreg.gather [hbm4b:s3+s2], $0x80, v4, vm0, $0xb8;
	[tilespmem:$0x8080] =	vst v63  }
0x182: {  	_ = 	snop  }
0x183: {  	[tilespmem:s16], [sflag:$0x1] =	stream.indirect_vreg.gather [hbm4b:s3+s2], $0x80, v3, vm0, $0xb8;
	[tilespmem:$0x8080] =	vst v63  }
0x184: {  	v3 =	vld [tilespmem:$0x10];
	_ =	sdelay $0x4  }
0x185: {  	v49 =	vshll.u32 v3, $0x1  }
0x186: {  	v3 =	vand.u32 $0x7, v3;
	v4 =	vand.u32 $0xFFFFFFF0, v49  }
0x187: {  	v3 =	vor.u32 v3, v4  }
0x188: {  	v4 =	vperm.xlane v3, v0;
	_ =	sdelay $0x1  }
0x189: {  	v3 =	vperm.xlane v3, v2;
	v4 =	vadd.s32 v1, v4;
	_ =	sdelay $0x1  }
0x18a: {  	v3 =	vadd.s32 v1, v3;
	_ =	sdelay $0x2  }
0x18b: {  	[tilespmem:s17], [sflag:$0x1] =	stream.indirect_vreg.gather [hbm4b:s3+s2], $0x80, v4, vm0, $0xb8;
	[tilespmem:$0x8080] =	vst v63  }
0x18c: {  	_ = 	snop  }
0x18d: {  	[tilespmem:s18], [sflag:$0x1] =	stream.indirect_vreg.gather [hbm4b:s3+s2], $0x80, v3, vm0, $0xb8;
	[tilespmem:$0x8080] =	vst v63  }
0x18e: {  	v3 =	vld [tilespmem:$0x20];
	_ =	sdelay $0x4  }
0x18f: {  	v50 =	vshll.u32 v3, $0x1  }
0x190: {  	v3 =	vand.u32 $0x7, v3;
	v4 =	vand.u32 $0xFFFFFFF0, v50  }
0x191: {  	v3 =	vor.u32 v3, v4  }
0x192: {  	v4 =	vperm.xlane v3, v0;
	_ =	sdelay $0x1  }
0x193: {  	v3 =	vperm.xlane v3, v2;
	v4 =	vadd.s32 v1, v4;
	_ =	sdelay $0x1  }
0x194: {  	v3 =	vadd.s32 v1, v3;
	_ =	sdelay $0x2  }
0x195: {  	[tilespmem:s19], [sflag:$0x1] =	stream.indirect_vreg.gather [hbm4b:s3+s2], $0x80, v4, vm0, $0xb8;
	[tilespmem:$0x8080] =	vst v63  }
0x196: {  	_ = 	snop  }
0x197: {  	[tilespmem:s20], [sflag:$0x1] =	stream.indirect_vreg.gather [hbm4b:s3+s2], $0x80, v3, vm0, $0xb8;
	[tilespmem:$0x8080] =	vst v63  }
0x198: {  	v3 =	vld [tilespmem:$0x30];
	_ =	sdelay $0x4  }
0x199: {  	v51 =	vshll.u32 v3, $0x1  }
0x19a: {  	v3 =	vand.u32 $0x7, v3;
	v4 =	vand.u32 $0xFFFFFFF0, v51  }
0x19b: {  	v3 =	vor.u32 v3, v4  }
0x19c: {  	v4 =	vperm.xlane v3, v0;
	_ =	sdelay $0x1  }
0x19d: {  	v3 =	vperm.xlane v3, v2;
	v4 =	vadd.s32 v1, v4;
	_ =	sdelay $0x1  }
0x19e: {  	v3 =	vadd.s32 v1, v3;
	_ =	sdelay $0x2  }
0x19f: {  	[tilespmem:s21], [sflag:$0x1] =	stream.indirect_vreg.gather [hbm4b:s3+s2], $0x80, v4, vm0, $0xb8;
	[tilespmem:$0x8080] =	vst v63  }
0x1a0: {  	_ = 	snop  }
0x1a1: {  	[tilespmem:s22], [sflag:$0x1] =	stream.indirect_vreg.gather [hbm4b:s3+s2], $0x80, v3, vm0, $0xb8;
	[tilespmem:$0x8080] =	vst v63  }
0x1a2: {  	v3 =	vld [tilespmem:$0x40];
	_ =	sdelay $0x4  }
0x1a3: {  	v52 =	vshll.u32 v3, $0x1  }
0x1a4: {  	v3 =	vand.u32 $0x7, v3;
	v4 =	vand.u32 $0xFFFFFFF0, v52  }
0x1a5: {  	v3 =	vor.u32 v3, v4  }
0x1a6: {  	v4 =	vperm.xlane v3, v0;
	_ =	sdelay $0x1  }
0x1a7: {  	v3 =	vperm.xlane v3, v2;
	v4 =	vadd.s32 v1, v4;
	_ =	sdelay $0x1  }
0x1a8: {  	v3 =	vadd.s32 v1, v3;
	_ =	sdelay $0x2  }
0x1a9: {  	[tilespmem:s23], [sflag:$0x1] =	stream.indirect_vreg.gather [hbm4b:s3+s2], $0x80, v4, vm0, $0xb8;
	[tilespmem:$0x8080] =	vst v63  }
0x1aa: {  	_ = 	snop  }
0x1ab: {  	[tilespmem:s24], [sflag:$0x1] =	stream.indirect_vreg.gather [hbm4b:s3+s2], $0x80, v3, vm0, $0xb8;
	[tilespmem:$0x8080] =	vst v63  }
0x1ac: {  	v3 =	vld [tilespmem:$0x50];
	_ =	sdelay $0x4  }
0x1ad: {  	v53 =	vshll.u32 v3, $0x1  }
0x1ae: {  	v3 =	vand.u32 $0x7, v3;
	v4 =	vand.u32 $0xFFFFFFF0, v53  }
0x1af: {  	v3 =	vor.u32 v3, v4  }
0x1b0: {  	v4 =	vperm.xlane v3, v0;
	_ =	sdelay $0x1  }
0x1b1: {  	v3 =	vperm.xlane v3, v2;
	v4 =	vadd.s32 v1, v4;
	_ =	sdelay $0x1  }
0x1b2: {  	v3 =	vadd.s32 v1, v3;
	_ =	sdelay $0x2  }
0x1b3: {  	[tilespmem:s25], [sflag:$0x1] =	stream.indirect_vreg.gather [hbm4b:s3+s2], $0x80, v4, vm0, $0xb8;
	[tilespmem:$0x8080] =	vst v63  }
0x1b4: {  	_ = 	snop  }
0x1b5: {  	[tilespmem:s26], [sflag:$0x1] =	stream.indirect_vreg.gather [hbm4b:s3+s2], $0x80, v3, vm0, $0xb8;
	[tilespmem:$0x8080] =	vst v63  }
0x1b6: {  	v3 =	vld [tilespmem:$0x60];
	_ =	sdelay $0x4  }
0x1b7: {  	v54 =	vshll.u32 v3, $0x1  }
0x1b8: {  	v3 =	vand.u32 $0x7, v3;
	v4 =	vand.u32 $0xFFFFFFF0, v54  }
0x1b9: {  	v3 =	vor.u32 v3, v4  }
0x1ba: {  	v4 =	vperm.xlane v3, v0;
	_ =	sdelay $0x1  }
0x1bb: {  	v3 =	vperm.xlane v3, v2;
	v4 =	vadd.s32 v1, v4;
	_ =	sdelay $0x1  }
0x1bc: {  	v3 =	vadd.s32 v1, v3;
	_ =	sdelay $0x2  }
0x1bd: {  	[tilespmem:s28], [sflag:$0x1] =	stream.indirect_vreg.gather [hbm4b:s3+s2], $0x80, v4, vm0, $0xb8;
	[tilespmem:$0x8080] =	vst v63  }
0x1be: {  	_ = 	snop  }
0x1bf: {  	[tilespmem:s29], [sflag:$0x1] =	stream.indirect_vreg.gather [hbm4b:s3+s2], $0x80, v3, vm0, $0xb8;
	[tilespmem:$0x8080] =	vst v63  }
0x1c0: {  	v3 =	vld [tilespmem:$0x70];
	_ =	sdelay $0x4  }
0x1c1: {  	v55 =	vshll.u32 v3, $0x1  }
0x1c2: {  	v3 =	vand.u32 $0x7, v3;
	v4 =	vand.u32 $0xFFFFFFF0, v55  }
0x1c3: {  	v3 =	vor.u32 v3, v4  }
0x1c4: {  	v4 =	vperm.xlane v3, v0;
	_ =	sdelay $0x1  }
0x1c5: {  	v3 =	vperm.xlane v3, v2;
	v4 =	vadd.s32 v1, v4;
	_ =	sdelay $0x1  }
0x1c6: {  	v3 =	vadd.s32 v1, v3;
	_ =	sdelay $0x2  }
0x1c7: {  	[tilespmem:s30], [sflag:$0x1] =	stream.indirect_vreg.gather [hbm4b:s3+s2], $0x80, v4, vm0, $0xb8;
	[tilespmem:$0x8080] =	vst v63  }
0x1c8: {  	_ = 	snop  }
0x1c9: {  	[tilespmem:s31], [sflag:$0x1] =	stream.indirect_vreg.gather [hbm4b:s3+s2], $0x80, v3, vm0, $0xb8;
	[tilespmem:$0x8080] =	vst v63  }
0x1ca: {  	_ =	swait.ge [sflag:s14], $0x8000  }
0x1cb: {  	[sflag:s14] =	ssyncset.done $0x0  }
0x1cc: {  	[sflag:s14] =	ssyncadd.s32 $0xFFFF8000  }
0x1cd: {  	[hbm4b:s11+s2] =	stream.linear.scatter [tilespmem:s15], [sflag:$0x1], $0x8000, $0x38;
	[tilespmem:$0x8080] =	vst v63  }
0x1ce: {  	_ =	swait.ge [sflag:s14], $0x8000  }
0x1cf: {  	[sflag:s14] =	ssyncset.done $0x0  }
0x1d0: {  	[sflag:s14] =	ssyncadd.s32 $0xFFFF8000  }
0x1d1: {  	v3 =	vld [tilespmem:$0x0];
	_ =	sdelay $0x4  }
0x1d2: {  	v56 =	vshll.u32 v3, $0x1  }
0x1d3: {  	v3 =	vand.u32 $0x7, v3;
	v4 =	vand.u32 $0xFFFFFFF0, v56  }
0x1d4: {  	v3 =	vor.u32 v3, v4  }
0x1d5: {  	v4 =	vperm.xlane v3, v0;
	_ =	sdelay $0x1  }
0x1d6: {  	v3 =	vperm.xlane v3, v2;
	v4 =	vadd.s32 v1, v4;
	_ =	sdelay $0x1  }
0x1d7: {  	v3 =	vadd.s32 v1, v3;
	_ =	sdelay $0x2  }
0x1d8: {  	[tilespmem:s15], [sflag:$0x1] =	stream.indirect_vreg.gather [hbm4b:s4+s2], $0x80, v4, vm0, $0xb8;
	[tilespmem:$0x8080] =	vst v63  }
0x1d9: {  	_ = 	snop  }
0x1da: {  	[tilespmem:s16], [sflag:$0x1] =	stream.indirect_vreg.gather [hbm4b:s4+s2], $0x80, v3, vm0, $0xb8;
	[tilespmem:$0x8080] =	vst v63  }
0x1db: {  	v3 =	vld [tilespmem:$0x10];
	_ =	sdelay $0x4  }
0x1dc: {  	v57 =	vshll.u32 v3, $0x1  }
0x1dd: {  	v3 =	vand.u32 $0x7, v3;
	v4 =	vand.u32 $0xFFFFFFF0, v57  }
0x1de: {  	v3 =	vor.u32 v3, v4  }
0x1df: {  	v4 =	vperm.xlane v3, v0;
	_ =	sdelay $0x1  }
0x1e0: {  	v3 =	vperm.xlane v3, v2;
	v4 =	vadd.s32 v1, v4;
	_ =	sdelay $0x1  }
0x1e1: {  	v3 =	vadd.s32 v1, v3;
	_ =	sdelay $0x2  }
0x1e2: {  	[tilespmem:s17], [sflag:$0x1] =	stream.indirect_vreg.gather [hbm4b:s4+s2], $0x80, v4, vm0, $0xb8;
	[tilespmem:$0x8080] =	vst v63  }
0x1e3: {  	_ = 	snop  }
0x1e4: {  	[tilespmem:s18], [sflag:$0x1] =	stream.indirect_vreg.gather [hbm4b:s4+s2], $0x80, v3, vm0, $0xb8;
	[tilespmem:$0x8080] =	vst v63  }
0x1e5: {  	v3 =	vld [tilespmem:$0x20];
	_ =	sdelay $0x4  }
0x1e6: {  	v58 =	vshll.u32 v3, $0x1  }
0x1e7: {  	v3 =	vand.u32 $0x7, v3;
	v4 =	vand.u32 $0xFFFFFFF0, v58  }
0x1e8: {  	v3 =	vor.u32 v3, v4  }
0x1e9: {  	v4 =	vperm.xlane v3, v0;
	_ =	sdelay $0x1  }
0x1ea: {  	v3 =	vperm.xlane v3, v2;
	v4 =	vadd.s32 v1, v4;
	_ =	sdelay $0x1  }
0x1eb: {  	v3 =	vadd.s32 v1, v3;
	_ =	sdelay $0x2  }
0x1ec: {  	[tilespmem:s19], [sflag:$0x1] =	stream.indirect_vreg.gather [hbm4b:s4+s2], $0x80, v4, vm0, $0xb8;
	[tilespmem:$0x8080] =	vst v63  }
0x1ed: {  	_ = 	snop  }
0x1ee: {  	[tilespmem:s20], [sflag:$0x1] =	stream.indirect_vreg.gather [hbm4b:s4+s2], $0x80, v3, vm0, $0xb8;
	[tilespmem:$0x8080] =	vst v63  }
0x1ef: {  	v3 =	vld [tilespmem:$0x30];
	_ =	sdelay $0x4  }
0x1f0: {  	v59 =	vshll.u32 v3, $0x1  }
0x1f1: {  	v3 =	vand.u32 $0x7, v3;
	v4 =	vand.u32 $0xFFFFFFF0, v59  }
0x1f2: {  	v3 =	vor.u32 v3, v4  }
0x1f3: {  	v4 =	vperm.xlane v3, v0;
	_ =	sdelay $0x1  }
0x1f4: {  	v3 =	vperm.xlane v3, v2;
	v4 =	vadd.s32 v1, v4;
	_ =	sdelay $0x1  }
0x1f5: {  	v3 =	vadd.s32 v1, v3;
	_ =	sdelay $0x2  }
0x1f6: {  	[tilespmem:s21], [sflag:$0x1] =	stream.indirect_vreg.gather [hbm4b:s4+s2], $0x80, v4, vm0, $0xb8;
	[tilespmem:$0x8080] =	vst v63  }
0x1f7: {  	_ = 	snop  }
0x1f8: {  	[tilespmem:s22], [sflag:$0x1] =	stream.indirect_vreg.gather [hbm4b:s4+s2], $0x80, v3, vm0, $0xb8;
	[tilespmem:$0x8080] =	vst v63  }
0x1f9: {  	v3 =	vld [tilespmem:$0x40];
	_ =	sdelay $0x4  }
0x1fa: {  	v60 =	vshll.u32 v3, $0x1  }
0x1fb: {  	v3 =	vand.u32 $0x7, v3;
	v4 =	vand.u32 $0xFFFFFFF0, v60  }
0x1fc: {  	v3 =	vor.u32 v3, v4  }
0x1fd: {  	v4 =	vperm.xlane v3, v0;
	_ =	sdelay $0x1  }
0x1fe: {  	v3 =	vperm.xlane v3, v2;
	v4 =	vadd.s32 v1, v4;
	_ =	sdelay $0x1  }
0x1ff: {  	v3 =	vadd.s32 v1, v3;
	_ =	sdelay $0x2  }
0x200: {  	[tilespmem:s23], [sflag:$0x1] =	stream.indirect_vreg.gather [hbm4b:s4+s2], $0x80, v4, vm0, $0xb8;
	[tilespmem:$0x8080] =	vst v63  }
0x201: {  	_ = 	snop  }
0x202: {  	[tilespmem:s24], [sflag:$0x1] =	stream.indirect_vreg.gather [hbm4b:s4+s2], $0x80, v3, vm0, $0xb8;
	[tilespmem:$0x8080] =	vst v63  }
0x203: {  	v3 =	vld [tilespmem:$0x50];
	_ =	sdelay $0x4  }
0x204: {  	v61 =	vshll.u32 v3, $0x1  }
0x205: {  	v3 =	vand.u32 $0x7, v3;
	v4 =	vand.u32 $0xFFFFFFF0, v61  }
0x206: {  	v3 =	vor.u32 v3, v4  }
0x207: {  	v4 =	vperm.xlane v3, v0;
	_ =	sdelay $0x1  }
0x208: {  	v3 =	vperm.xlane v3, v2;
	v4 =	vadd.s32 v1, v4;
	_ =	sdelay $0x1  }
0x209: {  	v3 =	vadd.s32 v1, v3;
	_ =	sdelay $0x2  }
0x20a: {  	[tilespmem:s25], [sflag:$0x1] =	stream.indirect_vreg.gather [hbm4b:s4+s2], $0x80, v4, vm0, $0xb8;
	[tilespmem:$0x8080] =	vst v63  }
0x20b: {  	_ = 	snop  }
0x20c: {  	[tilespmem:s26], [sflag:$0x1] =	stream.indirect_vreg.gather [hbm4b:s4+s2], $0x80, v3, vm0, $0xb8;
	[tilespmem:$0x8080] =	vst v63  }
0x20d: {  	v3 =	vld [tilespmem:$0x60];
	_ =	sdelay $0x4  }
0x20e: {  	v62 =	vshll.u32 v3, $0x1  }
0x20f: {  	v3 =	vand.u32 $0x7, v3;
	v4 =	vand.u32 $0xFFFFFFF0, v62  }
0x210: {  	v3 =	vor.u32 v3, v4  }
0x211: {  	v4 =	vperm.xlane v3, v0;
	_ =	sdelay $0x1  }
0x212: {  	v3 =	vperm.xlane v3, v2;
	v4 =	vadd.s32 v1, v4;
	_ =	sdelay $0x1  }
0x213: {  	v3 =	vadd.s32 v1, v3;
	_ =	sdelay $0x2  }
0x214: {  	[tilespmem:s28], [sflag:$0x1] =	stream.indirect_vreg.gather [hbm4b:s4+s2], $0x80, v4, vm0, $0xb8;
	[tilespmem:$0x8080] =	vst v63  }
0x215: {  	_ = 	snop  }
0x216: {  	[tilespmem:s29], [sflag:$0x1] =	stream.indirect_vreg.gather [hbm4b:s4+s2], $0x80, v3, vm0, $0xb8;
	[tilespmem:$0x8080] =	vst v63  }
0x217: {  	v3 =	vld [tilespmem:$0x70];
	_ =	sdelay $0x4  }
0x218: {  	v63 =	vshll.u32 v3, $0x1  }
0x219: {  	v3 =	vand.u32 $0x7, v3;
	v4 =	vand.u32 $0xFFFFFFF0, v63  }
0x21a: {  	v3 =	vor.u32 v3, v4  }
0x21b: {  	v4 =	vperm.xlane v3, v0;
	_ =	sdelay $0x1  }
0x21c: {  	v3 =	vperm.xlane v3, v2;
	v4 =	vadd.s32 v1, v4;
	_ =	sdelay $0x1  }
0x21d: {  	v3 =	vadd.s32 v1, v3;
	_ =	sdelay $0x2  }
0x21e: {  	[tilespmem:s30], [sflag:$0x1] =	stream.indirect_vreg.gather [hbm4b:s4+s2], $0x80, v4, vm0, $0xb8;
	[tilespmem:$0x8080] =	vst v63  }
0x21f: {  	_ = 	snop  }
0x220: {  	[tilespmem:s31], [sflag:$0x1] =	stream.indirect_vreg.gather [hbm4b:s4+s2], $0x80, v3, vm0, $0xb8;
	[tilespmem:$0x8080] =	vst v63  }
0x221: {  	_ =	swait.ge [sflag:s14], $0x8000  }
0x222: {  	p0 =	sne.s32 s13, $0x1;
	[sflag:s14] =	ssyncset.done $0x0  }
.Ltmp0:
0x223: {  	[sflag:s14] =	ssyncadd.s32 $0xFFFF8000;
	(pc) =	sbr.rel @p0 .LBB2_1-.Ltmp0, $4  }
0x224: {  	[hbm4b:s12+s2] =	stream.linear.scatter [tilespmem:s15], [sflag:$0x1], $0x8000, $0x38;
	[tilespmem:$0x8080] =	vst v63  }
0x225: {  	_ =	swait.ge [sflag:s14], $0x8000  }
0x226: {  	[sflag:s14] =	ssyncset.done $0x0  }
0x227: {  	s13 =	sadd.s32 $0xFFFFFFFF, s13;
	[sflag:s14] =	ssyncadd.s32 $0xFFFF8000  }
0x228: {  	_ =	sfence.sel $0x180000  }
0x229: {  	[bflag:$0x0] =	sbarrier.arrive $0xFFFF  }
0x22a: {  	_ =	strace $0x90000050  }
0x22b: {  	[bflag:$0x2] =	sbarrier.arrive $0xFFFF  }
0x22c: {  	p0 =	sne.s32 s1, $0x0;
	s0 =	rddreg [dreg:$0x1]  }
0x22d: {  	s0 =	sadd.s32 @!p0 $0x100000, s0  }
0x22e: {  	[sflag:s0] =	ssyncadd.tile.s32 @!p0 $0x1;
	_ =	shalt  }
.Lfunc_end2:
_tile_overlayer_lowered:
.L_overlay_start_2:
0x22f: {  	(tag) =	ssettag $0x2  }
0x230: {  	s0 =	rddreg [dreg:$0x0];
	s2 =	stileid.u32  }
0x231: {  	s1 =	rddreg [dreg:$0x1];
	p0 =	sne.s32 s2, $0x0  }
0x232: {  	s3 =	rddreg [dreg:$0x2];
	[bflag:$0x3] =	sbarrier.arrive $0xFFFF;
	s2 =	simm.s32 @!p0 $0x1C01  }
0x233: {  	[timem:s3], [sflag:s2] =	dma.local @!p0 [hbm:s0], s1  }
0x234: {  	s0 =	simm.s32 @!p0 $0x1  }
0x235: {  	_ =	swait.ge @!p0 [sflag:s0], s1  }
0x236: {  	s1 =	ssub.s32 @!p0 $0x0, s1;
	[sflag:s0] =	ssyncset.done @!p0 $0x0  }
0x237: {  	[sflag:s0] =	ssyncadd.s32 @!p0 s1  }
0x238: {  	[bflag:$0x3] =	sbarrier.arrive $0xFFFF  }
0x239: {  	_ =	shalt  }

// kernel: kernel.23.cloned.1.call-start
scs
__scs_entry_jumppad:
0x0: {  	(pc) =	sbr.rel $0x88, $3  }
0x1: {  	(tag) =	ssettag $0x0;
	lr =	simm.s32 $0x1  }
0x2: {  	[smem:$0x3F97] =	sst lr;
	_ =	strace $0xD0000000  }
0x3: {  	_ = 	snop  }
0x4: {  	_ = 	snop  }
0x5: {  	_ = 	snop  }
0x6: {  	_ = 	snop  }
0x7: {  	_ = 	snop  }
__scs_overlays_trampoline_lowered:
0x8: {  	[smem:$0x3FA6] =	sst s0  }
0x9: {  	[smem:$0x3FA7] =	sst s1  }
0xa: {  	[smem:$0x3FA8] =	sst s2  }
0xb: {  	[smem:$0x3FA9] =	sst s3  }
0xc: {  	[smem:$0x3FAA] =	sst s4  }
0xd: {  	[smem:$0x3FAB] =	sst s5  }
0xe: {  	[smem:$0x3FAC] =	sst s6  }
0xf: {  	[smem:$0x3FAD] =	sst s7  }
0x10: {  	[smem:$0x3FAE] =	sst s8  }
0x11: {  	[smem:$0x3FAF] =	sst s9;
	s0 =	simm.s32 @!p0 $0x0  }
0x12: {  	s1 =	sld [smem:$0x3F95];
	s0 =	simm.s32 @p0 $0x1  }
0x13: {  	[smem:$0x3FB0] =	sst s0;
	s0 =	simm.s32 @!p1 $0x0  }
0x14: {  	s2 =	sld [smem:$0x3F94];
	s0 =	simm.s32 @p1 $0x1  }
0x15: {  	[smem:$0x3FB1] =	sst s0;
	s0 =	simm.s32 @!p2 $0x0  }
0x16: {  	s3 =	sld [smem:$0x3FDB];
	s0 =	simm.s32 @p2 $0x1  }
0x17: {  	s4 =	simm.s32 $0x1BF5;
	[smem:$0x3FB3] =	sst s0  }
0x18: {  	s0 =	sld [smem:$0x3F96];
	_ =	swait.ge [sflag:s4], $0x0  }
0x19: {  	s7 =	sld [smem:$0x3F97]  }
0x1a: {  	s8 =	sadd.s32 $0xFFFFE003, lr  }
0x1b: {  	s9 =	sadd.s32 $0xFFFFFEF7, lr;
	s5 =	simm.s32 $0xFFFFFFFF;
	p2 =	slt.u32 s8, $0xFFFFF086  }
0x1c: {  	p1 =	slt.u32 s9, $0xF7A;
	s5 =	simm.s32 @!p2 $0x0  }
0x1d: {  	s5 =	simm.s32 @p1 $0x1;
	p0 =	seq.s32 s7, s2  }
0x1e: {  	s7 =	smul.u32 @!p0 $0xF7A, s2;
	p2 =	seq.s32 @!p0 s5, $0x0  }
0x1f: {  	s9 =	smul.u32 $0xF7A, s1;
	s8 =	simm.s32 @!p0 $0x1BF5;
	p2 =	por !p2, p0  }
0x20: {  	[sflag:s8] =	ssyncset.s32 @!p0 $0xFFFFF086;
	s6 =	sadd.s32 @!p0 s3, s7;
	s7 =	simm.s32 @!p0 $0x108  }
0x21: {  	s3 =	sadd.s32 s3, s9;
	s6 =	sadd.s32 @!p0 $0x88, s6;
	s7 =	simm.s32 @p2 $0x1082  }
0x22: {  	[simem:s7], [sflag:s8] =	dma.local @!p0 [hbm:s6], $0xF7A  }
0x23: {  	s9 =	sor.u32 $0xD0000000, s2;
	s6 =	simm.s32 $0x108;
	_ =	swait.ge @!p0 [sflag:s8], $0x0  }
0x24: {  	s3 =	sadd.s32 $0x88, s3;
	s6 =	simm.s32 @!p1 $0x1082;
	[sflag:s4] =	ssyncset.s32 $0xFFFFF086  }
0x25: {  	[simem:s6], [sflag:s4] =	dma.local [hbm:s3], $0xF7A  }
0x26: {  	[smem:$0x3F97] =	sst s1;
	(tag) =	ssettag s2;
	_ =	strace s9  }
0x27: {  	s1 =	sld [smem:$0x3FA7]  }
0x28: {  	s2 =	sld [smem:$0x3FA8]  }
0x29: {  	s4 =	sld [smem:$0x3FAA]  }
0x2a: {  	p0 =	seq.s32 s5, $0x0;
	s5 =	sld [smem:$0x3FAB]  }
0x2b: {  	s6 =	sld [smem:$0x3FAC]  }
0x2c: {  	s7 =	sld [smem:$0x3FAD]  }
0x2d: {  	s3 =	simm.s32 $0x108;
	s8 =	sld [smem:$0x3FAE]  }
0x2e: {  	s3 =	simm.s32 @!p0 $0x1082;
	s9 =	sld [smem:$0x3FAF]  }
0x2f: {  	lr =	sadd.s32 s0, s3;
	s0 =	sld [smem:$0x3FA6]  }
0x30: {  	s3 =	sld [smem:$0x3FA9]  }
0x31: {  	[smem:$0x3FB2] =	sst s10  }
0x32: {  	s10 =	sld [smem:$0x3FB0];
	_ =	sdelay $0x3  }
0x33: {  	p0 =	seq.s32 s10, $0x1;
	s10 =	sld [smem:$0x3FB2];
	_ =	sdelay $0x3  }
0x34: {  	[smem:$0x3FB2] =	sst s10  }
0x35: {  	s10 =	sld [smem:$0x3FB1];
	_ =	sdelay $0x3  }
0x36: {  	p1 =	seq.s32 s10, $0x1;
	s10 =	sld [smem:$0x3FB2];
	_ =	sdelay $0x3  }
0x37: {  	[smem:$0x3FB2] =	sst s10  }
0x38: {  	s10 =	sld [smem:$0x3FB3]  }
0x39: {  	_ = 	snop;
	(pc) =	sbr.ind lr, $3  }
0x3a: {  	_ = 	snop  }
0x3b: {  	_ = 	snop  }
0x3c: {  	p2 =	seq.s32 s10, $0x1;
	s10 =	sld [smem:$0x3FB2]  }
0x3d: {  	_ =	shalt  }
0x3e: {  	_ =	shalt  }
0x3f: {  	_ =	shalt  }
0x40: {  	_ =	shalt  }
0x41: {  	_ =	shalt  }
0x42: {  	_ =	shalt  }
0x43: {  	_ =	shalt  }
0x44: {  	_ =	shalt  }
0x45: {  	_ =	shalt  }
0x46: {  	_ =	shalt  }
0x47: {  	_ =	shalt  }
0x48: {  	_ =	shalt  }
0x49: {  	_ =	shalt  }
0x4a: {  	_ =	shalt  }
0x4b: {  	_ =	shalt  }
0x4c: {  	_ =	shalt  }
0x4d: {  	_ =	shalt  }
0x4e: {  	_ =	shalt  }
0x4f: {  	_ =	shalt  }
0x50: {  	_ =	shalt  }
0x51: {  	_ =	shalt  }
0x52: {  	_ =	shalt  }
0x53: {  	_ =	shalt  }
0x54: {  	_ =	shalt  }
0x55: {  	_ =	shalt  }
0x56: {  	_ =	shalt  }
0x57: {  	_ =	shalt  }
0x58: {  	_ =	shalt  }
0x59: {  	_ =	shalt  }
0x5a: {  	_ =	shalt  }
0x5b: {  	_ =	shalt  }
0x5c: {  	_ =	shalt  }
0x5d: {  	_ =	shalt  }
0x5e: {  	_ =	shalt  }
0x5f: {  	_ =	shalt  }
0x60: {  	_ =	shalt  }
0x61: {  	_ =	shalt  }
0x62: {  	_ =	shalt  }
0x63: {  	_ =	shalt  }
0x64: {  	_ =	shalt  }
0x65: {  	_ =	shalt  }
0x66: {  	_ =	shalt  }
0x67: {  	_ =	shalt  }
0x68: {  	_ =	shalt  }
0x69: {  	_ =	shalt  }
0x6a: {  	_ =	shalt  }
0x6b: {  	_ =	shalt  }
0x6c: {  	_ =	shalt  }
0x6d: {  	_ =	shalt  }
0x6e: {  	_ =	shalt  }
0x6f: {  	_ =	shalt  }
0x70: {  	_ =	shalt  }
0x71: {  	_ =	shalt  }
0x72: {  	_ =	shalt  }
0x73: {  	_ =	shalt  }
0x74: {  	_ =	shalt  }
0x75: {  	_ =	shalt  }
0x76: {  	_ =	shalt  }
0x77: {  	_ =	shalt  }
0x78: {  	_ =	shalt  }
0x79: {  	_ =	shalt  }
0x7a: {  	_ =	shalt  }
0x7b: {  	_ =	shalt  }
0x7c: {  	_ =	shalt  }
0x7d: {  	_ =	shalt  }
0x7e: {  	_ =	shalt  }
0x7f: {  	_ =	shalt  }
0x80: {  	_ =	shalt  }
0x81: {  	_ =	shalt  }
0x82: {  	_ =	shalt  }
0x83: {  	_ =	shalt  }
0x84: {  	_ =	shalt  }
0x85: {  	_ =	shalt  }
0x86: {  	_ =	shalt  }
0x87: {  	_ =	shalt  }
.Lfunc_end0:
.L_simem_size_0:
called_computation.4_lowered:
.L_overlay_start_0:
0x88: {  	s2 =	sld [smem:$0x3FD9]  }
0x89: {  	s3 =	sld [smem:$0x3FFE];
	_ =	sdelay $0x1  }
0x8a: {  	s1 =	srdreg.scid  }
0x8b: {  	s0 =	sand.u32 $0x1, s1  }
0x8c: {  	s17 =	sshll.u32 s0, $0xA;
	s2 =	sadd.s32 s3, s2  }
0x8d: {  	s2 =	sadd.s32 s2, s17  }
0x8e: {  	[smem:$0x3FBE] =	sst s2  }
0x8f: {  	_ = 	snop  }
0x90: {  	(tm) =	ssettm $0x1  }
0x91: {  	s18 =	sld [smem:$0x3FFB];
	_ =	sdelay $0x3  }
0x92: {  	_ =	strace s18  }
0x93: {  	s2 =	sld [smem:$0x3FFC];
	_ =	sdelay $0x3  }
0x94: {  	_ =	strace s2  }
0x95: {  	s2 =	sld [smem:$0x3FFD];
	_ =	sdelay $0x3  }
0x96: {  	_ =	strace s2  }
0x97: {  	_ =	strace $0x8FFFFFFF  }
0x98: {  	s19 =	sld [smem:$0x3FDB];
	_ =	sdelay $0x1  }
0x99: {  	s20 =	simm.s32 $_scs_section_size  }
0x9a: {  	s4 =	simm.s32 $_size__tile_overlayer_lowered;
	s5 =	simm.s32 $_tile_overlayer_lowered  }
0x9b: {  	s6 =	simm.s32 $0x1BFF;
	s21 =	sshll.u32 s5, $0x1;
	s3 =	sadd.s32 s20, s19  }
0x9c: {  	s22 =	simm.s32 $0x0;
	s4 =	sshll.u32 s4, $0x1;
	s5 =	sadd.s32 s21, s3  }
0x9d: {  	[timem:s22], [sflag:s6] =	dma.local [hbm:s5], s4  }
0x9e: {  	_ =	swait.ge [sflag:s6], s4  }
0x9f: {  	s4 =	ssub.s32 $0x0, s4;
	[sflag:s6] =	ssyncset.done $0x0  }
0xa0: {  	[sflag:s6] =	ssyncadd.s32 s4;
	_ =	sdelay $0x1  }
0xa1: {  	s23 =	simm.s32 $0x1B8B  }
0xa2: {  	_ =	swait.ge [sflag:s23], $0x1  }
0xa3: {  	[sflag:s23] =	ssyncset.done $0x0  }
0xa4: {  	[sflag:s23] =	ssyncadd.s32 $0xFFFFFFFF  }
0xa5: {  	s4 =	sld [smem:$0x0]  }
0xa6: {  	s5 =	sand.u32 $0xFFFFFFFE, s1  }
0xa7: {  	p0 =	sne.s32 s1, s5  }
0xa8: {  	s5 =	sshll.u32 @p0 s5, $0xE  }
0xa9: {  	s5 =	sadd.s32 @p0 $0x11B8D, s5;
	s6 =	sshll.u32 @p0 s4, $0x11  }
0xaa: {  	s5 =	sor.u32 @p0 s6, s5  }
0xab: {  	[sflag:s5] =	ssyncadd.remote.s32 @p0 $0x1;
	_ =	sdelay $0x1  }
0xac: {  	s5 =	simm.s32 @p0 $0x1B8D  }
0xad: {  	_ =	swait.eq @p0 [sflag:s5], $0x1  }
0xae: {  	[sflag:s5] =	ssyncadd.s32 @p0 $0xFFFFFFFF  }
0xaf: {  	s6 =	sshll.u32 @!p0 s1, $0xE  }
0xb0: {  	s6 =	sor.u32 @!p0 $0x4000, s6;
	s5 =	simm.s32 @!p0 $0x1B8D  }
0xb1: {  	s4 =	sshll.u32 @!p0 s4, $0x11;
	s6 =	sadd.s32 @!p0 $0x11B8D, s6;
	_ =	swait.eq @!p0 [sflag:s5], $0x1  }
0xb2: {  	s4 =	sor.u32 @!p0 s4, s6;
	[sflag:s5] =	ssyncadd.s32 @!p0 $0xFFFFFFFF  }
0xb3: {  	s25 =	simm.s32 $0x1B8E;
	s24 =	sld [smem:$0x3FFE];
	[sflag:s4] =	ssyncadd.remote.s32 @!p0 $0x1  }
0xb4: {  	s26 =	simm.s32 $execute0_lowered;
	[smem:$0x3FD2] =	sst s25  }
0xb5: {  	s5 =	sshll.u32 s26, $0x1;
	_ =	strace $0x80000052;
	[dreg:$0x1] =	wrdreg $0xFFFFFFFF  }
0xb6: {  	s28 =	simm.s32 $_size_execute0_lowered;
	s3 =	sadd.s32 s3, s5;
	[dreg:$0x0] =	wrdreg $0x0  }
0xb7: {  	s5 =	sshll.u32 s28, $0x1;
	[dreg:$0x2] =	wrdreg s3  }
0xb8: {  	[dreg:$0x3] =	wrdreg s5  }
0xb9: {  	[dreg:$0x4] =	wrdreg $0xC0  }
0xba: {  	_ =	task [dreg:s22], $0x5FFFF  }
0xbb: {  	[dreg:$0x1] =	wrdreg $0xFFFFFFFF  }
0xbc: {  	[dreg:$0x0] =	wrdreg $0x60  }
0xbd: {  	[dreg:$0x2] =	wrdreg s24  }
0xbe: {  	[dreg:$0x3] =	wrdreg $0xA  }
0xbf: {  	_ =	task.clear_ibuf [dreg:s22], $0x4FFFF;
	_ =	strace $0x90000052  }
0xc0: {  	s29 =	simm.s32 $0xA;
	_ =	strace $0x80000054  }
0xc1: {  	_ =	swait.ge [sflag:s29], $0x1  }
0xc2: {  	[sflag:s29] =	ssyncadd.s32 $0xFFFFFFFF  }
0xc3: {  	_ =	strace $0x90000054  }
0xc4: {  	_ =	sfence  }
0xc5: {  	s30 =	sld [smem:$0x0];
	_ =	sdelay $0x2  }
0xc6: {  	s31 =	sshll.u32 s1, $0xD;
	s1 =	sshrl.u32 s1, $0x2  }
0xc7: {  	s4 =	sand.u32 $0x4000, s31;
	s1 =	sadd.s32 s1, s30  }
0xc8: {  	s0 =	sor.u32 s4, s0;
	s1 =	sshll.u32 s1, $0x11  }
0xc9: {  	s0 =	sor.u32 s1, s0  }
0xca: {  	s0 =	sadd.s32 $0x8F2B, s0  }
0xcb: {  	[sflag:s0] =	ssyncadd.remote.s32 $0x1  }
0xcc: {  	_ =	sfence.sel $0xFFFF  }
0xcd: {  	[dreg:$0x0] =	wrdreg $0xFFFFFFFF;
	(pc) =	sbr.abs _section_cstart, $3  }
0xce: {  	[dreg:$0x1] =	wrdreg $0xFFFFFFFF  }
0xcf: {  	_ =	task.clear_ibuf [dreg:s22], $0x2FFFF;
	_ =	strace $0x9FFFFFFF  }
0xd0: {  	(tm) =	ssettm $0x7FFFFFFF  }
0xd1: {  	_ =	shalt  }
tec
execute0_lowered:
.L_overlay_start_1:
0x0: {  	(tag) =	ssettag $0x1  }
0x1: {  	s4 =	rddreg [dreg:$0x0]  }
0x2: {  	s0 =	rddreg [dreg:$0x1];
	s2 =	simm.s32 $0x0  }
0x3: {  	s3 =	srdreg.scid;
	s1 =	stileid.u32;
	s12 =	simm.s32 $0x80  }
0x4: {  	s13 =	simm.s32 $0x880;
	s14 =	simm.s32 $0x1080;
	s15 =	simm.s32 $0x1880  }
0x5: {  	s16 =	simm.s32 $0x2080;
	s17 =	simm.s32 $0x2880;
	s18 =	simm.s32 $0x3080  }
0x6: {  	s19 =	simm.s32 $0x3880;
	s20 =	simm.s32 $0x4080;
	s21 =	simm.s32 $0x4880  }
0x7: {  	s22 =	simm.s32 $0x5080;
	s23 =	simm.s32 $0x5880;
	s24 =	simm.s32 $0x6080  }
0x8: {  	s25 =	simm.s32 $0x6880;
	s26 =	simm.s32 $0x7080;
	s28 =	simm.s32 $0x7880  }
0x9: {  	[smem:$0x7FF] =	sst s2;
	s5 =	sand.u32 $0x1, s3;
	s6 =	sshll.u32 s1, $0x1  }
0xa: {  	s3 =	sadd.s32 $0x21DC00, s4;
	_ =	strace $0x80000053;
	s6 =	sor.u32 s5, s6  }
0xb: {  	s5 =	ssub.s32 $0x2, s5;
	s7 =	sshll.u32 s6, $0x4;
	s6 =	sshll.u32 s6, $0xC  }
0xc: {  	s8 =	sshrl.u32 s5, $0x1;
	s9 =	sadd.s32 s7, s4;
	s10 =	sadd.s32 s6, s4  }
0xd: {  	v2 =	vlaneseq.u32;
	s11 =	ssub.s32 s5, s8;
	s4 =	sadd.s32 $0x7400, s9;
	s5 =	sadd.s32 $0xBDC00, s10  }
0xe: {  	vm0 =	vmmov $0xffff;
	v1 =	vshrl.u32 v2, $0x3;
	s6 =	sadd.s32 $0x7600, s9;
	s7 =	sadd.s32 $0xDDC00, s10;
	s8 =	sadd.s32 $0x7800, s9  }
0xf: {  	v0 =	vand.u32 $0x7, v2;
	v2 =	vor.u32 $0x8, v2;
	v1 =	vmul.u32 $0x8, v1;
	s9 =	sadd.s32 $0xFDC00, s10;
	s10 =	smax.u32 s11, $0x1;
	s11 =	simm.s32 $0x1  }
.LBB2_1:
0x10: {  	[tilespmem:s2], [sflag:$0x1] =	stream.linear.gather [hbm4b:s4+s2], $0x80, $0x38;
	[tilespmem:$0x8080] =	vst v63  }
0x11: {  	_ =	swait.ge [sflag:s11], $0x80  }
0x12: {  	[sflag:s11] =	ssyncset.done $0x0  }
0x13: {  	[sflag:s11] =	ssyncadd.s32 $0xFFFFFF80  }
0x14: {  	v3 =	vld [tilespmem:$0x0];
	_ =	sdelay $0x4  }
0x15: {  	v4 =	vshll.u32 v3, $0x1  }
0x16: {  	v3 =	vand.u32 $0x7, v3;
	v4 =	vand.u32 $0xFFFFFFF0, v4  }
0x17: {  	v3 =	vor.u32 v3, v4  }
0x18: {  	v4 =	vperm.xlane v3, v0;
	_ =	sdelay $0x1  }
0x19: {  	v3 =	vperm.xlane v3, v2;
	v4 =	vadd.s32 v1, v4;
	_ =	sdelay $0x1  }
0x1a: {  	v3 =	vadd.s32 v1, v3;
	_ =	sdelay $0x2  }
0x1b: {  	[tilespmem:s12], [sflag:$0x1] =	stream.indirect_vreg.gather [hbm4b:s3+s2], $0x80, v4, vm0, $0xb8;
	[tilespmem:$0x8080] =	vst v63  }
0x1c: {  	_ = 	snop  }
0x1d: {  	[tilespmem:s13], [sflag:$0x1] =	stream.indirect_vreg.gather [hbm4b:s3+s2], $0x80, v3, vm0, $0xb8;
	[tilespmem:$0x8080] =	vst v63  }
0x1e: {  	v3 =	vld [tilespmem:$0x10];
	_ =	sdelay $0x4  }
0x1f: {  	v41 =	vshll.u32 v3, $0x1  }
0x20: {  	v3 =	vand.u32 $0x7, v3;
	v4 =	vand.u32 $0xFFFFFFF0, v41  }
0x21: {  	v3 =	vor.u32 v3, v4  }
0x22: {  	v4 =	vperm.xlane v3, v0;
	_ =	sdelay $0x1  }
0x23: {  	v3 =	vperm.xlane v3, v2;
	v4 =	vadd.s32 v1, v4;
	_ =	sdelay $0x1  }
0x24: {  	v3 =	vadd.s32 v1, v3;
	_ =	sdelay $0x2  }
0x25: {  	[tilespmem:s14], [sflag:$0x1] =	stream.indirect_vreg.gather [hbm4b:s3+s2], $0x80, v4, vm0, $0xb8;
	[tilespmem:$0x8080] =	vst v63  }
0x26: {  	_ = 	snop  }
0x27: {  	[tilespmem:s15], [sflag:$0x1] =	stream.indirect_vreg.gather [hbm4b:s3+s2], $0x80, v3, vm0, $0xb8;
	[tilespmem:$0x8080] =	vst v63  }
0x28: {  	v3 =	vld [tilespmem:$0x20];
	_ =	sdelay $0x4  }
0x29: {  	v42 =	vshll.u32 v3, $0x1  }
0x2a: {  	v3 =	vand.u32 $0x7, v3;
	v4 =	vand.u32 $0xFFFFFFF0, v42  }
0x2b: {  	v3 =	vor.u32 v3, v4  }
0x2c: {  	v4 =	vperm.xlane v3, v0;
	_ =	sdelay $0x1  }
0x2d: {  	v3 =	vperm.xlane v3, v2;
	v4 =	vadd.s32 v1, v4;
	_ =	sdelay $0x1  }
0x2e: {  	v3 =	vadd.s32 v1, v3;
	_ =	sdelay $0x2  }
0x2f: {  	[tilespmem:s16], [sflag:$0x1] =	stream.indirect_vreg.gather [hbm4b:s3+s2], $0x80, v4, vm0, $0xb8;
	[tilespmem:$0x8080] =	vst v63  }
0x30: {  	_ = 	snop  }
0x31: {  	[tilespmem:s17], [sflag:$0x1] =	stream.indirect_vreg.gather [hbm4b:s3+s2], $0x80, v3, vm0, $0xb8;
	[tilespmem:$0x8080] =	vst v63  }
0x32: {  	v3 =	vld [tilespmem:$0x30];
	_ =	sdelay $0x4  }
0x33: {  	v43 =	vshll.u32 v3, $0x1  }
0x34: {  	v3 =	vand.u32 $0x7, v3;
	v4 =	vand.u32 $0xFFFFFFF0, v43  }
0x35: {  	v3 =	vor.u32 v3, v4  }
0x36: {  	v4 =	vperm.xlane v3, v0;
	_ =	sdelay $0x1  }
0x37: {  	v3 =	vperm.xlane v3, v2;
	v4 =	vadd.s32 v1, v4;
	_ =	sdelay $0x1  }
0x38: {  	v3 =	vadd.s32 v1, v3;
	_ =	sdelay $0x2  }
0x39: {  	[tilespmem:s18], [sflag:$0x1] =	stream.indirect_vreg.gather [hbm4b:s3+s2], $0x80, v4, vm0, $0xb8;
	[tilespmem:$0x8080] =	vst v63  }
0x3a: {  	_ = 	snop  }
0x3b: {  	[tilespmem:s19], [sflag:$0x1] =	stream.indirect_vreg.gather [hbm4b:s3+s2], $0x80, v3, vm0, $0xb8;
	[tilespmem:$0x8080] =	vst v63  }
0x3c: {  	v3 =	vld [tilespmem:$0x40];
	_ =	sdelay $0x4  }
0x3d: {  	v44 =	vshll.u32 v3, $0x1  }
0x3e: {  	v3 =	vand.u32 $0x7, v3;
	v4 =	vand.u32 $0xFFFFFFF0, v44  }
0x3f: {  	v3 =	vor.u32 v3, v4  }
0x40: {  	v4 =	vperm.xlane v3, v0;
	_ =	sdelay $0x1  }
0x41: {  	v3 =	vperm.xlane v3, v2;
	v4 =	vadd.s32 v1, v4;
	_ =	sdelay $0x1  }
0x42: {  	v3 =	vadd.s32 v1, v3;
	_ =	sdelay $0x2  }
0x43: {  	[tilespmem:s20], [sflag:$0x1] =	stream.indirect_vreg.gather [hbm4b:s3+s2], $0x80, v4, vm0, $0xb8;
	[tilespmem:$0x8080] =	vst v63  }
0x44: {  	_ = 	snop  }
0x45: {  	[tilespmem:s21], [sflag:$0x1] =	stream.indirect_vreg.gather [hbm4b:s3+s2], $0x80, v3, vm0, $0xb8;
	[tilespmem:$0x8080] =	vst v63  }
0x46: {  	v3 =	vld [tilespmem:$0x50];
	_ =	sdelay $0x4  }
0x47: {  	v45 =	vshll.u32 v3, $0x1  }
0x48: {  	v3 =	vand.u32 $0x7, v3;
	v4 =	vand.u32 $0xFFFFFFF0, v45  }
0x49: {  	v3 =	vor.u32 v3, v4  }
0x4a: {  	v4 =	vperm.xlane v3, v0;
	_ =	sdelay $0x1  }
0x4b: {  	v3 =	vperm.xlane v3, v2;
	v4 =	vadd.s32 v1, v4;
	_ =	sdelay $0x1  }
0x4c: {  	v3 =	vadd.s32 v1, v3;
	_ =	sdelay $0x2  }
0x4d: {  	[tilespmem:s22], [sflag:$0x1] =	stream.indirect_vreg.gather [hbm4b:s3+s2], $0x80, v4, vm0, $0xb8;
	[tilespmem:$0x8080] =	vst v63  }
0x4e: {  	_ = 	snop  }
0x4f: {  	[tilespmem:s23], [sflag:$0x1] =	stream.indirect_vreg.gather [hbm4b:s3+s2], $0x80, v3, vm0, $0xb8;
	[tilespmem:$0x8080] =	vst v63  }
0x50: {  	v3 =	vld [tilespmem:$0x60];
	_ =	sdelay $0x4  }
0x51: {  	v46 =	vshll.u32 v3, $0x1  }
0x52: {  	v3 =	vand.u32 $0x7, v3;
	v4 =	vand.u32 $0xFFFFFFF0, v46  }
0x53: {  	v3 =	vor.u32 v3, v4  }
0x54: {  	v4 =	vperm.xlane v3, v0;
	_ =	sdelay $0x1  }
0x55: {  	v3 =	vperm.xlane v3, v2;
	v4 =	vadd.s32 v1, v4;
	_ =	sdelay $0x1  }
0x56: {  	v3 =	vadd.s32 v1, v3;
	_ =	sdelay $0x2  }
0x57: {  	[tilespmem:s24], [sflag:$0x1] =	stream.indirect_vreg.gather [hbm4b:s3+s2], $0x80, v4, vm0, $0xb8;
	[tilespmem:$0x8080] =	vst v63  }
0x58: {  	_ = 	snop  }
0x59: {  	[tilespmem:s25], [sflag:$0x1] =	stream.indirect_vreg.gather [hbm4b:s3+s2], $0x80, v3, vm0, $0xb8;
	[tilespmem:$0x8080] =	vst v63  }
0x5a: {  	v3 =	vld [tilespmem:$0x70];
	_ =	sdelay $0x4  }
0x5b: {  	v47 =	vshll.u32 v3, $0x1  }
0x5c: {  	v3 =	vand.u32 $0x7, v3;
	v4 =	vand.u32 $0xFFFFFFF0, v47  }
0x5d: {  	v3 =	vor.u32 v3, v4  }
0x5e: {  	v4 =	vperm.xlane v3, v0;
	_ =	sdelay $0x1  }
0x5f: {  	v3 =	vperm.xlane v3, v2;
	v4 =	vadd.s32 v1, v4;
	_ =	sdelay $0x1  }
0x60: {  	v3 =	vadd.s32 v1, v3;
	_ =	sdelay $0x2  }
0x61: {  	[tilespmem:s26], [sflag:$0x1] =	stream.indirect_vreg.gather [hbm4b:s3+s2], $0x80, v4, vm0, $0xb8;
	[tilespmem:$0x8080] =	vst v63  }
0x62: {  	_ = 	snop  }
0x63: {  	[tilespmem:s28], [sflag:$0x1] =	stream.indirect_vreg.gather [hbm4b:s3+s2], $0x80, v3, vm0, $0xb8;
	[tilespmem:$0x8080] =	vst v63  }
0x64: {  	_ =	swait.ge [sflag:s11], $0x8000  }
0x65: {  	[sflag:s11] =	ssyncset.done $0x0  }
0x66: {  	[sflag:s11] =	ssyncadd.s32 $0xFFFF8000  }
0x67: {  	[hbm4b:s5+s2] =	stream.linear.scatter [tilespmem:s12], [sflag:$0x1], $0x8000, $0x38;
	[tilespmem:$0x8080] =	vst v63  }
0x68: {  	_ =	swait.ge [sflag:s11], $0x8000  }
0x69: {  	[sflag:s11] =	ssyncset.done $0x0  }
0x6a: {  	[sflag:s11] =	ssyncadd.s32 $0xFFFF8000  }
0x6b: {  	[tilespmem:s2], [sflag:$0x1] =	stream.linear.gather [hbm4b:s6+s2], $0x80, $0x38;
	[tilespmem:$0x8080] =	vst v63  }
0x6c: {  	_ =	swait.ge [sflag:s11], $0x80  }
0x6d: {  	[sflag:s11] =	ssyncset.done $0x0  }
0x6e: {  	[sflag:s11] =	ssyncadd.s32 $0xFFFFFF80  }
0x6f: {  	v3 =	vld [tilespmem:$0x0];
	_ =	sdelay $0x4  }
0x70: {  	v48 =	vshll.u32 v3, $0x1  }
0x71: {  	v3 =	vand.u32 $0x7, v3;
	v4 =	vand.u32 $0xFFFFFFF0, v48  }
0x72: {  	v3 =	vor.u32 v3, v4  }
0x73: {  	v4 =	vperm.xlane v3, v0;
	_ =	sdelay $0x1  }
0x74: {  	v3 =	vperm.xlane v3, v2;
	v4 =	vadd.s32 v1, v4;
	_ =	sdelay $0x1  }
0x75: {  	v3 =	vadd.s32 v1, v3;
	_ =	sdelay $0x2  }
0x76: {  	[tilespmem:s12], [sflag:$0x1] =	stream.indirect_vreg.gather [hbm4b:s3+s2], $0x80, v4, vm0, $0xb8;
	[tilespmem:$0x8080] =	vst v63  }
0x77: {  	_ = 	snop  }
0x78: {  	[tilespmem:s13], [sflag:$0x1] =	stream.indirect_vreg.gather [hbm4b:s3+s2], $0x80, v3, vm0, $0xb8;
	[tilespmem:$0x8080] =	vst v63  }
0x79: {  	v3 =	vld [tilespmem:$0x10];
	_ =	sdelay $0x4  }
0x7a: {  	v49 =	vshll.u32 v3, $0x1  }
0x7b: {  	v3 =	vand.u32 $0x7, v3;
	v4 =	vand.u32 $0xFFFFFFF0, v49  }
0x7c: {  	v3 =	vor.u32 v3, v4  }
0x7d: {  	v4 =	vperm.xlane v3, v0;
	_ =	sdelay $0x1  }
0x7e: {  	v3 =	vperm.xlane v3, v2;
	v4 =	vadd.s32 v1, v4;
	_ =	sdelay $0x1  }
0x7f: {  	v3 =	vadd.s32 v1, v3;
	_ =	sdelay $0x2  }
0x80: {  	[tilespmem:s14], [sflag:$0x1] =	stream.indirect_vreg.gather [hbm4b:s3+s2], $0x80, v4, vm0, $0xb8;
	[tilespmem:$0x8080] =	vst v63  }
0x81: {  	_ = 	snop  }
0x82: {  	[tilespmem:s15], [sflag:$0x1] =	stream.indirect_vreg.gather [hbm4b:s3+s2], $0x80, v3, vm0, $0xb8;
	[tilespmem:$0x8080] =	vst v63  }
0x83: {  	v3 =	vld [tilespmem:$0x20];
	_ =	sdelay $0x4  }
0x84: {  	v50 =	vshll.u32 v3, $0x1  }
0x85: {  	v3 =	vand.u32 $0x7, v3;
	v4 =	vand.u32 $0xFFFFFFF0, v50  }
0x86: {  	v3 =	vor.u32 v3, v4  }
0x87: {  	v4 =	vperm.xlane v3, v0;
	_ =	sdelay $0x1  }
0x88: {  	v3 =	vperm.xlane v3, v2;
	v4 =	vadd.s32 v1, v4;
	_ =	sdelay $0x1  }
0x89: {  	v3 =	vadd.s32 v1, v3;
	_ =	sdelay $0x2  }
0x8a: {  	[tilespmem:s16], [sflag:$0x1] =	stream.indirect_vreg.gather [hbm4b:s3+s2], $0x80, v4, vm0, $0xb8;
	[tilespmem:$0x8080] =	vst v63  }
0x8b: {  	_ = 	snop  }
0x8c: {  	[tilespmem:s17], [sflag:$0x1] =	stream.indirect_vreg.gather [hbm4b:s3+s2], $0x80, v3, vm0, $0xb8;
	[tilespmem:$0x8080] =	vst v63  }
0x8d: {  	v3 =	vld [tilespmem:$0x30];
	_ =	sdelay $0x4  }
0x8e: {  	v51 =	vshll.u32 v3, $0x1  }
0x8f: {  	v3 =	vand.u32 $0x7, v3;
	v4 =	vand.u32 $0xFFFFFFF0, v51  }
0x90: {  	v3 =	vor.u32 v3, v4  }
0x91: {  	v4 =	vperm.xlane v3, v0;
	_ =	sdelay $0x1  }
0x92: {  	v3 =	vperm.xlane v3, v2;
	v4 =	vadd.s32 v1, v4;
	_ =	sdelay $0x1  }
0x93: {  	v3 =	vadd.s32 v1, v3;
	_ =	sdelay $0x2  }
0x94: {  	[tilespmem:s18], [sflag:$0x1] =	stream.indirect_vreg.gather [hbm4b:s3+s2], $0x80, v4, vm0, $0xb8;
	[tilespmem:$0x8080] =	vst v63  }
0x95: {  	_ = 	snop  }
0x96: {  	[tilespmem:s19], [sflag:$0x1] =	stream.indirect_vreg.gather [hbm4b:s3+s2], $0x80, v3, vm0, $0xb8;
	[tilespmem:$0x8080] =	vst v63  }
0x97: {  	v3 =	vld [tilespmem:$0x40];
	_ =	sdelay $0x4  }
0x98: {  	v52 =	vshll.u32 v3, $0x1  }
0x99: {  	v3 =	vand.u32 $0x7, v3;
	v4 =	vand.u32 $0xFFFFFFF0, v52  }
0x9a: {  	v3 =	vor.u32 v3, v4  }
0x9b: {  	v4 =	vperm.xlane v3, v0;
	_ =	sdelay $0x1  }
0x9c: {  	v3 =	vperm.xlane v3, v2;
	v4 =	vadd.s32 v1, v4;
	_ =	sdelay $0x1  }
0x9d: {  	v3 =	vadd.s32 v1, v3;
	_ =	sdelay $0x2  }
0x9e: {  	[tilespmem:s20], [sflag:$0x1] =	stream.indirect_vreg.gather [hbm4b:s3+s2], $0x80, v4, vm0, $0xb8;
	[tilespmem:$0x8080] =	vst v63  }
0x9f: {  	_ = 	snop  }
0xa0: {  	[tilespmem:s21], [sflag:$0x1] =	stream.indirect_vreg.gather [hbm4b:s3+s2], $0x80, v3, vm0, $0xb8;
	[tilespmem:$0x8080] =	vst v63  }
0xa1: {  	v3 =	vld [tilespmem:$0x50];
	_ =	sdelay $0x4  }
0xa2: {  	v53 =	vshll.u32 v3, $0x1  }
0xa3: {  	v3 =	vand.u32 $0x7, v3;
	v4 =	vand.u32 $0xFFFFFFF0, v53  }
0xa4: {  	v3 =	vor.u32 v3, v4  }
0xa5: {  	v4 =	vperm.xlane v3, v0;
	_ =	sdelay $0x1  }
0xa6: {  	v3 =	vperm.xlane v3, v2;
	v4 =	vadd.s32 v1, v4;
	_ =	sdelay $0x1  }
0xa7: {  	v3 =	vadd.s32 v1, v3;
	_ =	sdelay $0x2  }
0xa8: {  	[tilespmem:s22], [sflag:$0x1] =	stream.indirect_vreg.gather [hbm4b:s3+s2], $0x80, v4, vm0, $0xb8;
	[tilespmem:$0x8080] =	vst v63  }
0xa9: {  	_ = 	snop  }
0xaa: {  	[tilespmem:s23], [sflag:$0x1] =	stream.indirect_vreg.gather [hbm4b:s3+s2], $0x80, v3, vm0, $0xb8;
	[tilespmem:$0x8080] =	vst v63  }
0xab: {  	v3 =	vld [tilespmem:$0x60];
	_ =	sdelay $0x4  }
0xac: {  	v54 =	vshll.u32 v3, $0x1  }
0xad: {  	v3 =	vand.u32 $0x7, v3;
	v4 =	vand.u32 $0xFFFFFFF0, v54  }
0xae: {  	v3 =	vor.u32 v3, v4  }
0xaf: {  	v4 =	vperm.xlane v3, v0;
	_ =	sdelay $0x1  }
0xb0: {  	v3 =	vperm.xlane v3, v2;
	v4 =	vadd.s32 v1, v4;
	_ =	sdelay $0x1  }
0xb1: {  	v3 =	vadd.s32 v1, v3;
	_ =	sdelay $0x2  }
0xb2: {  	[tilespmem:s24], [sflag:$0x1] =	stream.indirect_vreg.gather [hbm4b:s3+s2], $0x80, v4, vm0, $0xb8;
	[tilespmem:$0x8080] =	vst v63  }
0xb3: {  	_ = 	snop  }
0xb4: {  	[tilespmem:s25], [sflag:$0x1] =	stream.indirect_vreg.gather [hbm4b:s3+s2], $0x80, v3, vm0, $0xb8;
	[tilespmem:$0x8080] =	vst v63  }
0xb5: {  	v3 =	vld [tilespmem:$0x70];
	_ =	sdelay $0x4  }
0xb6: {  	v55 =	vshll.u32 v3, $0x1  }
0xb7: {  	v3 =	vand.u32 $0x7, v3;
	v4 =	vand.u32 $0xFFFFFFF0, v55  }
0xb8: {  	v3 =	vor.u32 v3, v4  }
0xb9: {  	v4 =	vperm.xlane v3, v0;
	_ =	sdelay $0x1  }
0xba: {  	v3 =	vperm.xlane v3, v2;
	v4 =	vadd.s32 v1, v4;
	_ =	sdelay $0x1  }
0xbb: {  	v3 =	vadd.s32 v1, v3;
	_ =	sdelay $0x2  }
0xbc: {  	[tilespmem:s26], [sflag:$0x1] =	stream.indirect_vreg.gather [hbm4b:s3+s2], $0x80, v4, vm0, $0xb8;
	[tilespmem:$0x8080] =	vst v63  }
0xbd: {  	_ = 	snop  }
0xbe: {  	[tilespmem:s28], [sflag:$0x1] =	stream.indirect_vreg.gather [hbm4b:s3+s2], $0x80, v3, vm0, $0xb8;
	[tilespmem:$0x8080] =	vst v63  }
0xbf: {  	_ =	swait.ge [sflag:s11], $0x8000  }
0xc0: {  	[sflag:s11] =	ssyncset.done $0x0  }
0xc1: {  	[sflag:s11] =	ssyncadd.s32 $0xFFFF8000  }
0xc2: {  	[hbm4b:s7+s2] =	stream.linear.scatter [tilespmem:s12], [sflag:$0x1], $0x8000, $0x38;
	[tilespmem:$0x8080] =	vst v63  }
0xc3: {  	_ =	swait.ge [sflag:s11], $0x8000  }
0xc4: {  	[sflag:s11] =	ssyncset.done $0x0  }
0xc5: {  	[sflag:s11] =	ssyncadd.s32 $0xFFFF8000  }
0xc6: {  	[tilespmem:s2], [sflag:$0x1] =	stream.linear.gather [hbm4b:s8+s2], $0x80, $0x38;
	[tilespmem:$0x8080] =	vst v63  }
0xc7: {  	_ =	swait.ge [sflag:s11], $0x80  }
0xc8: {  	[sflag:s11] =	ssyncset.done $0x0  }
0xc9: {  	[sflag:s11] =	ssyncadd.s32 $0xFFFFFF80  }
0xca: {  	v3 =	vld [tilespmem:$0x0];
	_ =	sdelay $0x4  }
0xcb: {  	v56 =	vshll.u32 v3, $0x1  }
0xcc: {  	v3 =	vand.u32 $0x7, v3;
	v4 =	vand.u32 $0xFFFFFFF0, v56  }
0xcd: {  	v3 =	vor.u32 v3, v4  }
0xce: {  	v4 =	vperm.xlane v3, v0;
	_ =	sdelay $0x1  }
0xcf: {  	v3 =	vperm.xlane v3, v2;
	v4 =	vadd.s32 v1, v4;
	_ =	sdelay $0x1  }
0xd0: {  	v3 =	vadd.s32 v1, v3;
	_ =	sdelay $0x2  }
0xd1: {  	[tilespmem:s12], [sflag:$0x1] =	stream.indirect_vreg.gather [hbm4b:s3+s2], $0x80, v4, vm0, $0xb8;
	[tilespmem:$0x8080] =	vst v63  }
0xd2: {  	_ = 	snop  }
0xd3: {  	[tilespmem:s13], [sflag:$0x1] =	stream.indirect_vreg.gather [hbm4b:s3+s2], $0x80, v3, vm0, $0xb8;
	[tilespmem:$0x8080] =	vst v63  }
0xd4: {  	v3 =	vld [tilespmem:$0x10];
	_ =	sdelay $0x4  }
0xd5: {  	v57 =	vshll.u32 v3, $0x1  }
0xd6: {  	v3 =	vand.u32 $0x7, v3;
	v4 =	vand.u32 $0xFFFFFFF0, v57  }
0xd7: {  	v3 =	vor.u32 v3, v4  }
0xd8: {  	v4 =	vperm.xlane v3, v0;
	_ =	sdelay $0x1  }
0xd9: {  	v3 =	vperm.xlane v3, v2;
	v4 =	vadd.s32 v1, v4;
	_ =	sdelay $0x1  }
0xda: {  	v3 =	vadd.s32 v1, v3;
	_ =	sdelay $0x2  }
0xdb: {  	[tilespmem:s14], [sflag:$0x1] =	stream.indirect_vreg.gather [hbm4b:s3+s2], $0x80, v4, vm0, $0xb8;
	[tilespmem:$0x8080] =	vst v63  }
0xdc: {  	_ = 	snop  }
0xdd: {  	[tilespmem:s15], [sflag:$0x1] =	stream.indirect_vreg.gather [hbm4b:s3+s2], $0x80, v3, vm0, $0xb8;
	[tilespmem:$0x8080] =	vst v63  }
0xde: {  	v3 =	vld [tilespmem:$0x20];
	_ =	sdelay $0x4  }
0xdf: {  	v58 =	vshll.u32 v3, $0x1  }
0xe0: {  	v3 =	vand.u32 $0x7, v3;
	v4 =	vand.u32 $0xFFFFFFF0, v58  }
0xe1: {  	v3 =	vor.u32 v3, v4  }
0xe2: {  	v4 =	vperm.xlane v3, v0;
	_ =	sdelay $0x1  }
0xe3: {  	v3 =	vperm.xlane v3, v2;
	v4 =	vadd.s32 v1, v4;
	_ =	sdelay $0x1  }
0xe4: {  	v3 =	vadd.s32 v1, v3;
	_ =	sdelay $0x2  }
0xe5: {  	[tilespmem:s16], [sflag:$0x1] =	stream.indirect_vreg.gather [hbm4b:s3+s2], $0x80, v4, vm0, $0xb8;
	[tilespmem:$0x8080] =	vst v63  }
0xe6: {  	_ = 	snop  }
0xe7: {  	[tilespmem:s17], [sflag:$0x1] =	stream.indirect_vreg.gather [hbm4b:s3+s2], $0x80, v3, vm0, $0xb8;
	[tilespmem:$0x8080] =	vst v63  }
0xe8: {  	v3 =	vld [tilespmem:$0x30];
	_ =	sdelay $0x4  }
0xe9: {  	v59 =	vshll.u32 v3, $0x1  }
0xea: {  	v3 =	vand.u32 $0x7, v3;
	v4 =	vand.u32 $0xFFFFFFF0, v59  }
0xeb: {  	v3 =	vor.u32 v3, v4  }
0xec: {  	v4 =	vperm.xlane v3, v0;
	_ =	sdelay $0x1  }
0xed: {  	v3 =	vperm.xlane v3, v2;
	v4 =	vadd.s32 v1, v4;
	_ =	sdelay $0x1  }
0xee: {  	v3 =	vadd.s32 v1, v3;
	_ =	sdelay $0x2  }
0xef: {  	[tilespmem:s18], [sflag:$0x1] =	stream.indirect_vreg.gather [hbm4b:s3+s2], $0x80, v4, vm0, $0xb8;
	[tilespmem:$0x8080] =	vst v63  }
0xf0: {  	_ = 	snop  }
0xf1: {  	[tilespmem:s19], [sflag:$0x1] =	stream.indirect_vreg.gather [hbm4b:s3+s2], $0x80, v3, vm0, $0xb8;
	[tilespmem:$0x8080] =	vst v63  }
0xf2: {  	v3 =	vld [tilespmem:$0x40];
	_ =	sdelay $0x4  }
0xf3: {  	v60 =	vshll.u32 v3, $0x1  }
0xf4: {  	v3 =	vand.u32 $0x7, v3;
	v4 =	vand.u32 $0xFFFFFFF0, v60  }
0xf5: {  	v3 =	vor.u32 v3, v4  }
0xf6: {  	v4 =	vperm.xlane v3, v0;
	_ =	sdelay $0x1  }
0xf7: {  	v3 =	vperm.xlane v3, v2;
	v4 =	vadd.s32 v1, v4;
	_ =	sdelay $0x1  }
0xf8: {  	v3 =	vadd.s32 v1, v3;
	_ =	sdelay $0x2  }
0xf9: {  	[tilespmem:s20], [sflag:$0x1] =	stream.indirect_vreg.gather [hbm4b:s3+s2], $0x80, v4, vm0, $0xb8;
	[tilespmem:$0x8080] =	vst v63  }
0xfa: {  	_ = 	snop  }
0xfb: {  	[tilespmem:s21], [sflag:$0x1] =	stream.indirect_vreg.gather [hbm4b:s3+s2], $0x80, v3, vm0, $0xb8;
	[tilespmem:$0x8080] =	vst v63  }
0xfc: {  	v3 =	vld [tilespmem:$0x50];
	_ =	sdelay $0x4  }
0xfd: {  	v61 =	vshll.u32 v3, $0x1  }
0xfe: {  	v3 =	vand.u32 $0x7, v3;
	v4 =	vand.u32 $0xFFFFFFF0, v61  }
0xff: {  	v3 =	vor.u32 v3, v4  }
0x100: {  	v4 =	vperm.xlane v3, v0;
	_ =	sdelay $0x1  }
0x101: {  	v3 =	vperm.xlane v3, v2;
	v4 =	vadd.s32 v1, v4;
	_ =	sdelay $0x1  }
0x102: {  	v3 =	vadd.s32 v1, v3;
	_ =	sdelay $0x2  }
0x103: {  	[tilespmem:s22], [sflag:$0x1] =	stream.indirect_vreg.gather [hbm4b:s3+s2], $0x80, v4, vm0, $0xb8;
	[tilespmem:$0x8080] =	vst v63  }
0x104: {  	_ = 	snop  }
0x105: {  	[tilespmem:s23], [sflag:$0x1] =	stream.indirect_vreg.gather [hbm4b:s3+s2], $0x80, v3, vm0, $0xb8;
	[tilespmem:$0x8080] =	vst v63  }
0x106: {  	v3 =	vld [tilespmem:$0x60];
	_ =	sdelay $0x4  }
0x107: {  	v62 =	vshll.u32 v3, $0x1  }
0x108: {  	v3 =	vand.u32 $0x7, v3;
	v4 =	vand.u32 $0xFFFFFFF0, v62  }
0x109: {  	v3 =	vor.u32 v3, v4  }
0x10a: {  	v4 =	vperm.xlane v3, v0;
	_ =	sdelay $0x1  }
0x10b: {  	v3 =	vperm.xlane v3, v2;
	v4 =	vadd.s32 v1, v4;
	_ =	sdelay $0x1  }
0x10c: {  	v3 =	vadd.s32 v1, v3;
	_ =	sdelay $0x2  }
0x10d: {  	[tilespmem:s24], [sflag:$0x1] =	stream.indirect_vreg.gather [hbm4b:s3+s2], $0x80, v4, vm0, $0xb8;
	[tilespmem:$0x8080] =	vst v63  }
0x10e: {  	_ = 	snop  }
0x10f: {  	[tilespmem:s25], [sflag:$0x1] =	stream.indirect_vreg.gather [hbm4b:s3+s2], $0x80, v3, vm0, $0xb8;
	[tilespmem:$0x8080] =	vst v63  }
0x110: {  	v3 =	vld [tilespmem:$0x70];
	_ =	sdelay $0x4  }
0x111: {  	v63 =	vshll.u32 v3, $0x1  }
0x112: {  	v3 =	vand.u32 $0x7, v3;
	v4 =	vand.u32 $0xFFFFFFF0, v63  }
0x113: {  	v3 =	vor.u32 v3, v4  }
0x114: {  	v4 =	vperm.xlane v3, v0;
	_ =	sdelay $0x1  }
0x115: {  	v3 =	vperm.xlane v3, v2;
	v4 =	vadd.s32 v1, v4;
	_ =	sdelay $0x1  }
0x116: {  	v3 =	vadd.s32 v1, v3;
	_ =	sdelay $0x2  }
0x117: {  	[tilespmem:s26], [sflag:$0x1] =	stream.indirect_vreg.gather [hbm4b:s3+s2], $0x80, v4, vm0, $0xb8;
	[tilespmem:$0x8080] =	vst v63  }
0x118: {  	_ = 	snop  }
0x119: {  	[tilespmem:s28], [sflag:$0x1] =	stream.indirect_vreg.gather [hbm4b:s3+s2], $0x80, v3, vm0, $0xb8;
	[tilespmem:$0x8080] =	vst v63  }
0x11a: {  	_ =	swait.ge [sflag:s11], $0x8000  }
0x11b: {  	p0 =	sne.s32 s10, $0x1;
	[sflag:s11] =	ssyncset.done $0x0  }
.Ltmp0:
0x11c: {  	[sflag:s11] =	ssyncadd.s32 $0xFFFF8000;
	(pc) =	sbr.rel @p0 .LBB2_1-.Ltmp0, $4  }
0x11d: {  	[hbm4b:s9+s2] =	stream.linear.scatter [tilespmem:s12], [sflag:$0x1], $0x8000, $0x38;
	[tilespmem:$0x8080] =	vst v63  }
0x11e: {  	_ =	swait.ge [sflag:s11], $0x8000  }
0x11f: {  	[sflag:s11] =	ssyncset.done $0x0  }
0x120: {  	s10 =	sadd.s32 $0xFFFFFFFF, s10;
	[sflag:s11] =	ssyncadd.s32 $0xFFFF8000  }
0x121: {  	_ =	sfence.sel $0x180000  }
0x122: {  	[bflag:$0x0] =	sbarrier.arrive $0xFFFF  }
0x123: {  	p0 =	sne.s32 s1, $0x0;
	_ =	strace $0x90000053  }
0x124: {  	s0 =	sadd.s32 @!p0 $0x100000, s0;
	[bflag:$0x2] =	sbarrier.arrive $0xFFFF  }
0x125: {  	[sflag:s0] =	ssyncadd.tile.s32 @!p0 $0x1;
	_ =	shalt  }
.Lfunc_end2:
_tile_overlayer_lowered:
.L_overlay_start_2:
0x126: {  	(tag) =	ssettag $0x2  }
0x127: {  	s0 =	rddreg [dreg:$0x0];
	s2 =	stileid.u32  }
0x128: {  	s1 =	rddreg [dreg:$0x1];
	p0 =	sne.s32 s2, $0x0  }
0x129: {  	s3 =	rddreg [dreg:$0x2];
	[bflag:$0x3] =	sbarrier.arrive $0xFFFF;
	s2 =	simm.s32 @!p0 $0x1C01  }
0x12a: {  	[timem:s3], [sflag:s2] =	dma.local @!p0 [hbm:s0], s1  }
0x12b: {  	s0 =	simm.s32 @!p0 $0x1  }
0x12c: {  	_ =	swait.ge @!p0 [sflag:s0], s1  }
0x12d: {  	s1 =	ssub.s32 @!p0 $0x0, s1;
	[sflag:s0] =	ssyncset.done @!p0 $0x0  }
0x12e: {  	[sflag:s0] =	ssyncadd.s32 @!p0 s1  }
0x12f: {  	[bflag:$0x3] =	sbarrier.arrive $0xFFFF  }
0x130: {  	_ =	shalt  }

</sc_bundles>
